<compile_context>
chip_gen: v7x
topology: tpu7x:2x2x1
jax: 0.10.2.dev20260603
libtpu: 0.0.44.dev20260713+nightly
codegen_flags: <defaults>
</compile_context>

<pallas_src>
import functools

import jax
import jax.numpy as jnp
from jax import lax
from jax.experimental import pallas as pl
from jax.experimental.pallas import tpu as pltpu
from jax.experimental.pallas import tpu_sc as plsc

HASH_BUCKET_SIZE = 32768
GEO_BUCKETS = 4096
REGION_EMB_DIM = 32
N_CAT = 26
CAT_EMB = 16
MACRO_EMB = 16
HIST_LEN = 200
NUM_DIM = 64
K_EXPERTS = 64
TOP_K = 8
HIDDEN = 256
B = 16384
IN_DIM = HIST_LEN + NUM_DIM + N_CAT * CAT_EMB + REGION_EMB_DIM + MACRO_EMB

NW = 32
CROWS = 64


def _sc_gather(cat_idx_t, region_id, origin_year, cat_tables, region_table, year_table,
               row0, nb):
    mesh = plsc.VectorSubcoreMesh(core_axis_name="c", subcore_axis_name="s")
    rpw = nb // NW
    nch = rpw // CROWS

    @functools.partial(
        pl.kernel,
        mesh=mesh,
        compiler_params=pltpu.CompilerParams(use_tc_tiling_on_sc=False),
        out_type=[
            jax.ShapeDtypeStruct((nb, N_CAT * CAT_EMB), jnp.float32),
            jax.ShapeDtypeStruct((nb, REGION_EMB_DIM), jnp.float32),
            jax.ShapeDtypeStruct((nb, MACRO_EMB), jnp.float32),
        ],
        scratch_types=[
            pltpu.VMEM((N_CAT, rpw), jnp.int32),
            pltpu.VMEM((N_CAT, CROWS, CAT_EMB), jnp.float32),
            pltpu.VMEM((N_CAT, CROWS, CAT_EMB), jnp.float32),
            pltpu.VMEM((rpw,), jnp.int32),
            pltpu.VMEM((rpw // 128, 128), jnp.int32),
            pltpu.VMEM((rpw, REGION_EMB_DIM), jnp.float32),
            pltpu.VMEM((rpw, MACRO_EMB), jnp.float32),
            pltpu.SemaphoreType.DMA,
            pltpu.SemaphoreType.DMA,
            pltpu.SemaphoreType.DMA,
            pltpu.SemaphoreType.DMA,
        ],
    )
    def k(cat_idx_hbm, reg_idx_hbm, yr_hbm, cat_tab_hbm, reg_tab_hbm, yr_tab_hbm,
          catv_hbm, regv_hbm, macv_hbm,
          fidx_v, rows0, rows1, rraw_v, ridx_v, rrows_v, yrows_v,
          gsem0, gsem1, osem0, osem1):
        wid = lax.axis_index("s") * 2 + lax.axis_index("c")
        lane = lax.iota(jnp.int32, 16)
        gsems = (gsem0, gsem1)
        osems = (osem0, osem1)
        rows = (rows0, rows1)
        rloc = wid * rpw
        rglob = row0 + rloc

        def stage(j, _):
            pltpu.async_copy(cat_idx_hbm.at[j, pl.ds(rglob, rpw)],
                             fidx_v.at[j], gsem0)
            return 0

        lax.fori_loop(0, N_CAT, stage, 0)
        pltpu.make_async_copy(cat_idx_hbm.at[:, pl.ds(rglob, rpw)],
                              fidx_v, gsem0).wait()

        def fire(c, b):
            def body(j, _):
                pltpu.async_copy(
                    cat_tab_hbm.at[j].at[fidx_v.at[j, pl.ds(c * CROWS, CROWS)]],
                    rows[b].at[j], gsems[b])
                return 0
            lax.fori_loop(0, N_CAT, body, 0)

        def drain_gather(b):
            pltpu.make_async_copy(cat_tab_hbm.at[:, pl.ds(0, CROWS), :],
                                  rows[b], gsems[b]).wait()

        def push_out(c, b):
            def body(j, _):
                pltpu.async_copy(
                    rows[b].at[j],
                    catv_hbm.at[pl.ds(rloc + c * CROWS, CROWS),
                                pl.ds(j * CAT_EMB, CAT_EMB)],
                    osems[b])
                return 0
            lax.fori_loop(0, N_CAT, body, 0)

        def drain_out(b):
            pltpu.make_async_copy(cat_tab_hbm.at[:, pl.ds(0, CROWS), :],
                                  rows[b], osems[b]).wait()

        for c in range(nch + 1):
            b = c % 2
            if c >= 2:
                drain_out(b)
            if c < nch:
                fire(c, b)
            if c >= 1:
                bb = (c - 1) % 2
                drain_gather(bb)
                push_out(c - 1, bb)
        drain_out((nch - 1) % 2)

        pltpu.sync_copy(reg_idx_hbm.at[pl.ds(rglob, rpw)], rraw_v)

        def rfill(i, _):
            v = rraw_v[pl.ds(i * 16, 16)]
            ridx_v[i // 8, pl.ds((i % 8) * 16, 16)] = v
            return 0

        lax.fori_loop(0, rpw // 16, rfill, 0, unroll=8)

        def rfire(j, _):
            pltpu.async_copy(reg_tab_hbm.at[ridx_v.at[j]],
                             rrows_v.at[pl.ds(j * 128, 128)], gsem0)
            return 0

        lax.fori_loop(0, rpw // 128, rfire, 0)
        pltpu.make_async_copy(reg_tab_hbm.at[pl.ds(0, rpw)], rrows_v, gsem0).wait()
        pltpu.async_copy(rrows_v, regv_hbm.at[pl.ds(rloc, rpw)], osem0)

        pltpu.sync_copy(yr_hbm.at[pl.ds(rglob, rpw)], rraw_v)

        def yfill(i, _):
            v = rraw_v[pl.ds(i * 16, 16)]
            y = jnp.clip(v - 2000, 0, 99)
            ridx_v[i // 8, pl.ds((i % 8) * 16, 16)] = y
            return 0

        lax.fori_loop(0, rpw // 16, yfill, 0, unroll=8)

        def yfire(j, _):
            pltpu.async_copy(yr_tab_hbm.at[ridx_v.at[j]],
                             yrows_v.at[pl.ds(j * 128, 128)], gsem1)
            return 0

        lax.fori_loop(0, rpw // 128, yfire, 0)
        pltpu.make_async_copy(cat_tab_hbm.at[0].at[pl.ds(0, rpw)], yrows_v, gsem1).wait()
        pltpu.sync_copy(yrows_v, macv_hbm.at[pl.ds(rloc, rpw)])
        pltpu.make_async_copy(rrows_v, regv_hbm.at[pl.ds(rloc, rpw)], osem0).wait()

    return k(cat_idx_t, region_id, origin_year, cat_tables, region_table, year_table)


def _gelu(x):
    return 0.5 * x * (1.0 + lax.erf(x * 0.7071067811865476))


BM = 512


def _tc_body(hist, num, catv, regv, macv, W1, b1, W2, b2, W3, b3, out, xs):
    xs[:, 0:HIST_LEN] = hist[...]
    xs[:, HIST_LEN:HIST_LEN + NUM_DIM] = num[...]
    c0 = HIST_LEN + NUM_DIM
    xs[:, c0:c0 + N_CAT * CAT_EMB] = catv[...]
    c1 = c0 + N_CAT * CAT_EMB
    xs[:, c1:c1 + REGION_EMB_DIM] = regv[...]
    c2 = c1 + REGION_EMB_DIM
    xs[:, c2:c2 + MACRO_EMB] = macv[...]

    h = jnp.dot(xs[...], W1[...], preferred_element_type=jnp.float32) + b1[...]
    h = _gelu(h)
    h = jnp.dot(h, W2[...], preferred_element_type=jnp.float32) + b2[...]
    h = _gelu(h)
    logits = jnp.dot(h, W3[...], preferred_element_type=jnp.float32) + b3[...]

    col = lax.broadcasted_iota(jnp.int32, (BM, K_EXPERTS), 1).astype(jnp.float32)
    l = logits
    keep = jnp.zeros((BM, K_EXPERTS), dtype=jnp.float32)
    neg = jnp.float32(-jnp.inf)
    big = jnp.float32(K_EXPERTS)
    m0 = jnp.max(logits, axis=1, keepdims=True)
    for _ in range(TOP_K):
        m = jnp.max(l, axis=1, keepdims=True)
        cand = jnp.where(l == m, col, big)
        firstcol = jnp.min(cand, axis=1, keepdims=True)
        pick = col == firstcol
        keep = jnp.where(pick, 1.0, keep)
        l = jnp.where(pick, neg, l)
    e = keep * jnp.exp(logits - m0)
    out[...] = e / jnp.sum(e, axis=1, keepdims=True)


def _tc_mlp(hist, num, catv, regv, macv, W1, b1, W2, b2, W3, b3, row0, nb):
    nblk = nb // BM
    blk0 = row0 // BM
    row = lambda i: (i + blk0, 0)
    srow = lambda i: (i, 0)
    full = lambda i: (0, 0)
    return pl.pallas_call(
        _tc_body,
        grid=(nblk,),
        in_specs=[
            pl.BlockSpec((BM, HIST_LEN), row),
            pl.BlockSpec((BM, NUM_DIM), row),
            pl.BlockSpec((BM, N_CAT * CAT_EMB), srow),
            pl.BlockSpec((BM, REGION_EMB_DIM), srow),
            pl.BlockSpec((BM, MACRO_EMB), srow),
            pl.BlockSpec((IN_DIM, HIDDEN), full),
            pl.BlockSpec((1, HIDDEN), full),
            pl.BlockSpec((HIDDEN, HIDDEN), full),
            pl.BlockSpec((1, HIDDEN), full),
            pl.BlockSpec((HIDDEN, K_EXPERTS), full),
            pl.BlockSpec((1, K_EXPERTS), full),
        ],
        out_specs=pl.BlockSpec((BM, K_EXPERTS), srow),
        out_shape=jax.ShapeDtypeStruct((nb, K_EXPERTS), jnp.float32),
        scratch_shapes=[pltpu.VMEM((BM, IN_DIM), jnp.float32)],
    )(hist, num, catv, regv, macv, W1, b1, W2, b2, W3, b3)


def kernel(hist_y, cur_num, cur_cat, region_id, origin_year,
           cat_tables, region_table, year_table, W1, b1, W2, b2, W3, b3):
    cat_idx_t = cur_cat.astype(jnp.int32).T
    reg_i = region_id.astype(jnp.int32)
    yr_i = origin_year.astype(jnp.int32)
    b1r, b2r, b3r = (b1.reshape(1, HIDDEN), b2.reshape(1, HIDDEN),
                     b3.reshape(1, K_EXPERTS))
    NS = 2
    nb = B // NS
    outs = []
    for s in range(NS):
        catv, regv, macv = _sc_gather(cat_idx_t, reg_i, yr_i,
                                      cat_tables, region_table, year_table,
                                      s * nb, nb)
        outs.append(_tc_mlp(hist_y, cur_num, catv, regv, macv,
                            W1, b1r, W2, b2r, W3, b3r, s * nb, nb))
    return jnp.concatenate(outs, axis=0)

# --- scband reference (transcript-rebuilt; emitter-appended) ---
"""Pipeline reference for scband-gating-network-55319178772896 (READ-ONLY COPY).

The authoritative reference and input builder live on the scoring server;
editing this copy changes nothing except your own understanding.
"""

import jax, jax.numpy as jnp
import numpy as np

HASH_BUCKET_SIZE = 32768
GEO_BUCKETS = 4096
REGION_EMB_DIM = 32
N_CAT = 26
CAT_EMB = 16
MACRO_EMB = 16
HIST_LEN = 200
NUM_DIM = 64
K_EXPERTS = 64
TOP_K = 8
HIDDEN = 256
B = 16384
IN_DIM = HIST_LEN + NUM_DIM + N_CAT * CAT_EMB + REGION_EMB_DIM + MACRO_EMB  # 728


def setup_inputs(seed: int = 0) -> dict:
    key = jax.random.key(seed)
    ks = jax.random.split(key, 16)
    hist_y = jax.random.normal(ks[0], (B, HIST_LEN), dtype=jnp.float32)
    cur_num = jax.random.normal(ks[1], (B, NUM_DIM), dtype=jnp.float32)
    cur_cat = jax.random.randint(ks[2], (B, N_CAT), 0, HASH_BUCKET_SIZE, dtype=jnp.int64) if jax.config.jax_enable_x64 else jax.random.randint(ks[2], (B, N_CAT), 0, HASH_BUCKET_SIZE)
    region_id = jax.random.randint(ks[3], (B,), 0, GEO_BUCKETS)
    origin_year = jax.random.randint(ks[4], (B,), 0, 2024)
    cat_tables = jax.random.normal(ks[5], (N_CAT, HASH_BUCKET_SIZE, CAT_EMB), dtype=jnp.float32) * 0.02
    region_table = jax.random.normal(ks[6], (GEO_BUCKETS, REGION_EMB_DIM), dtype=jnp.float32) * 0.02
    year_table = jax.random.normal(ks[7], (100, MACRO_EMB), dtype=jnp.float32) * 0.02
    W1 = jax.random.normal(ks[8], (IN_DIM, HIDDEN), dtype=jnp.float32) / np.sqrt(IN_DIM)
    b1 = jnp.zeros((HIDDEN,), dtype=jnp.float32)
    W2 = jax.random.normal(ks[9], (HIDDEN, HIDDEN), dtype=jnp.float32) / np.sqrt(HIDDEN)
    b2 = jnp.zeros((HIDDEN,), dtype=jnp.float32)
    W3 = jax.random.normal(ks[10], (HIDDEN, K_EXPERTS), dtype=jnp.float32) / np.sqrt(HIDDEN)
    b3 = jnp.zeros((K_EXPERTS,), dtype=jnp.float32)
    return dict(hist_y=hist_y, cur_num=cur_num, cur_cat=cur_cat, region_id=region_id,
                origin_year=origin_year, cat_tables=cat_tables, region_table=region_table,
                year_table=year_table, W1=W1, b1=b1, W2=W2, b2=b2, W3=W3, b3=b3)


def reference(hist_y, cur_num, cur_cat, region_id, origin_year,
              cat_tables, region_table, year_table, W1, b1, W2, b2, W3, b3):
    cat_idx = jnp.clip(cur_cat, 0, HASH_BUCKET_SIZE - 1)
    # per-field embedding lookup: cat_tables[j, cat_idx[:, j]]
    cat_vec = jax.vmap(lambda tbl, idx: jnp.take(tbl, idx, axis=0), in_axes=(0, 1), out_axes=1)(cat_tables, cat_idx)
    cat_vec = cat_vec.reshape(cat_idx.shape[0], N_CAT * CAT_EMB)
    region_vec = jnp.take(region_table, jnp.clip(region_id, 0, GEO_BUCKETS - 1), axis=0)
    macro_vec = jnp.take(year_table, jnp.clip(origin_year - 2000, 0, 99), axis=0)
    x = jnp.concatenate([hist_y, cur_num, cat_vec, region_vec, macro_vec], axis=1)
    h = jax.nn.gelu(x @ W1 + b1, approximate=False)
    h = jax.nn.gelu(h @ W2 + b2, approximate=False)
    logits = h @ W3 + b3
    # top-k sparse gating: keep top-k logits, mask rest to -inf, softmax
    topk_vals, topk_idx = jax.lax.top_k(logits, TOP_K)
    mask = jnp.full(logits.shape, -jnp.inf, dtype=logits.dtype)
    rows = jnp.arange(logits.shape[0])[:, None]
    mask = mask.at[rows, topk_idx].set(topk_vals)
    return jax.nn.softmax(mask, axis=1)

if __name__ == "__main__":
    import jax
    _d = setup_inputs()
    print(jax.jit(kernel)(*tuple(_d.values())))

</pallas_src>

<mosaic_0001>
#map = affine_map<(d0, d1) -> (0, 0)>
#map1 = affine_map<(d0, d1) -> (0)>
#map2 = affine_map<(d0, d1) -> (0, 0, 0)>
module attributes {stable_mosaic.version = 14 : i64} {
  func.func @k(%arg0: i32, %arg1: i32, %arg2: memref<26x16384xi32, #tpu.memory_space<hbm>>, %arg3: memref<16384xi32, #tpu.memory_space<hbm>>, %arg4: memref<16384xi32, #tpu.memory_space<hbm>>, %arg5: memref<26x32768x16xf32, #tpu.memory_space<hbm>>, %arg6: memref<4096x32xf32, #tpu.memory_space<hbm>>, %arg7: memref<100x16xf32, #tpu.memory_space<hbm>>, %arg8: memref<8192x416xf32, #tpu.memory_space<hbm>>, %arg9: memref<8192x32xf32, #tpu.memory_space<hbm>>, %arg10: memref<8192x16xf32, #tpu.memory_space<hbm>>, %arg11: memref<26x256xi32, #tpu.memory_space<vmem>>, %arg12: memref<26x64x16xf32, #tpu.memory_space<vmem>>, %arg13: memref<26x64x16xf32, #tpu.memory_space<vmem>>, %arg14: memref<256xi32, #tpu.memory_space<vmem>>, %arg15: memref<2x128xi32, #tpu.memory_space<vmem>>, %arg16: memref<256x32xf32, #tpu.memory_space<vmem>>, %arg17: memref<256x16xf32, #tpu.memory_space<vmem>>, %arg18: memref<!tpu.dma_semaphore, #tpu.memory_space<semaphore_mem>>, %arg19: memref<!tpu.dma_semaphore, #tpu.memory_space<semaphore_mem>>, %arg20: memref<!tpu.dma_semaphore, #tpu.memory_space<semaphore_mem>>, %arg21: memref<!tpu.dma_semaphore, #tpu.memory_space<semaphore_mem>>) attributes {dimension_semantics = [#tpu.dimension_semantics<core_parallel>, #tpu.dimension_semantics<subcore_parallel>], iteration_bounds = array<i64: 2, 16>, scalar_prefetch = 0 : i64, scratch_operands = 11 : i64, tpu.core_type = #tpu.core_type<sc_vector_subcore>, window_params = [{transform_indices = #map}, {transform_indices = #map1}, {transform_indices = #map1}, {transform_indices = #map2}, {transform_indices = #map}, {transform_indices = #map}, {transform_indices = #map}, {transform_indices = #map}, {transform_indices = #map}]} {
    %mul3A = arith.constant 2 : i32
    %mul3A_0 = arith.muli %arg1, %mul3A : i32
    %add3A = arith.addi %mul3A_0, %arg0 : i32
    %iota3A = tpu.iota {dimensions = array<i32: 0>} : vector<16xi32>
    %mul3A_1 = arith.constant 256 : i32
    %mul3A_2 = arith.muli %add3A, %mul3A_1 : i32
    %add3A_3 = arith.constant 8192 : i32
    %add3A_4 = arith.addi %add3A_3, %mul3A_2 : i32
    %scan3A = arith.constant 0 : i32
    %scan3A_5 = arith.constant 0 : i32
    %scan3A_6 = arith.constant 26 : i32
    %scan3A_7 = arith.addi %scan3A_5, %scan3A_6 : i32
    %scan3A_8 = arith.constant 1 : i32
    %scan3A_9 = scf.for %scan3A_190 = %scan3A_5 to %scan3A_7 step %scan3A_8 iter_args(%scan3A_191 = %scan3A) -> (i32)  : i32 {
      %dma_start3A_192 = arith.constant 0 : i32
      %dma_start3A_193 = tpu.memref_slice %arg11[%scan3A_190, %dma_start3A_192] : memref<26x256xi32, #tpu.memory_space<vmem>> -> memref<1x256xi32, #tpu.memory_space<vmem>>
      %dma_start3A_194 = tpu.memref_squeeze %dma_start3A_193 : memref<1x256xi32, #tpu.memory_space<vmem>> -> memref<256xi32, #tpu.memory_space<vmem>>
      %dma_start3A_195 = tpu.memref_slice %arg2[%scan3A_190, %add3A_4] : memref<26x16384xi32, #tpu.memory_space<hbm>> -> memref<1x256xi32, #tpu.memory_space<hbm>>
      %dma_start3A_196 = tpu.memref_squeeze %dma_start3A_195 : memref<1x256xi32, #tpu.memory_space<hbm>> -> memref<256xi32, #tpu.memory_space<hbm>>
      %dma_start3A_197 = arith.constant 0 : i32
      %dma_start3A_198 = tpu.memref_slice %arg11[%scan3A_190, %dma_start3A_197] : memref<26x256xi32, #tpu.memory_space<vmem>> -> memref<1x256xi32, #tpu.memory_space<vmem>>
      %dma_start3A_199 = tpu.memref_squeeze %dma_start3A_198 : memref<1x256xi32, #tpu.memory_space<vmem>> -> memref<256xi32, #tpu.memory_space<vmem>>
      %dma_start3A_200 = tpu.memref_slice %arg2[%scan3A_190, %add3A_4] : memref<26x16384xi32, #tpu.memory_space<hbm>> -> memref<1x256xi32, #tpu.memory_space<hbm>>
      %dma_start3A_201 = tpu.memref_squeeze %dma_start3A_200 : memref<1x256xi32, #tpu.memory_space<hbm>> -> memref<256xi32, #tpu.memory_space<hbm>>
      tpu.enqueue_dma source(%dma_start3A_201 : memref<256xi32, #tpu.memory_space<hbm>>) target(%dma_start3A_199 : memref<256xi32, #tpu.memory_space<vmem>>) target_semaphore(%arg18 : memref<!tpu.dma_semaphore, #tpu.memory_space<semaphore_mem>>)
      %scan3A_202 = arith.constant 0 : i32
      scf.yield %scan3A_202 : i32
    }
    %scan3A_10 = arith.constant 26 : i32
    %dma_wait3A = arith.constant 0 : i32
    %dma_wait3A_11 = tpu.memref_slice %arg2[%dma_wait3A, %add3A_4] : memref<26x16384xi32, #tpu.memory_space<hbm>> -> memref<26x256xi32, #tpu.memory_space<hbm>>
    %dma_wait3A_12 = arith.constant 0 : i32
    %dma_wait3A_13 = tpu.memref_slice %arg2[%dma_wait3A_12, %add3A_4] : memref<26x16384xi32, #tpu.memory_space<hbm>> -> memref<26x256xi32, #tpu.memory_space<hbm>>
    tpu.wait_dma2 semaphore(%arg18 : memref<!tpu.dma_semaphore, #tpu.memory_space<semaphore_mem>>) src(%dma_wait3A_13 : memref<26x256xi32, #tpu.memory_space<hbm>>) dst(%arg11 : memref<26x256xi32, #tpu.memory_space<vmem>>)
    %scan3A_14 = arith.constant 0 : i32
    %scan3A_15 = arith.constant 0 : i32
    %scan3A_16 = arith.constant 26 : i32
    %scan3A_17 = arith.addi %scan3A_15, %scan3A_16 : i32
    %scan3A_18 = arith.constant 1 : i32
    %scan3A_19 = scf.for %scan3A_190 = %scan3A_15 to %scan3A_17 step %scan3A_18 iter_args(%scan3A_191 = %scan3A_14) -> (i32)  : i32 {
      %dma_start3A_192 = arith.constant 0 : i32
      %dma_start3A_193 = arith.constant 0 : i32
      %dma_start3A_194 = tpu.memref_slice %arg12[%scan3A_190, %dma_start3A_192, %dma_start3A_193] : memref<26x64x16xf32, #tpu.memory_space<vmem>> -> memref<1x64x16xf32, #tpu.memory_space<vmem>>
      %dma_start3A_195 = tpu.memref_squeeze %dma_start3A_194 : memref<1x64x16xf32, #tpu.memory_space<vmem>> -> memref<64x16xf32, #tpu.memory_space<vmem>>
      %dma_start3A_196 = arith.constant 0 : i32
      %dma_start3A_197 = tpu.memref_slice %arg11[%scan3A_190, %dma_start3A_196] : memref<26x256xi32, #tpu.memory_space<vmem>> -> memref<1x64xi32, #tpu.memory_space<vmem>>
      %dma_start3A_198 = tpu.memref_squeeze %dma_start3A_197 : memref<1x64xi32, #tpu.memory_space<vmem>> -> memref<64xi32, #tpu.memory_space<vmem>>
      %dma_start3A_199 = arith.constant 0 : i32
      %dma_start3A_200 = arith.constant 0 : i32
      %dma_start3A_201 = tpu.memref_slice %arg5[%scan3A_190, %dma_start3A_199, %dma_start3A_200] : memref<26x32768x16xf32, #tpu.memory_space<hbm>> -> memref<1x32768x16xf32, #tpu.memory_space<hbm>>
      %dma_start3A_202 = tpu.memref_squeeze %dma_start3A_201 : memref<1x32768x16xf32, #tpu.memory_space<hbm>> -> memref<32768x16xf32, #tpu.memory_space<hbm>>
      %dma_start3A_203 = arith.constant 0 : i32
      %dma_start3A_204 = arith.constant 0 : i32
      %dma_start3A_205 = tpu.memref_slice %dma_start3A_202[%dma_start3A_203, %dma_start3A_204] : memref<32768x16xf32, #tpu.memory_space<hbm>> -> memref<32768x16xf32, #tpu.memory_space<hbm>>
      tpu.enqueue_indirect_dma source(%dma_start3A_205 : memref<32768x16xf32, #tpu.memory_space<hbm>>) target(%dma_start3A_195 : memref<64x16xf32, #tpu.memory_space<vmem>>) offsets(%dma_start3A_198 : memref<64xi32, #tpu.memory_space<vmem>>) semaphore(%arg18 : memref<!tpu.dma_semaphore, #tpu.memory_space<semaphore_mem>>)
      %scan3A_206 = arith.constant 0 : i32
      scf.yield %scan3A_206 : i32
    }
    %scan3A_20 = arith.constant 26 : i32
    %scan3A_21 = arith.constant 0 : i32
    %scan3A_22 = arith.constant 0 : i32
    %scan3A_23 = arith.constant 26 : i32
    %scan3A_24 = arith.addi %scan3A_22, %scan3A_23 : i32
    %scan3A_25 = arith.constant 1 : i32
    %scan3A_26 = scf.for %scan3A_190 = %scan3A_22 to %scan3A_24 step %scan3A_25 iter_args(%scan3A_191 = %scan3A_21) -> (i32)  : i32 {
      %dma_start3A_192 = arith.constant 0 : i32
      %dma_start3A_193 = arith.constant 0 : i32
      %dma_start3A_194 = tpu.memref_slice %arg13[%scan3A_190, %dma_start3A_192, %dma_start3A_193] : memref<26x64x16xf32, #tpu.memory_space<vmem>> -> memref<1x64x16xf32, #tpu.memory_space<vmem>>
      %dma_start3A_195 = tpu.memref_squeeze %dma_start3A_194 : memref<1x64x16xf32, #tpu.memory_space<vmem>> -> memref<64x16xf32, #tpu.memory_space<vmem>>
      %dma_start3A_196 = arith.constant 64 : i32
      %dma_start3A_197 = tpu.memref_slice %arg11[%scan3A_190, %dma_start3A_196] : memref<26x256xi32, #tpu.memory_space<vmem>> -> memref<1x64xi32, #tpu.memory_space<vmem>>
      %dma_start3A_198 = tpu.memref_squeeze %dma_start3A_197 : memref<1x64xi32, #tpu.memory_space<vmem>> -> memref<64xi32, #tpu.memory_space<vmem>>
      %dma_start3A_199 = arith.constant 0 : i32
      %dma_start3A_200 = arith.constant 0 : i32
      %dma_start3A_201 = tpu.memref_slice %arg5[%scan3A_190, %dma_start3A_199, %dma_start3A_200] : memref<26x32768x16xf32, #tpu.memory_space<hbm>> -> memref<1x32768x16xf32, #tpu.memory_space<hbm>>
      %dma_start3A_202 = tpu.memref_squeeze %dma_start3A_201 : memref<1x32768x16xf32, #tpu.memory_space<hbm>> -> memref<32768x16xf32, #tpu.memory_space<hbm>>
      %dma_start3A_203 = arith.constant 0 : i32
      %dma_start3A_204 = arith.constant 0 : i32
      %dma_start3A_205 = tpu.memref_slice %dma_start3A_202[%dma_start3A_203, %dma_start3A_204] : memref<32768x16xf32, #tpu.memory_space<hbm>> -> memref<32768x16xf32, #tpu.memory_space<hbm>>
      tpu.enqueue_indirect_dma source(%dma_start3A_205 : memref<32768x16xf32, #tpu.memory_space<hbm>>) target(%dma_start3A_195 : memref<64x16xf32, #tpu.memory_space<vmem>>) offsets(%dma_start3A_198 : memref<64xi32, #tpu.memory_space<vmem>>) semaphore(%arg19 : memref<!tpu.dma_semaphore, #tpu.memory_space<semaphore_mem>>)
      %scan3A_206 = arith.constant 0 : i32
      scf.yield %scan3A_206 : i32
    }
    %scan3A_27 = arith.constant 26 : i32
    %dma_wait3A_28 = arith.constant 0 : i32
    %dma_wait3A_29 = arith.constant 0 : i32
    %dma_wait3A_30 = arith.constant 0 : i32
    %dma_wait3A_31 = tpu.memref_slice %arg5[%dma_wait3A_28, %dma_wait3A_29, %dma_wait3A_30] : memref<26x32768x16xf32, #tpu.memory_space<hbm>> -> memref<26x64x16xf32, #tpu.memory_space<hbm>>
    %dma_wait3A_32 = arith.constant 0 : i32
    %dma_wait3A_33 = arith.constant 0 : i32
    %dma_wait3A_34 = arith.constant 0 : i32
    %dma_wait3A_35 = tpu.memref_slice %arg5[%dma_wait3A_32, %dma_wait3A_33, %dma_wait3A_34] : memref<26x32768x16xf32, #tpu.memory_space<hbm>> -> memref<26x64x16xf32, #tpu.memory_space<hbm>>
    tpu.wait_dma2 semaphore(%arg18 : memref<!tpu.dma_semaphore, #tpu.memory_space<semaphore_mem>>) src(%dma_wait3A_35 : memref<26x64x16xf32, #tpu.memory_space<hbm>>) dst(%arg12 : memref<26x64x16xf32, #tpu.memory_space<vmem>>)
    %scan3A_36 = arith.constant 0 : i32
    %scan3A_37 = arith.constant 0 : i32
    %scan3A_38 = arith.constant 26 : i32
    %scan3A_39 = arith.addi %scan3A_37, %scan3A_38 : i32
    %scan3A_40 = arith.constant 1 : i32
    %scan3A_41 = scf.for %scan3A_190 = %scan3A_37 to %scan3A_39 step %scan3A_40 iter_args(%scan3A_191 = %scan3A_36) -> (i32)  : i32 {
      %add3A_192 = arith.constant 0 : i32
      %add3A_193 = arith.addi %mul3A_2, %add3A_192 : i32
      %mul3A_194 = arith.constant 16 : i32
      %mul3A_195 = arith.muli %scan3A_190, %mul3A_194 : i32
      %dma_start3A_196 = arith.constant 0 : i32
      %dma_start3A_197 = arith.constant 0 : i32
      %dma_start3A_198 = tpu.memref_slice %arg12[%scan3A_190, %dma_start3A_196, %dma_start3A_197] : memref<26x64x16xf32, #tpu.memory_space<vmem>> -> memref<1x64x16xf32, #tpu.memory_space<vmem>>
      %dma_start3A_199 = tpu.memref_squeeze %dma_start3A_198 : memref<1x64x16xf32, #tpu.memory_space<vmem>> -> memref<64x16xf32, #tpu.memory_space<vmem>>
      %dma_start3A_200 = tpu.memref_slice %arg8[%add3A_193, %mul3A_195] : memref<8192x416xf32, #tpu.memory_space<hbm>> -> memref<64x16xf32, #tpu.memory_space<hbm>>
      %dma_start3A_201 = tpu.memref_slice %arg8[%add3A_193, %mul3A_195] : memref<8192x416xf32, #tpu.memory_space<hbm>> -> memref<64x16xf32, #tpu.memory_space<hbm>>
      %dma_start3A_202 = arith.constant 0 : i32
      %dma_start3A_203 = arith.constant 0 : i32
      %dma_start3A_204 = tpu.memref_slice %arg12[%scan3A_190, %dma_start3A_202, %dma_start3A_203] : memref<26x64x16xf32, #tpu.memory_space<vmem>> -> memref<1x64x16xf32, #tpu.memory_space<vmem>>
      %dma_start3A_205 = tpu.memref_squeeze %dma_start3A_204 : memref<1x64x16xf32, #tpu.memory_space<vmem>> -> memref<64x16xf32, #tpu.memory_space<vmem>>
      tpu.enqueue_dma source(%dma_start3A_205 : memref<64x16xf32, #tpu.memory_space<vmem>>) target(%dma_start3A_201 : memref<64x16xf32, #tpu.memory_space<hbm>>) target_semaphore(%arg20 : memref<!tpu.dma_semaphore, #tpu.memory_space<semaphore_mem>>)
      %scan3A_206 = arith.constant 0 : i32
      scf.yield %scan3A_206 : i32
    }
    %scan3A_42 = arith.constant 26 : i32
    %dma_wait3A_43 = arith.constant 0 : i32
    %dma_wait3A_44 = arith.constant 0 : i32
    %dma_wait3A_45 = arith.constant 0 : i32
    %dma_wait3A_46 = tpu.memref_slice %arg5[%dma_wait3A_43, %dma_wait3A_44, %dma_wait3A_45] : memref<26x32768x16xf32, #tpu.memory_space<hbm>> -> memref<26x64x16xf32, #tpu.memory_space<hbm>>
    %dma_wait3A_47 = arith.constant 0 : i32
    %dma_wait3A_48 = arith.constant 0 : i32
    %dma_wait3A_49 = arith.constant 0 : i32
    %dma_wait3A_50 = tpu.memref_slice %arg5[%dma_wait3A_47, %dma_wait3A_48, %dma_wait3A_49] : memref<26x32768x16xf32, #tpu.memory_space<hbm>> -> memref<26x64x16xf32, #tpu.memory_space<hbm>>
    tpu.wait_dma2 semaphore(%arg20 : memref<!tpu.dma_semaphore, #tpu.memory_space<semaphore_mem>>) src(%dma_wait3A_50 : memref<26x64x16xf32, #tpu.memory_space<hbm>>) dst(%arg12 : memref<26x64x16xf32, #tpu.memory_space<vmem>>)
    %scan3A_51 = arith.constant 0 : i32
    %scan3A_52 = arith.constant 0 : i32
    %scan3A_53 = arith.constant 26 : i32
    %scan3A_54 = arith.addi %scan3A_52, %scan3A_53 : i32
    %scan3A_55 = arith.constant 1 : i32
    %scan3A_56 = scf.for %scan3A_190 = %scan3A_52 to %scan3A_54 step %scan3A_55 iter_args(%scan3A_191 = %scan3A_51) -> (i32)  : i32 {
      %dma_start3A_192 = arith.constant 0 : i32
      %dma_start3A_193 = arith.constant 0 : i32
      %dma_start3A_194 = tpu.memref_slice %arg12[%scan3A_190, %dma_start3A_192, %dma_start3A_193] : memref<26x64x16xf32, #tpu.memory_space<vmem>> -> memref<1x64x16xf32, #tpu.memory_space<vmem>>
      %dma_start3A_195 = tpu.memref_squeeze %dma_start3A_194 : memref<1x64x16xf32, #tpu.memory_space<vmem>> -> memref<64x16xf32, #tpu.memory_space<vmem>>
      %dma_start3A_196 = arith.constant 128 : i32
      %dma_start3A_197 = tpu.memref_slice %arg11[%scan3A_190, %dma_start3A_196] : memref<26x256xi32, #tpu.memory_space<vmem>> -> memref<1x64xi32, #tpu.memory_space<vmem>>
      %dma_start3A_198 = tpu.memref_squeeze %dma_start3A_197 : memref<1x64xi32, #tpu.memory_space<vmem>> -> memref<64xi32, #tpu.memory_space<vmem>>
      %dma_start3A_199 = arith.constant 0 : i32
      %dma_start3A_200 = arith.constant 0 : i32
      %dma_start3A_201 = tpu.memref_slice %arg5[%scan3A_190, %dma_start3A_199, %dma_start3A_200] : memref<26x32768x16xf32, #tpu.memory_space<hbm>> -> memref<1x32768x16xf32, #tpu.memory_space<hbm>>
      %dma_start3A_202 = tpu.memref_squeeze %dma_start3A_201 : memref<1x32768x16xf32, #tpu.memory_space<hbm>> -> memref<32768x16xf32, #tpu.memory_space<hbm>>
      %dma_start3A_203 = arith.constant 0 : i32
      %dma_start3A_204 = arith.constant 0 : i32
      %dma_start3A_205 = tpu.memref_slice %dma_start3A_202[%dma_start3A_203, %dma_start3A_204] : memref<32768x16xf32, #tpu.memory_space<hbm>> -> memref<32768x16xf32, #tpu.memory_space<hbm>>
      tpu.enqueue_indirect_dma source(%dma_start3A_205 : memref<32768x16xf32, #tpu.memory_space<hbm>>) target(%dma_start3A_195 : memref<64x16xf32, #tpu.memory_space<vmem>>) offsets(%dma_start3A_198 : memref<64xi32, #tpu.memory_space<vmem>>) semaphore(%arg18 : memref<!tpu.dma_semaphore, #tpu.memory_space<semaphore_mem>>)
      %scan3A_206 = arith.constant 0 : i32
      scf.yield %scan3A_206 : i32
    }
    %scan3A_57 = arith.constant 26 : i32
    %dma_wait3A_58 = arith.constant 0 : i32
    %dma_wait3A_59 = arith.constant 0 : i32
    %dma_wait3A_60 = arith.constant 0 : i32
    %dma_wait3A_61 = tpu.memref_slice %arg5[%dma_wait3A_58, %dma_wait3A_59, %dma_wait3A_60] : memref<26x32768x16xf32, #tpu.memory_space<hbm>> -> memref<26x64x16xf32, #tpu.memory_space<hbm>>
    %dma_wait3A_62 = arith.constant 0 : i32
    %dma_wait3A_63 = arith.constant 0 : i32
    %dma_wait3A_64 = arith.constant 0 : i32
    %dma_wait3A_65 = tpu.memref_slice %arg5[%dma_wait3A_62, %dma_wait3A_63, %dma_wait3A_64] : memref<26x32768x16xf32, #tpu.memory_space<hbm>> -> memref<26x64x16xf32, #tpu.memory_space<hbm>>
    tpu.wait_dma2 semaphore(%arg19 : memref<!tpu.dma_semaphore, #tpu.memory_space<semaphore_mem>>) src(%dma_wait3A_65 : memref<26x64x16xf32, #tpu.memory_space<hbm>>) dst(%arg13 : memref<26x64x16xf32, #tpu.memory_space<vmem>>)
    %scan3A_66 = arith.constant 0 : i32
    %scan3A_67 = arith.constant 0 : i32
    %scan3A_68 = arith.constant 26 : i32
    %scan3A_69 = arith.addi %scan3A_67, %scan3A_68 : i32
    %scan3A_70 = arith.constant 1 : i32
    %scan3A_71 = scf.for %scan3A_190 = %scan3A_67 to %scan3A_69 step %scan3A_70 iter_args(%scan3A_191 = %scan3A_66) -> (i32)  : i32 {
      %add3A_192 = arith.constant 64 : i32
      %add3A_193 = arith.addi %mul3A_2, %add3A_192 : i32
      %mul3A_194 = arith.constant 16 : i32
      %mul3A_195 = arith.muli %scan3A_190, %mul3A_194 : i32
      %dma_start3A_196 = arith.constant 0 : i32
      %dma_start3A_197 = arith.constant 0 : i32
      %dma_start3A_198 = tpu.memref_slice %arg13[%scan3A_190, %dma_start3A_196, %dma_start3A_197] : memref<26x64x16xf32, #tpu.memory_space<vmem>> -> memref<1x64x16xf32, #tpu.memory_space<vmem>>
      %dma_start3A_199 = tpu.memref_squeeze %dma_start3A_198 : memref<1x64x16xf32, #tpu.memory_space<vmem>> -> memref<64x16xf32, #tpu.memory_space<vmem>>
      %dma_start3A_200 = tpu.memref_slice %arg8[%add3A_193, %mul3A_195] : memref<8192x416xf32, #tpu.memory_space<hbm>> -> memref<64x16xf32, #tpu.memory_space<hbm>>
      %dma_start3A_201 = tpu.memref_slice %arg8[%add3A_193, %mul3A_195] : memref<8192x416xf32, #tpu.memory_space<hbm>> -> memref<64x16xf32, #tpu.memory_space<hbm>>
      %dma_start3A_202 = arith.constant 0 : i32
      %dma_start3A_203 = arith.constant 0 : i32
      %dma_start3A_204 = tpu.memref_slice %arg13[%scan3A_190, %dma_start3A_202, %dma_start3A_203] : memref<26x64x16xf32, #tpu.memory_space<vmem>> -> memref<1x64x16xf32, #tpu.memory_space<vmem>>
      %dma_start3A_205 = tpu.memref_squeeze %dma_start3A_204 : memref<1x64x16xf32, #tpu.memory_space<vmem>> -> memref<64x16xf32, #tpu.memory_space<vmem>>
      tpu.enqueue_dma source(%dma_start3A_205 : memref<64x16xf32, #tpu.memory_space<vmem>>) target(%dma_start3A_201 : memref<64x16xf32, #tpu.memory_space<hbm>>) target_semaphore(%arg21 : memref<!tpu.dma_semaphore, #tpu.memory_space<semaphore_mem>>)
      %scan3A_206 = arith.constant 0 : i32
      scf.yield %scan3A_206 : i32
    }
    %scan3A_72 = arith.constant 26 : i32
    %dma_wait3A_73 = arith.constant 0 : i32
    %dma_wait3A_74 = arith.constant 0 : i32
    %dma_wait3A_75 = arith.constant 0 : i32
    %dma_wait3A_76 = tpu.memref_slice %arg5[%dma_wait3A_73, %dma_wait3A_74, %dma_wait3A_75] : memref<26x32768x16xf32, #tpu.memory_space<hbm>> -> memref<26x64x16xf32, #tpu.memory_space<hbm>>
    %dma_wait3A_77 = arith.constant 0 : i32
    %dma_wait3A_78 = arith.constant 0 : i32
    %dma_wait3A_79 = arith.constant 0 : i32
    %dma_wait3A_80 = tpu.memref_slice %arg5[%dma_wait3A_77, %dma_wait3A_78, %dma_wait3A_79] : memref<26x32768x16xf32, #tpu.memory_space<hbm>> -> memref<26x64x16xf32, #tpu.memory_space<hbm>>
    tpu.wait_dma2 semaphore(%arg21 : memref<!tpu.dma_semaphore, #tpu.memory_space<semaphore_mem>>) src(%dma_wait3A_80 : memref<26x64x16xf32, #tpu.memory_space<hbm>>) dst(%arg13 : memref<26x64x16xf32, #tpu.memory_space<vmem>>)
    %scan3A_81 = arith.constant 0 : i32
    %scan3A_82 = arith.constant 0 : i32
    %scan3A_83 = arith.constant 26 : i32
    %scan3A_84 = arith.addi %scan3A_82, %scan3A_83 : i32
    %scan3A_85 = arith.constant 1 : i32
    %scan3A_86 = scf.for %scan3A_190 = %scan3A_82 to %scan3A_84 step %scan3A_85 iter_args(%scan3A_191 = %scan3A_81) -> (i32)  : i32 {
      %dma_start3A_192 = arith.constant 0 : i32
      %dma_start3A_193 = arith.constant 0 : i32
      %dma_start3A_194 = tpu.memref_slice %arg13[%scan3A_190, %dma_start3A_192, %dma_start3A_193] : memref<26x64x16xf32, #tpu.memory_space<vmem>> -> memref<1x64x16xf32, #tpu.memory_space<vmem>>
      %dma_start3A_195 = tpu.memref_squeeze %dma_start3A_194 : memref<1x64x16xf32, #tpu.memory_space<vmem>> -> memref<64x16xf32, #tpu.memory_space<vmem>>
      %dma_start3A_196 = arith.constant 192 : i32
      %dma_start3A_197 = tpu.memref_slice %arg11[%scan3A_190, %dma_start3A_196] : memref<26x256xi32, #tpu.memory_space<vmem>> -> memref<1x64xi32, #tpu.memory_space<vmem>>
      %dma_start3A_198 = tpu.memref_squeeze %dma_start3A_197 : memref<1x64xi32, #tpu.memory_space<vmem>> -> memref<64xi32, #tpu.memory_space<vmem>>
      %dma_start3A_199 = arith.constant 0 : i32
      %dma_start3A_200 = arith.constant 0 : i32
      %dma_start3A_201 = tpu.memref_slice %arg5[%scan3A_190, %dma_start3A_199, %dma_start3A_200] : memref<26x32768x16xf32, #tpu.memory_space<hbm>> -> memref<1x32768x16xf32, #tpu.memory_space<hbm>>
      %dma_start3A_202 = tpu.memref_squeeze %dma_start3A_201 : memref<1x32768x16xf32, #tpu.memory_space<hbm>> -> memref<32768x16xf32, #tpu.memory_space<hbm>>
      %dma_start3A_203 = arith.constant 0 : i32
      %dma_start3A_204 = arith.constant 0 : i32
      %dma_start3A_205 = tpu.memref_slice %dma_start3A_202[%dma_start3A_203, %dma_start3A_204] : memref<32768x16xf32, #tpu.memory_space<hbm>> -> memref<32768x16xf32, #tpu.memory_space<hbm>>
      tpu.enqueue_indirect_dma source(%dma_start3A_205 : memref<32768x16xf32, #tpu.memory_space<hbm>>) target(%dma_start3A_195 : memref<64x16xf32, #tpu.memory_space<vmem>>) offsets(%dma_start3A_198 : memref<64xi32, #tpu.memory_space<vmem>>) semaphore(%arg19 : memref<!tpu.dma_semaphore, #tpu.memory_space<semaphore_mem>>)
      %scan3A_206 = arith.constant 0 : i32
      scf.yield %scan3A_206 : i32
    }
    %scan3A_87 = arith.constant 26 : i32
    %dma_wait3A_88 = arith.constant 0 : i32
    %dma_wait3A_89 = arith.constant 0 : i32
    %dma_wait3A_90 = arith.constant 0 : i32
    %dma_wait3A_91 = tpu.memref_slice %arg5[%dma_wait3A_88, %dma_wait3A_89, %dma_wait3A_90] : memref<26x32768x16xf32, #tpu.memory_space<hbm>> -> memref<26x64x16xf32, #tpu.memory_space<hbm>>
    %dma_wait3A_92 = arith.constant 0 : i32
    %dma_wait3A_93 = arith.constant 0 : i32
    %dma_wait3A_94 = arith.constant 0 : i32
    %dma_wait3A_95 = tpu.memref_slice %arg5[%dma_wait3A_92, %dma_wait3A_93, %dma_wait3A_94] : memref<26x32768x16xf32, #tpu.memory_space<hbm>> -> memref<26x64x16xf32, #tpu.memory_space<hbm>>
    tpu.wait_dma2 semaphore(%arg18 : memref<!tpu.dma_semaphore, #tpu.memory_space<semaphore_mem>>) src(%dma_wait3A_95 : memref<26x64x16xf32, #tpu.memory_space<hbm>>) dst(%arg12 : memref<26x64x16xf32, #tpu.memory_space<vmem>>)
    %scan3A_96 = arith.constant 0 : i32
    %scan3A_97 = arith.constant 0 : i32
    %scan3A_98 = arith.constant 26 : i32
    %scan3A_99 = arith.addi %scan3A_97, %scan3A_98 : i32
    %scan3A_100 = arith.constant 1 : i32
    %scan3A_101 = scf.for %scan3A_190 = %scan3A_97 to %scan3A_99 step %scan3A_100 iter_args(%scan3A_191 = %scan3A_96) -> (i32)  : i32 {
      %add3A_192 = arith.constant 128 : i32
      %add3A_193 = arith.addi %mul3A_2, %add3A_192 : i32
      %mul3A_194 = arith.constant 16 : i32
      %mul3A_195 = arith.muli %scan3A_190, %mul3A_194 : i32
      %dma_start3A_196 = arith.constant 0 : i32
      %dma_start3A_197 = arith.constant 0 : i32
      %dma_start3A_198 = tpu.memref_slice %arg12[%scan3A_190, %dma_start3A_196, %dma_start3A_197] : memref<26x64x16xf32, #tpu.memory_space<vmem>> -> memref<1x64x16xf32, #tpu.memory_space<vmem>>
      %dma_start3A_199 = tpu.memref_squeeze %dma_start3A_198 : memref<1x64x16xf32, #tpu.memory_space<vmem>> -> memref<64x16xf32, #tpu.memory_space<vmem>>
      %dma_start3A_200 = tpu.memref_slice %arg8[%add3A_193, %mul3A_195] : memref<8192x416xf32, #tpu.memory_space<hbm>> -> memref<64x16xf32, #tpu.memory_space<hbm>>
      %dma_start3A_201 = tpu.memref_slice %arg8[%add3A_193, %mul3A_195] : memref<8192x416xf32, #tpu.memory_space<hbm>> -> memref<64x16xf32, #tpu.memory_space<hbm>>
      %dma_start3A_202 = arith.constant 0 : i32
      %dma_start3A_203 = arith.constant 0 : i32
      %dma_start3A_204 = tpu.memref_slice %arg12[%scan3A_190, %dma_start3A_202, %dma_start3A_203] : memref<26x64x16xf32, #tpu.memory_space<vmem>> -> memref<1x64x16xf32, #tpu.memory_space<vmem>>
      %dma_start3A_205 = tpu.memref_squeeze %dma_start3A_204 : memref<1x64x16xf32, #tpu.memory_space<vmem>> -> memref<64x16xf32, #tpu.memory_space<vmem>>
      tpu.enqueue_dma source(%dma_start3A_205 : memref<64x16xf32, #tpu.memory_space<vmem>>) target(%dma_start3A_201 : memref<64x16xf32, #tpu.memory_space<hbm>>) target_semaphore(%arg20 : memref<!tpu.dma_semaphore, #tpu.memory_space<semaphore_mem>>)
      %scan3A_206 = arith.constant 0 : i32
      scf.yield %scan3A_206 : i32
    }
    %scan3A_102 = arith.constant 26 : i32
    %dma_wait3A_103 = arith.constant 0 : i32
    %dma_wait3A_104 = arith.constant 0 : i32
    %dma_wait3A_105 = arith.constant 0 : i32
    %dma_wait3A_106 = tpu.memref_slice %arg5[%dma_wait3A_103, %dma_wait3A_104, %dma_wait3A_105] : memref<26x32768x16xf32, #tpu.memory_space<hbm>> -> memref<26x64x16xf32, #tpu.memory_space<hbm>>
    %dma_wait3A_107 = arith.constant 0 : i32
    %dma_wait3A_108 = arith.constant 0 : i32
    %dma_wait3A_109 = arith.constant 0 : i32
    %dma_wait3A_110 = tpu.memref_slice %arg5[%dma_wait3A_107, %dma_wait3A_108, %dma_wait3A_109] : memref<26x32768x16xf32, #tpu.memory_space<hbm>> -> memref<26x64x16xf32, #tpu.memory_space<hbm>>
    tpu.wait_dma2 semaphore(%arg20 : memref<!tpu.dma_semaphore, #tpu.memory_space<semaphore_mem>>) src(%dma_wait3A_110 : memref<26x64x16xf32, #tpu.memory_space<hbm>>) dst(%arg12 : memref<26x64x16xf32, #tpu.memory_space<vmem>>)
    %dma_wait3A_111 = arith.constant 0 : i32
    %dma_wait3A_112 = arith.constant 0 : i32
    %dma_wait3A_113 = arith.constant 0 : i32
    %dma_wait3A_114 = tpu.memref_slice %arg5[%dma_wait3A_111, %dma_wait3A_112, %dma_wait3A_113] : memref<26x32768x16xf32, #tpu.memory_space<hbm>> -> memref<26x64x16xf32, #tpu.memory_space<hbm>>
    %dma_wait3A_115 = arith.constant 0 : i32
    %dma_wait3A_116 = arith.constant 0 : i32
    %dma_wait3A_117 = arith.constant 0 : i32
    %dma_wait3A_118 = tpu.memref_slice %arg5[%dma_wait3A_115, %dma_wait3A_116, %dma_wait3A_117] : memref<26x32768x16xf32, #tpu.memory_space<hbm>> -> memref<26x64x16xf32, #tpu.memory_space<hbm>>
    tpu.wait_dma2 semaphore(%arg19 : memref<!tpu.dma_semaphore, #tpu.memory_space<semaphore_mem>>) src(%dma_wait3A_118 : memref<26x64x16xf32, #tpu.memory_space<hbm>>) dst(%arg13 : memref<26x64x16xf32, #tpu.memory_space<vmem>>)
    %scan3A_119 = arith.constant 0 : i32
    %scan3A_120 = arith.constant 0 : i32
    %scan3A_121 = arith.constant 26 : i32
    %scan3A_122 = arith.addi %scan3A_120, %scan3A_121 : i32
    %scan3A_123 = arith.constant 1 : i32
    %scan3A_124 = scf.for %scan3A_190 = %scan3A_120 to %scan3A_122 step %scan3A_123 iter_args(%scan3A_191 = %scan3A_119) -> (i32)  : i32 {
      %add3A_192 = arith.constant 192 : i32
      %add3A_193 = arith.addi %mul3A_2, %add3A_192 : i32
      %mul3A_194 = arith.constant 16 : i32
      %mul3A_195 = arith.muli %scan3A_190, %mul3A_194 : i32
      %dma_start3A_196 = arith.constant 0 : i32
      %dma_start3A_197 = arith.constant 0 : i32
      %dma_start3A_198 = tpu.memref_slice %arg13[%scan3A_190, %dma_start3A_196, %dma_start3A_197] : memref<26x64x16xf32, #tpu.memory_space<vmem>> -> memref<1x64x16xf32, #tpu.memory_space<vmem>>
      %dma_start3A_199 = tpu.memref_squeeze %dma_start3A_198 : memref<1x64x16xf32, #tpu.memory_space<vmem>> -> memref<64x16xf32, #tpu.memory_space<vmem>>
      %dma_start3A_200 = tpu.memref_slice %arg8[%add3A_193, %mul3A_195] : memref<8192x416xf32, #tpu.memory_space<hbm>> -> memref<64x16xf32, #tpu.memory_space<hbm>>
      %dma_start3A_201 = tpu.memref_slice %arg8[%add3A_193, %mul3A_195] : memref<8192x416xf32, #tpu.memory_space<hbm>> -> memref<64x16xf32, #tpu.memory_space<hbm>>
      %dma_start3A_202 = arith.constant 0 : i32
      %dma_start3A_203 = arith.constant 0 : i32
      %dma_start3A_204 = tpu.memref_slice %arg13[%scan3A_190, %dma_start3A_202, %dma_start3A_203] : memref<26x64x16xf32, #tpu.memory_space<vmem>> -> memref<1x64x16xf32, #tpu.memory_space<vmem>>
      %dma_start3A_205 = tpu.memref_squeeze %dma_start3A_204 : memref<1x64x16xf32, #tpu.memory_space<vmem>> -> memref<64x16xf32, #tpu.memory_space<vmem>>
      tpu.enqueue_dma source(%dma_start3A_205 : memref<64x16xf32, #tpu.memory_space<vmem>>) target(%dma_start3A_201 : memref<64x16xf32, #tpu.memory_space<hbm>>) target_semaphore(%arg21 : memref<!tpu.dma_semaphore, #tpu.memory_space<semaphore_mem>>)
      %scan3A_206 = arith.constant 0 : i32
      scf.yield %scan3A_206 : i32
    }
    %scan3A_125 = arith.constant 26 : i32
    %dma_wait3A_126 = arith.constant 0 : i32
    %dma_wait3A_127 = arith.constant 0 : i32
    %dma_wait3A_128 = arith.constant 0 : i32
    %dma_wait3A_129 = tpu.memref_slice %arg5[%dma_wait3A_126, %dma_wait3A_127, %dma_wait3A_128] : memref<26x32768x16xf32, #tpu.memory_space<hbm>> -> memref<26x64x16xf32, #tpu.memory_space<hbm>>
    %dma_wait3A_130 = arith.constant 0 : i32
    %dma_wait3A_131 = arith.constant 0 : i32
    %dma_wait3A_132 = arith.constant 0 : i32
    %dma_wait3A_133 = tpu.memref_slice %arg5[%dma_wait3A_130, %dma_wait3A_131, %dma_wait3A_132] : memref<26x32768x16xf32, #tpu.memory_space<hbm>> -> memref<26x64x16xf32, #tpu.memory_space<hbm>>
    tpu.wait_dma2 semaphore(%arg21 : memref<!tpu.dma_semaphore, #tpu.memory_space<semaphore_mem>>) src(%dma_wait3A_133 : memref<26x64x16xf32, #tpu.memory_space<hbm>>) dst(%arg13 : memref<26x64x16xf32, #tpu.memory_space<vmem>>)
    "tpu.region"() ({
      %run_scoped3A = tpu.sem_alloc : memref<!tpu.dma_semaphore, #tpu.memory_space<semaphore_mem>>
      %dma_start3A_190 = tpu.memref_slice %arg3[%add3A_4] : memref<16384xi32, #tpu.memory_space<hbm>> -> memref<256xi32, #tpu.memory_space<hbm>>
      %dma_start3A_191 = tpu.memref_slice %arg3[%add3A_4] : memref<16384xi32, #tpu.memory_space<hbm>> -> memref<256xi32, #tpu.memory_space<hbm>>
      tpu.enqueue_dma source(%dma_start3A_191 : memref<256xi32, #tpu.memory_space<hbm>>) target(%arg14 : memref<256xi32, #tpu.memory_space<vmem>>) target_semaphore(%run_scoped3A : memref<!tpu.dma_semaphore, #tpu.memory_space<semaphore_mem>>)
      %dma_wait3A_192 = tpu.memref_slice %arg3[%add3A_4] : memref<16384xi32, #tpu.memory_space<hbm>> -> memref<256xi32, #tpu.memory_space<hbm>>
      %dma_wait3A_193 = tpu.memref_slice %arg3[%add3A_4] : memref<16384xi32, #tpu.memory_space<hbm>> -> memref<256xi32, #tpu.memory_space<hbm>>
      tpu.wait_dma2 semaphore(%run_scoped3A : memref<!tpu.dma_semaphore, #tpu.memory_space<semaphore_mem>>) src(%dma_wait3A_193 : memref<256xi32, #tpu.memory_space<hbm>>) dst(%arg14 : memref<256xi32, #tpu.memory_space<vmem>>)
      tpu.yield
    }) : () -> ()
    %scan3A_134 = arith.constant 0 : i32
    %scan3A_135 = arith.constant 0 : i32
    %scan3A_136 = arith.constant 16 : i32
    %scan3A_137 = arith.addi %scan3A_135, %scan3A_136 : i32
    %scan3A_138 = arith.constant 8 : i32
    %scan3A_139 = scf.for %scan3A_190 = %scan3A_135 to %scan3A_137 step %scan3A_138 iter_args(%scan3A_191 = %scan3A_134) -> (i32)  : i32 {
      %mul3A_192 = arith.constant 16 : i32
      %mul3A_193 = arith.muli %scan3A_190, %mul3A_192 : i32
      %get3A = arith.index_cast %mul3A_193 : i32 to index
      %get3A_194 = tpu.vector_load %arg14[%get3A] {strides = array<i32>} : memref<256xi32, #tpu.memory_space<vmem>>, vector<16xi32>,
      %get3A_195 = vector.shape_cast %get3A_194 : vector<16xi32> to vector<16xi32>
      %jit3A = arith.constant 8 : i32
      %div3A = arith.divsi %scan3A_190, %jit3A : i32
      %sign3A = arith.constant 0 : i32
      %sign3A_196 = arith.cmpi sgt, %scan3A_190, %sign3A : i32
      %sign3A_197 = arith.extui %sign3A_196 : i1 to i32
      %sign3A_198 = arith.constant 0 : i32
      %sign3A_199 = arith.cmpi slt, %scan3A_190, %sign3A_198 : i32
      %sign3A_200 = arith.extui %sign3A_199 : i1 to i32
      %sign3A_201 = arith.subi %sign3A_197, %sign3A_200 : i32
      %sign3A_202 = arith.constant 0 : i32
      %sign3A_203 = arith.cmpi sgt, %jit3A, %sign3A_202 : i32
      %sign3A_204 = arith.extui %sign3A_203 : i1 to i32
      %sign3A_205 = arith.constant 0 : i32
      %sign3A_206 = arith.cmpi slt, %jit3A, %sign3A_205 : i32
      %sign3A_207 = arith.extui %sign3A_206 : i1 to i32
      %sign3A_208 = arith.subi %sign3A_204, %sign3A_207 : i32
      %ne3A = arith.cmpi ne, %sign3A_201, %sign3A_208 : i32
      %rem3A = arith.remsi %scan3A_190, %jit3A : i32
      %ne3A_209 = arith.constant 0 : i32
      %ne3A_210 = arith.cmpi ne, %rem3A, %ne3A_209 : i32
      %and3A = arith.andi %ne3A, %ne3A_210 : i1
      %sub3A = arith.constant 1 : i32
      %sub3A_211 = arith.subi %div3A, %sub3A : i32
      %select_n3A = arith.select %and3A, %sub3A_211, %div3A : i32
      %jit3A_212 = arith.constant 8 : i32
      %eq3A = arith.constant 0 : i32
      %eq3A_213 = arith.cmpi eq, %jit3A_212, %eq3A : i32
      %jit3A_214 = arith.constant 1 : i32
      %select_n3A_215 = arith.select %eq3A_213, %jit3A_214, %jit3A_212 : i32
      %rem3A_216 = arith.remsi %scan3A_190, %select_n3A_215 : i32
      %ne3A_217 = arith.constant 0 : i32
      %ne3A_218 = arith.cmpi ne, %rem3A_216, %ne3A_217 : i32
      %lt3A = arith.constant 0 : i32
      %lt3A_219 = arith.cmpi slt, %rem3A_216, %lt3A : i32
      %lt3A_220 = arith.constant 0 : i32
      %lt3A_221 = arith.cmpi slt, %select_n3A_215, %lt3A_220 : i32
      %ne3A_222 = arith.xori %lt3A_219, %lt3A_221 : i1
      %and3A_223 = arith.andi %ne3A_222, %ne3A_218 : i1
      %add3A_224 = arith.addi %rem3A_216, %select_n3A_215 : i32
      %select_n3A_225 = arith.select %and3A_223, %add3A_224, %rem3A_216 : i32
      %mul3A_226 = arith.constant 16 : i32
      %mul3A_227 = arith.muli %select_n3A_225, %mul3A_226 : i32
      %swap3A = arith.index_cast %select_n3A : i32 to index
      %swap3A_228 = arith.index_cast %mul3A_227 : i32 to index
      %swap3A_229 = tpu.vector_load %arg15[%swap3A, %swap3A_228] {strides = array<i32>} : memref<2x128xi32, #tpu.memory_space<vmem>>, vector<1x16xi32>,
      %swap3A_230 = vector.shape_cast %swap3A_229 : vector<1x16xi32> to vector<16xi32>
      %swap3A_231 = vector.shape_cast %get3A_195 : vector<16xi32> to vector<1x16xi32>
      tpu.vector_store %arg15[%swap3A, %swap3A_228], %swap3A_231 {strides = array<i32>} : memref<2x128xi32, #tpu.memory_space<vmem>>, vector<1x16xi32>,
      %scan3A_232 = arith.constant 0 : i32
      %scan3A_233 = arith.constant 1 : i32
      %scan3A_234 = arith.addi %scan3A_190, %scan3A_233 : i32
      %mul3A_235 = arith.constant 16 : i32
      %mul3A_236 = arith.muli %scan3A_234, %mul3A_235 : i32
      %get3A_237 = arith.index_cast %mul3A_236 : i32 to index
      %get3A_238 = tpu.vector_load %arg14[%get3A_237] {strides = array<i32>} : memref<256xi32, #tpu.memory_space<vmem>>, vector<16xi32>,
      %get3A_239 = vector.shape_cast %get3A_238 : vector<16xi32> to vector<16xi32>
      %jit3A_240 = arith.constant 8 : i32
      %div3A_241 = arith.divsi %scan3A_234, %jit3A_240 : i32
      %sign3A_242 = arith.constant 0 : i32
      %sign3A_243 = arith.cmpi sgt, %scan3A_234, %sign3A_242 : i32
      %sign3A_244 = arith.extui %sign3A_243 : i1 to i32
      %sign3A_245 = arith.constant 0 : i32
      %sign3A_246 = arith.cmpi slt, %scan3A_234, %sign3A_245 : i32
      %sign3A_247 = arith.extui %sign3A_246 : i1 to i32
      %sign3A_248 = arith.subi %sign3A_244, %sign3A_247 : i32
      %sign3A_249 = arith.constant 0 : i32
      %sign3A_250 = arith.cmpi sgt, %jit3A_240, %sign3A_249 : i32
      %sign3A_251 = arith.extui %sign3A_250 : i1 to i32
      %sign3A_252 = arith.constant 0 : i32
      %sign3A_253 = arith.cmpi slt, %jit3A_240, %sign3A_252 : i32
      %sign3A_254 = arith.extui %sign3A_253 : i1 to i32
      %sign3A_255 = arith.subi %sign3A_251, %sign3A_254 : i32
      %ne3A_256 = arith.cmpi ne, %sign3A_248, %sign3A_255 : i32
      %rem3A_257 = arith.remsi %scan3A_234, %jit3A_240 : i32
      %ne3A_258 = arith.constant 0 : i32
      %ne3A_259 = arith.cmpi ne, %rem3A_257, %ne3A_258 : i32
      %and3A_260 = arith.andi %ne3A_256, %ne3A_259 : i1
      %sub3A_261 = arith.constant 1 : i32
      %sub3A_262 = arith.subi %div3A_241, %sub3A_261 : i32
      %select_n3A_263 = arith.select %and3A_260, %sub3A_262, %div3A_241 : i32
      %jit3A_264 = arith.constant 8 : i32
      %eq3A_265 = arith.constant 0 : i32
      %eq3A_266 = arith.cmpi eq, %jit3A_264, %eq3A_265 : i32
      %jit3A_267 = arith.constant 1 : i32
      %select_n3A_268 = arith.select %eq3A_266, %jit3A_267, %jit3A_264 : i32
      %rem3A_269 = arith.remsi %scan3A_234, %select_n3A_268 : i32
      %ne3A_270 = arith.constant 0 : i32
      %ne3A_271 = arith.cmpi ne, %rem3A_269, %ne3A_270 : i32
      %lt3A_272 = arith.constant 0 : i32
      %lt3A_273 = arith.cmpi slt, %rem3A_269, %lt3A_272 : i32
      %lt3A_274 = arith.constant 0 : i32
      %lt3A_275 = arith.cmpi slt, %select_n3A_268, %lt3A_274 : i32
      %ne3A_276 = arith.xori %lt3A_273, %lt3A_275 : i1
      %and3A_277 = arith.andi %ne3A_276, %ne3A_271 : i1
      %add3A_278 = arith.addi %rem3A_269, %select_n3A_268 : i32
      %select_n3A_279 = arith.select %and3A_277, %add3A_278, %rem3A_269 : i32
      %mul3A_280 = arith.constant 16 : i32
      %mul3A_281 = arith.muli %select_n3A_279, %mul3A_280 : i32
      %swap3A_282 = arith.index_cast %select_n3A_263 : i32 to index
      %swap3A_283 = arith.index_cast %mul3A_281 : i32 to index
      %swap3A_284 = tpu.vector_load %arg15[%swap3A_282, %swap3A_283] {strides = array<i32>} : memref<2x128xi32, #tpu.memory_space<vmem>>, vector<1x16xi32>,
      %swap3A_285 = vector.shape_cast %swap3A_284 : vector<1x16xi32> to vector<16xi32>
      %swap3A_286 = vector.shape_cast %get3A_239 : vector<16xi32> to vector<1x16xi32>
      tpu.vector_store %arg15[%swap3A_282, %swap3A_283], %swap3A_286 {strides = array<i32>} : memref<2x128xi32, #tpu.memory_space<vmem>>, vector<1x16xi32>,
      %scan3A_287 = arith.constant 0 : i32
      %scan3A_288 = arith.constant 2 : i32
      %scan3A_289 = arith.addi %scan3A_190, %scan3A_288 : i32
      %mul3A_290 = arith.constant 16 : i32
      %mul3A_291 = arith.muli %scan3A_289, %mul3A_290 : i32
      %get3A_292 = arith.index_cast %mul3A_291 : i32 to index
      %get3A_293 = tpu.vector_load %arg14[%get3A_292] {strides = array<i32>} : memref<256xi32, #tpu.memory_space<vmem>>, vector<16xi32>,
      %get3A_294 = vector.shape_cast %get3A_293 : vector<16xi32> to vector<16xi32>
      %jit3A_295 = arith.constant 8 : i32
      %div3A_296 = arith.divsi %scan3A_289, %jit3A_295 : i32
      %sign3A_297 = arith.constant 0 : i32
      %sign3A_298 = arith.cmpi sgt, %scan3A_289, %sign3A_297 : i32
      %sign3A_299 = arith.extui %sign3A_298 : i1 to i32
      %sign3A_300 = arith.constant 0 : i32
      %sign3A_301 = arith.cmpi slt, %scan3A_289, %sign3A_300 : i32
      %sign3A_302 = arith.extui %sign3A_301 : i1 to i32
      %sign3A_303 = arith.subi %sign3A_299, %sign3A_302 : i32
      %sign3A_304 = arith.constant 0 : i32
      %sign3A_305 = arith.cmpi sgt, %jit3A_295, %sign3A_304 : i32
      %sign3A_306 = arith.extui %sign3A_305 : i1 to i32
      %sign3A_307 = arith.constant 0 : i32
      %sign3A_308 = arith.cmpi slt, %jit3A_295, %sign3A_307 : i32
      %sign3A_309 = arith.extui %sign3A_308 : i1 to i32
      %sign3A_310 = arith.subi %sign3A_306, %sign3A_309 : i32
      %ne3A_311 = arith.cmpi ne, %sign3A_303, %sign3A_310 : i32
      %rem3A_312 = arith.remsi %scan3A_289, %jit3A_295 : i32
      %ne3A_313 = arith.constant 0 : i32
      %ne3A_314 = arith.cmpi ne, %rem3A_312, %ne3A_313 : i32
      %and3A_315 = arith.andi %ne3A_311, %ne3A_314 : i1
      %sub3A_316 = arith.constant 1 : i32
      %sub3A_317 = arith.subi %div3A_296, %sub3A_316 : i32
      %select_n3A_318 = arith.select %and3A_315, %sub3A_317, %div3A_296 : i32
      %jit3A_319 = arith.constant 8 : i32
      %eq3A_320 = arith.constant 0 : i32
      %eq3A_321 = arith.cmpi eq, %jit3A_319, %eq3A_320 : i32
      %jit3A_322 = arith.constant 1 : i32
      %select_n3A_323 = arith.select %eq3A_321, %jit3A_322, %jit3A_319 : i32
      %rem3A_324 = arith.remsi %scan3A_289, %select_n3A_323 : i32
      %ne3A_325 = arith.constant 0 : i32
      %ne3A_326 = arith.cmpi ne, %rem3A_324, %ne3A_325 : i32
      %lt3A_327 = arith.constant 0 : i32
      %lt3A_328 = arith.cmpi slt, %rem3A_324, %lt3A_327 : i32
      %lt3A_329 = arith.constant 0 : i32
      %lt3A_330 = arith.cmpi slt, %select_n3A_323, %lt3A_329 : i32
      %ne3A_331 = arith.xori %lt3A_328, %lt3A_330 : i1
      %and3A_332 = arith.andi %ne3A_331, %ne3A_326 : i1
      %add3A_333 = arith.addi %rem3A_324, %select_n3A_323 : i32
      %select_n3A_334 = arith.select %and3A_332, %add3A_333, %rem3A_324 : i32
      %mul3A_335 = arith.constant 16 : i32
      %mul3A_336 = arith.muli %select_n3A_334, %mul3A_335 : i32
      %swap3A_337 = arith.index_cast %select_n3A_318 : i32 to index
      %swap3A_338 = arith.index_cast %mul3A_336 : i32 to index
      %swap3A_339 = tpu.vector_load %arg15[%swap3A_337, %swap3A_338] {strides = array<i32>} : memref<2x128xi32, #tpu.memory_space<vmem>>, vector<1x16xi32>,
      %swap3A_340 = vector.shape_cast %swap3A_339 : vector<1x16xi32> to vector<16xi32>
      %swap3A_341 = vector.shape_cast %get3A_294 : vector<16xi32> to vector<1x16xi32>
      tpu.vector_store %arg15[%swap3A_337, %swap3A_338], %swap3A_341 {strides = array<i32>} : memref<2x128xi32, #tpu.memory_space<vmem>>, vector<1x16xi32>,
      %scan3A_342 = arith.constant 0 : i32
      %scan3A_343 = arith.constant 3 : i32
      %scan3A_344 = arith.addi %scan3A_190, %scan3A_343 : i32
      %mul3A_345 = arith.constant 16 : i32
      %mul3A_346 = arith.muli %scan3A_344, %mul3A_345 : i32
      %get3A_347 = arith.index_cast %mul3A_346 : i32 to index
      %get3A_348 = tpu.vector_load %arg14[%get3A_347] {strides = array<i32>} : memref<256xi32, #tpu.memory_space<vmem>>, vector<16xi32>,
      %get3A_349 = vector.shape_cast %get3A_348 : vector<16xi32> to vector<16xi32>
      %jit3A_350 = arith.constant 8 : i32
      %div3A_351 = arith.divsi %scan3A_344, %jit3A_350 : i32
      %sign3A_352 = arith.constant 0 : i32
      %sign3A_353 = arith.cmpi sgt, %scan3A_344, %sign3A_352 : i32
      %sign3A_354 = arith.extui %sign3A_353 : i1 to i32
      %sign3A_355 = arith.constant 0 : i32
      %sign3A_356 = arith.cmpi slt, %scan3A_344, %sign3A_355 : i32
      %sign3A_357 = arith.extui %sign3A_356 : i1 to i32
      %sign3A_358 = arith.subi %sign3A_354, %sign3A_357 : i32
      %sign3A_359 = arith.constant 0 : i32
      %sign3A_360 = arith.cmpi sgt, %jit3A_350, %sign3A_359 : i32
      %sign3A_361 = arith.extui %sign3A_360 : i1 to i32
      %sign3A_362 = arith.constant 0 : i32
      %sign3A_363 = arith.cmpi slt, %jit3A_350, %sign3A_362 : i32
      %sign3A_364 = arith.extui %sign3A_363 : i1 to i32
      %sign3A_365 = arith.subi %sign3A_361, %sign3A_364 : i32
      %ne3A_366 = arith.cmpi ne, %sign3A_358, %sign3A_365 : i32
      %rem3A_367 = arith.remsi %scan3A_344, %jit3A_350 : i32
      %ne3A_368 = arith.constant 0 : i32
      %ne3A_369 = arith.cmpi ne, %rem3A_367, %ne3A_368 : i32
      %and3A_370 = arith.andi %ne3A_366, %ne3A_369 : i1
      %sub3A_371 = arith.constant 1 : i32
      %sub3A_372 = arith.subi %div3A_351, %sub3A_371 : i32
      %select_n3A_373 = arith.select %and3A_370, %sub3A_372, %div3A_351 : i32
      %jit3A_374 = arith.constant 8 : i32
      %eq3A_375 = arith.constant 0 : i32
      %eq3A_376 = arith.cmpi eq, %jit3A_374, %eq3A_375 : i32
      %jit3A_377 = arith.constant 1 : i32
      %select_n3A_378 = arith.select %eq3A_376, %jit3A_377, %jit3A_374 : i32
      %rem3A_379 = arith.remsi %scan3A_344, %select_n3A_378 : i32
      %ne3A_380 = arith.constant 0 : i32
      %ne3A_381 = arith.cmpi ne, %rem3A_379, %ne3A_380 : i32
      %lt3A_382 = arith.constant 0 : i32
      %lt3A_383 = arith.cmpi slt, %rem3A_379, %lt3A_382 : i32
      %lt3A_384 = arith.constant 0 : i32
      %lt3A_385 = arith.cmpi slt, %select_n3A_378, %lt3A_384 : i32
      %ne3A_386 = arith.xori %lt3A_383, %lt3A_385 : i1
      %and3A_387 = arith.andi %ne3A_386, %ne3A_381 : i1
      %add3A_388 = arith.addi %rem3A_379, %select_n3A_378 : i32
      %select_n3A_389 = arith.select %and3A_387, %add3A_388, %rem3A_379 : i32
      %mul3A_390 = arith.constant 16 : i32
      %mul3A_391 = arith.muli %select_n3A_389, %mul3A_390 : i32
      %swap3A_392 = arith.index_cast %select_n3A_373 : i32 to index
      %swap3A_393 = arith.index_cast %mul3A_391 : i32 to index
      %swap3A_394 = tpu.vector_load %arg15[%swap3A_392, %swap3A_393] {strides = array<i32>} : memref<2x128xi32, #tpu.memory_space<vmem>>, vector<1x16xi32>,
      %swap3A_395 = vector.shape_cast %swap3A_394 : vector<1x16xi32> to vector<16xi32>
      %swap3A_396 = vector.shape_cast %get3A_349 : vector<16xi32> to vector<1x16xi32>
      tpu.vector_store %arg15[%swap3A_392, %swap3A_393], %swap3A_396 {strides = array<i32>} : memref<2x128xi32, #tpu.memory_space<vmem>>, vector<1x16xi32>,
      %scan3A_397 = arith.constant 0 : i32
      %scan3A_398 = arith.constant 4 : i32
      %scan3A_399 = arith.addi %scan3A_190, %scan3A_398 : i32
      %mul3A_400 = arith.constant 16 : i32
      %mul3A_401 = arith.muli %scan3A_399, %mul3A_400 : i32
      %get3A_402 = arith.index_cast %mul3A_401 : i32 to index
      %get3A_403 = tpu.vector_load %arg14[%get3A_402] {strides = array<i32>} : memref<256xi32, #tpu.memory_space<vmem>>, vector<16xi32>,
      %get3A_404 = vector.shape_cast %get3A_403 : vector<16xi32> to vector<16xi32>
      %jit3A_405 = arith.constant 8 : i32
      %div3A_406 = arith.divsi %scan3A_399, %jit3A_405 : i32
      %sign3A_407 = arith.constant 0 : i32
      %sign3A_408 = arith.cmpi sgt, %scan3A_399, %sign3A_407 : i32
      %sign3A_409 = arith.extui %sign3A_408 : i1 to i32
      %sign3A_410 = arith.constant 0 : i32
      %sign3A_411 = arith.cmpi slt, %scan3A_399, %sign3A_410 : i32
      %sign3A_412 = arith.extui %sign3A_411 : i1 to i32
      %sign3A_413 = arith.subi %sign3A_409, %sign3A_412 : i32
      %sign3A_414 = arith.constant 0 : i32
      %sign3A_415 = arith.cmpi sgt, %jit3A_405, %sign3A_414 : i32
      %sign3A_416 = arith.extui %sign3A_415 : i1 to i32
      %sign3A_417 = arith.constant 0 : i32
      %sign3A_418 = arith.cmpi slt, %jit3A_405, %sign3A_417 : i32
      %sign3A_419 = arith.extui %sign3A_418 : i1 to i32
      %sign3A_420 = arith.subi %sign3A_416, %sign3A_419 : i32
      %ne3A_421 = arith.cmpi ne, %sign3A_413, %sign3A_420 : i32
      %rem3A_422 = arith.remsi %scan3A_399, %jit3A_405 : i32
      %ne3A_423 = arith.constant 0 : i32
      %ne3A_424 = arith.cmpi ne, %rem3A_422, %ne3A_423 : i32
      %and3A_425 = arith.andi %ne3A_421, %ne3A_424 : i1
      %sub3A_426 = arith.constant 1 : i32
      %sub3A_427 = arith.subi %div3A_406, %sub3A_426 : i32
      %select_n3A_428 = arith.select %and3A_425, %sub3A_427, %div3A_406 : i32
      %jit3A_429 = arith.constant 8 : i32
      %eq3A_430 = arith.constant 0 : i32
      %eq3A_431 = arith.cmpi eq, %jit3A_429, %eq3A_430 : i32
      %jit3A_432 = arith.constant 1 : i32
      %select_n3A_433 = arith.select %eq3A_431, %jit3A_432, %jit3A_429 : i32
      %rem3A_434 = arith.remsi %scan3A_399, %select_n3A_433 : i32
      %ne3A_435 = arith.constant 0 : i32
      %ne3A_436 = arith.cmpi ne, %rem3A_434, %ne3A_435 : i32
      %lt3A_437 = arith.constant 0 : i32
      %lt3A_438 = arith.cmpi slt, %rem3A_434, %lt3A_437 : i32
      %lt3A_439 = arith.constant 0 : i32
      %lt3A_440 = arith.cmpi slt, %select_n3A_433, %lt3A_439 : i32
      %ne3A_441 = arith.xori %lt3A_438, %lt3A_440 : i1
      %and3A_442 = arith.andi %ne3A_441, %ne3A_436 : i1
      %add3A_443 = arith.addi %rem3A_434, %select_n3A_433 : i32
      %select_n3A_444 = arith.select %and3A_442, %add3A_443, %rem3A_434 : i32
      %mul3A_445 = arith.constant 16 : i32
      %mul3A_446 = arith.muli %select_n3A_444, %mul3A_445 : i32
      %swap3A_447 = arith.index_cast %select_n3A_428 : i32 to index
      %swap3A_448 = arith.index_cast %mul3A_446 : i32 to index
      %swap3A_449 = tpu.vector_load %arg15[%swap3A_447, %swap3A_448] {strides = array<i32>} : memref<2x128xi32, #tpu.memory_space<vmem>>, vector<1x16xi32>,
      %swap3A_450 = vector.shape_cast %swap3A_449 : vector<1x16xi32> to vector<16xi32>
      %swap3A_451 = vector.shape_cast %get3A_404 : vector<16xi32> to vector<1x16xi32>
      tpu.vector_store %arg15[%swap3A_447, %swap3A_448], %swap3A_451 {strides = array<i32>} : memref<2x128xi32, #tpu.memory_space<vmem>>, vector<1x16xi32>,
      %scan3A_452 = arith.constant 0 : i32
      %scan3A_453 = arith.constant 5 : i32
      %scan3A_454 = arith.addi %scan3A_190, %scan3A_453 : i32
      %mul3A_455 = arith.constant 16 : i32
      %mul3A_456 = arith.muli %scan3A_454, %mul3A_455 : i32
      %get3A_457 = arith.index_cast %mul3A_456 : i32 to index
      %get3A_458 = tpu.vector_load %arg14[%get3A_457] {strides = array<i32>} : memref<256xi32, #tpu.memory_space<vmem>>, vector<16xi32>,
      %get3A_459 = vector.shape_cast %get3A_458 : vector<16xi32> to vector<16xi32>
      %jit3A_460 = arith.constant 8 : i32
      %div3A_461 = arith.divsi %scan3A_454, %jit3A_460 : i32
      %sign3A_462 = arith.constant 0 : i32
      %sign3A_463 = arith.cmpi sgt, %scan3A_454, %sign3A_462 : i32
      %sign3A_464 = arith.extui %sign3A_463 : i1 to i32
      %sign3A_465 = arith.constant 0 : i32
      %sign3A_466 = arith.cmpi slt, %scan3A_454, %sign3A_465 : i32
      %sign3A_467 = arith.extui %sign3A_466 : i1 to i32
      %sign3A_468 = arith.subi %sign3A_464, %sign3A_467 : i32
      %sign3A_469 = arith.constant 0 : i32
      %sign3A_470 = arith.cmpi sgt, %jit3A_460, %sign3A_469 : i32
      %sign3A_471 = arith.extui %sign3A_470 : i1 to i32
      %sign3A_472 = arith.constant 0 : i32
      %sign3A_473 = arith.cmpi slt, %jit3A_460, %sign3A_472 : i32
      %sign3A_474 = arith.extui %sign3A_473 : i1 to i32
      %sign3A_475 = arith.subi %sign3A_471, %sign3A_474 : i32
      %ne3A_476 = arith.cmpi ne, %sign3A_468, %sign3A_475 : i32
      %rem3A_477 = arith.remsi %scan3A_454, %jit3A_460 : i32
      %ne3A_478 = arith.constant 0 : i32
      %ne3A_479 = arith.cmpi ne, %rem3A_477, %ne3A_478 : i32
      %and3A_480 = arith.andi %ne3A_476, %ne3A_479 : i1
      %sub3A_481 = arith.constant 1 : i32
      %sub3A_482 = arith.subi %div3A_461, %sub3A_481 : i32
      %select_n3A_483 = arith.select %and3A_480, %sub3A_482, %div3A_461 : i32
      %jit3A_484 = arith.constant 8 : i32
      %eq3A_485 = arith.constant 0 : i32
      %eq3A_486 = arith.cmpi eq, %jit3A_484, %eq3A_485 : i32
      %jit3A_487 = arith.constant 1 : i32
      %select_n3A_488 = arith.select %eq3A_486, %jit3A_487, %jit3A_484 : i32
      %rem3A_489 = arith.remsi %scan3A_454, %select_n3A_488 : i32
      %ne3A_490 = arith.constant 0 : i32
      %ne3A_491 = arith.cmpi ne, %rem3A_489, %ne3A_490 : i32
      %lt3A_492 = arith.constant 0 : i32
      %lt3A_493 = arith.cmpi slt, %rem3A_489, %lt3A_492 : i32
      %lt3A_494 = arith.constant 0 : i32
      %lt3A_495 = arith.cmpi slt, %select_n3A_488, %lt3A_494 : i32
      %ne3A_496 = arith.xori %lt3A_493, %lt3A_495 : i1
      %and3A_497 = arith.andi %ne3A_496, %ne3A_491 : i1
      %add3A_498 = arith.addi %rem3A_489, %select_n3A_488 : i32
      %select_n3A_499 = arith.select %and3A_497, %add3A_498, %rem3A_489 : i32
      %mul3A_500 = arith.constant 16 : i32
      %mul3A_501 = arith.muli %select_n3A_499, %mul3A_500 : i32
      %swap3A_502 = arith.index_cast %select_n3A_483 : i32 to index
      %swap3A_503 = arith.index_cast %mul3A_501 : i32 to index
      %swap3A_504 = tpu.vector_load %arg15[%swap3A_502, %swap3A_503] {strides = array<i32>} : memref<2x128xi32, #tpu.memory_space<vmem>>, vector<1x16xi32>,
      %swap3A_505 = vector.shape_cast %swap3A_504 : vector<1x16xi32> to vector<16xi32>
      %swap3A_506 = vector.shape_cast %get3A_459 : vector<16xi32> to vector<1x16xi32>
      tpu.vector_store %arg15[%swap3A_502, %swap3A_503], %swap3A_506 {strides = array<i32>} : memref<2x128xi32, #tpu.memory_space<vmem>>, vector<1x16xi32>,
      %scan3A_507 = arith.constant 0 : i32
      %scan3A_508 = arith.constant 6 : i32
      %scan3A_509 = arith.addi %scan3A_190, %scan3A_508 : i32
      %mul3A_510 = arith.constant 16 : i32
      %mul3A_511 = arith.muli %scan3A_509, %mul3A_510 : i32
      %get3A_512 = arith.index_cast %mul3A_511 : i32 to index
      %get3A_513 = tpu.vector_load %arg14[%get3A_512] {strides = array<i32>} : memref<256xi32, #tpu.memory_space<vmem>>, vector<16xi32>,
      %get3A_514 = vector.shape_cast %get3A_513 : vector<16xi32> to vector<16xi32>
      %jit3A_515 = arith.constant 8 : i32
      %div3A_516 = arith.divsi %scan3A_509, %jit3A_515 : i32
      %sign3A_517 = arith.constant 0 : i32
      %sign3A_518 = arith.cmpi sgt, %scan3A_509, %sign3A_517 : i32
      %sign3A_519 = arith.extui %sign3A_518 : i1 to i32
      %sign3A_520 = arith.constant 0 : i32
      %sign3A_521 = arith.cmpi slt, %scan3A_509, %sign3A_520 : i32
      %sign3A_522 = arith.extui %sign3A_521 : i1 to i32
      %sign3A_523 = arith.subi %sign3A_519, %sign3A_522 : i32
      %sign3A_524 = arith.constant 0 : i32
      %sign3A_525 = arith.cmpi sgt, %jit3A_515, %sign3A_524 : i32
      %sign3A_526 = arith.extui %sign3A_525 : i1 to i32
      %sign3A_527 = arith.constant 0 : i32
      %sign3A_528 = arith.cmpi slt, %jit3A_515, %sign3A_527 : i32
      %sign3A_529 = arith.extui %sign3A_528 : i1 to i32
      %sign3A_530 = arith.subi %sign3A_526, %sign3A_529 : i32
      %ne3A_531 = arith.cmpi ne, %sign3A_523, %sign3A_530 : i32
      %rem3A_532 = arith.remsi %scan3A_509, %jit3A_515 : i32
      %ne3A_533 = arith.constant 0 : i32
      %ne3A_534 = arith.cmpi ne, %rem3A_532, %ne3A_533 : i32
      %and3A_535 = arith.andi %ne3A_531, %ne3A_534 : i1
      %sub3A_536 = arith.constant 1 : i32
      %sub3A_537 = arith.subi %div3A_516, %sub3A_536 : i32
      %select_n3A_538 = arith.select %and3A_535, %sub3A_537, %div3A_516 : i32
      %jit3A_539 = arith.constant 8 : i32
      %eq3A_540 = arith.constant 0 : i32
      %eq3A_541 = arith.cmpi eq, %jit3A_539, %eq3A_540 : i32
      %jit3A_542 = arith.constant 1 : i32
      %select_n3A_543 = arith.select %eq3A_541, %jit3A_542, %jit3A_539 : i32
      %rem3A_544 = arith.remsi %scan3A_509, %select_n3A_543 : i32
      %ne3A_545 = arith.constant 0 : i32
      %ne3A_546 = arith.cmpi ne, %rem3A_544, %ne3A_545 : i32
      %lt3A_547 = arith.constant 0 : i32
      %lt3A_548 = arith.cmpi slt, %rem3A_544, %lt3A_547 : i32
      %lt3A_549 = arith.constant 0 : i32
      %lt3A_550 = arith.cmpi slt, %select_n3A_543, %lt3A_549 : i32
      %ne3A_551 = arith.xori %lt3A_548, %lt3A_550 : i1
      %and3A_552 = arith.andi %ne3A_551, %ne3A_546 : i1
      %add3A_553 = arith.addi %rem3A_544, %select_n3A_543 : i32
      %select_n3A_554 = arith.select %and3A_552, %add3A_553, %rem3A_544 : i32
      %mul3A_555 = arith.constant 16 : i32
      %mul3A_556 = arith.muli %select_n3A_554, %mul3A_555 : i32
      %swap3A_557 = arith.index_cast %select_n3A_538 : i32 to index
      %swap3A_558 = arith.index_cast %mul3A_556 : i32 to index
      %swap3A_559 = tpu.vector_load %arg15[%swap3A_557, %swap3A_558] {strides = array<i32>} : memref<2x128xi32, #tpu.memory_space<vmem>>, vector<1x16xi32>,
      %swap3A_560 = vector.shape_cast %swap3A_559 : vector<1x16xi32> to vector<16xi32>
      %swap3A_561 = vector.shape_cast %get3A_514 : vector<16xi32> to vector<1x16xi32>
      tpu.vector_store %arg15[%swap3A_557, %swap3A_558], %swap3A_561 {strides = array<i32>} : memref<2x128xi32, #tpu.memory_space<vmem>>, vector<1x16xi32>,
      %scan3A_562 = arith.constant 0 : i32
      %scan3A_563 = arith.constant 7 : i32
      %scan3A_564 = arith.addi %scan3A_190, %scan3A_563 : i32
      %mul3A_565 = arith.constant 16 : i32
      %mul3A_566 = arith.muli %scan3A_564, %mul3A_565 : i32
      %get3A_567 = arith.index_cast %mul3A_566 : i32 to index
      %get3A_568 = tpu.vector_load %arg14[%get3A_567] {strides = array<i32>} : memref<256xi32, #tpu.memory_space<vmem>>, vector<16xi32>,
      %get3A_569 = vector.shape_cast %get3A_568 : vector<16xi32> to vector<16xi32>
      %jit3A_570 = arith.constant 8 : i32
      %div3A_571 = arith.divsi %scan3A_564, %jit3A_570 : i32
      %sign3A_572 = arith.constant 0 : i32
      %sign3A_573 = arith.cmpi sgt, %scan3A_564, %sign3A_572 : i32
      %sign3A_574 = arith.extui %sign3A_573 : i1 to i32
      %sign3A_575 = arith.constant 0 : i32
      %sign3A_576 = arith.cmpi slt, %scan3A_564, %sign3A_575 : i32
      %sign3A_577 = arith.extui %sign3A_576 : i1 to i32
      %sign3A_578 = arith.subi %sign3A_574, %sign3A_577 : i32
      %sign3A_579 = arith.constant 0 : i32
      %sign3A_580 = arith.cmpi sgt, %jit3A_570, %sign3A_579 : i32
      %sign3A_581 = arith.extui %sign3A_580 : i1 to i32
      %sign3A_582 = arith.constant 0 : i32
      %sign3A_583 = arith.cmpi slt, %jit3A_570, %sign3A_582 : i32
      %sign3A_584 = arith.extui %sign3A_583 : i1 to i32
      %sign3A_585 = arith.subi %sign3A_581, %sign3A_584 : i32
      %ne3A_586 = arith.cmpi ne, %sign3A_578, %sign3A_585 : i32
      %rem3A_587 = arith.remsi %scan3A_564, %jit3A_570 : i32
      %ne3A_588 = arith.constant 0 : i32
      %ne3A_589 = arith.cmpi ne, %rem3A_587, %ne3A_588 : i32
      %and3A_590 = arith.andi %ne3A_586, %ne3A_589 : i1
      %sub3A_591 = arith.constant 1 : i32
      %sub3A_592 = arith.subi %div3A_571, %sub3A_591 : i32
      %select_n3A_593 = arith.select %and3A_590, %sub3A_592, %div3A_571 : i32
      %jit3A_594 = arith.constant 8 : i32
      %eq3A_595 = arith.constant 0 : i32
      %eq3A_596 = arith.cmpi eq, %jit3A_594, %eq3A_595 : i32
      %jit3A_597 = arith.constant 1 : i32
      %select_n3A_598 = arith.select %eq3A_596, %jit3A_597, %jit3A_594 : i32
      %rem3A_599 = arith.remsi %scan3A_564, %select_n3A_598 : i32
      %ne3A_600 = arith.constant 0 : i32
      %ne3A_601 = arith.cmpi ne, %rem3A_599, %ne3A_600 : i32
      %lt3A_602 = arith.constant 0 : i32
      %lt3A_603 = arith.cmpi slt, %rem3A_599, %lt3A_602 : i32
      %lt3A_604 = arith.constant 0 : i32
      %lt3A_605 = arith.cmpi slt, %select_n3A_598, %lt3A_604 : i32
      %ne3A_606 = arith.xori %lt3A_603, %lt3A_605 : i1
      %and3A_607 = arith.andi %ne3A_606, %ne3A_601 : i1
      %add3A_608 = arith.addi %rem3A_599, %select_n3A_598 : i32
      %select_n3A_609 = arith.select %and3A_607, %add3A_608, %rem3A_599 : i32
      %mul3A_610 = arith.constant 16 : i32
      %mul3A_611 = arith.muli %select_n3A_609, %mul3A_610 : i32
      %swap3A_612 = arith.index_cast %select_n3A_593 : i32 to index
      %swap3A_613 = arith.index_cast %mul3A_611 : i32 to index
      %swap3A_614 = tpu.vector_load %arg15[%swap3A_612, %swap3A_613] {strides = array<i32>} : memref<2x128xi32, #tpu.memory_space<vmem>>, vector<1x16xi32>,
      %swap3A_615 = vector.shape_cast %swap3A_614 : vector<1x16xi32> to vector<16xi32>
      %swap3A_616 = vector.shape_cast %get3A_569 : vector<16xi32> to vector<1x16xi32>
      tpu.vector_store %arg15[%swap3A_612, %swap3A_613], %swap3A_616 {strides = array<i32>} : memref<2x128xi32, #tpu.memory_space<vmem>>, vector<1x16xi32>,
      %scan3A_617 = arith.constant 0 : i32
      scf.yield %scan3A_617 : i32
    }
    %scan3A_140 = arith.constant 16 : i32
    %scan3A_141 = arith.constant 0 : i32
    %scan3A_142 = arith.constant 0 : i32
    %scan3A_143 = arith.constant 2 : i32
    %scan3A_144 = arith.addi %scan3A_142, %scan3A_143 : i32
    %scan3A_145 = arith.constant 1 : i32
    %scan3A_146 = scf.for %scan3A_190 = %scan3A_142 to %scan3A_144 step %scan3A_145 iter_args(%scan3A_191 = %scan3A_141) -> (i32)  : i32 {
      %mul3A_192 = arith.constant 128 : i32
      %mul3A_193 = arith.muli %scan3A_190, %mul3A_192 : i32
      %dma_start3A_194 = arith.constant 0 : i32
      %dma_start3A_195 = tpu.memref_slice %arg16[%mul3A_193, %dma_start3A_194] : memref<256x32xf32, #tpu.memory_space<vmem>> -> memref<128x32xf32, #tpu.memory_space<vmem>>
      %dma_start3A_196 = arith.constant 0 : i32
      %dma_start3A_197 = tpu.memref_slice %arg15[%scan3A_190, %dma_start3A_196] : memref<2x128xi32, #tpu.memory_space<vmem>> -> memref<1x128xi32, #tpu.memory_space<vmem>>
      %dma_start3A_198 = tpu.memref_squeeze %dma_start3A_197 : memref<1x128xi32, #tpu.memory_space<vmem>> -> memref<128xi32, #tpu.memory_space<vmem>>
      %dma_start3A_199 = arith.constant 0 : i32
      %dma_start3A_200 = arith.constant 0 : i32
      %dma_start3A_201 = tpu.memref_slice %arg6[%dma_start3A_199, %dma_start3A_200] : memref<4096x32xf32, #tpu.memory_space<hbm>> -> memref<4096x32xf32, #tpu.memory_space<hbm>>
      tpu.enqueue_indirect_dma source(%dma_start3A_201 : memref<4096x32xf32, #tpu.memory_space<hbm>>) target(%dma_start3A_195 : memref<128x32xf32, #tpu.memory_space<vmem>>) offsets(%dma_start3A_198 : memref<128xi32, #tpu.memory_space<vmem>>) semaphore(%arg18 : memref<!tpu.dma_semaphore, #tpu.memory_space<semaphore_mem>>)
      %scan3A_202 = arith.constant 0 : i32
      scf.yield %scan3A_202 : i32
    }
    %scan3A_147 = arith.constant 2 : i32
    %dma_wait3A_148 = arith.constant 0 : i32
    %dma_wait3A_149 = arith.constant 0 : i32
    %dma_wait3A_150 = tpu.memref_slice %arg6[%dma_wait3A_148, %dma_wait3A_149] : memref<4096x32xf32, #tpu.memory_space<hbm>> -> memref<256x32xf32, #tpu.memory_space<hbm>>
    %dma_wait3A_151 = arith.constant 0 : i32
    %dma_wait3A_152 = arith.constant 0 : i32
    %dma_wait3A_153 = tpu.memref_slice %arg6[%dma_wait3A_151, %dma_wait3A_152] : memref<4096x32xf32, #tpu.memory_space<hbm>> -> memref<256x32xf32, #tpu.memory_space<hbm>>
    tpu.wait_dma2 semaphore(%arg18 : memref<!tpu.dma_semaphore, #tpu.memory_space<semaphore_mem>>) src(%dma_wait3A_153 : memref<256x32xf32, #tpu.memory_space<hbm>>) dst(%arg16 : memref<256x32xf32, #tpu.memory_space<vmem>>)
    %dma_start3A = arith.constant 0 : i32
    %dma_start3A_154 = tpu.memref_slice %arg9[%mul3A_2, %dma_start3A] : memref<8192x32xf32, #tpu.memory_space<hbm>> -> memref<256x32xf32, #tpu.memory_space<hbm>>
    %dma_start3A_155 = arith.constant 0 : i32
    %dma_start3A_156 = tpu.memref_slice %arg9[%mul3A_2, %dma_start3A_155] : memref<8192x32xf32, #tpu.memory_space<hbm>> -> memref<256x32xf32, #tpu.memory_space<hbm>>
    tpu.enqueue_dma source(%arg16 : memref<256x32xf32, #tpu.memory_space<vmem>>) target(%dma_start3A_156 : memref<256x32xf32, #tpu.memory_space<hbm>>) target_semaphore(%arg20 : memref<!tpu.dma_semaphore, #tpu.memory_space<semaphore_mem>>)
    "tpu.region"() ({
      %run_scoped3A = tpu.sem_alloc : memref<!tpu.dma_semaphore, #tpu.memory_space<semaphore_mem>>
      %dma_start3A_190 = tpu.memref_slice %arg4[%add3A_4] : memref<16384xi32, #tpu.memory_space<hbm>> -> memref<256xi32, #tpu.memory_space<hbm>>
      %dma_start3A_191 = tpu.memref_slice %arg4[%add3A_4] : memref<16384xi32, #tpu.memory_space<hbm>> -> memref<256xi32, #tpu.memory_space<hbm>>
      tpu.enqueue_dma source(%dma_start3A_191 : memref<256xi32, #tpu.memory_space<hbm>>) target(%arg14 : memref<256xi32, #tpu.memory_space<vmem>>) target_semaphore(%run_scoped3A : memref<!tpu.dma_semaphore, #tpu.memory_space<semaphore_mem>>)
      %dma_wait3A_192 = tpu.memref_slice %arg4[%add3A_4] : memref<16384xi32, #tpu.memory_space<hbm>> -> memref<256xi32, #tpu.memory_space<hbm>>
      %dma_wait3A_193 = tpu.memref_slice %arg4[%add3A_4] : memref<16384xi32, #tpu.memory_space<hbm>> -> memref<256xi32, #tpu.memory_space<hbm>>
      tpu.wait_dma2 semaphore(%run_scoped3A : memref<!tpu.dma_semaphore, #tpu.memory_space<semaphore_mem>>) src(%dma_wait3A_193 : memref<256xi32, #tpu.memory_space<hbm>>) dst(%arg14 : memref<256xi32, #tpu.memory_space<vmem>>)
      tpu.yield
    }) : () -> ()
    %scan3A_157 = arith.constant 0 : i32
    %scan3A_158 = arith.constant 0 : i32
    %scan3A_159 = arith.constant 16 : i32
    %scan3A_160 = arith.addi %scan3A_158, %scan3A_159 : i32
    %scan3A_161 = arith.constant 8 : i32
    %scan3A_162 = scf.for %scan3A_190 = %scan3A_158 to %scan3A_160 step %scan3A_161 iter_args(%scan3A_191 = %scan3A_157) -> (i32)  : i32 {
      %mul3A_192 = arith.constant 16 : i32
      %mul3A_193 = arith.muli %scan3A_190, %mul3A_192 : i32
      %get3A = arith.index_cast %mul3A_193 : i32 to index
      %get3A_194 = tpu.vector_load %arg14[%get3A] {strides = array<i32>} : memref<256xi32, #tpu.memory_space<vmem>>, vector<16xi32>,
      %get3A_195 = vector.shape_cast %get3A_194 : vector<16xi32> to vector<16xi32>
      %sub3A = arith.constant 2000 : i32
      %sub3A_196 = vector.broadcast %sub3A : i32 to vector<16xi32>
      %sub3A_197 = arith.subi %get3A_195, %sub3A_196 : vector<16xi32>
      %jit3A = arith.constant 0 : i32
      %jit3A_198 = arith.constant 99 : i32
      %max3A = vector.broadcast %jit3A : i32 to vector<16xi32>
      %max3A_199 = arith.maxsi %max3A, %sub3A_197 : vector<16xi32>
      %min3A = vector.broadcast %jit3A_198 : i32 to vector<16xi32>
      %min3A_200 = arith.minsi %min3A, %max3A_199 : vector<16xi32>
      %jit3A_201 = arith.constant 8 : i32
      %div3A = arith.divsi %scan3A_190, %jit3A_201 : i32
      %sign3A = arith.constant 0 : i32
      %sign3A_202 = arith.cmpi sgt, %scan3A_190, %sign3A : i32
      %sign3A_203 = arith.extui %sign3A_202 : i1 to i32
      %sign3A_204 = arith.constant 0 : i32
      %sign3A_205 = arith.cmpi slt, %scan3A_190, %sign3A_204 : i32
      %sign3A_206 = arith.extui %sign3A_205 : i1 to i32
      %sign3A_207 = arith.subi %sign3A_203, %sign3A_206 : i32
      %sign3A_208 = arith.constant 0 : i32
      %sign3A_209 = arith.cmpi sgt, %jit3A_201, %sign3A_208 : i32
      %sign3A_210 = arith.extui %sign3A_209 : i1 to i32
      %sign3A_211 = arith.constant 0 : i32
      %sign3A_212 = arith.cmpi slt, %jit3A_201, %sign3A_211 : i32
      %sign3A_213 = arith.extui %sign3A_212 : i1 to i32
      %sign3A_214 = arith.subi %sign3A_210, %sign3A_213 : i32
      %ne3A = arith.cmpi ne, %sign3A_207, %sign3A_214 : i32
      %rem3A = arith.remsi %scan3A_190, %jit3A_201 : i32
      %ne3A_215 = arith.constant 0 : i32
      %ne3A_216 = arith.cmpi ne, %rem3A, %ne3A_215 : i32
      %and3A = arith.andi %ne3A, %ne3A_216 : i1
      %sub3A_217 = arith.constant 1 : i32
      %sub3A_218 = arith.subi %div3A, %sub3A_217 : i32
      %select_n3A = arith.select %and3A, %sub3A_218, %div3A : i32
      %jit3A_219 = arith.constant 8 : i32
      %eq3A = arith.constant 0 : i32
      %eq3A_220 = arith.cmpi eq, %jit3A_219, %eq3A : i32
      %jit3A_221 = arith.constant 1 : i32
      %select_n3A_222 = arith.select %eq3A_220, %jit3A_221, %jit3A_219 : i32
      %rem3A_223 = arith.remsi %scan3A_190, %select_n3A_222 : i32
      %ne3A_224 = arith.constant 0 : i32
      %ne3A_225 = arith.cmpi ne, %rem3A_223, %ne3A_224 : i32
      %lt3A = arith.constant 0 : i32
      %lt3A_226 = arith.cmpi slt, %rem3A_223, %lt3A : i32
      %lt3A_227 = arith.constant 0 : i32
      %lt3A_228 = arith.cmpi slt, %select_n3A_222, %lt3A_227 : i32
      %ne3A_229 = arith.xori %lt3A_226, %lt3A_228 : i1
      %and3A_230 = arith.andi %ne3A_229, %ne3A_225 : i1
      %add3A_231 = arith.addi %rem3A_223, %select_n3A_222 : i32
      %select_n3A_232 = arith.select %and3A_230, %add3A_231, %rem3A_223 : i32
      %mul3A_233 = arith.constant 16 : i32
      %mul3A_234 = arith.muli %select_n3A_232, %mul3A_233 : i32
      %swap3A = arith.index_cast %select_n3A : i32 to index
      %swap3A_235 = arith.index_cast %mul3A_234 : i32 to index
      %swap3A_236 = tpu.vector_load %arg15[%swap3A, %swap3A_235] {strides = array<i32>} : memref<2x128xi32, #tpu.memory_space<vmem>>, vector<1x16xi32>,
      %swap3A_237 = vector.shape_cast %swap3A_236 : vector<1x16xi32> to vector<16xi32>
      %swap3A_238 = vector.shape_cast %min3A_200 : vector<16xi32> to vector<1x16xi32>
      tpu.vector_store %arg15[%swap3A, %swap3A_235], %swap3A_238 {strides = array<i32>} : memref<2x128xi32, #tpu.memory_space<vmem>>, vector<1x16xi32>,
      %scan3A_239 = arith.constant 0 : i32
      %scan3A_240 = arith.constant 1 : i32
      %scan3A_241 = arith.addi %scan3A_190, %scan3A_240 : i32
      %mul3A_242 = arith.constant 16 : i32
      %mul3A_243 = arith.muli %scan3A_241, %mul3A_242 : i32
      %get3A_244 = arith.index_cast %mul3A_243 : i32 to index
      %get3A_245 = tpu.vector_load %arg14[%get3A_244] {strides = array<i32>} : memref<256xi32, #tpu.memory_space<vmem>>, vector<16xi32>,
      %get3A_246 = vector.shape_cast %get3A_245 : vector<16xi32> to vector<16xi32>
      %sub3A_247 = arith.constant 2000 : i32
      %sub3A_248 = vector.broadcast %sub3A_247 : i32 to vector<16xi32>
      %sub3A_249 = arith.subi %get3A_246, %sub3A_248 : vector<16xi32>
      %jit3A_250 = arith.constant 0 : i32
      %jit3A_251 = arith.constant 99 : i32
      %max3A_252 = vector.broadcast %jit3A_250 : i32 to vector<16xi32>
      %max3A_253 = arith.maxsi %max3A_252, %sub3A_249 : vector<16xi32>
      %min3A_254 = vector.broadcast %jit3A_251 : i32 to vector<16xi32>
      %min3A_255 = arith.minsi %min3A_254, %max3A_253 : vector<16xi32>
      %jit3A_256 = arith.constant 8 : i32
      %div3A_257 = arith.divsi %scan3A_241, %jit3A_256 : i32
      %sign3A_258 = arith.constant 0 : i32
      %sign3A_259 = arith.cmpi sgt, %scan3A_241, %sign3A_258 : i32
      %sign3A_260 = arith.extui %sign3A_259 : i1 to i32
      %sign3A_261 = arith.constant 0 : i32
      %sign3A_262 = arith.cmpi slt, %scan3A_241, %sign3A_261 : i32
      %sign3A_263 = arith.extui %sign3A_262 : i1 to i32
      %sign3A_264 = arith.subi %sign3A_260, %sign3A_263 : i32
      %sign3A_265 = arith.constant 0 : i32
      %sign3A_266 = arith.cmpi sgt, %jit3A_256, %sign3A_265 : i32
      %sign3A_267 = arith.extui %sign3A_266 : i1 to i32
      %sign3A_268 = arith.constant 0 : i32
      %sign3A_269 = arith.cmpi slt, %jit3A_256, %sign3A_268 : i32
      %sign3A_270 = arith.extui %sign3A_269 : i1 to i32
      %sign3A_271 = arith.subi %sign3A_267, %sign3A_270 : i32
      %ne3A_272 = arith.cmpi ne, %sign3A_264, %sign3A_271 : i32
      %rem3A_273 = arith.remsi %scan3A_241, %jit3A_256 : i32
      %ne3A_274 = arith.constant 0 : i32
      %ne3A_275 = arith.cmpi ne, %rem3A_273, %ne3A_274 : i32
      %and3A_276 = arith.andi %ne3A_272, %ne3A_275 : i1
      %sub3A_277 = arith.constant 1 : i32
      %sub3A_278 = arith.subi %div3A_257, %sub3A_277 : i32
      %select_n3A_279 = arith.select %and3A_276, %sub3A_278, %div3A_257 : i32
      %jit3A_280 = arith.constant 8 : i32
      %eq3A_281 = arith.constant 0 : i32
      %eq3A_282 = arith.cmpi eq, %jit3A_280, %eq3A_281 : i32
      %jit3A_283 = arith.constant 1 : i32
      %select_n3A_284 = arith.select %eq3A_282, %jit3A_283, %jit3A_280 : i32
      %rem3A_285 = arith.remsi %scan3A_241, %select_n3A_284 : i32
      %ne3A_286 = arith.constant 0 : i32
      %ne3A_287 = arith.cmpi ne, %rem3A_285, %ne3A_286 : i32
      %lt3A_288 = arith.constant 0 : i32
      %lt3A_289 = arith.cmpi slt, %rem3A_285, %lt3A_288 : i32
      %lt3A_290 = arith.constant 0 : i32
      %lt3A_291 = arith.cmpi slt, %select_n3A_284, %lt3A_290 : i32
      %ne3A_292 = arith.xori %lt3A_289, %lt3A_291 : i1
      %and3A_293 = arith.andi %ne3A_292, %ne3A_287 : i1
      %add3A_294 = arith.addi %rem3A_285, %select_n3A_284 : i32
      %select_n3A_295 = arith.select %and3A_293, %add3A_294, %rem3A_285 : i32
      %mul3A_296 = arith.constant 16 : i32
      %mul3A_297 = arith.muli %select_n3A_295, %mul3A_296 : i32
      %swap3A_298 = arith.index_cast %select_n3A_279 : i32 to index
      %swap3A_299 = arith.index_cast %mul3A_297 : i32 to index
      %swap3A_300 = tpu.vector_load %arg15[%swap3A_298, %swap3A_299] {strides = array<i32>} : memref<2x128xi32, #tpu.memory_space<vmem>>, vector<1x16xi32>,
      %swap3A_301 = vector.shape_cast %swap3A_300 : vector<1x16xi32> to vector<16xi32>
      %swap3A_302 = vector.shape_cast %min3A_255 : vector<16xi32> to vector<1x16xi32>
      tpu.vector_store %arg15[%swap3A_298, %swap3A_299], %swap3A_302 {strides = array<i32>} : memref<2x128xi32, #tpu.memory_space<vmem>>, vector<1x16xi32>,
      %scan3A_303 = arith.constant 0 : i32
      %scan3A_304 = arith.constant 2 : i32
      %scan3A_305 = arith.addi %scan3A_190, %scan3A_304 : i32
      %mul3A_306 = arith.constant 16 : i32
      %mul3A_307 = arith.muli %scan3A_305, %mul3A_306 : i32
      %get3A_308 = arith.index_cast %mul3A_307 : i32 to index
      %get3A_309 = tpu.vector_load %arg14[%get3A_308] {strides = array<i32>} : memref<256xi32, #tpu.memory_space<vmem>>, vector<16xi32>,
      %get3A_310 = vector.shape_cast %get3A_309 : vector<16xi32> to vector<16xi32>
      %sub3A_311 = arith.constant 2000 : i32
      %sub3A_312 = vector.broadcast %sub3A_311 : i32 to vector<16xi32>
      %sub3A_313 = arith.subi %get3A_310, %sub3A_312 : vector<16xi32>
      %jit3A_314 = arith.constant 0 : i32
      %jit3A_315 = arith.constant 99 : i32
      %max3A_316 = vector.broadcast %jit3A_314 : i32 to vector<16xi32>
      %max3A_317 = arith.maxsi %max3A_316, %sub3A_313 : vector<16xi32>
      %min3A_318 = vector.broadcast %jit3A_315 : i32 to vector<16xi32>
      %min3A_319 = arith.minsi %min3A_318, %max3A_317 : vector<16xi32>
      %jit3A_320 = arith.constant 8 : i32
      %div3A_321 = arith.divsi %scan3A_305, %jit3A_320 : i32
      %sign3A_322 = arith.constant 0 : i32
      %sign3A_323 = arith.cmpi sgt, %scan3A_305, %sign3A_322 : i32
      %sign3A_324 = arith.extui %sign3A_323 : i1 to i32
      %sign3A_325 = arith.constant 0 : i32
      %sign3A_326 = arith.cmpi slt, %scan3A_305, %sign3A_325 : i32
      %sign3A_327 = arith.extui %sign3A_326 : i1 to i32
      %sign3A_328 = arith.subi %sign3A_324, %sign3A_327 : i32
      %sign3A_329 = arith.constant 0 : i32
      %sign3A_330 = arith.cmpi sgt, %jit3A_320, %sign3A_329 : i32
      %sign3A_331 = arith.extui %sign3A_330 : i1 to i32
      %sign3A_332 = arith.constant 0 : i32
      %sign3A_333 = arith.cmpi slt, %jit3A_320, %sign3A_332 : i32
      %sign3A_334 = arith.extui %sign3A_333 : i1 to i32
      %sign3A_335 = arith.subi %sign3A_331, %sign3A_334 : i32
      %ne3A_336 = arith.cmpi ne, %sign3A_328, %sign3A_335 : i32
      %rem3A_337 = arith.remsi %scan3A_305, %jit3A_320 : i32
      %ne3A_338 = arith.constant 0 : i32
      %ne3A_339 = arith.cmpi ne, %rem3A_337, %ne3A_338 : i32
      %and3A_340 = arith.andi %ne3A_336, %ne3A_339 : i1
      %sub3A_341 = arith.constant 1 : i32
      %sub3A_342 = arith.subi %div3A_321, %sub3A_341 : i32
      %select_n3A_343 = arith.select %and3A_340, %sub3A_342, %div3A_321 : i32
      %jit3A_344 = arith.constant 8 : i32
      %eq3A_345 = arith.constant 0 : i32
      %eq3A_346 = arith.cmpi eq, %jit3A_344, %eq3A_345 : i32
      %jit3A_347 = arith.constant 1 : i32
      %select_n3A_348 = arith.select %eq3A_346, %jit3A_347, %jit3A_344 : i32
      %rem3A_349 = arith.remsi %scan3A_305, %select_n3A_348 : i32
      %ne3A_350 = arith.constant 0 : i32
      %ne3A_351 = arith.cmpi ne, %rem3A_349, %ne3A_350 : i32
      %lt3A_352 = arith.constant 0 : i32
      %lt3A_353 = arith.cmpi slt, %rem3A_349, %lt3A_352 : i32
      %lt3A_354 = arith.constant 0 : i32
      %lt3A_355 = arith.cmpi slt, %select_n3A_348, %lt3A_354 : i32
      %ne3A_356 = arith.xori %lt3A_353, %lt3A_355 : i1
      %and3A_357 = arith.andi %ne3A_356, %ne3A_351 : i1
      %add3A_358 = arith.addi %rem3A_349, %select_n3A_348 : i32
      %select_n3A_359 = arith.select %and3A_357, %add3A_358, %rem3A_349 : i32
      %mul3A_360 = arith.constant 16 : i32
      %mul3A_361 = arith.muli %select_n3A_359, %mul3A_360 : i32
      %swap3A_362 = arith.index_cast %select_n3A_343 : i32 to index
      %swap3A_363 = arith.index_cast %mul3A_361 : i32 to index
      %swap3A_364 = tpu.vector_load %arg15[%swap3A_362, %swap3A_363] {strides = array<i32>} : memref<2x128xi32, #tpu.memory_space<vmem>>, vector<1x16xi32>,
      %swap3A_365 = vector.shape_cast %swap3A_364 : vector<1x16xi32> to vector<16xi32>
      %swap3A_366 = vector.shape_cast %min3A_319 : vector<16xi32> to vector<1x16xi32>
      tpu.vector_store %arg15[%swap3A_362, %swap3A_363], %swap3A_366 {strides = array<i32>} : memref<2x128xi32, #tpu.memory_space<vmem>>, vector<1x16xi32>,
      %scan3A_367 = arith.constant 0 : i32
      %scan3A_368 = arith.constant 3 : i32
      %scan3A_369 = arith.addi %scan3A_190, %scan3A_368 : i32
      %mul3A_370 = arith.constant 16 : i32
      %mul3A_371 = arith.muli %scan3A_369, %mul3A_370 : i32
      %get3A_372 = arith.index_cast %mul3A_371 : i32 to index
      %get3A_373 = tpu.vector_load %arg14[%get3A_372] {strides = array<i32>} : memref<256xi32, #tpu.memory_space<vmem>>, vector<16xi32>,
      %get3A_374 = vector.shape_cast %get3A_373 : vector<16xi32> to vector<16xi32>
      %sub3A_375 = arith.constant 2000 : i32
      %sub3A_376 = vector.broadcast %sub3A_375 : i32 to vector<16xi32>
      %sub3A_377 = arith.subi %get3A_374, %sub3A_376 : vector<16xi32>
      %jit3A_378 = arith.constant 0 : i32
      %jit3A_379 = arith.constant 99 : i32
      %max3A_380 = vector.broadcast %jit3A_378 : i32 to vector<16xi32>
      %max3A_381 = arith.maxsi %max3A_380, %sub3A_377 : vector<16xi32>
      %min3A_382 = vector.broadcast %jit3A_379 : i32 to vector<16xi32>
      %min3A_383 = arith.minsi %min3A_382, %max3A_381 : vector<16xi32>
      %jit3A_384 = arith.constant 8 : i32
      %div3A_385 = arith.divsi %scan3A_369, %jit3A_384 : i32
      %sign3A_386 = arith.constant 0 : i32
      %sign3A_387 = arith.cmpi sgt, %scan3A_369, %sign3A_386 : i32
      %sign3A_388 = arith.extui %sign3A_387 : i1 to i32
      %sign3A_389 = arith.constant 0 : i32
      %sign3A_390 = arith.cmpi slt, %scan3A_369, %sign3A_389 : i32
      %sign3A_391 = arith.extui %sign3A_390 : i1 to i32
      %sign3A_392 = arith.subi %sign3A_388, %sign3A_391 : i32
      %sign3A_393 = arith.constant 0 : i32
      %sign3A_394 = arith.cmpi sgt, %jit3A_384, %sign3A_393 : i32
      %sign3A_395 = arith.extui %sign3A_394 : i1 to i32
      %sign3A_396 = arith.constant 0 : i32
      %sign3A_397 = arith.cmpi slt, %jit3A_384, %sign3A_396 : i32
      %sign3A_398 = arith.extui %sign3A_397 : i1 to i32
      %sign3A_399 = arith.subi %sign3A_395, %sign3A_398 : i32
      %ne3A_400 = arith.cmpi ne, %sign3A_392, %sign3A_399 : i32
      %rem3A_401 = arith.remsi %scan3A_369, %jit3A_384 : i32
      %ne3A_402 = arith.constant 0 : i32
      %ne3A_403 = arith.cmpi ne, %rem3A_401, %ne3A_402 : i32
      %and3A_404 = arith.andi %ne3A_400, %ne3A_403 : i1
      %sub3A_405 = arith.constant 1 : i32
      %sub3A_406 = arith.subi %div3A_385, %sub3A_405 : i32
      %select_n3A_407 = arith.select %and3A_404, %sub3A_406, %div3A_385 : i32
      %jit3A_408 = arith.constant 8 : i32
      %eq3A_409 = arith.constant 0 : i32
      %eq3A_410 = arith.cmpi eq, %jit3A_408, %eq3A_409 : i32
      %jit3A_411 = arith.constant 1 : i32
      %select_n3A_412 = arith.select %eq3A_410, %jit3A_411, %jit3A_408 : i32
      %rem3A_413 = arith.remsi %scan3A_369, %select_n3A_412 : i32
      %ne3A_414 = arith.constant 0 : i32
      %ne3A_415 = arith.cmpi ne, %rem3A_413, %ne3A_414 : i32
      %lt3A_416 = arith.constant 0 : i32
      %lt3A_417 = arith.cmpi slt, %rem3A_413, %lt3A_416 : i32
      %lt3A_418 = arith.constant 0 : i32
      %lt3A_419 = arith.cmpi slt, %select_n3A_412, %lt3A_418 : i32
      %ne3A_420 = arith.xori %lt3A_417, %lt3A_419 : i1
      %and3A_421 = arith.andi %ne3A_420, %ne3A_415 : i1
      %add3A_422 = arith.addi %rem3A_413, %select_n3A_412 : i32
      %select_n3A_423 = arith.select %and3A_421, %add3A_422, %rem3A_413 : i32
      %mul3A_424 = arith.constant 16 : i32
      %mul3A_425 = arith.muli %select_n3A_423, %mul3A_424 : i32
      %swap3A_426 = arith.index_cast %select_n3A_407 : i32 to index
      %swap3A_427 = arith.index_cast %mul3A_425 : i32 to index
      %swap3A_428 = tpu.vector_load %arg15[%swap3A_426, %swap3A_427] {strides = array<i32>} : memref<2x128xi32, #tpu.memory_space<vmem>>, vector<1x16xi32>,
      %swap3A_429 = vector.shape_cast %swap3A_428 : vector<1x16xi32> to vector<16xi32>
      %swap3A_430 = vector.shape_cast %min3A_383 : vector<16xi32> to vector<1x16xi32>
      tpu.vector_store %arg15[%swap3A_426, %swap3A_427], %swap3A_430 {strides = array<i32>} : memref<2x128xi32, #tpu.memory_space<vmem>>, vector<1x16xi32>,
      %scan3A_431 = arith.constant 0 : i32
      %scan3A_432 = arith.constant 4 : i32
      %scan3A_433 = arith.addi %scan3A_190, %scan3A_432 : i32
      %mul3A_434 = arith.constant 16 : i32
      %mul3A_435 = arith.muli %scan3A_433, %mul3A_434 : i32
      %get3A_436 = arith.index_cast %mul3A_435 : i32 to index
      %get3A_437 = tpu.vector_load %arg14[%get3A_436] {strides = array<i32>} : memref<256xi32, #tpu.memory_space<vmem>>, vector<16xi32>,
      %get3A_438 = vector.shape_cast %get3A_437 : vector<16xi32> to vector<16xi32>
      %sub3A_439 = arith.constant 2000 : i32
      %sub3A_440 = vector.broadcast %sub3A_439 : i32 to vector<16xi32>
      %sub3A_441 = arith.subi %get3A_438, %sub3A_440 : vector<16xi32>
      %jit3A_442 = arith.constant 0 : i32
      %jit3A_443 = arith.constant 99 : i32
      %max3A_444 = vector.broadcast %jit3A_442 : i32 to vector<16xi32>
      %max3A_445 = arith.maxsi %max3A_444, %sub3A_441 : vector<16xi32>
      %min3A_446 = vector.broadcast %jit3A_443 : i32 to vector<16xi32>
      %min3A_447 = arith.minsi %min3A_446, %max3A_445 : vector<16xi32>
      %jit3A_448 = arith.constant 8 : i32
      %div3A_449 = arith.divsi %scan3A_433, %jit3A_448 : i32
      %sign3A_450 = arith.constant 0 : i32
      %sign3A_451 = arith.cmpi sgt, %scan3A_433, %sign3A_450 : i32
      %sign3A_452 = arith.extui %sign3A_451 : i1 to i32
      %sign3A_453 = arith.constant 0 : i32
      %sign3A_454 = arith.cmpi slt, %scan3A_433, %sign3A_453 : i32
      %sign3A_455 = arith.extui %sign3A_454 : i1 to i32
      %sign3A_456 = arith.subi %sign3A_452, %sign3A_455 : i32
      %sign3A_457 = arith.constant 0 : i32
      %sign3A_458 = arith.cmpi sgt, %jit3A_448, %sign3A_457 : i32
      %sign3A_459 = arith.extui %sign3A_458 : i1 to i32
      %sign3A_460 = arith.constant 0 : i32
      %sign3A_461 = arith.cmpi slt, %jit3A_448, %sign3A_460 : i32
      %sign3A_462 = arith.extui %sign3A_461 : i1 to i32
      %sign3A_463 = arith.subi %sign3A_459, %sign3A_462 : i32
      %ne3A_464 = arith.cmpi ne, %sign3A_456, %sign3A_463 : i32
      %rem3A_465 = arith.remsi %scan3A_433, %jit3A_448 : i32
      %ne3A_466 = arith.constant 0 : i32
      %ne3A_467 = arith.cmpi ne, %rem3A_465, %ne3A_466 : i32
      %and3A_468 = arith.andi %ne3A_464, %ne3A_467 : i1
      %sub3A_469 = arith.constant 1 : i32
      %sub3A_470 = arith.subi %div3A_449, %sub3A_469 : i32
      %select_n3A_471 = arith.select %and3A_468, %sub3A_470, %div3A_449 : i32
      %jit3A_472 = arith.constant 8 : i32
      %eq3A_473 = arith.constant 0 : i32
      %eq3A_474 = arith.cmpi eq, %jit3A_472, %eq3A_473 : i32
      %jit3A_475 = arith.constant 1 : i32
      %select_n3A_476 = arith.select %eq3A_474, %jit3A_475, %jit3A_472 : i32
      %rem3A_477 = arith.remsi %scan3A_433, %select_n3A_476 : i32
      %ne3A_478 = arith.constant 0 : i32
      %ne3A_479 = arith.cmpi ne, %rem3A_477, %ne3A_478 : i32
      %lt3A_480 = arith.constant 0 : i32
      %lt3A_481 = arith.cmpi slt, %rem3A_477, %lt3A_480 : i32
      %lt3A_482 = arith.constant 0 : i32
      %lt3A_483 = arith.cmpi slt, %select_n3A_476, %lt3A_482 : i32
      %ne3A_484 = arith.xori %lt3A_481, %lt3A_483 : i1
      %and3A_485 = arith.andi %ne3A_484, %ne3A_479 : i1
      %add3A_486 = arith.addi %rem3A_477, %select_n3A_476 : i32
      %select_n3A_487 = arith.select %and3A_485, %add3A_486, %rem3A_477 : i32
      %mul3A_488 = arith.constant 16 : i32
      %mul3A_489 = arith.muli %select_n3A_487, %mul3A_488 : i32
      %swap3A_490 = arith.index_cast %select_n3A_471 : i32 to index
      %swap3A_491 = arith.index_cast %mul3A_489 : i32 to index
      %swap3A_492 = tpu.vector_load %arg15[%swap3A_490, %swap3A_491] {strides = array<i32>} : memref<2x128xi32, #tpu.memory_space<vmem>>, vector<1x16xi32>,
      %swap3A_493 = vector.shape_cast %swap3A_492 : vector<1x16xi32> to vector<16xi32>
      %swap3A_494 = vector.shape_cast %min3A_447 : vector<16xi32> to vector<1x16xi32>
      tpu.vector_store %arg15[%swap3A_490, %swap3A_491], %swap3A_494 {strides = array<i32>} : memref<2x128xi32, #tpu.memory_space<vmem>>, vector<1x16xi32>,
      %scan3A_495 = arith.constant 0 : i32
      %scan3A_496 = arith.constant 5 : i32
      %scan3A_497 = arith.addi %scan3A_190, %scan3A_496 : i32
      %mul3A_498 = arith.constant 16 : i32
      %mul3A_499 = arith.muli %scan3A_497, %mul3A_498 : i32
      %get3A_500 = arith.index_cast %mul3A_499 : i32 to index
      %get3A_501 = tpu.vector_load %arg14[%get3A_500] {strides = array<i32>} : memref<256xi32, #tpu.memory_space<vmem>>, vector<16xi32>,
      %get3A_502 = vector.shape_cast %get3A_501 : vector<16xi32> to vector<16xi32>
      %sub3A_503 = arith.constant 2000 : i32
      %sub3A_504 = vector.broadcast %sub3A_503 : i32 to vector<16xi32>
      %sub3A_505 = arith.subi %get3A_502, %sub3A_504 : vector<16xi32>
      %jit3A_506 = arith.constant 0 : i32
      %jit3A_507 = arith.constant 99 : i32
      %max3A_508 = vector.broadcast %jit3A_506 : i32 to vector<16xi32>
      %max3A_509 = arith.maxsi %max3A_508, %sub3A_505 : vector<16xi32>
      %min3A_510 = vector.broadcast %jit3A_507 : i32 to vector<16xi32>
      %min3A_511 = arith.minsi %min3A_510, %max3A_509 : vector<16xi32>
      %jit3A_512 = arith.constant 8 : i32
      %div3A_513 = arith.divsi %scan3A_497, %jit3A_512 : i32
      %sign3A_514 = arith.constant 0 : i32
      %sign3A_515 = arith.cmpi sgt, %scan3A_497, %sign3A_514 : i32
      %sign3A_516 = arith.extui %sign3A_515 : i1 to i32
      %sign3A_517 = arith.constant 0 : i32
      %sign3A_518 = arith.cmpi slt, %scan3A_497, %sign3A_517 : i32
      %sign3A_519 = arith.extui %sign3A_518 : i1 to i32
      %sign3A_520 = arith.subi %sign3A_516, %sign3A_519 : i32
      %sign3A_521 = arith.constant 0 : i32
      %sign3A_522 = arith.cmpi sgt, %jit3A_512, %sign3A_521 : i32
      %sign3A_523 = arith.extui %sign3A_522 : i1 to i32
      %sign3A_524 = arith.constant 0 : i32
      %sign3A_525 = arith.cmpi slt, %jit3A_512, %sign3A_524 : i32
      %sign3A_526 = arith.extui %sign3A_525 : i1 to i32
      %sign3A_527 = arith.subi %sign3A_523, %sign3A_526 : i32
      %ne3A_528 = arith.cmpi ne, %sign3A_520, %sign3A_527 : i32
      %rem3A_529 = arith.remsi %scan3A_497, %jit3A_512 : i32
      %ne3A_530 = arith.constant 0 : i32
      %ne3A_531 = arith.cmpi ne, %rem3A_529, %ne3A_530 : i32
      %and3A_532 = arith.andi %ne3A_528, %ne3A_531 : i1
      %sub3A_533 = arith.constant 1 : i32
      %sub3A_534 = arith.subi %div3A_513, %sub3A_533 : i32
      %select_n3A_535 = arith.select %and3A_532, %sub3A_534, %div3A_513 : i32
      %jit3A_536 = arith.constant 8 : i32
      %eq3A_537 = arith.constant 0 : i32
      %eq3A_538 = arith.cmpi eq, %jit3A_536, %eq3A_537 : i32
      %jit3A_539 = arith.constant 1 : i32
      %select_n3A_540 = arith.select %eq3A_538, %jit3A_539, %jit3A_536 : i32
      %rem3A_541 = arith.remsi %scan3A_497, %select_n3A_540 : i32
      %ne3A_542 = arith.constant 0 : i32
      %ne3A_543 = arith.cmpi ne, %rem3A_541, %ne3A_542 : i32
      %lt3A_544 = arith.constant 0 : i32
      %lt3A_545 = arith.cmpi slt, %rem3A_541, %lt3A_544 : i32
      %lt3A_546 = arith.constant 0 : i32
      %lt3A_547 = arith.cmpi slt, %select_n3A_540, %lt3A_546 : i32
      %ne3A_548 = arith.xori %lt3A_545, %lt3A_547 : i1
      %and3A_549 = arith.andi %ne3A_548, %ne3A_543 : i1
      %add3A_550 = arith.addi %rem3A_541, %select_n3A_540 : i32
      %select_n3A_551 = arith.select %and3A_549, %add3A_550, %rem3A_541 : i32
      %mul3A_552 = arith.constant 16 : i32
      %mul3A_553 = arith.muli %select_n3A_551, %mul3A_552 : i32
      %swap3A_554 = arith.index_cast %select_n3A_535 : i32 to index
      %swap3A_555 = arith.index_cast %mul3A_553 : i32 to index
      %swap3A_556 = tpu.vector_load %arg15[%swap3A_554, %swap3A_555] {strides = array<i32>} : memref<2x128xi32, #tpu.memory_space<vmem>>, vector<1x16xi32>,
      %swap3A_557 = vector.shape_cast %swap3A_556 : vector<1x16xi32> to vector<16xi32>
      %swap3A_558 = vector.shape_cast %min3A_511 : vector<16xi32> to vector<1x16xi32>
      tpu.vector_store %arg15[%swap3A_554, %swap3A_555], %swap3A_558 {strides = array<i32>} : memref<2x128xi32, #tpu.memory_space<vmem>>, vector<1x16xi32>,
      %scan3A_559 = arith.constant 0 : i32
      %scan3A_560 = arith.constant 6 : i32
      %scan3A_561 = arith.addi %scan3A_190, %scan3A_560 : i32
      %mul3A_562 = arith.constant 16 : i32
      %mul3A_563 = arith.muli %scan3A_561, %mul3A_562 : i32
      %get3A_564 = arith.index_cast %mul3A_563 : i32 to index
      %get3A_565 = tpu.vector_load %arg14[%get3A_564] {strides = array<i32>} : memref<256xi32, #tpu.memory_space<vmem>>, vector<16xi32>,
      %get3A_566 = vector.shape_cast %get3A_565 : vector<16xi32> to vector<16xi32>
      %sub3A_567 = arith.constant 2000 : i32
      %sub3A_568 = vector.broadcast %sub3A_567 : i32 to vector<16xi32>
      %sub3A_569 = arith.subi %get3A_566, %sub3A_568 : vector<16xi32>
      %jit3A_570 = arith.constant 0 : i32
      %jit3A_571 = arith.constant 99 : i32
      %max3A_572 = vector.broadcast %jit3A_570 : i32 to vector<16xi32>
      %max3A_573 = arith.maxsi %max3A_572, %sub3A_569 : vector<16xi32>
      %min3A_574 = vector.broadcast %jit3A_571 : i32 to vector<16xi32>
      %min3A_575 = arith.minsi %min3A_574, %max3A_573 : vector<16xi32>
      %jit3A_576 = arith.constant 8 : i32
      %div3A_577 = arith.divsi %scan3A_561, %jit3A_576 : i32
      %sign3A_578 = arith.constant 0 : i32
      %sign3A_579 = arith.cmpi sgt, %scan3A_561, %sign3A_578 : i32
      %sign3A_580 = arith.extui %sign3A_579 : i1 to i32
      %sign3A_581 = arith.constant 0 : i32
      %sign3A_582 = arith.cmpi slt, %scan3A_561, %sign3A_581 : i32
      %sign3A_583 = arith.extui %sign3A_582 : i1 to i32
      %sign3A_584 = arith.subi %sign3A_580, %sign3A_583 : i32
      %sign3A_585 = arith.constant 0 : i32
      %sign3A_586 = arith.cmpi sgt, %jit3A_576, %sign3A_585 : i32
      %sign3A_587 = arith.extui %sign3A_586 : i1 to i32
      %sign3A_588 = arith.constant 0 : i32
      %sign3A_589 = arith.cmpi slt, %jit3A_576, %sign3A_588 : i32
      %sign3A_590 = arith.extui %sign3A_589 : i1 to i32
      %sign3A_591 = arith.subi %sign3A_587, %sign3A_590 : i32
      %ne3A_592 = arith.cmpi ne, %sign3A_584, %sign3A_591 : i32
      %rem3A_593 = arith.remsi %scan3A_561, %jit3A_576 : i32
      %ne3A_594 = arith.constant 0 : i32
      %ne3A_595 = arith.cmpi ne, %rem3A_593, %ne3A_594 : i32
      %and3A_596 = arith.andi %ne3A_592, %ne3A_595 : i1
      %sub3A_597 = arith.constant 1 : i32
      %sub3A_598 = arith.subi %div3A_577, %sub3A_597 : i32
      %select_n3A_599 = arith.select %and3A_596, %sub3A_598, %div3A_577 : i32
      %jit3A_600 = arith.constant 8 : i32
      %eq3A_601 = arith.constant 0 : i32
      %eq3A_602 = arith.cmpi eq, %jit3A_600, %eq3A_601 : i32
      %jit3A_603 = arith.constant 1 : i32
      %select_n3A_604 = arith.select %eq3A_602, %jit3A_603, %jit3A_600 : i32
      %rem3A_605 = arith.remsi %scan3A_561, %select_n3A_604 : i32
      %ne3A_606 = arith.constant 0 : i32
      %ne3A_607 = arith.cmpi ne, %rem3A_605, %ne3A_606 : i32
      %lt3A_608 = arith.constant 0 : i32
      %lt3A_609 = arith.cmpi slt, %rem3A_605, %lt3A_608 : i32
      %lt3A_610 = arith.constant 0 : i32
      %lt3A_611 = arith.cmpi slt, %select_n3A_604, %lt3A_610 : i32
      %ne3A_612 = arith.xori %lt3A_609, %lt3A_611 : i1
      %and3A_613 = arith.andi %ne3A_612, %ne3A_607 : i1
      %add3A_614 = arith.addi %rem3A_605, %select_n3A_604 : i32
      %select_n3A_615 = arith.select %and3A_613, %add3A_614, %rem3A_605 : i32
      %mul3A_616 = arith.constant 16 : i32
      %mul3A_617 = arith.muli %select_n3A_615, %mul3A_616 : i32
      %swap3A_618 = arith.index_cast %select_n3A_599 : i32 to index
      %swap3A_619 = arith.index_cast %mul3A_617 : i32 to index
      %swap3A_620 = tpu.vector_load %arg15[%swap3A_618, %swap3A_619] {strides = array<i32>} : memref<2x128xi32, #tpu.memory_space<vmem>>, vector<1x16xi32>,
      %swap3A_621 = vector.shape_cast %swap3A_620 : vector<1x16xi32> to vector<16xi32>
      %swap3A_622 = vector.shape_cast %min3A_575 : vector<16xi32> to vector<1x16xi32>
      tpu.vector_store %arg15[%swap3A_618, %swap3A_619], %swap3A_622 {strides = array<i32>} : memref<2x128xi32, #tpu.memory_space<vmem>>, vector<1x16xi32>,
      %scan3A_623 = arith.constant 0 : i32
      %scan3A_624 = arith.constant 7 : i32
      %scan3A_625 = arith.addi %scan3A_190, %scan3A_624 : i32
      %mul3A_626 = arith.constant 16 : i32
      %mul3A_627 = arith.muli %scan3A_625, %mul3A_626 : i32
      %get3A_628 = arith.index_cast %mul3A_627 : i32 to index
      %get3A_629 = tpu.vector_load %arg14[%get3A_628] {strides = array<i32>} : memref<256xi32, #tpu.memory_space<vmem>>, vector<16xi32>,
      %get3A_630 = vector.shape_cast %get3A_629 : vector<16xi32> to vector<16xi32>
      %sub3A_631 = arith.constant 2000 : i32
      %sub3A_632 = vector.broadcast %sub3A_631 : i32 to vector<16xi32>
      %sub3A_633 = arith.subi %get3A_630, %sub3A_632 : vector<16xi32>
      %jit3A_634 = arith.constant 0 : i32
      %jit3A_635 = arith.constant 99 : i32
      %max3A_636 = vector.broadcast %jit3A_634 : i32 to vector<16xi32>
      %max3A_637 = arith.maxsi %max3A_636, %sub3A_633 : vector<16xi32>
      %min3A_638 = vector.broadcast %jit3A_635 : i32 to vector<16xi32>
      %min3A_639 = arith.minsi %min3A_638, %max3A_637 : vector<16xi32>
      %jit3A_640 = arith.constant 8 : i32
      %div3A_641 = arith.divsi %scan3A_625, %jit3A_640 : i32
      %sign3A_642 = arith.constant 0 : i32
      %sign3A_643 = arith.cmpi sgt, %scan3A_625, %sign3A_642 : i32
      %sign3A_644 = arith.extui %sign3A_643 : i1 to i32
      %sign3A_645 = arith.constant 0 : i32
      %sign3A_646 = arith.cmpi slt, %scan3A_625, %sign3A_645 : i32
      %sign3A_647 = arith.extui %sign3A_646 : i1 to i32
      %sign3A_648 = arith.subi %sign3A_644, %sign3A_647 : i32
      %sign3A_649 = arith.constant 0 : i32
      %sign3A_650 = arith.cmpi sgt, %jit3A_640, %sign3A_649 : i32
      %sign3A_651 = arith.extui %sign3A_650 : i1 to i32
      %sign3A_652 = arith.constant 0 : i32
      %sign3A_653 = arith.cmpi slt, %jit3A_640, %sign3A_652 : i32
      %sign3A_654 = arith.extui %sign3A_653 : i1 to i32
      %sign3A_655 = arith.subi %sign3A_651, %sign3A_654 : i32
      %ne3A_656 = arith.cmpi ne, %sign3A_648, %sign3A_655 : i32
      %rem3A_657 = arith.remsi %scan3A_625, %jit3A_640 : i32
      %ne3A_658 = arith.constant 0 : i32
      %ne3A_659 = arith.cmpi ne, %rem3A_657, %ne3A_658 : i32
      %and3A_660 = arith.andi %ne3A_656, %ne3A_659 : i1
      %sub3A_661 = arith.constant 1 : i32
      %sub3A_662 = arith.subi %div3A_641, %sub3A_661 : i32
      %select_n3A_663 = arith.select %and3A_660, %sub3A_662, %div3A_641 : i32
      %jit3A_664 = arith.constant 8 : i32
      %eq3A_665 = arith.constant 0 : i32
      %eq3A_666 = arith.cmpi eq, %jit3A_664, %eq3A_665 : i32
      %jit3A_667 = arith.constant 1 : i32
      %select_n3A_668 = arith.select %eq3A_666, %jit3A_667, %jit3A_664 : i32
      %rem3A_669 = arith.remsi %scan3A_625, %select_n3A_668 : i32
      %ne3A_670 = arith.constant 0 : i32
      %ne3A_671 = arith.cmpi ne, %rem3A_669, %ne3A_670 : i32
      %lt3A_672 = arith.constant 0 : i32
      %lt3A_673 = arith.cmpi slt, %rem3A_669, %lt3A_672 : i32
      %lt3A_674 = arith.constant 0 : i32
      %lt3A_675 = arith.cmpi slt, %select_n3A_668, %lt3A_674 : i32
      %ne3A_676 = arith.xori %lt3A_673, %lt3A_675 : i1
      %and3A_677 = arith.andi %ne3A_676, %ne3A_671 : i1
      %add3A_678 = arith.addi %rem3A_669, %select_n3A_668 : i32
      %select_n3A_679 = arith.select %and3A_677, %add3A_678, %rem3A_669 : i32
      %mul3A_680 = arith.constant 16 : i32
      %mul3A_681 = arith.muli %select_n3A_679, %mul3A_680 : i32
      %swap3A_682 = arith.index_cast %select_n3A_663 : i32 to index
      %swap3A_683 = arith.index_cast %mul3A_681 : i32 to index
      %swap3A_684 = tpu.vector_load %arg15[%swap3A_682, %swap3A_683] {strides = array<i32>} : memref<2x128xi32, #tpu.memory_space<vmem>>, vector<1x16xi32>,
      %swap3A_685 = vector.shape_cast %swap3A_684 : vector<1x16xi32> to vector<16xi32>
      %swap3A_686 = vector.shape_cast %min3A_639 : vector<16xi32> to vector<1x16xi32>
      tpu.vector_store %arg15[%swap3A_682, %swap3A_683], %swap3A_686 {strides = array<i32>} : memref<2x128xi32, #tpu.memory_space<vmem>>, vector<1x16xi32>,
      %scan3A_687 = arith.constant 0 : i32
      scf.yield %scan3A_687 : i32
    }
    %scan3A_163 = arith.constant 16 : i32
    %scan3A_164 = arith.constant 0 : i32
    %scan3A_165 = arith.constant 0 : i32
    %scan3A_166 = arith.constant 2 : i32
    %scan3A_167 = arith.addi %scan3A_165, %scan3A_166 : i32
    %scan3A_168 = arith.constant 1 : i32
    %scan3A_169 = scf.for %scan3A_190 = %scan3A_165 to %scan3A_167 step %scan3A_168 iter_args(%scan3A_191 = %scan3A_164) -> (i32)  : i32 {
      %mul3A_192 = arith.constant 128 : i32
      %mul3A_193 = arith.muli %scan3A_190, %mul3A_192 : i32
      %dma_start3A_194 = arith.constant 0 : i32
      %dma_start3A_195 = tpu.memref_slice %arg17[%mul3A_193, %dma_start3A_194] : memref<256x16xf32, #tpu.memory_space<vmem>> -> memref<128x16xf32, #tpu.memory_space<vmem>>
      %dma_start3A_196 = arith.constant 0 : i32
      %dma_start3A_197 = tpu.memref_slice %arg15[%scan3A_190, %dma_start3A_196] : memref<2x128xi32, #tpu.memory_space<vmem>> -> memref<1x128xi32, #tpu.memory_space<vmem>>
      %dma_start3A_198 = tpu.memref_squeeze %dma_start3A_197 : memref<1x128xi32, #tpu.memory_space<vmem>> -> memref<128xi32, #tpu.memory_space<vmem>>
      %dma_start3A_199 = arith.constant 0 : i32
      %dma_start3A_200 = arith.constant 0 : i32
      %dma_start3A_201 = tpu.memref_slice %arg7[%dma_start3A_199, %dma_start3A_200] : memref<100x16xf32, #tpu.memory_space<hbm>> -> memref<100x16xf32, #tpu.memory_space<hbm>>
      tpu.enqueue_indirect_dma source(%dma_start3A_201 : memref<100x16xf32, #tpu.memory_space<hbm>>) target(%dma_start3A_195 : memref<128x16xf32, #tpu.memory_space<vmem>>) offsets(%dma_start3A_198 : memref<128xi32, #tpu.memory_space<vmem>>) semaphore(%arg19 : memref<!tpu.dma_semaphore, #tpu.memory_space<semaphore_mem>>)
      %scan3A_202 = arith.constant 0 : i32
      scf.yield %scan3A_202 : i32
    }
    %scan3A_170 = arith.constant 2 : i32
    %dma_wait3A_171 = arith.constant 0 : i32
    %dma_wait3A_172 = arith.constant 0 : i32
    %dma_wait3A_173 = arith.constant 0 : i32
    %dma_wait3A_174 = tpu.memref_slice %arg5[%dma_wait3A_171, %dma_wait3A_172, %dma_wait3A_173] : memref<26x32768x16xf32, #tpu.memory_space<hbm>> -> memref<1x32768x16xf32, #tpu.memory_space<hbm>>
    %dma_wait3A_175 = tpu.memref_squeeze %dma_wait3A_174 : memref<1x32768x16xf32, #tpu.memory_space<hbm>> -> memref<32768x16xf32, #tpu.memory_space<hbm>>
    %dma_wait3A_176 = arith.constant 0 : i32
    %dma_wait3A_177 = arith.constant 0 : i32
    %dma_wait3A_178 = tpu.memref_slice %dma_wait3A_175[%dma_wait3A_176, %dma_wait3A_177] : memref<32768x16xf32, #tpu.memory_space<hbm>> -> memref<256x16xf32, #tpu.memory_space<hbm>>
    %dma_wait3A_179 = arith.constant 0 : i32
    %dma_wait3A_180 = arith.constant 0 : i32
    %dma_wait3A_181 = tpu.memref_slice %arg5[%dma_wait3A_171, %dma_wait3A_179, %dma_wait3A_180] : memref<26x32768x16xf32, #tpu.memory_space<hbm>> -> memref<1x32768x16xf32, #tpu.memory_space<hbm>>
    %dma_wait3A_182 = tpu.memref_squeeze %dma_wait3A_181 : memref<1x32768x16xf32, #tpu.memory_space<hbm>> -> memref<32768x16xf32, #tpu.memory_space<hbm>>
    %dma_wait3A_183 = arith.constant 0 : i32
    %dma_wait3A_184 = arith.constant 0 : i32
    %dma_wait3A_185 = tpu.memref_slice %dma_wait3A_182[%dma_wait3A_183, %dma_wait3A_184] : memref<32768x16xf32, #tpu.memory_space<hbm>> -> memref<256x16xf32, #tpu.memory_space<hbm>>
    tpu.wait_dma2 semaphore(%arg19 : memref<!tpu.dma_semaphore, #tpu.memory_space<semaphore_mem>>) src(%dma_wait3A_185 : memref<256x16xf32, #tpu.memory_space<hbm>>) dst(%arg17 : memref<256x16xf32, #tpu.memory_space<vmem>>)
    "tpu.region"() ({
      %run_scoped3A = tpu.sem_alloc : memref<!tpu.dma_semaphore, #tpu.memory_space<semaphore_mem>>
      %dma_start3A_190 = arith.constant 0 : i32
      %dma_start3A_191 = tpu.memref_slice %arg10[%mul3A_2, %dma_start3A_190] : memref<8192x16xf32, #tpu.memory_space<hbm>> -> memref<256x16xf32, #tpu.memory_space<hbm>>
      %dma_start3A_192 = arith.constant 0 : i32
      %dma_start3A_193 = tpu.memref_slice %arg10[%mul3A_2, %dma_start3A_192] : memref<8192x16xf32, #tpu.memory_space<hbm>> -> memref<256x16xf32, #tpu.memory_space<hbm>>
      tpu.enqueue_dma source(%arg17 : memref<256x16xf32, #tpu.memory_space<vmem>>) target(%dma_start3A_193 : memref<256x16xf32, #tpu.memory_space<hbm>>) target_semaphore(%run_scoped3A : memref<!tpu.dma_semaphore, #tpu.memory_space<semaphore_mem>>)
      %dma_wait3A_194 = arith.constant 0 : i32
      %dma_wait3A_195 = tpu.memref_slice %arg10[%mul3A_2, %dma_wait3A_194] : memref<8192x16xf32, #tpu.memory_space<hbm>> -> memref<256x16xf32, #tpu.memory_space<hbm>>
      %dma_wait3A_196 = arith.constant 0 : i32
      %dma_wait3A_197 = tpu.memref_slice %arg10[%mul3A_2, %dma_wait3A_196] : memref<8192x16xf32, #tpu.memory_space<hbm>> -> memref<256x16xf32, #tpu.memory_space<hbm>>
      tpu.wait_dma2 semaphore(%run_scoped3A : memref<!tpu.dma_semaphore, #tpu.memory_space<semaphore_mem>>) src(%arg17 : memref<256x16xf32, #tpu.memory_space<vmem>>) dst(%dma_wait3A_197 : memref<256x16xf32, #tpu.memory_space<hbm>>)
      tpu.yield
    }) : () -> ()
    %dma_wait3A_186 = arith.constant 0 : i32
    %dma_wait3A_187 = tpu.memref_slice %arg9[%mul3A_2, %dma_wait3A_186] : memref<8192x32xf32, #tpu.memory_space<hbm>> -> memref<256x32xf32, #tpu.memory_space<hbm>>
    %dma_wait3A_188 = arith.constant 0 : i32
    %dma_wait3A_189 = tpu.memref_slice %arg9[%mul3A_2, %dma_wait3A_188] : memref<8192x32xf32, #tpu.memory_space<hbm>> -> memref<256x32xf32, #tpu.memory_space<hbm>>
    tpu.wait_dma2 semaphore(%arg20 : memref<!tpu.dma_semaphore, #tpu.memory_space<semaphore_mem>>) src(%arg16 : memref<256x32xf32, #tpu.memory_space<vmem>>) dst(%dma_wait3A_189 : memref<256x32xf32, #tpu.memory_space<hbm>>)
    return
  }
}

#map = affine_map<(d0, d1) -> (0, 0)>
#map1 = affine_map<(d0, d1) -> (0)>
#map2 = affine_map<(d0, d1) -> (0, 0, 0)>
module attributes {stable_mosaic.version = 14 : i64} {
  func.func @k(%arg0: i32, %arg1: i32, %arg2: memref<26x16384xi32, #tpu.memory_space<hbm>>, %arg3: memref<16384xi32, #tpu.memory_space<hbm>>, %arg4: memref<16384xi32, #tpu.memory_space<hbm>>, %arg5: memref<26x32768x16xf32, #tpu.memory_space<hbm>>, %arg6: memref<4096x32xf32, #tpu.memory_space<hbm>>, %arg7: memref<100x16xf32, #tpu.memory_space<hbm>>, %arg8: memref<8192x416xf32, #tpu.memory_space<hbm>>, %arg9: memref<8192x32xf32, #tpu.memory_space<hbm>>, %arg10: memref<8192x16xf32, #tpu.memory_space<hbm>>, %arg11: memref<26x256xi32, #tpu.memory_space<vmem>>, %arg12: memref<26x64x16xf32, #tpu.memory_space<vmem>>, %arg13: memref<26x64x16xf32, #tpu.memory_space<vmem>>, %arg14: memref<256xi32, #tpu.memory_space<vmem>>, %arg15: memref<2x128xi32, #tpu.memory_space<vmem>>, %arg16: memref<256x32xf32, #tpu.memory_space<vmem>>, %arg17: memref<256x16xf32, #tpu.memory_space<vmem>>, %arg18: memref<!tpu.dma_semaphore, #tpu.memory_space<semaphore_mem>>, %arg19: memref<!tpu.dma_semaphore, #tpu.memory_space<semaphore_mem>>, %arg20: memref<!tpu.dma_semaphore, #tpu.memory_space<semaphore_mem>>, %arg21: memref<!tpu.dma_semaphore, #tpu.memory_space<semaphore_mem>>) attributes {dimension_semantics = [#tpu.dimension_semantics<core_parallel>, #tpu.dimension_semantics<subcore_parallel>], iteration_bounds = array<i64: 2, 16>, scalar_prefetch = 0 : i64, scratch_operands = 11 : i64, tpu.core_type = #tpu.core_type<sc_vector_subcore>, window_params = [{transform_indices = #map}, {transform_indices = #map1}, {transform_indices = #map1}, {transform_indices = #map2}, {transform_indices = #map}, {transform_indices = #map}, {transform_indices = #map}, {transform_indices = #map}, {transform_indices = #map}]} {
    %mul3A = arith.constant 2 : i32
    %mul3A_0 = arith.muli %arg1, %mul3A : i32
    %add3A = arith.addi %mul3A_0, %arg0 : i32
    %iota3A = tpu.iota {dimensions = array<i32: 0>} : vector<16xi32>
    %mul3A_1 = arith.constant 256 : i32
    %mul3A_2 = arith.muli %add3A, %mul3A_1 : i32
    %add3A_3 = arith.constant 0 : i32
    %add3A_4 = arith.addi %add3A_3, %mul3A_2 : i32
    %scan3A = arith.constant 0 : i32
    %scan3A_5 = arith.constant 0 : i32
    %scan3A_6 = arith.constant 26 : i32
    %scan3A_7 = arith.addi %scan3A_5, %scan3A_6 : i32
    %scan3A_8 = arith.constant 1 : i32
    %scan3A_9 = scf.for %scan3A_190 = %scan3A_5 to %scan3A_7 step %scan3A_8 iter_args(%scan3A_191 = %scan3A) -> (i32)  : i32 {
      %dma_start3A_192 = arith.constant 0 : i32
      %dma_start3A_193 = tpu.memref_slice %arg11[%scan3A_190, %dma_start3A_192] : memref<26x256xi32, #tpu.memory_space<vmem>> -> memref<1x256xi32, #tpu.memory_space<vmem>>
      %dma_start3A_194 = tpu.memref_squeeze %dma_start3A_193 : memref<1x256xi32, #tpu.memory_space<vmem>> -> memref<256xi32, #tpu.memory_space<vmem>>
      %dma_start3A_195 = tpu.memref_slice %arg2[%scan3A_190, %add3A_4] : memref<26x16384xi32, #tpu.memory_space<hbm>> -> memref<1x256xi32, #tpu.memory_space<hbm>>
      %dma_start3A_196 = tpu.memref_squeeze %dma_start3A_195 : memref<1x256xi32, #tpu.memory_space<hbm>> -> memref<256xi32, #tpu.memory_space<hbm>>
      %dma_start3A_197 = arith.constant 0 : i32
      %dma_start3A_198 = tpu.memref_slice %arg11[%scan3A_190, %dma_start3A_197] : memref<26x256xi32, #tpu.memory_space<vmem>> -> memref<1x256xi32, #tpu.memory_space<vmem>>
      %dma_start3A_199 = tpu.memref_squeeze %dma_start3A_198 : memref<1x256xi32, #tpu.memory_space<vmem>> -> memref<256xi32, #tpu.memory_space<vmem>>
      %dma_start3A_200 = tpu.memref_slice %arg2[%scan3A_190, %add3A_4] : memref<26x16384xi32, #tpu.memory_space<hbm>> -> memref<1x256xi32, #tpu.memory_space<hbm>>
      %dma_start3A_201 = tpu.memref_squeeze %dma_start3A_200 : memref<1x256xi32, #tpu.memory_space<hbm>> -> memref<256xi32, #tpu.memory_space<hbm>>
      tpu.enqueue_dma source(%dma_start3A_201 : memref<256xi32, #tpu.memory_space<hbm>>) target(%dma_start3A_199 : memref<256xi32, #tpu.memory_space<vmem>>) target_semaphore(%arg18 : memref<!tpu.dma_semaphore, #tpu.memory_space<semaphore_mem>>)
      %scan3A_202 = arith.constant 0 : i32
      scf.yield %scan3A_202 : i32
    }
    %scan3A_10 = arith.constant 26 : i32
    %dma_wait3A = arith.constant 0 : i32
    %dma_wait3A_11 = tpu.memref_slice %arg2[%dma_wait3A, %add3A_4] : memref<26x16384xi32, #tpu.memory_space<hbm>> -> memref<26x256xi32, #tpu.memory_space<hbm>>
    %dma_wait3A_12 = arith.constant 0 : i32
    %dma_wait3A_13 = tpu.memref_slice %arg2[%dma_wait3A_12, %add3A_4] : memref<26x16384xi32, #tpu.memory_space<hbm>> -> memref<26x256xi32, #tpu.memory_space<hbm>>
    tpu.wait_dma2 semaphore(%arg18 : memref<!tpu.dma_semaphore, #tpu.memory_space<semaphore_mem>>) src(%dma_wait3A_13 : memref<26x256xi32, #tpu.memory_space<hbm>>) dst(%arg11 : memref<26x256xi32, #tpu.memory_space<vmem>>)
    %scan3A_14 = arith.constant 0 : i32
    %scan3A_15 = arith.constant 0 : i32
    %scan3A_16 = arith.constant 26 : i32
    %scan3A_17 = arith.addi %scan3A_15, %scan3A_16 : i32
    %scan3A_18 = arith.constant 1 : i32
    %scan3A_19 = scf.for %scan3A_190 = %scan3A_15 to %scan3A_17 step %scan3A_18 iter_args(%scan3A_191 = %scan3A_14) -> (i32)  : i32 {
      %dma_start3A_192 = arith.constant 0 : i32
      %dma_start3A_193 = arith.constant 0 : i32
      %dma_start3A_194 = tpu.memref_slice %arg12[%scan3A_190, %dma_start3A_192, %dma_start3A_193] : memref<26x64x16xf32, #tpu.memory_space<vmem>> -> memref<1x64x16xf32, #tpu.memory_space<vmem>>
      %dma_start3A_195 = tpu.memref_squeeze %dma_start3A_194 : memref<1x64x16xf32, #tpu.memory_space<vmem>> -> memref<64x16xf32, #tpu.memory_space<vmem>>
      %dma_start3A_196 = arith.constant 0 : i32
      %dma_start3A_197 = tpu.memref_slice %arg11[%scan3A_190, %dma_start3A_196] : memref<26x256xi32, #tpu.memory_space<vmem>> -> memref<1x64xi32, #tpu.memory_space<vmem>>
      %dma_start3A_198 = tpu.memref_squeeze %dma_start3A_197 : memref<1x64xi32, #tpu.memory_space<vmem>> -> memref<64xi32, #tpu.memory_space<vmem>>
      %dma_start3A_199 = arith.constant 0 : i32
      %dma_start3A_200 = arith.constant 0 : i32
      %dma_start3A_201 = tpu.memref_slice %arg5[%scan3A_190, %dma_start3A_199, %dma_start3A_200] : memref<26x32768x16xf32, #tpu.memory_space<hbm>> -> memref<1x32768x16xf32, #tpu.memory_space<hbm>>
      %dma_start3A_202 = tpu.memref_squeeze %dma_start3A_201 : memref<1x32768x16xf32, #tpu.memory_space<hbm>> -> memref<32768x16xf32, #tpu.memory_space<hbm>>
      %dma_start3A_203 = arith.constant 0 : i32
      %dma_start3A_204 = arith.constant 0 : i32
      %dma_start3A_205 = tpu.memref_slice %dma_start3A_202[%dma_start3A_203, %dma_start3A_204] : memref<32768x16xf32, #tpu.memory_space<hbm>> -> memref<32768x16xf32, #tpu.memory_space<hbm>>
      tpu.enqueue_indirect_dma source(%dma_start3A_205 : memref<32768x16xf32, #tpu.memory_space<hbm>>) target(%dma_start3A_195 : memref<64x16xf32, #tpu.memory_space<vmem>>) offsets(%dma_start3A_198 : memref<64xi32, #tpu.memory_space<vmem>>) semaphore(%arg18 : memref<!tpu.dma_semaphore, #tpu.memory_space<semaphore_mem>>)
      %scan3A_206 = arith.constant 0 : i32
      scf.yield %scan3A_206 : i32
    }
    %scan3A_20 = arith.constant 26 : i32
    %scan3A_21 = arith.constant 0 : i32
    %scan3A_22 = arith.constant 0 : i32
    %scan3A_23 = arith.constant 26 : i32
    %scan3A_24 = arith.addi %scan3A_22, %scan3A_23 : i32
    %scan3A_25 = arith.constant 1 : i32
    %scan3A_26 = scf.for %scan3A_190 = %scan3A_22 to %scan3A_24 step %scan3A_25 iter_args(%scan3A_191 = %scan3A_21) -> (i32)  : i32 {
      %dma_start3A_192 = arith.constant 0 : i32
      %dma_start3A_193 = arith.constant 0 : i32
      %dma_start3A_194 = tpu.memref_slice %arg13[%scan3A_190, %dma_start3A_192, %dma_start3A_193] : memref<26x64x16xf32, #tpu.memory_space<vmem>> -> memref<1x64x16xf32, #tpu.memory_space<vmem>>
      %dma_start3A_195 = tpu.memref_squeeze %dma_start3A_194 : memref<1x64x16xf32, #tpu.memory_space<vmem>> -> memref<64x16xf32, #tpu.memory_space<vmem>>
      %dma_start3A_196 = arith.constant 64 : i32
      %dma_start3A_197 = tpu.memref_slice %arg11[%scan3A_190, %dma_start3A_196] : memref<26x256xi32, #tpu.memory_space<vmem>> -> memref<1x64xi32, #tpu.memory_space<vmem>>
      %dma_start3A_198 = tpu.memref_squeeze %dma_start3A_197 : memref<1x64xi32, #tpu.memory_space<vmem>> -> memref<64xi32, #tpu.memory_space<vmem>>
      %dma_start3A_199 = arith.constant 0 : i32
      %dma_start3A_200 = arith.constant 0 : i32
      %dma_start3A_201 = tpu.memref_slice %arg5[%scan3A_190, %dma_start3A_199, %dma_start3A_200] : memref<26x32768x16xf32, #tpu.memory_space<hbm>> -> memref<1x32768x16xf32, #tpu.memory_space<hbm>>
      %dma_start3A_202 = tpu.memref_squeeze %dma_start3A_201 : memref<1x32768x16xf32, #tpu.memory_space<hbm>> -> memref<32768x16xf32, #tpu.memory_space<hbm>>
      %dma_start3A_203 = arith.constant 0 : i32
      %dma_start3A_204 = arith.constant 0 : i32
      %dma_start3A_205 = tpu.memref_slice %dma_start3A_202[%dma_start3A_203, %dma_start3A_204] : memref<32768x16xf32, #tpu.memory_space<hbm>> -> memref<32768x16xf32, #tpu.memory_space<hbm>>
      tpu.enqueue_indirect_dma source(%dma_start3A_205 : memref<32768x16xf32, #tpu.memory_space<hbm>>) target(%dma_start3A_195 : memref<64x16xf32, #tpu.memory_space<vmem>>) offsets(%dma_start3A_198 : memref<64xi32, #tpu.memory_space<vmem>>) semaphore(%arg19 : memref<!tpu.dma_semaphore, #tpu.memory_space<semaphore_mem>>)
      %scan3A_206 = arith.constant 0 : i32
      scf.yield %scan3A_206 : i32
    }
    %scan3A_27 = arith.constant 26 : i32
    %dma_wait3A_28 = arith.constant 0 : i32
    %dma_wait3A_29 = arith.constant 0 : i32
    %dma_wait3A_30 = arith.constant 0 : i32
    %dma_wait3A_31 = tpu.memref_slice %arg5[%dma_wait3A_28, %dma_wait3A_29, %dma_wait3A_30] : memref<26x32768x16xf32, #tpu.memory_space<hbm>> -> memref<26x64x16xf32, #tpu.memory_space<hbm>>
    %dma_wait3A_32 = arith.constant 0 : i32
    %dma_wait3A_33 = arith.constant 0 : i32
    %dma_wait3A_34 = arith.constant 0 : i32
    %dma_wait3A_35 = tpu.memref_slice %arg5[%dma_wait3A_32, %dma_wait3A_33, %dma_wait3A_34] : memref<26x32768x16xf32, #tpu.memory_space<hbm>> -> memref<26x64x16xf32, #tpu.memory_space<hbm>>
    tpu.wait_dma2 semaphore(%arg18 : memref<!tpu.dma_semaphore, #tpu.memory_space<semaphore_mem>>) src(%dma_wait3A_35 : memref<26x64x16xf32, #tpu.memory_space<hbm>>) dst(%arg12 : memref<26x64x16xf32, #tpu.memory_space<vmem>>)
    %scan3A_36 = arith.constant 0 : i32
    %scan3A_37 = arith.constant 0 : i32
    %scan3A_38 = arith.constant 26 : i32
    %scan3A_39 = arith.addi %scan3A_37, %scan3A_38 : i32
    %scan3A_40 = arith.constant 1 : i32
    %scan3A_41 = scf.for %scan3A_190 = %scan3A_37 to %scan3A_39 step %scan3A_40 iter_args(%scan3A_191 = %scan3A_36) -> (i32)  : i32 {
      %add3A_192 = arith.constant 0 : i32
      %add3A_193 = arith.addi %mul3A_2, %add3A_192 : i32
      %mul3A_194 = arith.constant 16 : i32
      %mul3A_195 = arith.muli %scan3A_190, %mul3A_194 : i32
      %dma_start3A_196 = arith.constant 0 : i32
      %dma_start3A_197 = arith.constant 0 : i32
      %dma_start3A_198 = tpu.memref_slice %arg12[%scan3A_190, %dma_start3A_196, %dma_start3A_197] : memref<26x64x16xf32, #tpu.memory_space<vmem>> -> memref<1x64x16xf32, #tpu.memory_space<vmem>>
      %dma_start3A_199 = tpu.memref_squeeze %dma_start3A_198 : memref<1x64x16xf32, #tpu.memory_space<vmem>> -> memref<64x16xf32, #tpu.memory_space<vmem>>
      %dma_start3A_200 = tpu.memref_slice %arg8[%add3A_193, %mul3A_195] : memref<8192x416xf32, #tpu.memory_space<hbm>> -> memref<64x16xf32, #tpu.memory_space<hbm>>
      %dma_start3A_201 = tpu.memref_slice %arg8[%add3A_193, %mul3A_195] : memref<8192x416xf32, #tpu.memory_space<hbm>> -> memref<64x16xf32, #tpu.memory_space<hbm>>
      %dma_start3A_202 = arith.constant 0 : i32
      %dma_start3A_203 = arith.constant 0 : i32
      %dma_start3A_204 = tpu.memref_slice %arg12[%scan3A_190, %dma_start3A_202, %dma_start3A_203] : memref<26x64x16xf32, #tpu.memory_space<vmem>> -> memref<1x64x16xf32, #tpu.memory_space<vmem>>
      %dma_start3A_205 = tpu.memref_squeeze %dma_start3A_204 : memref<1x64x16xf32, #tpu.memory_space<vmem>> -> memref<64x16xf32, #tpu.memory_space<vmem>>
      tpu.enqueue_dma source(%dma_start3A_205 : memref<64x16xf32, #tpu.memory_space<vmem>>) target(%dma_start3A_201 : memref<64x16xf32, #tpu.memory_space<hbm>>) target_semaphore(%arg20 : memref<!tpu.dma_semaphore, #tpu.memory_space<semaphore_mem>>)
      %scan3A_206 = arith.constant 0 : i32
      scf.yield %scan3A_206 : i32
    }
    %scan3A_42 = arith.constant 26 : i32
    %dma_wait3A_43 = arith.constant 0 : i32
    %dma_wait3A_44 = arith.constant 0 : i32
    %dma_wait3A_45 = arith.constant 0 : i32
    %dma_wait3A_46 = tpu.memref_slice %arg5[%dma_wait3A_43, %dma_wait3A_44, %dma_wait3A_45] : memref<26x32768x16xf32, #tpu.memory_space<hbm>> -> memref<26x64x16xf32, #tpu.memory_space<hbm>>
    %dma_wait3A_47 = arith.constant 0 : i32
    %dma_wait3A_48 = arith.constant 0 : i32
    %dma_wait3A_49 = arith.constant 0 : i32
    %dma_wait3A_50 = tpu.memref_slice %arg5[%dma_wait3A_47, %dma_wait3A_48, %dma_wait3A_49] : memref<26x32768x16xf32, #tpu.memory_space<hbm>> -> memref<26x64x16xf32, #tpu.memory_space<hbm>>
    tpu.wait_dma2 semaphore(%arg20 : memref<!tpu.dma_semaphore, #tpu.memory_space<semaphore_mem>>) src(%dma_wait3A_50 : memref<26x64x16xf32, #tpu.memory_space<hbm>>) dst(%arg12 : memref<26x64x16xf32, #tpu.memory_space<vmem>>)
    %scan3A_51 = arith.constant 0 : i32
    %scan3A_52 = arith.constant 0 : i32
    %scan3A_53 = arith.constant 26 : i32
    %scan3A_54 = arith.addi %scan3A_52, %scan3A_53 : i32
    %scan3A_55 = arith.constant 1 : i32
    %scan3A_56 = scf.for %scan3A_190 = %scan3A_52 to %scan3A_54 step %scan3A_55 iter_args(%scan3A_191 = %scan3A_51) -> (i32)  : i32 {
      %dma_start3A_192 = arith.constant 0 : i32
      %dma_start3A_193 = arith.constant 0 : i32
      %dma_start3A_194 = tpu.memref_slice %arg12[%scan3A_190, %dma_start3A_192, %dma_start3A_193] : memref<26x64x16xf32, #tpu.memory_space<vmem>> -> memref<1x64x16xf32, #tpu.memory_space<vmem>>
      %dma_start3A_195 = tpu.memref_squeeze %dma_start3A_194 : memref<1x64x16xf32, #tpu.memory_space<vmem>> -> memref<64x16xf32, #tpu.memory_space<vmem>>
      %dma_start3A_196 = arith.constant 128 : i32
      %dma_start3A_197 = tpu.memref_slice %arg11[%scan3A_190, %dma_start3A_196] : memref<26x256xi32, #tpu.memory_space<vmem>> -> memref<1x64xi32, #tpu.memory_space<vmem>>
      %dma_start3A_198 = tpu.memref_squeeze %dma_start3A_197 : memref<1x64xi32, #tpu.memory_space<vmem>> -> memref<64xi32, #tpu.memory_space<vmem>>
      %dma_start3A_199 = arith.constant 0 : i32
      %dma_start3A_200 = arith.constant 0 : i32
      %dma_start3A_201 = tpu.memref_slice %arg5[%scan3A_190, %dma_start3A_199, %dma_start3A_200] : memref<26x32768x16xf32, #tpu.memory_space<hbm>> -> memref<1x32768x16xf32, #tpu.memory_space<hbm>>
      %dma_start3A_202 = tpu.memref_squeeze %dma_start3A_201 : memref<1x32768x16xf32, #tpu.memory_space<hbm>> -> memref<32768x16xf32, #tpu.memory_space<hbm>>
      %dma_start3A_203 = arith.constant 0 : i32
      %dma_start3A_204 = arith.constant 0 : i32
      %dma_start3A_205 = tpu.memref_slice %dma_start3A_202[%dma_start3A_203, %dma_start3A_204] : memref<32768x16xf32, #tpu.memory_space<hbm>> -> memref<32768x16xf32, #tpu.memory_space<hbm>>
      tpu.enqueue_indirect_dma source(%dma_start3A_205 : memref<32768x16xf32, #tpu.memory_space<hbm>>) target(%dma_start3A_195 : memref<64x16xf32, #tpu.memory_space<vmem>>) offsets(%dma_start3A_198 : memref<64xi32, #tpu.memory_space<vmem>>) semaphore(%arg18 : memref<!tpu.dma_semaphore, #tpu.memory_space<semaphore_mem>>)
      %scan3A_206 = arith.constant 0 : i32
      scf.yield %scan3A_206 : i32
    }
    %scan3A_57 = arith.constant 26 : i32
    %dma_wait3A_58 = arith.constant 0 : i32
    %dma_wait3A_59 = arith.constant 0 : i32
    %dma_wait3A_60 = arith.constant 0 : i32
    %dma_wait3A_61 = tpu.memref_slice %arg5[%dma_wait3A_58, %dma_wait3A_59, %dma_wait3A_60] : memref<26x32768x16xf32, #tpu.memory_space<hbm>> -> memref<26x64x16xf32, #tpu.memory_space<hbm>>
    %dma_wait3A_62 = arith.constant 0 : i32
    %dma_wait3A_63 = arith.constant 0 : i32
    %dma_wait3A_64 = arith.constant 0 : i32
    %dma_wait3A_65 = tpu.memref_slice %arg5[%dma_wait3A_62, %dma_wait3A_63, %dma_wait3A_64] : memref<26x32768x16xf32, #tpu.memory_space<hbm>> -> memref<26x64x16xf32, #tpu.memory_space<hbm>>
    tpu.wait_dma2 semaphore(%arg19 : memref<!tpu.dma_semaphore, #tpu.memory_space<semaphore_mem>>) src(%dma_wait3A_65 : memref<26x64x16xf32, #tpu.memory_space<hbm>>) dst(%arg13 : memref<26x64x16xf32, #tpu.memory_space<vmem>>)
    %scan3A_66 = arith.constant 0 : i32
    %scan3A_67 = arith.constant 0 : i32
    %scan3A_68 = arith.constant 26 : i32
    %scan3A_69 = arith.addi %scan3A_67, %scan3A_68 : i32
    %scan3A_70 = arith.constant 1 : i32
    %scan3A_71 = scf.for %scan3A_190 = %scan3A_67 to %scan3A_69 step %scan3A_70 iter_args(%scan3A_191 = %scan3A_66) -> (i32)  : i32 {
      %add3A_192 = arith.constant 64 : i32
      %add3A_193 = arith.addi %mul3A_2, %add3A_192 : i32
      %mul3A_194 = arith.constant 16 : i32
      %mul3A_195 = arith.muli %scan3A_190, %mul3A_194 : i32
      %dma_start3A_196 = arith.constant 0 : i32
      %dma_start3A_197 = arith.constant 0 : i32
      %dma_start3A_198 = tpu.memref_slice %arg13[%scan3A_190, %dma_start3A_196, %dma_start3A_197] : memref<26x64x16xf32, #tpu.memory_space<vmem>> -> memref<1x64x16xf32, #tpu.memory_space<vmem>>
      %dma_start3A_199 = tpu.memref_squeeze %dma_start3A_198 : memref<1x64x16xf32, #tpu.memory_space<vmem>> -> memref<64x16xf32, #tpu.memory_space<vmem>>
      %dma_start3A_200 = tpu.memref_slice %arg8[%add3A_193, %mul3A_195] : memref<8192x416xf32, #tpu.memory_space<hbm>> -> memref<64x16xf32, #tpu.memory_space<hbm>>
      %dma_start3A_201 = tpu.memref_slice %arg8[%add3A_193, %mul3A_195] : memref<8192x416xf32, #tpu.memory_space<hbm>> -> memref<64x16xf32, #tpu.memory_space<hbm>>
      %dma_start3A_202 = arith.constant 0 : i32
      %dma_start3A_203 = arith.constant 0 : i32
      %dma_start3A_204 = tpu.memref_slice %arg13[%scan3A_190, %dma_start3A_202, %dma_start3A_203] : memref<26x64x16xf32, #tpu.memory_space<vmem>> -> memref<1x64x16xf32, #tpu.memory_space<vmem>>
      %dma_start3A_205 = tpu.memref_squeeze %dma_start3A_204 : memref<1x64x16xf32, #tpu.memory_space<vmem>> -> memref<64x16xf32, #tpu.memory_space<vmem>>
      tpu.enqueue_dma source(%dma_start3A_205 : memref<64x16xf32, #tpu.memory_space<vmem>>) target(%dma_start3A_201 : memref<64x16xf32, #tpu.memory_space<hbm>>) target_semaphore(%arg21 : memref<!tpu.dma_semaphore, #tpu.memory_space<semaphore_mem>>)
      %scan3A_206 = arith.constant 0 : i32
      scf.yield %scan3A_206 : i32
    }
    %scan3A_72 = arith.constant 26 : i32
    %dma_wait3A_73 = arith.constant 0 : i32
    %dma_wait3A_74 = arith.constant 0 : i32
    %dma_wait3A_75 = arith.constant 0 : i32
    %dma_wait3A_76 = tpu.memref_slice %arg5[%dma_wait3A_73, %dma_wait3A_74, %dma_wait3A_75] : memref<26x32768x16xf32, #tpu.memory_space<hbm>> -> memref<26x64x16xf32, #tpu.memory_space<hbm>>
    %dma_wait3A_77 = arith.constant 0 : i32
    %dma_wait3A_78 = arith.constant 0 : i32
    %dma_wait3A_79 = arith.constant 0 : i32
    %dma_wait3A_80 = tpu.memref_slice %arg5[%dma_wait3A_77, %dma_wait3A_78, %dma_wait3A_79] : memref<26x32768x16xf32, #tpu.memory_space<hbm>> -> memref<26x64x16xf32, #tpu.memory_space<hbm>>
    tpu.wait_dma2 semaphore(%arg21 : memref<!tpu.dma_semaphore, #tpu.memory_space<semaphore_mem>>) src(%dma_wait3A_80 : memref<26x64x16xf32, #tpu.memory_space<hbm>>) dst(%arg13 : memref<26x64x16xf32, #tpu.memory_space<vmem>>)
    %scan3A_81 = arith.constant 0 : i32
    %scan3A_82 = arith.constant 0 : i32
    %scan3A_83 = arith.constant 26 : i32
    %scan3A_84 = arith.addi %scan3A_82, %scan3A_83 : i32
    %scan3A_85 = arith.constant 1 : i32
    %scan3A_86 = scf.for %scan3A_190 = %scan3A_82 to %scan3A_84 step %scan3A_85 iter_args(%scan3A_191 = %scan3A_81) -> (i32)  : i32 {
      %dma_start3A_192 = arith.constant 0 : i32
      %dma_start3A_193 = arith.constant 0 : i32
      %dma_start3A_194 = tpu.memref_slice %arg13[%scan3A_190, %dma_start3A_192, %dma_start3A_193] : memref<26x64x16xf32, #tpu.memory_space<vmem>> -> memref<1x64x16xf32, #tpu.memory_space<vmem>>
      %dma_start3A_195 = tpu.memref_squeeze %dma_start3A_194 : memref<1x64x16xf32, #tpu.memory_space<vmem>> -> memref<64x16xf32, #tpu.memory_space<vmem>>
      %dma_start3A_196 = arith.constant 192 : i32
      %dma_start3A_197 = tpu.memref_slice %arg11[%scan3A_190, %dma_start3A_196] : memref<26x256xi32, #tpu.memory_space<vmem>> -> memref<1x64xi32, #tpu.memory_space<vmem>>
      %dma_start3A_198 = tpu.memref_squeeze %dma_start3A_197 : memref<1x64xi32, #tpu.memory_space<vmem>> -> memref<64xi32, #tpu.memory_space<vmem>>
      %dma_start3A_199 = arith.constant 0 : i32
      %dma_start3A_200 = arith.constant 0 : i32
      %dma_start3A_201 = tpu.memref_slice %arg5[%scan3A_190, %dma_start3A_199, %dma_start3A_200] : memref<26x32768x16xf32, #tpu.memory_space<hbm>> -> memref<1x32768x16xf32, #tpu.memory_space<hbm>>
      %dma_start3A_202 = tpu.memref_squeeze %dma_start3A_201 : memref<1x32768x16xf32, #tpu.memory_space<hbm>> -> memref<32768x16xf32, #tpu.memory_space<hbm>>
      %dma_start3A_203 = arith.constant 0 : i32
      %dma_start3A_204 = arith.constant 0 : i32
      %dma_start3A_205 = tpu.memref_slice %dma_start3A_202[%dma_start3A_203, %dma_start3A_204] : memref<32768x16xf32, #tpu.memory_space<hbm>> -> memref<32768x16xf32, #tpu.memory_space<hbm>>
      tpu.enqueue_indirect_dma source(%dma_start3A_205 : memref<32768x16xf32, #tpu.memory_space<hbm>>) target(%dma_start3A_195 : memref<64x16xf32, #tpu.memory_space<vmem>>) offsets(%dma_start3A_198 : memref<64xi32, #tpu.memory_space<vmem>>) semaphore(%arg19 : memref<!tpu.dma_semaphore, #tpu.memory_space<semaphore_mem>>)
      %scan3A_206 = arith.constant 0 : i32
      scf.yield %scan3A_206 : i32
    }
    %scan3A_87 = arith.constant 26 : i32
    %dma_wait3A_88 = arith.constant 0 : i32
    %dma_wait3A_89 = arith.constant 0 : i32
    %dma_wait3A_90 = arith.constant 0 : i32
    %dma_wait3A_91 = tpu.memref_slice %arg5[%dma_wait3A_88, %dma_wait3A_89, %dma_wait3A_90] : memref<26x32768x16xf32, #tpu.memory_space<hbm>> -> memref<26x64x16xf32, #tpu.memory_space<hbm>>
    %dma_wait3A_92 = arith.constant 0 : i32
    %dma_wait3A_93 = arith.constant 0 : i32
    %dma_wait3A_94 = arith.constant 0 : i32
    %dma_wait3A_95 = tpu.memref_slice %arg5[%dma_wait3A_92, %dma_wait3A_93, %dma_wait3A_94] : memref<26x32768x16xf32, #tpu.memory_space<hbm>> -> memref<26x64x16xf32, #tpu.memory_space<hbm>>
    tpu.wait_dma2 semaphore(%arg18 : memref<!tpu.dma_semaphore, #tpu.memory_space<semaphore_mem>>) src(%dma_wait3A_95 : memref<26x64x16xf32, #tpu.memory_space<hbm>>) dst(%arg12 : memref<26x64x16xf32, #tpu.memory_space<vmem>>)
    %scan3A_96 = arith.constant 0 : i32
    %scan3A_97 = arith.constant 0 : i32
    %scan3A_98 = arith.constant 26 : i32
    %scan3A_99 = arith.addi %scan3A_97, %scan3A_98 : i32
    %scan3A_100 = arith.constant 1 : i32
    %scan3A_101 = scf.for %scan3A_190 = %scan3A_97 to %scan3A_99 step %scan3A_100 iter_args(%scan3A_191 = %scan3A_96) -> (i32)  : i32 {
      %add3A_192 = arith.constant 128 : i32
      %add3A_193 = arith.addi %mul3A_2, %add3A_192 : i32
      %mul3A_194 = arith.constant 16 : i32
      %mul3A_195 = arith.muli %scan3A_190, %mul3A_194 : i32
      %dma_start3A_196 = arith.constant 0 : i32
      %dma_start3A_197 = arith.constant 0 : i32
      %dma_start3A_198 = tpu.memref_slice %arg12[%scan3A_190, %dma_start3A_196, %dma_start3A_197] : memref<26x64x16xf32, #tpu.memory_space<vmem>> -> memref<1x64x16xf32, #tpu.memory_space<vmem>>
      %dma_start3A_199 = tpu.memref_squeeze %dma_start3A_198 : memref<1x64x16xf32, #tpu.memory_space<vmem>> -> memref<64x16xf32, #tpu.memory_space<vmem>>
      %dma_start3A_200 = tpu.memref_slice %arg8[%add3A_193, %mul3A_195] : memref<8192x416xf32, #tpu.memory_space<hbm>> -> memref<64x16xf32, #tpu.memory_space<hbm>>
      %dma_start3A_201 = tpu.memref_slice %arg8[%add3A_193, %mul3A_195] : memref<8192x416xf32, #tpu.memory_space<hbm>> -> memref<64x16xf32, #tpu.memory_space<hbm>>
      %dma_start3A_202 = arith.constant 0 : i32
      %dma_start3A_203 = arith.constant 0 : i32
      %dma_start3A_204 = tpu.memref_slice %arg12[%scan3A_190, %dma_start3A_202, %dma_start3A_203] : memref<26x64x16xf32, #tpu.memory_space<vmem>> -> memref<1x64x16xf32, #tpu.memory_space<vmem>>
      %dma_start3A_205 = tpu.memref_squeeze %dma_start3A_204 : memref<1x64x16xf32, #tpu.memory_space<vmem>> -> memref<64x16xf32, #tpu.memory_space<vmem>>
      tpu.enqueue_dma source(%dma_start3A_205 : memref<64x16xf32, #tpu.memory_space<vmem>>) target(%dma_start3A_201 : memref<64x16xf32, #tpu.memory_space<hbm>>) target_semaphore(%arg20 : memref<!tpu.dma_semaphore, #tpu.memory_space<semaphore_mem>>)
      %scan3A_206 = arith.constant 0 : i32
      scf.yield %scan3A_206 : i32
    }
    %scan3A_102 = arith.constant 26 : i32
    %dma_wait3A_103 = arith.constant 0 : i32
    %dma_wait3A_104 = arith.constant 0 : i32
    %dma_wait3A_105 = arith.constant 0 : i32
    %dma_wait3A_106 = tpu.memref_slice %arg5[%dma_wait3A_103, %dma_wait3A_104, %dma_wait3A_105] : memref<26x32768x16xf32, #tpu.memory_space<hbm>> -> memref<26x64x16xf32, #tpu.memory_space<hbm>>
    %dma_wait3A_107 = arith.constant 0 : i32
    %dma_wait3A_108 = arith.constant 0 : i32
    %dma_wait3A_109 = arith.constant 0 : i32
    %dma_wait3A_110 = tpu.memref_slice %arg5[%dma_wait3A_107, %dma_wait3A_108, %dma_wait3A_109] : memref<26x32768x16xf32, #tpu.memory_space<hbm>> -> memref<26x64x16xf32, #tpu.memory_space<hbm>>
    tpu.wait_dma2 semaphore(%arg20 : memref<!tpu.dma_semaphore, #tpu.memory_space<semaphore_mem>>) src(%dma_wait3A_110 : memref<26x64x16xf32, #tpu.memory_space<hbm>>) dst(%arg12 : memref<26x64x16xf32, #tpu.memory_space<vmem>>)
    %dma_wait3A_111 = arith.constant 0 : i32
    %dma_wait3A_112 = arith.constant 0 : i32
    %dma_wait3A_113 = arith.constant 0 : i32
    %dma_wait3A_114 = tpu.memref_slice %arg5[%dma_wait3A_111, %dma_wait3A_112, %dma_wait3A_113] : memref<26x32768x16xf32, #tpu.memory_space<hbm>> -> memref<26x64x16xf32, #tpu.memory_space<hbm>>
    %dma_wait3A_115 = arith.constant 0 : i32
    %dma_wait3A_116 = arith.constant 0 : i32
    %dma_wait3A_117 = arith.constant 0 : i32
    %dma_wait3A_118 = tpu.memref_slice %arg5[%dma_wait3A_115, %dma_wait3A_116, %dma_wait3A_117] : memref<26x32768x16xf32, #tpu.memory_space<hbm>> -> memref<26x64x16xf32, #tpu.memory_space<hbm>>
    tpu.wait_dma2 semaphore(%arg19 : memref<!tpu.dma_semaphore, #tpu.memory_space<semaphore_mem>>) src(%dma_wait3A_118 : memref<26x64x16xf32, #tpu.memory_space<hbm>>) dst(%arg13 : memref<26x64x16xf32, #tpu.memory_space<vmem>>)
    %scan3A_119 = arith.constant 0 : i32
    %scan3A_120 = arith.constant 0 : i32
    %scan3A_121 = arith.constant 26 : i32
    %scan3A_122 = arith.addi %scan3A_120, %scan3A_121 : i32
    %scan3A_123 = arith.constant 1 : i32
    %scan3A_124 = scf.for %scan3A_190 = %scan3A_120 to %scan3A_122 step %scan3A_123 iter_args(%scan3A_191 = %scan3A_119) -> (i32)  : i32 {
      %add3A_192 = arith.constant 192 : i32
      %add3A_193 = arith.addi %mul3A_2, %add3A_192 : i32
      %mul3A_194 = arith.constant 16 : i32
      %mul3A_195 = arith.muli %scan3A_190, %mul3A_194 : i32
      %dma_start3A_196 = arith.constant 0 : i32
      %dma_start3A_197 = arith.constant 0 : i32
      %dma_start3A_198 = tpu.memref_slice %arg13[%scan3A_190, %dma_start3A_196, %dma_start3A_197] : memref<26x64x16xf32, #tpu.memory_space<vmem>> -> memref<1x64x16xf32, #tpu.memory_space<vmem>>
      %dma_start3A_199 = tpu.memref_squeeze %dma_start3A_198 : memref<1x64x16xf32, #tpu.memory_space<vmem>> -> memref<64x16xf32, #tpu.memory_space<vmem>>
      %dma_start3A_200 = tpu.memref_slice %arg8[%add3A_193, %mul3A_195] : memref<8192x416xf32, #tpu.memory_space<hbm>> -> memref<64x16xf32, #tpu.memory_space<hbm>>
      %dma_start3A_201 = tpu.memref_slice %arg8[%add3A_193, %mul3A_195] : memref<8192x416xf32, #tpu.memory_space<hbm>> -> memref<64x16xf32, #tpu.memory_space<hbm>>
      %dma_start3A_202 = arith.constant 0 : i32
      %dma_start3A_203 = arith.constant 0 : i32
      %dma_start3A_204 = tpu.memref_slice %arg13[%scan3A_190, %dma_start3A_202, %dma_start3A_203] : memref<26x64x16xf32, #tpu.memory_space<vmem>> -> memref<1x64x16xf32, #tpu.memory_space<vmem>>
      %dma_start3A_205 = tpu.memref_squeeze %dma_start3A_204 : memref<1x64x16xf32, #tpu.memory_space<vmem>> -> memref<64x16xf32, #tpu.memory_space<vmem>>
      tpu.enqueue_dma source(%dma_start3A_205 : memref<64x16xf32, #tpu.memory_space<vmem>>) target(%dma_start3A_201 : memref<64x16xf32, #tpu.memory_space<hbm>>) target_semaphore(%arg21 : memref<!tpu.dma_semaphore, #tpu.memory_space<semaphore_mem>>)
      %scan3A_206 = arith.constant 0 : i32
      scf.yield %scan3A_206 : i32
    }
    %scan3A_125 = arith.constant 26 : i32
    %dma_wait3A_126 = arith.constant 0 : i32
    %dma_wait3A_127 = arith.constant 0 : i32
    %dma_wait3A_128 = arith.constant 0 : i32
    %dma_wait3A_129 = tpu.memref_slice %arg5[%dma_wait3A_126, %dma_wait3A_127, %dma_wait3A_128] : memref<26x32768x16xf32, #tpu.memory_space<hbm>> -> memref<26x64x16xf32, #tpu.memory_space<hbm>>
    %dma_wait3A_130 = arith.constant 0 : i32
    %dma_wait3A_131 = arith.constant 0 : i32
    %dma_wait3A_132 = arith.constant 0 : i32
    %dma_wait3A_133 = tpu.memref_slice %arg5[%dma_wait3A_130, %dma_wait3A_131, %dma_wait3A_132] : memref<26x32768x16xf32, #tpu.memory_space<hbm>> -> memref<26x64x16xf32, #tpu.memory_space<hbm>>
    tpu.wait_dma2 semaphore(%arg21 : memref<!tpu.dma_semaphore, #tpu.memory_space<semaphore_mem>>) src(%dma_wait3A_133 : memref<26x64x16xf32, #tpu.memory_space<hbm>>) dst(%arg13 : memref<26x64x16xf32, #tpu.memory_space<vmem>>)
    "tpu.region"() ({
      %run_scoped3A = tpu.sem_alloc : memref<!tpu.dma_semaphore, #tpu.memory_space<semaphore_mem>>
      %dma_start3A_190 = tpu.memref_slice %arg3[%add3A_4] : memref<16384xi32, #tpu.memory_space<hbm>> -> memref<256xi32, #tpu.memory_space<hbm>>
      %dma_start3A_191 = tpu.memref_slice %arg3[%add3A_4] : memref<16384xi32, #tpu.memory_space<hbm>> -> memref<256xi32, #tpu.memory_space<hbm>>
      tpu.enqueue_dma source(%dma_start3A_191 : memref<256xi32, #tpu.memory_space<hbm>>) target(%arg14 : memref<256xi32, #tpu.memory_space<vmem>>) target_semaphore(%run_scoped3A : memref<!tpu.dma_semaphore, #tpu.memory_space<semaphore_mem>>)
      %dma_wait3A_192 = tpu.memref_slice %arg3[%add3A_4] : memref<16384xi32, #tpu.memory_space<hbm>> -> memref<256xi32, #tpu.memory_space<hbm>>
      %dma_wait3A_193 = tpu.memref_slice %arg3[%add3A_4] : memref<16384xi32, #tpu.memory_space<hbm>> -> memref<256xi32, #tpu.memory_space<hbm>>
      tpu.wait_dma2 semaphore(%run_scoped3A : memref<!tpu.dma_semaphore, #tpu.memory_space<semaphore_mem>>) src(%dma_wait3A_193 : memref<256xi32, #tpu.memory_space<hbm>>) dst(%arg14 : memref<256xi32, #tpu.memory_space<vmem>>)
      tpu.yield
    }) : () -> ()
    %scan3A_134 = arith.constant 0 : i32
    %scan3A_135 = arith.constant 0 : i32
    %scan3A_136 = arith.constant 16 : i32
    %scan3A_137 = arith.addi %scan3A_135, %scan3A_136 : i32
    %scan3A_138 = arith.constant 8 : i32
    %scan3A_139 = scf.for %scan3A_190 = %scan3A_135 to %scan3A_137 step %scan3A_138 iter_args(%scan3A_191 = %scan3A_134) -> (i32)  : i32 {
      %mul3A_192 = arith.constant 16 : i32
      %mul3A_193 = arith.muli %scan3A_190, %mul3A_192 : i32
      %get3A = arith.index_cast %mul3A_193 : i32 to index
      %get3A_194 = tpu.vector_load %arg14[%get3A] {strides = array<i32>} : memref<256xi32, #tpu.memory_space<vmem>>, vector<16xi32>,
      %get3A_195 = vector.shape_cast %get3A_194 : vector<16xi32> to vector<16xi32>
      %jit3A = arith.constant 8 : i32
      %div3A = arith.divsi %scan3A_190, %jit3A : i32
      %sign3A = arith.constant 0 : i32
      %sign3A_196 = arith.cmpi sgt, %scan3A_190, %sign3A : i32
      %sign3A_197 = arith.extui %sign3A_196 : i1 to i32
      %sign3A_198 = arith.constant 0 : i32
      %sign3A_199 = arith.cmpi slt, %scan3A_190, %sign3A_198 : i32
      %sign3A_200 = arith.extui %sign3A_199 : i1 to i32
      %sign3A_201 = arith.subi %sign3A_197, %sign3A_200 : i32
      %sign3A_202 = arith.constant 0 : i32
      %sign3A_203 = arith.cmpi sgt, %jit3A, %sign3A_202 : i32
      %sign3A_204 = arith.extui %sign3A_203 : i1 to i32
      %sign3A_205 = arith.constant 0 : i32
      %sign3A_206 = arith.cmpi slt, %jit3A, %sign3A_205 : i32
      %sign3A_207 = arith.extui %sign3A_206 : i1 to i32
      %sign3A_208 = arith.subi %sign3A_204, %sign3A_207 : i32
      %ne3A = arith.cmpi ne, %sign3A_201, %sign3A_208 : i32
      %rem3A = arith.remsi %scan3A_190, %jit3A : i32
      %ne3A_209 = arith.constant 0 : i32
      %ne3A_210 = arith.cmpi ne, %rem3A, %ne3A_209 : i32
      %and3A = arith.andi %ne3A, %ne3A_210 : i1
      %sub3A = arith.constant 1 : i32
      %sub3A_211 = arith.subi %div3A, %sub3A : i32
      %select_n3A = arith.select %and3A, %sub3A_211, %div3A : i32
      %jit3A_212 = arith.constant 8 : i32
      %eq3A = arith.constant 0 : i32
      %eq3A_213 = arith.cmpi eq, %jit3A_212, %eq3A : i32
      %jit3A_214 = arith.constant 1 : i32
      %select_n3A_215 = arith.select %eq3A_213, %jit3A_214, %jit3A_212 : i32
      %rem3A_216 = arith.remsi %scan3A_190, %select_n3A_215 : i32
      %ne3A_217 = arith.constant 0 : i32
      %ne3A_218 = arith.cmpi ne, %rem3A_216, %ne3A_217 : i32
      %lt3A = arith.constant 0 : i32
      %lt3A_219 = arith.cmpi slt, %rem3A_216, %lt3A : i32
      %lt3A_220 = arith.constant 0 : i32
      %lt3A_221 = arith.cmpi slt, %select_n3A_215, %lt3A_220 : i32
      %ne3A_222 = arith.xori %lt3A_219, %lt3A_221 : i1
      %and3A_223 = arith.andi %ne3A_222, %ne3A_218 : i1
      %add3A_224 = arith.addi %rem3A_216, %select_n3A_215 : i32
      %select_n3A_225 = arith.select %and3A_223, %add3A_224, %rem3A_216 : i32
      %mul3A_226 = arith.constant 16 : i32
      %mul3A_227 = arith.muli %select_n3A_225, %mul3A_226 : i32
      %swap3A = arith.index_cast %select_n3A : i32 to index
      %swap3A_228 = arith.index_cast %mul3A_227 : i32 to index
      %swap3A_229 = tpu.vector_load %arg15[%swap3A, %swap3A_228] {strides = array<i32>} : memref<2x128xi32, #tpu.memory_space<vmem>>, vector<1x16xi32>,
      %swap3A_230 = vector.shape_cast %swap3A_229 : vector<1x16xi32> to vector<16xi32>
      %swap3A_231 = vector.shape_cast %get3A_195 : vector<16xi32> to vector<1x16xi32>
      tpu.vector_store %arg15[%swap3A, %swap3A_228], %swap3A_231 {strides = array<i32>} : memref<2x128xi32, #tpu.memory_space<vmem>>, vector<1x16xi32>,
      %scan3A_232 = arith.constant 0 : i32
      %scan3A_233 = arith.constant 1 : i32
      %scan3A_234 = arith.addi %scan3A_190, %scan3A_233 : i32
      %mul3A_235 = arith.constant 16 : i32
      %mul3A_236 = arith.muli %scan3A_234, %mul3A_235 : i32
      %get3A_237 = arith.index_cast %mul3A_236 : i32 to index
      %get3A_238 = tpu.vector_load %arg14[%get3A_237] {strides = array<i32>} : memref<256xi32, #tpu.memory_space<vmem>>, vector<16xi32>,
      %get3A_239 = vector.shape_cast %get3A_238 : vector<16xi32> to vector<16xi32>
      %jit3A_240 = arith.constant 8 : i32
      %div3A_241 = arith.divsi %scan3A_234, %jit3A_240 : i32
      %sign3A_242 = arith.constant 0 : i32
      %sign3A_243 = arith.cmpi sgt, %scan3A_234, %sign3A_242 : i32
      %sign3A_244 = arith.extui %sign3A_243 : i1 to i32
      %sign3A_245 = arith.constant 0 : i32
      %sign3A_246 = arith.cmpi slt, %scan3A_234, %sign3A_245 : i32
      %sign3A_247 = arith.extui %sign3A_246 : i1 to i32
      %sign3A_248 = arith.subi %sign3A_244, %sign3A_247 : i32
      %sign3A_249 = arith.constant 0 : i32
      %sign3A_250 = arith.cmpi sgt, %jit3A_240, %sign3A_249 : i32
      %sign3A_251 = arith.extui %sign3A_250 : i1 to i32
      %sign3A_252 = arith.constant 0 : i32
      %sign3A_253 = arith.cmpi slt, %jit3A_240, %sign3A_252 : i32
      %sign3A_254 = arith.extui %sign3A_253 : i1 to i32
      %sign3A_255 = arith.subi %sign3A_251, %sign3A_254 : i32
      %ne3A_256 = arith.cmpi ne, %sign3A_248, %sign3A_255 : i32
      %rem3A_257 = arith.remsi %scan3A_234, %jit3A_240 : i32
      %ne3A_258 = arith.constant 0 : i32
      %ne3A_259 = arith.cmpi ne, %rem3A_257, %ne3A_258 : i32
      %and3A_260 = arith.andi %ne3A_256, %ne3A_259 : i1
      %sub3A_261 = arith.constant 1 : i32
      %sub3A_262 = arith.subi %div3A_241, %sub3A_261 : i32
      %select_n3A_263 = arith.select %and3A_260, %sub3A_262, %div3A_241 : i32
      %jit3A_264 = arith.constant 8 : i32
      %eq3A_265 = arith.constant 0 : i32
      %eq3A_266 = arith.cmpi eq, %jit3A_264, %eq3A_265 : i32
      %jit3A_267 = arith.constant 1 : i32
      %select_n3A_268 = arith.select %eq3A_266, %jit3A_267, %jit3A_264 : i32
      %rem3A_269 = arith.remsi %scan3A_234, %select_n3A_268 : i32
      %ne3A_270 = arith.constant 0 : i32
      %ne3A_271 = arith.cmpi ne, %rem3A_269, %ne3A_270 : i32
      %lt3A_272 = arith.constant 0 : i32
      %lt3A_273 = arith.cmpi slt, %rem3A_269, %lt3A_272 : i32
      %lt3A_274 = arith.constant 0 : i32
      %lt3A_275 = arith.cmpi slt, %select_n3A_268, %lt3A_274 : i32
      %ne3A_276 = arith.xori %lt3A_273, %lt3A_275 : i1
      %and3A_277 = arith.andi %ne3A_276, %ne3A_271 : i1
      %add3A_278 = arith.addi %rem3A_269, %select_n3A_268 : i32
      %select_n3A_279 = arith.select %and3A_277, %add3A_278, %rem3A_269 : i32
      %mul3A_280 = arith.constant 16 : i32
      %mul3A_281 = arith.muli %select_n3A_279, %mul3A_280 : i32
      %swap3A_282 = arith.index_cast %select_n3A_263 : i32 to index
      %swap3A_283 = arith.index_cast %mul3A_281 : i32 to index
      %swap3A_284 = tpu.vector_load %arg15[%swap3A_282, %swap3A_283] {strides = array<i32>} : memref<2x128xi32, #tpu.memory_space<vmem>>, vector<1x16xi32>,
      %swap3A_285 = vector.shape_cast %swap3A_284 : vector<1x16xi32> to vector<16xi32>
      %swap3A_286 = vector.shape_cast %get3A_239 : vector<16xi32> to vector<1x16xi32>
      tpu.vector_store %arg15[%swap3A_282, %swap3A_283], %swap3A_286 {strides = array<i32>} : memref<2x128xi32, #tpu.memory_space<vmem>>, vector<1x16xi32>,
      %scan3A_287 = arith.constant 0 : i32
      %scan3A_288 = arith.constant 2 : i32
      %scan3A_289 = arith.addi %scan3A_190, %scan3A_288 : i32
      %mul3A_290 = arith.constant 16 : i32
      %mul3A_291 = arith.muli %scan3A_289, %mul3A_290 : i32
      %get3A_292 = arith.index_cast %mul3A_291 : i32 to index
      %get3A_293 = tpu.vector_load %arg14[%get3A_292] {strides = array<i32>} : memref<256xi32, #tpu.memory_space<vmem>>, vector<16xi32>,
      %get3A_294 = vector.shape_cast %get3A_293 : vector<16xi32> to vector<16xi32>
      %jit3A_295 = arith.constant 8 : i32
      %div3A_296 = arith.divsi %scan3A_289, %jit3A_295 : i32
      %sign3A_297 = arith.constant 0 : i32
      %sign3A_298 = arith.cmpi sgt, %scan3A_289, %sign3A_297 : i32
      %sign3A_299 = arith.extui %sign3A_298 : i1 to i32
      %sign3A_300 = arith.constant 0 : i32
      %sign3A_301 = arith.cmpi slt, %scan3A_289, %sign3A_300 : i32
      %sign3A_302 = arith.extui %sign3A_301 : i1 to i32
      %sign3A_303 = arith.subi %sign3A_299, %sign3A_302 : i32
      %sign3A_304 = arith.constant 0 : i32
      %sign3A_305 = arith.cmpi sgt, %jit3A_295, %sign3A_304 : i32
      %sign3A_306 = arith.extui %sign3A_305 : i1 to i32
      %sign3A_307 = arith.constant 0 : i32
      %sign3A_308 = arith.cmpi slt, %jit3A_295, %sign3A_307 : i32
      %sign3A_309 = arith.extui %sign3A_308 : i1 to i32
      %sign3A_310 = arith.subi %sign3A_306, %sign3A_309 : i32
      %ne3A_311 = arith.cmpi ne, %sign3A_303, %sign3A_310 : i32
      %rem3A_312 = arith.remsi %scan3A_289, %jit3A_295 : i32
      %ne3A_313 = arith.constant 0 : i32
      %ne3A_314 = arith.cmpi ne, %rem3A_312, %ne3A_313 : i32
      %and3A_315 = arith.andi %ne3A_311, %ne3A_314 : i1
      %sub3A_316 = arith.constant 1 : i32
      %sub3A_317 = arith.subi %div3A_296, %sub3A_316 : i32
      %select_n3A_318 = arith.select %and3A_315, %sub3A_317, %div3A_296 : i32
      %jit3A_319 = arith.constant 8 : i32
      %eq3A_320 = arith.constant 0 : i32
      %eq3A_321 = arith.cmpi eq, %jit3A_319, %eq3A_320 : i32
      %jit3A_322 = arith.constant 1 : i32
      %select_n3A_323 = arith.select %eq3A_321, %jit3A_322, %jit3A_319 : i32
      %rem3A_324 = arith.remsi %scan3A_289, %select_n3A_323 : i32
      %ne3A_325 = arith.constant 0 : i32
      %ne3A_326 = arith.cmpi ne, %rem3A_324, %ne3A_325 : i32
      %lt3A_327 = arith.constant 0 : i32
      %lt3A_328 = arith.cmpi slt, %rem3A_324, %lt3A_327 : i32
      %lt3A_329 = arith.constant 0 : i32
      %lt3A_330 = arith.cmpi slt, %select_n3A_323, %lt3A_329 : i32
      %ne3A_331 = arith.xori %lt3A_328, %lt3A_330 : i1
      %and3A_332 = arith.andi %ne3A_331, %ne3A_326 : i1
      %add3A_333 = arith.addi %rem3A_324, %select_n3A_323 : i32
      %select_n3A_334 = arith.select %and3A_332, %add3A_333, %rem3A_324 : i32
      %mul3A_335 = arith.constant 16 : i32
      %mul3A_336 = arith.muli %select_n3A_334, %mul3A_335 : i32
      %swap3A_337 = arith.index_cast %select_n3A_318 : i32 to index
      %swap3A_338 = arith.index_cast %mul3A_336 : i32 to index
      %swap3A_339 = tpu.vector_load %arg15[%swap3A_337, %swap3A_338] {strides = array<i32>} : memref<2x128xi32, #tpu.memory_space<vmem>>, vector<1x16xi32>,
      %swap3A_340 = vector.shape_cast %swap3A_339 : vector<1x16xi32> to vector<16xi32>
      %swap3A_341 = vector.shape_cast %get3A_294 : vector<16xi32> to vector<1x16xi32>
      tpu.vector_store %arg15[%swap3A_337, %swap3A_338], %swap3A_341 {strides = array<i32>} : memref<2x128xi32, #tpu.memory_space<vmem>>, vector<1x16xi32>,
      %scan3A_342 = arith.constant 0 : i32
      %scan3A_343 = arith.constant 3 : i32
      %scan3A_344 = arith.addi %scan3A_190, %scan3A_343 : i32
      %mul3A_345 = arith.constant 16 : i32
      %mul3A_346 = arith.muli %scan3A_344, %mul3A_345 : i32
      %get3A_347 = arith.index_cast %mul3A_346 : i32 to index
      %get3A_348 = tpu.vector_load %arg14[%get3A_347] {strides = array<i32>} : memref<256xi32, #tpu.memory_space<vmem>>, vector<16xi32>,
      %get3A_349 = vector.shape_cast %get3A_348 : vector<16xi32> to vector<16xi32>
      %jit3A_350 = arith.constant 8 : i32
      %div3A_351 = arith.divsi %scan3A_344, %jit3A_350 : i32
      %sign3A_352 = arith.constant 0 : i32
      %sign3A_353 = arith.cmpi sgt, %scan3A_344, %sign3A_352 : i32
      %sign3A_354 = arith.extui %sign3A_353 : i1 to i32
      %sign3A_355 = arith.constant 0 : i32
      %sign3A_356 = arith.cmpi slt, %scan3A_344, %sign3A_355 : i32
      %sign3A_357 = arith.extui %sign3A_356 : i1 to i32
      %sign3A_358 = arith.subi %sign3A_354, %sign3A_357 : i32
      %sign3A_359 = arith.constant 0 : i32
      %sign3A_360 = arith.cmpi sgt, %jit3A_350, %sign3A_359 : i32
      %sign3A_361 = arith.extui %sign3A_360 : i1 to i32
      %sign3A_362 = arith.constant 0 : i32
      %sign3A_363 = arith.cmpi slt, %jit3A_350, %sign3A_362 : i32
      %sign3A_364 = arith.extui %sign3A_363 : i1 to i32
      %sign3A_365 = arith.subi %sign3A_361, %sign3A_364 : i32
      %ne3A_366 = arith.cmpi ne, %sign3A_358, %sign3A_365 : i32
      %rem3A_367 = arith.remsi %scan3A_344, %jit3A_350 : i32
      %ne3A_368 = arith.constant 0 : i32
      %ne3A_369 = arith.cmpi ne, %rem3A_367, %ne3A_368 : i32
      %and3A_370 = arith.andi %ne3A_366, %ne3A_369 : i1
      %sub3A_371 = arith.constant 1 : i32
      %sub3A_372 = arith.subi %div3A_351, %sub3A_371 : i32
      %select_n3A_373 = arith.select %and3A_370, %sub3A_372, %div3A_351 : i32
      %jit3A_374 = arith.constant 8 : i32
      %eq3A_375 = arith.constant 0 : i32
      %eq3A_376 = arith.cmpi eq, %jit3A_374, %eq3A_375 : i32
      %jit3A_377 = arith.constant 1 : i32
      %select_n3A_378 = arith.select %eq3A_376, %jit3A_377, %jit3A_374 : i32
      %rem3A_379 = arith.remsi %scan3A_344, %select_n3A_378 : i32
      %ne3A_380 = arith.constant 0 : i32
      %ne3A_381 = arith.cmpi ne, %rem3A_379, %ne3A_380 : i32
      %lt3A_382 = arith.constant 0 : i32
      %lt3A_383 = arith.cmpi slt, %rem3A_379, %lt3A_382 : i32
      %lt3A_384 = arith.constant 0 : i32
      %lt3A_385 = arith.cmpi slt, %select_n3A_378, %lt3A_384 : i32
      %ne3A_386 = arith.xori %lt3A_383, %lt3A_385 : i1
      %and3A_387 = arith.andi %ne3A_386, %ne3A_381 : i1
      %add3A_388 = arith.addi %rem3A_379, %select_n3A_378 : i32
      %select_n3A_389 = arith.select %and3A_387, %add3A_388, %rem3A_379 : i32
      %mul3A_390 = arith.constant 16 : i32
      %mul3A_391 = arith.muli %select_n3A_389, %mul3A_390 : i32
      %swap3A_392 = arith.index_cast %select_n3A_373 : i32 to index
      %swap3A_393 = arith.index_cast %mul3A_391 : i32 to index
      %swap3A_394 = tpu.vector_load %arg15[%swap3A_392, %swap3A_393] {strides = array<i32>} : memref<2x128xi32, #tpu.memory_space<vmem>>, vector<1x16xi32>,
      %swap3A_395 = vector.shape_cast %swap3A_394 : vector<1x16xi32> to vector<16xi32>
      %swap3A_396 = vector.shape_cast %get3A_349 : vector<16xi32> to vector<1x16xi32>
      tpu.vector_store %arg15[%swap3A_392, %swap3A_393], %swap3A_396 {strides = array<i32>} : memref<2x128xi32, #tpu.memory_space<vmem>>, vector<1x16xi32>,
      %scan3A_397 = arith.constant 0 : i32
      %scan3A_398 = arith.constant 4 : i32
      %scan3A_399 = arith.addi %scan3A_190, %scan3A_398 : i32
      %mul3A_400 = arith.constant 16 : i32
      %mul3A_401 = arith.muli %scan3A_399, %mul3A_400 : i32
      %get3A_402 = arith.index_cast %mul3A_401 : i32 to index
      %get3A_403 = tpu.vector_load %arg14[%get3A_402] {strides = array<i32>} : memref<256xi32, #tpu.memory_space<vmem>>, vector<16xi32>,
      %get3A_404 = vector.shape_cast %get3A_403 : vector<16xi32> to vector<16xi32>
      %jit3A_405 = arith.constant 8 : i32
      %div3A_406 = arith.divsi %scan3A_399, %jit3A_405 : i32
      %sign3A_407 = arith.constant 0 : i32
      %sign3A_408 = arith.cmpi sgt, %scan3A_399, %sign3A_407 : i32
      %sign3A_409 = arith.extui %sign3A_408 : i1 to i32
      %sign3A_410 = arith.constant 0 : i32
      %sign3A_411 = arith.cmpi slt, %scan3A_399, %sign3A_410 : i32
      %sign3A_412 = arith.extui %sign3A_411 : i1 to i32
      %sign3A_413 = arith.subi %sign3A_409, %sign3A_412 : i32
      %sign3A_414 = arith.constant 0 : i32
      %sign3A_415 = arith.cmpi sgt, %jit3A_405, %sign3A_414 : i32
      %sign3A_416 = arith.extui %sign3A_415 : i1 to i32
      %sign3A_417 = arith.constant 0 : i32
      %sign3A_418 = arith.cmpi slt, %jit3A_405, %sign3A_417 : i32
      %sign3A_419 = arith.extui %sign3A_418 : i1 to i32
      %sign3A_420 = arith.subi %sign3A_416, %sign3A_419 : i32
      %ne3A_421 = arith.cmpi ne, %sign3A_413, %sign3A_420 : i32
      %rem3A_422 = arith.remsi %scan3A_399, %jit3A_405 : i32
      %ne3A_423 = arith.constant 0 : i32
      %ne3A_424 = arith.cmpi ne, %rem3A_422, %ne3A_423 : i32
      %and3A_425 = arith.andi %ne3A_421, %ne3A_424 : i1
      %sub3A_426 = arith.constant 1 : i32
      %sub3A_427 = arith.subi %div3A_406, %sub3A_426 : i32
      %select_n3A_428 = arith.select %and3A_425, %sub3A_427, %div3A_406 : i32
      %jit3A_429 = arith.constant 8 : i32
      %eq3A_430 = arith.constant 0 : i32
      %eq3A_431 = arith.cmpi eq, %jit3A_429, %eq3A_430 : i32
      %jit3A_432 = arith.constant 1 : i32
      %select_n3A_433 = arith.select %eq3A_431, %jit3A_432, %jit3A_429 : i32
      %rem3A_434 = arith.remsi %scan3A_399, %select_n3A_433 : i32
      %ne3A_435 = arith.constant 0 : i32
      %ne3A_436 = arith.cmpi ne, %rem3A_434, %ne3A_435 : i32
      %lt3A_437 = arith.constant 0 : i32
      %lt3A_438 = arith.cmpi slt, %rem3A_434, %lt3A_437 : i32
      %lt3A_439 = arith.constant 0 : i32
      %lt3A_440 = arith.cmpi slt, %select_n3A_433, %lt3A_439 : i32
      %ne3A_441 = arith.xori %lt3A_438, %lt3A_440 : i1
      %and3A_442 = arith.andi %ne3A_441, %ne3A_436 : i1
      %add3A_443 = arith.addi %rem3A_434, %select_n3A_433 : i32
      %select_n3A_444 = arith.select %and3A_442, %add3A_443, %rem3A_434 : i32
      %mul3A_445 = arith.constant 16 : i32
      %mul3A_446 = arith.muli %select_n3A_444, %mul3A_445 : i32
      %swap3A_447 = arith.index_cast %select_n3A_428 : i32 to index
      %swap3A_448 = arith.index_cast %mul3A_446 : i32 to index
      %swap3A_449 = tpu.vector_load %arg15[%swap3A_447, %swap3A_448] {strides = array<i32>} : memref<2x128xi32, #tpu.memory_space<vmem>>, vector<1x16xi32>,
      %swap3A_450 = vector.shape_cast %swap3A_449 : vector<1x16xi32> to vector<16xi32>
      %swap3A_451 = vector.shape_cast %get3A_404 : vector<16xi32> to vector<1x16xi32>
      tpu.vector_store %arg15[%swap3A_447, %swap3A_448], %swap3A_451 {strides = array<i32>} : memref<2x128xi32, #tpu.memory_space<vmem>>, vector<1x16xi32>,
      %scan3A_452 = arith.constant 0 : i32
      %scan3A_453 = arith.constant 5 : i32
      %scan3A_454 = arith.addi %scan3A_190, %scan3A_453 : i32
      %mul3A_455 = arith.constant 16 : i32
      %mul3A_456 = arith.muli %scan3A_454, %mul3A_455 : i32
      %get3A_457 = arith.index_cast %mul3A_456 : i32 to index
      %get3A_458 = tpu.vector_load %arg14[%get3A_457] {strides = array<i32>} : memref<256xi32, #tpu.memory_space<vmem>>, vector<16xi32>,
      %get3A_459 = vector.shape_cast %get3A_458 : vector<16xi32> to vector<16xi32>
      %jit3A_460 = arith.constant 8 : i32
      %div3A_461 = arith.divsi %scan3A_454, %jit3A_460 : i32
      %sign3A_462 = arith.constant 0 : i32
      %sign3A_463 = arith.cmpi sgt, %scan3A_454, %sign3A_462 : i32
      %sign3A_464 = arith.extui %sign3A_463 : i1 to i32
      %sign3A_465 = arith.constant 0 : i32
      %sign3A_466 = arith.cmpi slt, %scan3A_454, %sign3A_465 : i32
      %sign3A_467 = arith.extui %sign3A_466 : i1 to i32
      %sign3A_468 = arith.subi %sign3A_464, %sign3A_467 : i32
      %sign3A_469 = arith.constant 0 : i32
      %sign3A_470 = arith.cmpi sgt, %jit3A_460, %sign3A_469 : i32
      %sign3A_471 = arith.extui %sign3A_470 : i1 to i32
      %sign3A_472 = arith.constant 0 : i32
      %sign3A_473 = arith.cmpi slt, %jit3A_460, %sign3A_472 : i32
      %sign3A_474 = arith.extui %sign3A_473 : i1 to i32
      %sign3A_475 = arith.subi %sign3A_471, %sign3A_474 : i32
      %ne3A_476 = arith.cmpi ne, %sign3A_468, %sign3A_475 : i32
      %rem3A_477 = arith.remsi %scan3A_454, %jit3A_460 : i32
      %ne3A_478 = arith.constant 0 : i32
      %ne3A_479 = arith.cmpi ne, %rem3A_477, %ne3A_478 : i32
      %and3A_480 = arith.andi %ne3A_476, %ne3A_479 : i1
      %sub3A_481 = arith.constant 1 : i32
      %sub3A_482 = arith.subi %div3A_461, %sub3A_481 : i32
      %select_n3A_483 = arith.select %and3A_480, %sub3A_482, %div3A_461 : i32
      %jit3A_484 = arith.constant 8 : i32
      %eq3A_485 = arith.constant 0 : i32
      %eq3A_486 = arith.cmpi eq, %jit3A_484, %eq3A_485 : i32
      %jit3A_487 = arith.constant 1 : i32
      %select_n3A_488 = arith.select %eq3A_486, %jit3A_487, %jit3A_484 : i32
      %rem3A_489 = arith.remsi %scan3A_454, %select_n3A_488 : i32
      %ne3A_490 = arith.constant 0 : i32
      %ne3A_491 = arith.cmpi ne, %rem3A_489, %ne3A_490 : i32
      %lt3A_492 = arith.constant 0 : i32
      %lt3A_493 = arith.cmpi slt, %rem3A_489, %lt3A_492 : i32
      %lt3A_494 = arith.constant 0 : i32
      %lt3A_495 = arith.cmpi slt, %select_n3A_488, %lt3A_494 : i32
      %ne3A_496 = arith.xori %lt3A_493, %lt3A_495 : i1
      %and3A_497 = arith.andi %ne3A_496, %ne3A_491 : i1
      %add3A_498 = arith.addi %rem3A_489, %select_n3A_488 : i32
      %select_n3A_499 = arith.select %and3A_497, %add3A_498, %rem3A_489 : i32
      %mul3A_500 = arith.constant 16 : i32
      %mul3A_501 = arith.muli %select_n3A_499, %mul3A_500 : i32
      %swap3A_502 = arith.index_cast %select_n3A_483 : i32 to index
      %swap3A_503 = arith.index_cast %mul3A_501 : i32 to index
      %swap3A_504 = tpu.vector_load %arg15[%swap3A_502, %swap3A_503] {strides = array<i32>} : memref<2x128xi32, #tpu.memory_space<vmem>>, vector<1x16xi32>,
      %swap3A_505 = vector.shape_cast %swap3A_504 : vector<1x16xi32> to vector<16xi32>
      %swap3A_506 = vector.shape_cast %get3A_459 : vector<16xi32> to vector<1x16xi32>
      tpu.vector_store %arg15[%swap3A_502, %swap3A_503], %swap3A_506 {strides = array<i32>} : memref<2x128xi32, #tpu.memory_space<vmem>>, vector<1x16xi32>,
      %scan3A_507 = arith.constant 0 : i32
      %scan3A_508 = arith.constant 6 : i32
      %scan3A_509 = arith.addi %scan3A_190, %scan3A_508 : i32
      %mul3A_510 = arith.constant 16 : i32
      %mul3A_511 = arith.muli %scan3A_509, %mul3A_510 : i32
      %get3A_512 = arith.index_cast %mul3A_511 : i32 to index
      %get3A_513 = tpu.vector_load %arg14[%get3A_512] {strides = array<i32>} : memref<256xi32, #tpu.memory_space<vmem>>, vector<16xi32>,
      %get3A_514 = vector.shape_cast %get3A_513 : vector<16xi32> to vector<16xi32>
      %jit3A_515 = arith.constant 8 : i32
      %div3A_516 = arith.divsi %scan3A_509, %jit3A_515 : i32
      %sign3A_517 = arith.constant 0 : i32
      %sign3A_518 = arith.cmpi sgt, %scan3A_509, %sign3A_517 : i32
      %sign3A_519 = arith.extui %sign3A_518 : i1 to i32
      %sign3A_520 = arith.constant 0 : i32
      %sign3A_521 = arith.cmpi slt, %scan3A_509, %sign3A_520 : i32
      %sign3A_522 = arith.extui %sign3A_521 : i1 to i32
      %sign3A_523 = arith.subi %sign3A_519, %sign3A_522 : i32
      %sign3A_524 = arith.constant 0 : i32
      %sign3A_525 = arith.cmpi sgt, %jit3A_515, %sign3A_524 : i32
      %sign3A_526 = arith.extui %sign3A_525 : i1 to i32
      %sign3A_527 = arith.constant 0 : i32
      %sign3A_528 = arith.cmpi slt, %jit3A_515, %sign3A_527 : i32
      %sign3A_529 = arith.extui %sign3A_528 : i1 to i32
      %sign3A_530 = arith.subi %sign3A_526, %sign3A_529 : i32
      %ne3A_531 = arith.cmpi ne, %sign3A_523, %sign3A_530 : i32
      %rem3A_532 = arith.remsi %scan3A_509, %jit3A_515 : i32
      %ne3A_533 = arith.constant 0 : i32
      %ne3A_534 = arith.cmpi ne, %rem3A_532, %ne3A_533 : i32
      %and3A_535 = arith.andi %ne3A_531, %ne3A_534 : i1
      %sub3A_536 = arith.constant 1 : i32
      %sub3A_537 = arith.subi %div3A_516, %sub3A_536 : i32
      %select_n3A_538 = arith.select %and3A_535, %sub3A_537, %div3A_516 : i32
      %jit3A_539 = arith.constant 8 : i32
      %eq3A_540 = arith.constant 0 : i32
      %eq3A_541 = arith.cmpi eq, %jit3A_539, %eq3A_540 : i32
      %jit3A_542 = arith.constant 1 : i32
      %select_n3A_543 = arith.select %eq3A_541, %jit3A_542, %jit3A_539 : i32
      %rem3A_544 = arith.remsi %scan3A_509, %select_n3A_543 : i32
      %ne3A_545 = arith.constant 0 : i32
      %ne3A_546 = arith.cmpi ne, %rem3A_544, %ne3A_545 : i32
      %lt3A_547 = arith.constant 0 : i32
      %lt3A_548 = arith.cmpi slt, %rem3A_544, %lt3A_547 : i32
      %lt3A_549 = arith.constant 0 : i32
      %lt3A_550 = arith.cmpi slt, %select_n3A_543, %lt3A_549 : i32
      %ne3A_551 = arith.xori %lt3A_548, %lt3A_550 : i1
      %and3A_552 = arith.andi %ne3A_551, %ne3A_546 : i1
      %add3A_553 = arith.addi %rem3A_544, %select_n3A_543 : i32
      %select_n3A_554 = arith.select %and3A_552, %add3A_553, %rem3A_544 : i32
      %mul3A_555 = arith.constant 16 : i32
      %mul3A_556 = arith.muli %select_n3A_554, %mul3A_555 : i32
      %swap3A_557 = arith.index_cast %select_n3A_538 : i32 to index
      %swap3A_558 = arith.index_cast %mul3A_556 : i32 to index
      %swap3A_559 = tpu.vector_load %arg15[%swap3A_557, %swap3A_558] {strides = array<i32>} : memref<2x128xi32, #tpu.memory_space<vmem>>, vector<1x16xi32>,
      %swap3A_560 = vector.shape_cast %swap3A_559 : vector<1x16xi32> to vector<16xi32>
      %swap3A_561 = vector.shape_cast %get3A_514 : vector<16xi32> to vector<1x16xi32>
      tpu.vector_store %arg15[%swap3A_557, %swap3A_558], %swap3A_561 {strides = array<i32>} : memref<2x128xi32, #tpu.memory_space<vmem>>, vector<1x16xi32>,
      %scan3A_562 = arith.constant 0 : i32
      %scan3A_563 = arith.constant 7 : i32
      %scan3A_564 = arith.addi %scan3A_190, %scan3A_563 : i32
      %mul3A_565 = arith.constant 16 : i32
      %mul3A_566 = arith.muli %scan3A_564, %mul3A_565 : i32
      %get3A_567 = arith.index_cast %mul3A_566 : i32 to index
      %get3A_568 = tpu.vector_load %arg14[%get3A_567] {strides = array<i32>} : memref<256xi32, #tpu.memory_space<vmem>>, vector<16xi32>,
      %get3A_569 = vector.shape_cast %get3A_568 : vector<16xi32> to vector<16xi32>
      %jit3A_570 = arith.constant 8 : i32
      %div3A_571 = arith.divsi %scan3A_564, %jit3A_570 : i32
      %sign3A_572 = arith.constant 0 : i32
      %sign3A_573 = arith.cmpi sgt, %scan3A_564, %sign3A_572 : i32
      %sign3A_574 = arith.extui %sign3A_573 : i1 to i32
      %sign3A_575 = arith.constant 0 : i32
      %sign3A_576 = arith.cmpi slt, %scan3A_564, %sign3A_575 : i32
      %sign3A_577 = arith.extui %sign3A_576 : i1 to i32
      %sign3A_578 = arith.subi %sign3A_574, %sign3A_577 : i32
      %sign3A_579 = arith.constant 0 : i32
      %sign3A_580 = arith.cmpi sgt, %jit3A_570, %sign3A_579 : i32
      %sign3A_581 = arith.extui %sign3A_580 : i1 to i32
      %sign3A_582 = arith.constant 0 : i32
      %sign3A_583 = arith.cmpi slt, %jit3A_570, %sign3A_582 : i32
      %sign3A_584 = arith.extui %sign3A_583 : i1 to i32
      %sign3A_585 = arith.subi %sign3A_581, %sign3A_584 : i32
      %ne3A_586 = arith.cmpi ne, %sign3A_578, %sign3A_585 : i32
      %rem3A_587 = arith.remsi %scan3A_564, %jit3A_570 : i32
      %ne3A_588 = arith.constant 0 : i32
      %ne3A_589 = arith.cmpi ne, %rem3A_587, %ne3A_588 : i32
      %and3A_590 = arith.andi %ne3A_586, %ne3A_589 : i1
      %sub3A_591 = arith.constant 1 : i32
      %sub3A_592 = arith.subi %div3A_571, %sub3A_591 : i32
      %select_n3A_593 = arith.select %and3A_590, %sub3A_592, %div3A_571 : i32
      %jit3A_594 = arith.constant 8 : i32
      %eq3A_595 = arith.constant 0 : i32
      %eq3A_596 = arith.cmpi eq, %jit3A_594, %eq3A_595 : i32
      %jit3A_597 = arith.constant 1 : i32
      %select_n3A_598 = arith.select %eq3A_596, %jit3A_597, %jit3A_594 : i32
      %rem3A_599 = arith.remsi %scan3A_564, %select_n3A_598 : i32
      %ne3A_600 = arith.constant 0 : i32
      %ne3A_601 = arith.cmpi ne, %rem3A_599, %ne3A_600 : i32
      %lt3A_602 = arith.constant 0 : i32
      %lt3A_603 = arith.cmpi slt, %rem3A_599, %lt3A_602 : i32
      %lt3A_604 = arith.constant 0 : i32
      %lt3A_605 = arith.cmpi slt, %select_n3A_598, %lt3A_604 : i32
      %ne3A_606 = arith.xori %lt3A_603, %lt3A_605 : i1
      %and3A_607 = arith.andi %ne3A_606, %ne3A_601 : i1
      %add3A_608 = arith.addi %rem3A_599, %select_n3A_598 : i32
      %select_n3A_609 = arith.select %and3A_607, %add3A_608, %rem3A_599 : i32
      %mul3A_610 = arith.constant 16 : i32
      %mul3A_611 = arith.muli %select_n3A_609, %mul3A_610 : i32
      %swap3A_612 = arith.index_cast %select_n3A_593 : i32 to index
      %swap3A_613 = arith.index_cast %mul3A_611 : i32 to index
      %swap3A_614 = tpu.vector_load %arg15[%swap3A_612, %swap3A_613] {strides = array<i32>} : memref<2x128xi32, #tpu.memory_space<vmem>>, vector<1x16xi32>,
      %swap3A_615 = vector.shape_cast %swap3A_614 : vector<1x16xi32> to vector<16xi32>
      %swap3A_616 = vector.shape_cast %get3A_569 : vector<16xi32> to vector<1x16xi32>
      tpu.vector_store %arg15[%swap3A_612, %swap3A_613], %swap3A_616 {strides = array<i32>} : memref<2x128xi32, #tpu.memory_space<vmem>>, vector<1x16xi32>,
      %scan3A_617 = arith.constant 0 : i32
      scf.yield %scan3A_617 : i32
    }
    %scan3A_140 = arith.constant 16 : i32
    %scan3A_141 = arith.constant 0 : i32
    %scan3A_142 = arith.constant 0 : i32
    %scan3A_143 = arith.constant 2 : i32
    %scan3A_144 = arith.addi %scan3A_142, %scan3A_143 : i32
    %scan3A_145 = arith.constant 1 : i32
    %scan3A_146 = scf.for %scan3A_190 = %scan3A_142 to %scan3A_144 step %scan3A_145 iter_args(%scan3A_191 = %scan3A_141) -> (i32)  : i32 {
      %mul3A_192 = arith.constant 128 : i32
      %mul3A_193 = arith.muli %scan3A_190, %mul3A_192 : i32
      %dma_start3A_194 = arith.constant 0 : i32
      %dma_start3A_195 = tpu.memref_slice %arg16[%mul3A_193, %dma_start3A_194] : memref<256x32xf32, #tpu.memory_space<vmem>> -> memref<128x32xf32, #tpu.memory_space<vmem>>
      %dma_start3A_196 = arith.constant 0 : i32
      %dma_start3A_197 = tpu.memref_slice %arg15[%scan3A_190, %dma_start3A_196] : memref<2x128xi32, #tpu.memory_space<vmem>> -> memref<1x128xi32, #tpu.memory_space<vmem>>
      %dma_start3A_198 = tpu.memref_squeeze %dma_start3A_197 : memref<1x128xi32, #tpu.memory_space<vmem>> -> memref<128xi32, #tpu.memory_space<vmem>>
      %dma_start3A_199 = arith.constant 0 : i32
      %dma_start3A_200 = arith.constant 0 : i32
      %dma_start3A_201 = tpu.memref_slice %arg6[%dma_start3A_199, %dma_start3A_200] : memref<4096x32xf32, #tpu.memory_space<hbm>> -> memref<4096x32xf32, #tpu.memory_space<hbm>>
      tpu.enqueue_indirect_dma source(%dma_start3A_201 : memref<4096x32xf32, #tpu.memory_space<hbm>>) target(%dma_start3A_195 : memref<128x32xf32, #tpu.memory_space<vmem>>) offsets(%dma_start3A_198 : memref<128xi32, #tpu.memory_space<vmem>>) semaphore(%arg18 : memref<!tpu.dma_semaphore, #tpu.memory_space<semaphore_mem>>)
      %scan3A_202 = arith.constant 0 : i32
      scf.yield %scan3A_202 : i32
    }
    %scan3A_147 = arith.constant 2 : i32
    %dma_wait3A_148 = arith.constant 0 : i32
    %dma_wait3A_149 = arith.constant 0 : i32
    %dma_wait3A_150 = tpu.memref_slice %arg6[%dma_wait3A_148, %dma_wait3A_149] : memref<4096x32xf32, #tpu.memory_space<hbm>> -> memref<256x32xf32, #tpu.memory_space<hbm>>
    %dma_wait3A_151 = arith.constant 0 : i32
    %dma_wait3A_152 = arith.constant 0 : i32
    %dma_wait3A_153 = tpu.memref_slice %arg6[%dma_wait3A_151, %dma_wait3A_152] : memref<4096x32xf32, #tpu.memory_space<hbm>> -> memref<256x32xf32, #tpu.memory_space<hbm>>
    tpu.wait_dma2 semaphore(%arg18 : memref<!tpu.dma_semaphore, #tpu.memory_space<semaphore_mem>>) src(%dma_wait3A_153 : memref<256x32xf32, #tpu.memory_space<hbm>>) dst(%arg16 : memref<256x32xf32, #tpu.memory_space<vmem>>)
    %dma_start3A = arith.constant 0 : i32
    %dma_start3A_154 = tpu.memref_slice %arg9[%mul3A_2, %dma_start3A] : memref<8192x32xf32, #tpu.memory_space<hbm>> -> memref<256x32xf32, #tpu.memory_space<hbm>>
    %dma_start3A_155 = arith.constant 0 : i32
    %dma_start3A_156 = tpu.memref_slice %arg9[%mul3A_2, %dma_start3A_155] : memref<8192x32xf32, #tpu.memory_space<hbm>> -> memref<256x32xf32, #tpu.memory_space<hbm>>
    tpu.enqueue_dma source(%arg16 : memref<256x32xf32, #tpu.memory_space<vmem>>) target(%dma_start3A_156 : memref<256x32xf32, #tpu.memory_space<hbm>>) target_semaphore(%arg20 : memref<!tpu.dma_semaphore, #tpu.memory_space<semaphore_mem>>)
    "tpu.region"() ({
      %run_scoped3A = tpu.sem_alloc : memref<!tpu.dma_semaphore, #tpu.memory_space<semaphore_mem>>
      %dma_start3A_190 = tpu.memref_slice %arg4[%add3A_4] : memref<16384xi32, #tpu.memory_space<hbm>> -> memref<256xi32, #tpu.memory_space<hbm>>
      %dma_start3A_191 = tpu.memref_slice %arg4[%add3A_4] : memref<16384xi32, #tpu.memory_space<hbm>> -> memref<256xi32, #tpu.memory_space<hbm>>
      tpu.enqueue_dma source(%dma_start3A_191 : memref<256xi32, #tpu.memory_space<hbm>>) target(%arg14 : memref<256xi32, #tpu.memory_space<vmem>>) target_semaphore(%run_scoped3A : memref<!tpu.dma_semaphore, #tpu.memory_space<semaphore_mem>>)
      %dma_wait3A_192 = tpu.memref_slice %arg4[%add3A_4] : memref<16384xi32, #tpu.memory_space<hbm>> -> memref<256xi32, #tpu.memory_space<hbm>>
      %dma_wait3A_193 = tpu.memref_slice %arg4[%add3A_4] : memref<16384xi32, #tpu.memory_space<hbm>> -> memref<256xi32, #tpu.memory_space<hbm>>
      tpu.wait_dma2 semaphore(%run_scoped3A : memref<!tpu.dma_semaphore, #tpu.memory_space<semaphore_mem>>) src(%dma_wait3A_193 : memref<256xi32, #tpu.memory_space<hbm>>) dst(%arg14 : memref<256xi32, #tpu.memory_space<vmem>>)
      tpu.yield
    }) : () -> ()
    %scan3A_157 = arith.constant 0 : i32
    %scan3A_158 = arith.constant 0 : i32
    %scan3A_159 = arith.constant 16 : i32
    %scan3A_160 = arith.addi %scan3A_158, %scan3A_159 : i32
    %scan3A_161 = arith.constant 8 : i32
    %scan3A_162 = scf.for %scan3A_190 = %scan3A_158 to %scan3A_160 step %scan3A_161 iter_args(%scan3A_191 = %scan3A_157) -> (i32)  : i32 {
      %mul3A_192 = arith.constant 16 : i32
      %mul3A_193 = arith.muli %scan3A_190, %mul3A_192 : i32
      %get3A = arith.index_cast %mul3A_193 : i32 to index
      %get3A_194 = tpu.vector_load %arg14[%get3A] {strides = array<i32>} : memref<256xi32, #tpu.memory_space<vmem>>, vector<16xi32>,
      %get3A_195 = vector.shape_cast %get3A_194 : vector<16xi32> to vector<16xi32>
      %sub3A = arith.constant 2000 : i32
      %sub3A_196 = vector.broadcast %sub3A : i32 to vector<16xi32>
      %sub3A_197 = arith.subi %get3A_195, %sub3A_196 : vector<16xi32>
      %jit3A = arith.constant 0 : i32
      %jit3A_198 = arith.constant 99 : i32
      %max3A = vector.broadcast %jit3A : i32 to vector<16xi32>
      %max3A_199 = arith.maxsi %max3A, %sub3A_197 : vector<16xi32>
      %min3A = vector.broadcast %jit3A_198 : i32 to vector<16xi32>
      %min3A_200 = arith.minsi %min3A, %max3A_199 : vector<16xi32>
      %jit3A_201 = arith.constant 8 : i32
      %div3A = arith.divsi %scan3A_190, %jit3A_201 : i32
      %sign3A = arith.constant 0 : i32
      %sign3A_202 = arith.cmpi sgt, %scan3A_190, %sign3A : i32
      %sign3A_203 = arith.extui %sign3A_202 : i1 to i32
      %sign3A_204 = arith.constant 0 : i32
      %sign3A_205 = arith.cmpi slt, %scan3A_190, %sign3A_204 : i32
      %sign3A_206 = arith.extui %sign3A_205 : i1 to i32
      %sign3A_207 = arith.subi %sign3A_203, %sign3A_206 : i32
      %sign3A_208 = arith.constant 0 : i32
      %sign3A_209 = arith.cmpi sgt, %jit3A_201, %sign3A_208 : i32
      %sign3A_210 = arith.extui %sign3A_209 : i1 to i32
      %sign3A_211 = arith.constant 0 : i32
      %sign3A_212 = arith.cmpi slt, %jit3A_201, %sign3A_211 : i32
      %sign3A_213 = arith.extui %sign3A_212 : i1 to i32
      %sign3A_214 = arith.subi %sign3A_210, %sign3A_213 : i32
      %ne3A = arith.cmpi ne, %sign3A_207, %sign3A_214 : i32
      %rem3A = arith.remsi %scan3A_190, %jit3A_201 : i32
      %ne3A_215 = arith.constant 0 : i32
      %ne3A_216 = arith.cmpi ne, %rem3A, %ne3A_215 : i32
      %and3A = arith.andi %ne3A, %ne3A_216 : i1
      %sub3A_217 = arith.constant 1 : i32
      %sub3A_218 = arith.subi %div3A, %sub3A_217 : i32
      %select_n3A = arith.select %and3A, %sub3A_218, %div3A : i32
      %jit3A_219 = arith.constant 8 : i32
      %eq3A = arith.constant 0 : i32
      %eq3A_220 = arith.cmpi eq, %jit3A_219, %eq3A : i32
      %jit3A_221 = arith.constant 1 : i32
      %select_n3A_222 = arith.select %eq3A_220, %jit3A_221, %jit3A_219 : i32
      %rem3A_223 = arith.remsi %scan3A_190, %select_n3A_222 : i32
      %ne3A_224 = arith.constant 0 : i32
      %ne3A_225 = arith.cmpi ne, %rem3A_223, %ne3A_224 : i32
      %lt3A = arith.constant 0 : i32
      %lt3A_226 = arith.cmpi slt, %rem3A_223, %lt3A : i32
      %lt3A_227 = arith.constant 0 : i32
      %lt3A_228 = arith.cmpi slt, %select_n3A_222, %lt3A_227 : i32
      %ne3A_229 = arith.xori %lt3A_226, %lt3A_228 : i1
      %and3A_230 = arith.andi %ne3A_229, %ne3A_225 : i1
      %add3A_231 = arith.addi %rem3A_223, %select_n3A_222 : i32
      %select_n3A_232 = arith.select %and3A_230, %add3A_231, %rem3A_223 : i32
      %mul3A_233 = arith.constant 16 : i32
      %mul3A_234 = arith.muli %select_n3A_232, %mul3A_233 : i32
      %swap3A = arith.index_cast %select_n3A : i32 to index
      %swap3A_235 = arith.index_cast %mul3A_234 : i32 to index
      %swap3A_236 = tpu.vector_load %arg15[%swap3A, %swap3A_235] {strides = array<i32>} : memref<2x128xi32, #tpu.memory_space<vmem>>, vector<1x16xi32>,
      %swap3A_237 = vector.shape_cast %swap3A_236 : vector<1x16xi32> to vector<16xi32>
      %swap3A_238 = vector.shape_cast %min3A_200 : vector<16xi32> to vector<1x16xi32>
      tpu.vector_store %arg15[%swap3A, %swap3A_235], %swap3A_238 {strides = array<i32>} : memref<2x128xi32, #tpu.memory_space<vmem>>, vector<1x16xi32>,
      %scan3A_239 = arith.constant 0 : i32
      %scan3A_240 = arith.constant 1 : i32
      %scan3A_241 = arith.addi %scan3A_190, %scan3A_240 : i32
      %mul3A_242 = arith.constant 16 : i32
      %mul3A_243 = arith.muli %scan3A_241, %mul3A_242 : i32
      %get3A_244 = arith.index_cast %mul3A_243 : i32 to index
      %get3A_245 = tpu.vector_load %arg14[%get3A_244] {strides = array<i32>} : memref<256xi32, #tpu.memory_space<vmem>>, vector<16xi32>,
      %get3A_246 = vector.shape_cast %get3A_245 : vector<16xi32> to vector<16xi32>
      %sub3A_247 = arith.constant 2000 : i32
      %sub3A_248 = vector.broadcast %sub3A_247 : i32 to vector<16xi32>
      %sub3A_249 = arith.subi %get3A_246, %sub3A_248 : vector<16xi32>
      %jit3A_250 = arith.constant 0 : i32
      %jit3A_251 = arith.constant 99 : i32
      %max3A_252 = vector.broadcast %jit3A_250 : i32 to vector<16xi32>
      %max3A_253 = arith.maxsi %max3A_252, %sub3A_249 : vector<16xi32>
      %min3A_254 = vector.broadcast %jit3A_251 : i32 to vector<16xi32>
      %min3A_255 = arith.minsi %min3A_254, %max3A_253 : vector<16xi32>
      %jit3A_256 = arith.constant 8 : i32
      %div3A_257 = arith.divsi %scan3A_241, %jit3A_256 : i32
      %sign3A_258 = arith.constant 0 : i32
      %sign3A_259 = arith.cmpi sgt, %scan3A_241, %sign3A_258 : i32
      %sign3A_260 = arith.extui %sign3A_259 : i1 to i32
      %sign3A_261 = arith.constant 0 : i32
      %sign3A_262 = arith.cmpi slt, %scan3A_241, %sign3A_261 : i32
      %sign3A_263 = arith.extui %sign3A_262 : i1 to i32
      %sign3A_264 = arith.subi %sign3A_260, %sign3A_263 : i32
      %sign3A_265 = arith.constant 0 : i32
      %sign3A_266 = arith.cmpi sgt, %jit3A_256, %sign3A_265 : i32
      %sign3A_267 = arith.extui %sign3A_266 : i1 to i32
      %sign3A_268 = arith.constant 0 : i32
      %sign3A_269 = arith.cmpi slt, %jit3A_256, %sign3A_268 : i32
      %sign3A_270 = arith.extui %sign3A_269 : i1 to i32
      %sign3A_271 = arith.subi %sign3A_267, %sign3A_270 : i32
      %ne3A_272 = arith.cmpi ne, %sign3A_264, %sign3A_271 : i32
      %rem3A_273 = arith.remsi %scan3A_241, %jit3A_256 : i32
      %ne3A_274 = arith.constant 0 : i32
      %ne3A_275 = arith.cmpi ne, %rem3A_273, %ne3A_274 : i32
      %and3A_276 = arith.andi %ne3A_272, %ne3A_275 : i1
      %sub3A_277 = arith.constant 1 : i32
      %sub3A_278 = arith.subi %div3A_257, %sub3A_277 : i32
      %select_n3A_279 = arith.select %and3A_276, %sub3A_278, %div3A_257 : i32
      %jit3A_280 = arith.constant 8 : i32
      %eq3A_281 = arith.constant 0 : i32
      %eq3A_282 = arith.cmpi eq, %jit3A_280, %eq3A_281 : i32
      %jit3A_283 = arith.constant 1 : i32
      %select_n3A_284 = arith.select %eq3A_282, %jit3A_283, %jit3A_280 : i32
      %rem3A_285 = arith.remsi %scan3A_241, %select_n3A_284 : i32
      %ne3A_286 = arith.constant 0 : i32
      %ne3A_287 = arith.cmpi ne, %rem3A_285, %ne3A_286 : i32
      %lt3A_288 = arith.constant 0 : i32
      %lt3A_289 = arith.cmpi slt, %rem3A_285, %lt3A_288 : i32
      %lt3A_290 = arith.constant 0 : i32
      %lt3A_291 = arith.cmpi slt, %select_n3A_284, %lt3A_290 : i32
      %ne3A_292 = arith.xori %lt3A_289, %lt3A_291 : i1
      %and3A_293 = arith.andi %ne3A_292, %ne3A_287 : i1
      %add3A_294 = arith.addi %rem3A_285, %select_n3A_284 : i32
      %select_n3A_295 = arith.select %and3A_293, %add3A_294, %rem3A_285 : i32
      %mul3A_296 = arith.constant 16 : i32
      %mul3A_297 = arith.muli %select_n3A_295, %mul3A_296 : i32
      %swap3A_298 = arith.index_cast %select_n3A_279 : i32 to index
      %swap3A_299 = arith.index_cast %mul3A_297 : i32 to index
      %swap3A_300 = tpu.vector_load %arg15[%swap3A_298, %swap3A_299] {strides = array<i32>} : memref<2x128xi32, #tpu.memory_space<vmem>>, vector<1x16xi32>,
      %swap3A_301 = vector.shape_cast %swap3A_300 : vector<1x16xi32> to vector<16xi32>
      %swap3A_302 = vector.shape_cast %min3A_255 : vector<16xi32> to vector<1x16xi32>
      tpu.vector_store %arg15[%swap3A_298, %swap3A_299], %swap3A_302 {strides = array<i32>} : memref<2x128xi32, #tpu.memory_space<vmem>>, vector<1x16xi32>,
      %scan3A_303 = arith.constant 0 : i32
      %scan3A_304 = arith.constant 2 : i32
      %scan3A_305 = arith.addi %scan3A_190, %scan3A_304 : i32
      %mul3A_306 = arith.constant 16 : i32
      %mul3A_307 = arith.muli %scan3A_305, %mul3A_306 : i32
      %get3A_308 = arith.index_cast %mul3A_307 : i32 to index
      %get3A_309 = tpu.vector_load %arg14[%get3A_308] {strides = array<i32>} : memref<256xi32, #tpu.memory_space<vmem>>, vector<16xi32>,
      %get3A_310 = vector.shape_cast %get3A_309 : vector<16xi32> to vector<16xi32>
      %sub3A_311 = arith.constant 2000 : i32
      %sub3A_312 = vector.broadcast %sub3A_311 : i32 to vector<16xi32>
      %sub3A_313 = arith.subi %get3A_310, %sub3A_312 : vector<16xi32>
      %jit3A_314 = arith.constant 0 : i32
      %jit3A_315 = arith.constant 99 : i32
      %max3A_316 = vector.broadcast %jit3A_314 : i32 to vector<16xi32>
      %max3A_317 = arith.maxsi %max3A_316, %sub3A_313 : vector<16xi32>
      %min3A_318 = vector.broadcast %jit3A_315 : i32 to vector<16xi32>
      %min3A_319 = arith.minsi %min3A_318, %max3A_317 : vector<16xi32>
      %jit3A_320 = arith.constant 8 : i32
      %div3A_321 = arith.divsi %scan3A_305, %jit3A_320 : i32
      %sign3A_322 = arith.constant 0 : i32
      %sign3A_323 = arith.cmpi sgt, %scan3A_305, %sign3A_322 : i32
      %sign3A_324 = arith.extui %sign3A_323 : i1 to i32
      %sign3A_325 = arith.constant 0 : i32
      %sign3A_326 = arith.cmpi slt, %scan3A_305, %sign3A_325 : i32
      %sign3A_327 = arith.extui %sign3A_326 : i1 to i32
      %sign3A_328 = arith.subi %sign3A_324, %sign3A_327 : i32
      %sign3A_329 = arith.constant 0 : i32
      %sign3A_330 = arith.cmpi sgt, %jit3A_320, %sign3A_329 : i32
      %sign3A_331 = arith.extui %sign3A_330 : i1 to i32
      %sign3A_332 = arith.constant 0 : i32
      %sign3A_333 = arith.cmpi slt, %jit3A_320, %sign3A_332 : i32
      %sign3A_334 = arith.extui %sign3A_333 : i1 to i32
      %sign3A_335 = arith.subi %sign3A_331, %sign3A_334 : i32
      %ne3A_336 = arith.cmpi ne, %sign3A_328, %sign3A_335 : i32
      %rem3A_337 = arith.remsi %scan3A_305, %jit3A_320 : i32
      %ne3A_338 = arith.constant 0 : i32
      %ne3A_339 = arith.cmpi ne, %rem3A_337, %ne3A_338 : i32
      %and3A_340 = arith.andi %ne3A_336, %ne3A_339 : i1
      %sub3A_341 = arith.constant 1 : i32
      %sub3A_342 = arith.subi %div3A_321, %sub3A_341 : i32
      %select_n3A_343 = arith.select %and3A_340, %sub3A_342, %div3A_321 : i32
      %jit3A_344 = arith.constant 8 : i32
      %eq3A_345 = arith.constant 0 : i32
      %eq3A_346 = arith.cmpi eq, %jit3A_344, %eq3A_345 : i32
      %jit3A_347 = arith.constant 1 : i32
      %select_n3A_348 = arith.select %eq3A_346, %jit3A_347, %jit3A_344 : i32
      %rem3A_349 = arith.remsi %scan3A_305, %select_n3A_348 : i32
      %ne3A_350 = arith.constant 0 : i32
      %ne3A_351 = arith.cmpi ne, %rem3A_349, %ne3A_350 : i32
      %lt3A_352 = arith.constant 0 : i32
      %lt3A_353 = arith.cmpi slt, %rem3A_349, %lt3A_352 : i32
      %lt3A_354 = arith.constant 0 : i32
      %lt3A_355 = arith.cmpi slt, %select_n3A_348, %lt3A_354 : i32
      %ne3A_356 = arith.xori %lt3A_353, %lt3A_355 : i1
      %and3A_357 = arith.andi %ne3A_356, %ne3A_351 : i1
      %add3A_358 = arith.addi %rem3A_349, %select_n3A_348 : i32
      %select_n3A_359 = arith.select %and3A_357, %add3A_358, %rem3A_349 : i32
      %mul3A_360 = arith.constant 16 : i32
      %mul3A_361 = arith.muli %select_n3A_359, %mul3A_360 : i32
      %swap3A_362 = arith.index_cast %select_n3A_343 : i32 to index
      %swap3A_363 = arith.index_cast %mul3A_361 : i32 to index
      %swap3A_364 = tpu.vector_load %arg15[%swap3A_362, %swap3A_363] {strides = array<i32>} : memref<2x128xi32, #tpu.memory_space<vmem>>, vector<1x16xi32>,
      %swap3A_365 = vector.shape_cast %swap3A_364 : vector<1x16xi32> to vector<16xi32>
      %swap3A_366 = vector.shape_cast %min3A_319 : vector<16xi32> to vector<1x16xi32>
      tpu.vector_store %arg15[%swap3A_362, %swap3A_363], %swap3A_366 {strides = array<i32>} : memref<2x128xi32, #tpu.memory_space<vmem>>, vector<1x16xi32>,
      %scan3A_367 = arith.constant 0 : i32
      %scan3A_368 = arith.constant 3 : i32
      %scan3A_369 = arith.addi %scan3A_190, %scan3A_368 : i32
      %mul3A_370 = arith.constant 16 : i32
      %mul3A_371 = arith.muli %scan3A_369, %mul3A_370 : i32
      %get3A_372 = arith.index_cast %mul3A_371 : i32 to index
      %get3A_373 = tpu.vector_load %arg14[%get3A_372] {strides = array<i32>} : memref<256xi32, #tpu.memory_space<vmem>>, vector<16xi32>,
      %get3A_374 = vector.shape_cast %get3A_373 : vector<16xi32> to vector<16xi32>
      %sub3A_375 = arith.constant 2000 : i32
      %sub3A_376 = vector.broadcast %sub3A_375 : i32 to vector<16xi32>
      %sub3A_377 = arith.subi %get3A_374, %sub3A_376 : vector<16xi32>
      %jit3A_378 = arith.constant 0 : i32
      %jit3A_379 = arith.constant 99 : i32
      %max3A_380 = vector.broadcast %jit3A_378 : i32 to vector<16xi32>
      %max3A_381 = arith.maxsi %max3A_380, %sub3A_377 : vector<16xi32>
      %min3A_382 = vector.broadcast %jit3A_379 : i32 to vector<16xi32>
      %min3A_383 = arith.minsi %min3A_382, %max3A_381 : vector<16xi32>
      %jit3A_384 = arith.constant 8 : i32
      %div3A_385 = arith.divsi %scan3A_369, %jit3A_384 : i32
      %sign3A_386 = arith.constant 0 : i32
      %sign3A_387 = arith.cmpi sgt, %scan3A_369, %sign3A_386 : i32
      %sign3A_388 = arith.extui %sign3A_387 : i1 to i32
      %sign3A_389 = arith.constant 0 : i32
      %sign3A_390 = arith.cmpi slt, %scan3A_369, %sign3A_389 : i32
      %sign3A_391 = arith.extui %sign3A_390 : i1 to i32
      %sign3A_392 = arith.subi %sign3A_388, %sign3A_391 : i32
      %sign3A_393 = arith.constant 0 : i32
      %sign3A_394 = arith.cmpi sgt, %jit3A_384, %sign3A_393 : i32
      %sign3A_395 = arith.extui %sign3A_394 : i1 to i32
      %sign3A_396 = arith.constant 0 : i32
      %sign3A_397 = arith.cmpi slt, %jit3A_384, %sign3A_396 : i32
      %sign3A_398 = arith.extui %sign3A_397 : i1 to i32
      %sign3A_399 = arith.subi %sign3A_395, %sign3A_398 : i32
      %ne3A_400 = arith.cmpi ne, %sign3A_392, %sign3A_399 : i32
      %rem3A_401 = arith.remsi %scan3A_369, %jit3A_384 : i32
      %ne3A_402 = arith.constant 0 : i32
      %ne3A_403 = arith.cmpi ne, %rem3A_401, %ne3A_402 : i32
      %and3A_404 = arith.andi %ne3A_400, %ne3A_403 : i1
      %sub3A_405 = arith.constant 1 : i32
      %sub3A_406 = arith.subi %div3A_385, %sub3A_405 : i32
      %select_n3A_407 = arith.select %and3A_404, %sub3A_406, %div3A_385 : i32
      %jit3A_408 = arith.constant 8 : i32
      %eq3A_409 = arith.constant 0 : i32
      %eq3A_410 = arith.cmpi eq, %jit3A_408, %eq3A_409 : i32
      %jit3A_411 = arith.constant 1 : i32
      %select_n3A_412 = arith.select %eq3A_410, %jit3A_411, %jit3A_408 : i32
      %rem3A_413 = arith.remsi %scan3A_369, %select_n3A_412 : i32
      %ne3A_414 = arith.constant 0 : i32
      %ne3A_415 = arith.cmpi ne, %rem3A_413, %ne3A_414 : i32
      %lt3A_416 = arith.constant 0 : i32
      %lt3A_417 = arith.cmpi slt, %rem3A_413, %lt3A_416 : i32
      %lt3A_418 = arith.constant 0 : i32
      %lt3A_419 = arith.cmpi slt, %select_n3A_412, %lt3A_418 : i32
      %ne3A_420 = arith.xori %lt3A_417, %lt3A_419 : i1
      %and3A_421 = arith.andi %ne3A_420, %ne3A_415 : i1
      %add3A_422 = arith.addi %rem3A_413, %select_n3A_412 : i32
      %select_n3A_423 = arith.select %and3A_421, %add3A_422, %rem3A_413 : i32
      %mul3A_424 = arith.constant 16 : i32
      %mul3A_425 = arith.muli %select_n3A_423, %mul3A_424 : i32
      %swap3A_426 = arith.index_cast %select_n3A_407 : i32 to index
      %swap3A_427 = arith.index_cast %mul3A_425 : i32 to index
      %swap3A_428 = tpu.vector_load %arg15[%swap3A_426, %swap3A_427] {strides = array<i32>} : memref<2x128xi32, #tpu.memory_space<vmem>>, vector<1x16xi32>,
      %swap3A_429 = vector.shape_cast %swap3A_428 : vector<1x16xi32> to vector<16xi32>
      %swap3A_430 = vector.shape_cast %min3A_383 : vector<16xi32> to vector<1x16xi32>
      tpu.vector_store %arg15[%swap3A_426, %swap3A_427], %swap3A_430 {strides = array<i32>} : memref<2x128xi32, #tpu.memory_space<vmem>>, vector<1x16xi32>,
      %scan3A_431 = arith.constant 0 : i32
      %scan3A_432 = arith.constant 4 : i32
      %scan3A_433 = arith.addi %scan3A_190, %scan3A_432 : i32
      %mul3A_434 = arith.constant 16 : i32
      %mul3A_435 = arith.muli %scan3A_433, %mul3A_434 : i32
      %get3A_436 = arith.index_cast %mul3A_435 : i32 to index
      %get3A_437 = tpu.vector_load %arg14[%get3A_436] {strides = array<i32>} : memref<256xi32, #tpu.memory_space<vmem>>, vector<16xi32>,
      %get3A_438 = vector.shape_cast %get3A_437 : vector<16xi32> to vector<16xi32>
      %sub3A_439 = arith.constant 2000 : i32
      %sub3A_440 = vector.broadcast %sub3A_439 : i32 to vector<16xi32>
      %sub3A_441 = arith.subi %get3A_438, %sub3A_440 : vector<16xi32>
      %jit3A_442 = arith.constant 0 : i32
      %jit3A_443 = arith.constant 99 : i32
      %max3A_444 = vector.broadcast %jit3A_442 : i32 to vector<16xi32>
      %max3A_445 = arith.maxsi %max3A_444, %sub3A_441 : vector<16xi32>
      %min3A_446 = vector.broadcast %jit3A_443 : i32 to vector<16xi32>
      %min3A_447 = arith.minsi %min3A_446, %max3A_445 : vector<16xi32>
      %jit3A_448 = arith.constant 8 : i32
      %div3A_449 = arith.divsi %scan3A_433, %jit3A_448 : i32
      %sign3A_450 = arith.constant 0 : i32
      %sign3A_451 = arith.cmpi sgt, %scan3A_433, %sign3A_450 : i32
      %sign3A_452 = arith.extui %sign3A_451 : i1 to i32
      %sign3A_453 = arith.constant 0 : i32
      %sign3A_454 = arith.cmpi slt, %scan3A_433, %sign3A_453 : i32
      %sign3A_455 = arith.extui %sign3A_454 : i1 to i32
      %sign3A_456 = arith.subi %sign3A_452, %sign3A_455 : i32
      %sign3A_457 = arith.constant 0 : i32
      %sign3A_458 = arith.cmpi sgt, %jit3A_448, %sign3A_457 : i32
      %sign3A_459 = arith.extui %sign3A_458 : i1 to i32
      %sign3A_460 = arith.constant 0 : i32
      %sign3A_461 = arith.cmpi slt, %jit3A_448, %sign3A_460 : i32
      %sign3A_462 = arith.extui %sign3A_461 : i1 to i32
      %sign3A_463 = arith.subi %sign3A_459, %sign3A_462 : i32
      %ne3A_464 = arith.cmpi ne, %sign3A_456, %sign3A_463 : i32
      %rem3A_465 = arith.remsi %scan3A_433, %jit3A_448 : i32
      %ne3A_466 = arith.constant 0 : i32
      %ne3A_467 = arith.cmpi ne, %rem3A_465, %ne3A_466 : i32
      %and3A_468 = arith.andi %ne3A_464, %ne3A_467 : i1
      %sub3A_469 = arith.constant 1 : i32
      %sub3A_470 = arith.subi %div3A_449, %sub3A_469 : i32
      %select_n3A_471 = arith.select %and3A_468, %sub3A_470, %div3A_449 : i32
      %jit3A_472 = arith.constant 8 : i32
      %eq3A_473 = arith.constant 0 : i32
      %eq3A_474 = arith.cmpi eq, %jit3A_472, %eq3A_473 : i32
      %jit3A_475 = arith.constant 1 : i32
      %select_n3A_476 = arith.select %eq3A_474, %jit3A_475, %jit3A_472 : i32
      %rem3A_477 = arith.remsi %scan3A_433, %select_n3A_476 : i32
      %ne3A_478 = arith.constant 0 : i32
      %ne3A_479 = arith.cmpi ne, %rem3A_477, %ne3A_478 : i32
      %lt3A_480 = arith.constant 0 : i32
      %lt3A_481 = arith.cmpi slt, %rem3A_477, %lt3A_480 : i32
      %lt3A_482 = arith.constant 0 : i32
      %lt3A_483 = arith.cmpi slt, %select_n3A_476, %lt3A_482 : i32
      %ne3A_484 = arith.xori %lt3A_481, %lt3A_483 : i1
      %and3A_485 = arith.andi %ne3A_484, %ne3A_479 : i1
      %add3A_486 = arith.addi %rem3A_477, %select_n3A_476 : i32
      %select_n3A_487 = arith.select %and3A_485, %add3A_486, %rem3A_477 : i32
      %mul3A_488 = arith.constant 16 : i32
      %mul3A_489 = arith.muli %select_n3A_487, %mul3A_488 : i32
      %swap3A_490 = arith.index_cast %select_n3A_471 : i32 to index
      %swap3A_491 = arith.index_cast %mul3A_489 : i32 to index
      %swap3A_492 = tpu.vector_load %arg15[%swap3A_490, %swap3A_491] {strides = array<i32>} : memref<2x128xi32, #tpu.memory_space<vmem>>, vector<1x16xi32>,
      %swap3A_493 = vector.shape_cast %swap3A_492 : vector<1x16xi32> to vector<16xi32>
      %swap3A_494 = vector.shape_cast %min3A_447 : vector<16xi32> to vector<1x16xi32>
      tpu.vector_store %arg15[%swap3A_490, %swap3A_491], %swap3A_494 {strides = array<i32>} : memref<2x128xi32, #tpu.memory_space<vmem>>, vector<1x16xi32>,
      %scan3A_495 = arith.constant 0 : i32
      %scan3A_496 = arith.constant 5 : i32
      %scan3A_497 = arith.addi %scan3A_190, %scan3A_496 : i32
      %mul3A_498 = arith.constant 16 : i32
      %mul3A_499 = arith.muli %scan3A_497, %mul3A_498 : i32
      %get3A_500 = arith.index_cast %mul3A_499 : i32 to index
      %get3A_501 = tpu.vector_load %arg14[%get3A_500] {strides = array<i32>} : memref<256xi32, #tpu.memory_space<vmem>>, vector<16xi32>,
      %get3A_502 = vector.shape_cast %get3A_501 : vector<16xi32> to vector<16xi32>
      %sub3A_503 = arith.constant 2000 : i32
      %sub3A_504 = vector.broadcast %sub3A_503 : i32 to vector<16xi32>
      %sub3A_505 = arith.subi %get3A_502, %sub3A_504 : vector<16xi32>
      %jit3A_506 = arith.constant 0 : i32
      %jit3A_507 = arith.constant 99 : i32
      %max3A_508 = vector.broadcast %jit3A_506 : i32 to vector<16xi32>
      %max3A_509 = arith.maxsi %max3A_508, %sub3A_505 : vector<16xi32>
      %min3A_510 = vector.broadcast %jit3A_507 : i32 to vector<16xi32>
      %min3A_511 = arith.minsi %min3A_510, %max3A_509 : vector<16xi32>
      %jit3A_512 = arith.constant 8 : i32
      %div3A_513 = arith.divsi %scan3A_497, %jit3A_512 : i32
      %sign3A_514 = arith.constant 0 : i32
      %sign3A_515 = arith.cmpi sgt, %scan3A_497, %sign3A_514 : i32
      %sign3A_516 = arith.extui %sign3A_515 : i1 to i32
      %sign3A_517 = arith.constant 0 : i32
      %sign3A_518 = arith.cmpi slt, %scan3A_497, %sign3A_517 : i32
      %sign3A_519 = arith.extui %sign3A_518 : i1 to i32
      %sign3A_520 = arith.subi %sign3A_516, %sign3A_519 : i32
      %sign3A_521 = arith.constant 0 : i32
      %sign3A_522 = arith.cmpi sgt, %jit3A_512, %sign3A_521 : i32
      %sign3A_523 = arith.extui %sign3A_522 : i1 to i32
      %sign3A_524 = arith.constant 0 : i32
      %sign3A_525 = arith.cmpi slt, %jit3A_512, %sign3A_524 : i32
      %sign3A_526 = arith.extui %sign3A_525 : i1 to i32
      %sign3A_527 = arith.subi %sign3A_523, %sign3A_526 : i32
      %ne3A_528 = arith.cmpi ne, %sign3A_520, %sign3A_527 : i32
      %rem3A_529 = arith.remsi %scan3A_497, %jit3A_512 : i32
      %ne3A_530 = arith.constant 0 : i32
      %ne3A_531 = arith.cmpi ne, %rem3A_529, %ne3A_530 : i32
      %and3A_532 = arith.andi %ne3A_528, %ne3A_531 : i1
      %sub3A_533 = arith.constant 1 : i32
      %sub3A_534 = arith.subi %div3A_513, %sub3A_533 : i32
      %select_n3A_535 = arith.select %and3A_532, %sub3A_534, %div3A_513 : i32
      %jit3A_536 = arith.constant 8 : i32
      %eq3A_537 = arith.constant 0 : i32
      %eq3A_538 = arith.cmpi eq, %jit3A_536, %eq3A_537 : i32
      %jit3A_539 = arith.constant 1 : i32
      %select_n3A_540 = arith.select %eq3A_538, %jit3A_539, %jit3A_536 : i32
      %rem3A_541 = arith.remsi %scan3A_497, %select_n3A_540 : i32
      %ne3A_542 = arith.constant 0 : i32
      %ne3A_543 = arith.cmpi ne, %rem3A_541, %ne3A_542 : i32
      %lt3A_544 = arith.constant 0 : i32
      %lt3A_545 = arith.cmpi slt, %rem3A_541, %lt3A_544 : i32
      %lt3A_546 = arith.constant 0 : i32
      %lt3A_547 = arith.cmpi slt, %select_n3A_540, %lt3A_546 : i32
      %ne3A_548 = arith.xori %lt3A_545, %lt3A_547 : i1
      %and3A_549 = arith.andi %ne3A_548, %ne3A_543 : i1
      %add3A_550 = arith.addi %rem3A_541, %select_n3A_540 : i32
      %select_n3A_551 = arith.select %and3A_549, %add3A_550, %rem3A_541 : i32
      %mul3A_552 = arith.constant 16 : i32
      %mul3A_553 = arith.muli %select_n3A_551, %mul3A_552 : i32
      %swap3A_554 = arith.index_cast %select_n3A_535 : i32 to index
      %swap3A_555 = arith.index_cast %mul3A_553 : i32 to index
      %swap3A_556 = tpu.vector_load %arg15[%swap3A_554, %swap3A_555] {strides = array<i32>} : memref<2x128xi32, #tpu.memory_space<vmem>>, vector<1x16xi32>,
      %swap3A_557 = vector.shape_cast %swap3A_556 : vector<1x16xi32> to vector<16xi32>
      %swap3A_558 = vector.shape_cast %min3A_511 : vector<16xi32> to vector<1x16xi32>
      tpu.vector_store %arg15[%swap3A_554, %swap3A_555], %swap3A_558 {strides = array<i32>} : memref<2x128xi32, #tpu.memory_space<vmem>>, vector<1x16xi32>,
      %scan3A_559 = arith.constant 0 : i32
      %scan3A_560 = arith.constant 6 : i32
      %scan3A_561 = arith.addi %scan3A_190, %scan3A_560 : i32
      %mul3A_562 = arith.constant 16 : i32
      %mul3A_563 = arith.muli %scan3A_561, %mul3A_562 : i32
      %get3A_564 = arith.index_cast %mul3A_563 : i32 to index
      %get3A_565 = tpu.vector_load %arg14[%get3A_564] {strides = array<i32>} : memref<256xi32, #tpu.memory_space<vmem>>, vector<16xi32>,
      %get3A_566 = vector.shape_cast %get3A_565 : vector<16xi32> to vector<16xi32>
      %sub3A_567 = arith.constant 2000 : i32
      %sub3A_568 = vector.broadcast %sub3A_567 : i32 to vector<16xi32>
      %sub3A_569 = arith.subi %get3A_566, %sub3A_568 : vector<16xi32>
      %jit3A_570 = arith.constant 0 : i32
      %jit3A_571 = arith.constant 99 : i32
      %max3A_572 = vector.broadcast %jit3A_570 : i32 to vector<16xi32>
      %max3A_573 = arith.maxsi %max3A_572, %sub3A_569 : vector<16xi32>
      %min3A_574 = vector.broadcast %jit3A_571 : i32 to vector<16xi32>
      %min3A_575 = arith.minsi %min3A_574, %max3A_573 : vector<16xi32>
      %jit3A_576 = arith.constant 8 : i32
      %div3A_577 = arith.divsi %scan3A_561, %jit3A_576 : i32
      %sign3A_578 = arith.constant 0 : i32
      %sign3A_579 = arith.cmpi sgt, %scan3A_561, %sign3A_578 : i32
      %sign3A_580 = arith.extui %sign3A_579 : i1 to i32
      %sign3A_581 = arith.constant 0 : i32
      %sign3A_582 = arith.cmpi slt, %scan3A_561, %sign3A_581 : i32
      %sign3A_583 = arith.extui %sign3A_582 : i1 to i32
      %sign3A_584 = arith.subi %sign3A_580, %sign3A_583 : i32
      %sign3A_585 = arith.constant 0 : i32
      %sign3A_586 = arith.cmpi sgt, %jit3A_576, %sign3A_585 : i32
      %sign3A_587 = arith.extui %sign3A_586 : i1 to i32
      %sign3A_588 = arith.constant 0 : i32
      %sign3A_589 = arith.cmpi slt, %jit3A_576, %sign3A_588 : i32
      %sign3A_590 = arith.extui %sign3A_589 : i1 to i32
      %sign3A_591 = arith.subi %sign3A_587, %sign3A_590 : i32
      %ne3A_592 = arith.cmpi ne, %sign3A_584, %sign3A_591 : i32
      %rem3A_593 = arith.remsi %scan3A_561, %jit3A_576 : i32
      %ne3A_594 = arith.constant 0 : i32
      %ne3A_595 = arith.cmpi ne, %rem3A_593, %ne3A_594 : i32
      %and3A_596 = arith.andi %ne3A_592, %ne3A_595 : i1
      %sub3A_597 = arith.constant 1 : i32
      %sub3A_598 = arith.subi %div3A_577, %sub3A_597 : i32
      %select_n3A_599 = arith.select %and3A_596, %sub3A_598, %div3A_577 : i32
      %jit3A_600 = arith.constant 8 : i32
      %eq3A_601 = arith.constant 0 : i32
      %eq3A_602 = arith.cmpi eq, %jit3A_600, %eq3A_601 : i32
      %jit3A_603 = arith.constant 1 : i32
      %select_n3A_604 = arith.select %eq3A_602, %jit3A_603, %jit3A_600 : i32
      %rem3A_605 = arith.remsi %scan3A_561, %select_n3A_604 : i32
      %ne3A_606 = arith.constant 0 : i32
      %ne3A_607 = arith.cmpi ne, %rem3A_605, %ne3A_606 : i32
      %lt3A_608 = arith.constant 0 : i32
      %lt3A_609 = arith.cmpi slt, %rem3A_605, %lt3A_608 : i32
      %lt3A_610 = arith.constant 0 : i32
      %lt3A_611 = arith.cmpi slt, %select_n3A_604, %lt3A_610 : i32
      %ne3A_612 = arith.xori %lt3A_609, %lt3A_611 : i1
      %and3A_613 = arith.andi %ne3A_612, %ne3A_607 : i1
      %add3A_614 = arith.addi %rem3A_605, %select_n3A_604 : i32
      %select_n3A_615 = arith.select %and3A_613, %add3A_614, %rem3A_605 : i32
      %mul3A_616 = arith.constant 16 : i32
      %mul3A_617 = arith.muli %select_n3A_615, %mul3A_616 : i32
      %swap3A_618 = arith.index_cast %select_n3A_599 : i32 to index
      %swap3A_619 = arith.index_cast %mul3A_617 : i32 to index
      %swap3A_620 = tpu.vector_load %arg15[%swap3A_618, %swap3A_619] {strides = array<i32>} : memref<2x128xi32, #tpu.memory_space<vmem>>, vector<1x16xi32>,
      %swap3A_621 = vector.shape_cast %swap3A_620 : vector<1x16xi32> to vector<16xi32>
      %swap3A_622 = vector.shape_cast %min3A_575 : vector<16xi32> to vector<1x16xi32>
      tpu.vector_store %arg15[%swap3A_618, %swap3A_619], %swap3A_622 {strides = array<i32>} : memref<2x128xi32, #tpu.memory_space<vmem>>, vector<1x16xi32>,
      %scan3A_623 = arith.constant 0 : i32
      %scan3A_624 = arith.constant 7 : i32
      %scan3A_625 = arith.addi %scan3A_190, %scan3A_624 : i32
      %mul3A_626 = arith.constant 16 : i32
      %mul3A_627 = arith.muli %scan3A_625, %mul3A_626 : i32
      %get3A_628 = arith.index_cast %mul3A_627 : i32 to index
      %get3A_629 = tpu.vector_load %arg14[%get3A_628] {strides = array<i32>} : memref<256xi32, #tpu.memory_space<vmem>>, vector<16xi32>,
      %get3A_630 = vector.shape_cast %get3A_629 : vector<16xi32> to vector<16xi32>
      %sub3A_631 = arith.constant 2000 : i32
      %sub3A_632 = vector.broadcast %sub3A_631 : i32 to vector<16xi32>
      %sub3A_633 = arith.subi %get3A_630, %sub3A_632 : vector<16xi32>
      %jit3A_634 = arith.constant 0 : i32
      %jit3A_635 = arith.constant 99 : i32
      %max3A_636 = vector.broadcast %jit3A_634 : i32 to vector<16xi32>
      %max3A_637 = arith.maxsi %max3A_636, %sub3A_633 : vector<16xi32>
      %min3A_638 = vector.broadcast %jit3A_635 : i32 to vector<16xi32>
      %min3A_639 = arith.minsi %min3A_638, %max3A_637 : vector<16xi32>
      %jit3A_640 = arith.constant 8 : i32
      %div3A_641 = arith.divsi %scan3A_625, %jit3A_640 : i32
      %sign3A_642 = arith.constant 0 : i32
      %sign3A_643 = arith.cmpi sgt, %scan3A_625, %sign3A_642 : i32
      %sign3A_644 = arith.extui %sign3A_643 : i1 to i32
      %sign3A_645 = arith.constant 0 : i32
      %sign3A_646 = arith.cmpi slt, %scan3A_625, %sign3A_645 : i32
      %sign3A_647 = arith.extui %sign3A_646 : i1 to i32
      %sign3A_648 = arith.subi %sign3A_644, %sign3A_647 : i32
      %sign3A_649 = arith.constant 0 : i32
      %sign3A_650 = arith.cmpi sgt, %jit3A_640, %sign3A_649 : i32
      %sign3A_651 = arith.extui %sign3A_650 : i1 to i32
      %sign3A_652 = arith.constant 0 : i32
      %sign3A_653 = arith.cmpi slt, %jit3A_640, %sign3A_652 : i32
      %sign3A_654 = arith.extui %sign3A_653 : i1 to i32
      %sign3A_655 = arith.subi %sign3A_651, %sign3A_654 : i32
      %ne3A_656 = arith.cmpi ne, %sign3A_648, %sign3A_655 : i32
      %rem3A_657 = arith.remsi %scan3A_625, %jit3A_640 : i32
      %ne3A_658 = arith.constant 0 : i32
      %ne3A_659 = arith.cmpi ne, %rem3A_657, %ne3A_658 : i32
      %and3A_660 = arith.andi %ne3A_656, %ne3A_659 : i1
      %sub3A_661 = arith.constant 1 : i32
      %sub3A_662 = arith.subi %div3A_641, %sub3A_661 : i32
      %select_n3A_663 = arith.select %and3A_660, %sub3A_662, %div3A_641 : i32
      %jit3A_664 = arith.constant 8 : i32
      %eq3A_665 = arith.constant 0 : i32
      %eq3A_666 = arith.cmpi eq, %jit3A_664, %eq3A_665 : i32
      %jit3A_667 = arith.constant 1 : i32
      %select_n3A_668 = arith.select %eq3A_666, %jit3A_667, %jit3A_664 : i32
      %rem3A_669 = arith.remsi %scan3A_625, %select_n3A_668 : i32
      %ne3A_670 = arith.constant 0 : i32
      %ne3A_671 = arith.cmpi ne, %rem3A_669, %ne3A_670 : i32
      %lt3A_672 = arith.constant 0 : i32
      %lt3A_673 = arith.cmpi slt, %rem3A_669, %lt3A_672 : i32
      %lt3A_674 = arith.constant 0 : i32
      %lt3A_675 = arith.cmpi slt, %select_n3A_668, %lt3A_674 : i32
      %ne3A_676 = arith.xori %lt3A_673, %lt3A_675 : i1
      %and3A_677 = arith.andi %ne3A_676, %ne3A_671 : i1
      %add3A_678 = arith.addi %rem3A_669, %select_n3A_668 : i32
      %select_n3A_679 = arith.select %and3A_677, %add3A_678, %rem3A_669 : i32
      %mul3A_680 = arith.constant 16 : i32
      %mul3A_681 = arith.muli %select_n3A_679, %mul3A_680 : i32
      %swap3A_682 = arith.index_cast %select_n3A_663 : i32 to index
      %swap3A_683 = arith.index_cast %mul3A_681 : i32 to index
      %swap3A_684 = tpu.vector_load %arg15[%swap3A_682, %swap3A_683] {strides = array<i32>} : memref<2x128xi32, #tpu.memory_space<vmem>>, vector<1x16xi32>,
      %swap3A_685 = vector.shape_cast %swap3A_684 : vector<1x16xi32> to vector<16xi32>
      %swap3A_686 = vector.shape_cast %min3A_639 : vector<16xi32> to vector<1x16xi32>
      tpu.vector_store %arg15[%swap3A_682, %swap3A_683], %swap3A_686 {strides = array<i32>} : memref<2x128xi32, #tpu.memory_space<vmem>>, vector<1x16xi32>,
      %scan3A_687 = arith.constant 0 : i32
      scf.yield %scan3A_687 : i32
    }
    %scan3A_163 = arith.constant 16 : i32
    %scan3A_164 = arith.constant 0 : i32
    %scan3A_165 = arith.constant 0 : i32
    %scan3A_166 = arith.constant 2 : i32
    %scan3A_167 = arith.addi %scan3A_165, %scan3A_166 : i32
    %scan3A_168 = arith.constant 1 : i32
    %scan3A_169 = scf.for %scan3A_190 = %scan3A_165 to %scan3A_167 step %scan3A_168 iter_args(%scan3A_191 = %scan3A_164) -> (i32)  : i32 {
      %mul3A_192 = arith.constant 128 : i32
      %mul3A_193 = arith.muli %scan3A_190, %mul3A_192 : i32
      %dma_start3A_194 = arith.constant 0 : i32
      %dma_start3A_195 = tpu.memref_slice %arg17[%mul3A_193, %dma_start3A_194] : memref<256x16xf32, #tpu.memory_space<vmem>> -> memref<128x16xf32, #tpu.memory_space<vmem>>
      %dma_start3A_196 = arith.constant 0 : i32
      %dma_start3A_197 = tpu.memref_slice %arg15[%scan3A_190, %dma_start3A_196] : memref<2x128xi32, #tpu.memory_space<vmem>> -> memref<1x128xi32, #tpu.memory_space<vmem>>
      %dma_start3A_198 = tpu.memref_squeeze %dma_start3A_197 : memref<1x128xi32, #tpu.memory_space<vmem>> -> memref<128xi32, #tpu.memory_space<vmem>>
      %dma_start3A_199 = arith.constant 0 : i32
      %dma_start3A_200 = arith.constant 0 : i32
      %dma_start3A_201 = tpu.memref_slice %arg7[%dma_start3A_199, %dma_start3A_200] : memref<100x16xf32, #tpu.memory_space<hbm>> -> memref<100x16xf32, #tpu.memory_space<hbm>>
      tpu.enqueue_indirect_dma source(%dma_start3A_201 : memref<100x16xf32, #tpu.memory_space<hbm>>) target(%dma_start3A_195 : memref<128x16xf32, #tpu.memory_space<vmem>>) offsets(%dma_start3A_198 : memref<128xi32, #tpu.memory_space<vmem>>) semaphore(%arg19 : memref<!tpu.dma_semaphore, #tpu.memory_space<semaphore_mem>>)
      %scan3A_202 = arith.constant 0 : i32
      scf.yield %scan3A_202 : i32
    }
    %scan3A_170 = arith.constant 2 : i32
    %dma_wait3A_171 = arith.constant 0 : i32
    %dma_wait3A_172 = arith.constant 0 : i32
    %dma_wait3A_173 = arith.constant 0 : i32
    %dma_wait3A_174 = tpu.memref_slice %arg5[%dma_wait3A_171, %dma_wait3A_172, %dma_wait3A_173] : memref<26x32768x16xf32, #tpu.memory_space<hbm>> -> memref<1x32768x16xf32, #tpu.memory_space<hbm>>
    %dma_wait3A_175 = tpu.memref_squeeze %dma_wait3A_174 : memref<1x32768x16xf32, #tpu.memory_space<hbm>> -> memref<32768x16xf32, #tpu.memory_space<hbm>>
    %dma_wait3A_176 = arith.constant 0 : i32
    %dma_wait3A_177 = arith.constant 0 : i32
    %dma_wait3A_178 = tpu.memref_slice %dma_wait3A_175[%dma_wait3A_176, %dma_wait3A_177] : memref<32768x16xf32, #tpu.memory_space<hbm>> -> memref<256x16xf32, #tpu.memory_space<hbm>>
    %dma_wait3A_179 = arith.constant 0 : i32
    %dma_wait3A_180 = arith.constant 0 : i32
    %dma_wait3A_181 = tpu.memref_slice %arg5[%dma_wait3A_171, %dma_wait3A_179, %dma_wait3A_180] : memref<26x32768x16xf32, #tpu.memory_space<hbm>> -> memref<1x32768x16xf32, #tpu.memory_space<hbm>>
    %dma_wait3A_182 = tpu.memref_squeeze %dma_wait3A_181 : memref<1x32768x16xf32, #tpu.memory_space<hbm>> -> memref<32768x16xf32, #tpu.memory_space<hbm>>
    %dma_wait3A_183 = arith.constant 0 : i32
    %dma_wait3A_184 = arith.constant 0 : i32
    %dma_wait3A_185 = tpu.memref_slice %dma_wait3A_182[%dma_wait3A_183, %dma_wait3A_184] : memref<32768x16xf32, #tpu.memory_space<hbm>> -> memref<256x16xf32, #tpu.memory_space<hbm>>
    tpu.wait_dma2 semaphore(%arg19 : memref<!tpu.dma_semaphore, #tpu.memory_space<semaphore_mem>>) src(%dma_wait3A_185 : memref<256x16xf32, #tpu.memory_space<hbm>>) dst(%arg17 : memref<256x16xf32, #tpu.memory_space<vmem>>)
    "tpu.region"() ({
      %run_scoped3A = tpu.sem_alloc : memref<!tpu.dma_semaphore, #tpu.memory_space<semaphore_mem>>
      %dma_start3A_190 = arith.constant 0 : i32
      %dma_start3A_191 = tpu.memref_slice %arg10[%mul3A_2, %dma_start3A_190] : memref<8192x16xf32, #tpu.memory_space<hbm>> -> memref<256x16xf32, #tpu.memory_space<hbm>>
      %dma_start3A_192 = arith.constant 0 : i32
      %dma_start3A_193 = tpu.memref_slice %arg10[%mul3A_2, %dma_start3A_192] : memref<8192x16xf32, #tpu.memory_space<hbm>> -> memref<256x16xf32, #tpu.memory_space<hbm>>
      tpu.enqueue_dma source(%arg17 : memref<256x16xf32, #tpu.memory_space<vmem>>) target(%dma_start3A_193 : memref<256x16xf32, #tpu.memory_space<hbm>>) target_semaphore(%run_scoped3A : memref<!tpu.dma_semaphore, #tpu.memory_space<semaphore_mem>>)
      %dma_wait3A_194 = arith.constant 0 : i32
      %dma_wait3A_195 = tpu.memref_slice %arg10[%mul3A_2, %dma_wait3A_194] : memref<8192x16xf32, #tpu.memory_space<hbm>> -> memref<256x16xf32, #tpu.memory_space<hbm>>
      %dma_wait3A_196 = arith.constant 0 : i32
      %dma_wait3A_197 = tpu.memref_slice %arg10[%mul3A_2, %dma_wait3A_196] : memref<8192x16xf32, #tpu.memory_space<hbm>> -> memref<256x16xf32, #tpu.memory_space<hbm>>
      tpu.wait_dma2 semaphore(%run_scoped3A : memref<!tpu.dma_semaphore, #tpu.memory_space<semaphore_mem>>) src(%arg17 : memref<256x16xf32, #tpu.memory_space<vmem>>) dst(%dma_wait3A_197 : memref<256x16xf32, #tpu.memory_space<hbm>>)
      tpu.yield
    }) : () -> ()
    %dma_wait3A_186 = arith.constant 0 : i32
    %dma_wait3A_187 = tpu.memref_slice %arg9[%mul3A_2, %dma_wait3A_186] : memref<8192x32xf32, #tpu.memory_space<hbm>> -> memref<256x32xf32, #tpu.memory_space<hbm>>
    %dma_wait3A_188 = arith.constant 0 : i32
    %dma_wait3A_189 = tpu.memref_slice %arg9[%mul3A_2, %dma_wait3A_188] : memref<8192x32xf32, #tpu.memory_space<hbm>> -> memref<256x32xf32, #tpu.memory_space<hbm>>
    tpu.wait_dma2 semaphore(%arg20 : memref<!tpu.dma_semaphore, #tpu.memory_space<semaphore_mem>>) src(%arg16 : memref<256x32xf32, #tpu.memory_space<vmem>>) dst(%dma_wait3A_189 : memref<256x32xf32, #tpu.memory_space<hbm>>)
    return
  }
}

module attributes {stable_mosaic.version = 14 : i64} {
  func.func @_tc_body(%arg0: i32, %arg1: memref<512x200xf32, #tpu.memory_space<vmem>>, %arg2: memref<512x64xf32, #tpu.memory_space<vmem>>, %arg3: memref<512x416xf32, #tpu.memory_space<vmem>>, %arg4: memref<512x32xf32, #tpu.memory_space<vmem>>, %arg5: memref<512x16xf32, #tpu.memory_space<vmem>>, %arg6: memref<728x256xf32, #tpu.memory_space<vmem>>, %arg7: memref<1x256xf32, #tpu.memory_space<vmem>>, %arg8: memref<256x256xf32, #tpu.memory_space<vmem>>, %arg9: memref<1x256xf32, #tpu.memory_space<vmem>>, %arg10: memref<256x64xf32, #tpu.memory_space<vmem>>, %arg11: memref<1x64xf32, #tpu.memory_space<vmem>>, %arg12: memref<512x64xf32, #tpu.memory_space<vmem>>, %arg13: memref<512x728xf32, #tpu.memory_space<vmem>>) attributes {dimension_semantics = [#tpu.dimension_semantics<arbitrary>], iteration_bounds = array<i64: 16>, scalar_prefetch = 0 : i64, scratch_operands = 1 : i64, tpu.core_type = #tpu.core_type<tc>, window_params = [{transform_indices = @transform_0, window_bounds = array<i64: 512, 200>}, {transform_indices = @transform_1, window_bounds = array<i64: 512, 64>}, {transform_indices = @transform_2, window_bounds = array<i64: 512, 416>}, {transform_indices = @transform_3, window_bounds = array<i64: 512, 32>}, {transform_indices = @transform_4, window_bounds = array<i64: 512, 16>}, {pipeline_mode = #tpu.pipeline_mode<synchronous>, transform_indices = @transform_5, window_bounds = array<i64: 728, 256>}, {pipeline_mode = #tpu.pipeline_mode<synchronous>, transform_indices = @transform_6, window_bounds = array<i64: 1, 256>}, {pipeline_mode = #tpu.pipeline_mode<synchronous>, transform_indices = @transform_7, window_bounds = array<i64: 256, 256>}, {pipeline_mode = #tpu.pipeline_mode<synchronous>, transform_indices = @transform_8, window_bounds = array<i64: 1, 256>}, {pipeline_mode = #tpu.pipeline_mode<synchronous>, transform_indices = @transform_9, window_bounds = array<i64: 256, 64>}, {pipeline_mode = #tpu.pipeline_mode<synchronous>, transform_indices = @transform_10, window_bounds = array<i64: 1, 64>}, {transform_indices = @transform_11, window_bounds = array<i64: 512, 64>}]} {
    %get3A = arith.constant 0 : index
    %get3A_0 = arith.constant 0 : index
    %get3A_1 = vector.load %arg1[%get3A, %get3A_0] : memref<512x200xf32, #tpu.memory_space<vmem>>, vector<512x200xf32>
    %swap3A = arith.constant 0 : index
    %swap3A_2 = arith.constant 0 : index
    %swap3A_3 = vector.load %arg13[%swap3A, %swap3A_2] : memref<512x728xf32, #tpu.memory_space<vmem>>, vector<512x200xf32>
    tpu.vector_store %arg13[%swap3A, %swap3A_2], %get3A_1 {strides = array<i32>} : memref<512x728xf32, #tpu.memory_space<vmem>>, vector<512x200xf32>,
    %get3A_4 = arith.constant 0 : index
    %get3A_5 = arith.constant 0 : index
    %get3A_6 = vector.load %arg2[%get3A_4, %get3A_5] : memref<512x64xf32, #tpu.memory_space<vmem>>, vector<512x64xf32>
    %swap3A_7 = arith.constant 0 : index
    %swap3A_8 = arith.constant 200 : index
    %swap3A_9 = vector.load %arg13[%swap3A_7, %swap3A_8] : memref<512x728xf32, #tpu.memory_space<vmem>>, vector<512x64xf32>
    tpu.vector_store %arg13[%swap3A_7, %swap3A_8], %get3A_6 {strides = array<i32>} : memref<512x728xf32, #tpu.memory_space<vmem>>, vector<512x64xf32>,
    %get3A_10 = arith.constant 0 : index
    %get3A_11 = arith.constant 0 : index
    %get3A_12 = vector.load %arg3[%get3A_10, %get3A_11] : memref<512x416xf32, #tpu.memory_space<vmem>>, vector<512x416xf32>
    %swap3A_13 = arith.constant 0 : index
    %swap3A_14 = arith.constant 264 : index
    %swap3A_15 = vector.load %arg13[%swap3A_13, %swap3A_14] : memref<512x728xf32, #tpu.memory_space<vmem>>, vector<512x416xf32>
    tpu.vector_store %arg13[%swap3A_13, %swap3A_14], %get3A_12 {strides = array<i32>} : memref<512x728xf32, #tpu.memory_space<vmem>>, vector<512x416xf32>,
    %get3A_16 = arith.constant 0 : index
    %get3A_17 = arith.constant 0 : index
    %get3A_18 = vector.load %arg4[%get3A_16, %get3A_17] : memref<512x32xf32, #tpu.memory_space<vmem>>, vector<512x32xf32>
    %swap3A_19 = arith.constant 0 : index
    %swap3A_20 = arith.constant 680 : index
    %swap3A_21 = vector.load %arg13[%swap3A_19, %swap3A_20] : memref<512x728xf32, #tpu.memory_space<vmem>>, vector<512x32xf32>
    tpu.vector_store %arg13[%swap3A_19, %swap3A_20], %get3A_18 {strides = array<i32>} : memref<512x728xf32, #tpu.memory_space<vmem>>, vector<512x32xf32>,
    %get3A_22 = arith.constant 0 : index
    %get3A_23 = arith.constant 0 : index
    %get3A_24 = vector.load %arg5[%get3A_22, %get3A_23] : memref<512x16xf32, #tpu.memory_space<vmem>>, vector<512x16xf32>
    %swap3A_25 = arith.constant 0 : index
    %swap3A_26 = arith.constant 712 : index
    %swap3A_27 = vector.load %arg13[%swap3A_25, %swap3A_26] : memref<512x728xf32, #tpu.memory_space<vmem>>, vector<512x16xf32>
    tpu.vector_store %arg13[%swap3A_25, %swap3A_26], %get3A_24 {strides = array<i32>} : memref<512x728xf32, #tpu.memory_space<vmem>>, vector<512x16xf32>,
    %get3A_28 = arith.constant 0 : index
    %get3A_29 = arith.constant 0 : index
    %get3A_30 = vector.load %arg13[%get3A_28, %get3A_29] : memref<512x728xf32, #tpu.memory_space<vmem>>, vector<512x728xf32>
    %get3A_31 = arith.constant 0 : index
    %get3A_32 = arith.constant 0 : index
    %get3A_33 = vector.load %arg6[%get3A_31, %get3A_32] : memref<728x256xf32, #tpu.memory_space<vmem>>, vector<728x256xf32>
    %dot_general3A = arith.constant dense<0.000000e+00> : vector<512x256xf32>
    %dot_general3A_34 = tpu.matmul %get3A_30, %get3A_33, %dot_general3A {dimension_numbers = #tpu.dot_dimension_numbers<[1], [0], [0], [1], [0, 0, 1, 1], [], []>, transpose_lhs_hint = false} : vector<512x728xf32>, vector<728x256xf32>, vector<512x256xf32> -> vector<512x256xf32>
    %get3A_35 = arith.constant 0 : index
    %get3A_36 = arith.constant 0 : index
    %get3A_37 = vector.load %arg7[%get3A_35, %get3A_36] : memref<1x256xf32, #tpu.memory_space<vmem>>, vector<1x256xf32>
    %add3A = vector.broadcast %get3A_37 : vector<1x256xf32> to vector<512x256xf32>
    %add3A_38 = arith.addf %dot_general3A_34, %add3A : vector<512x256xf32>
    %mul3A = arith.constant 5.000000e-01 : f32
    %mul3A_39 = vector.broadcast %mul3A : f32 to vector<512x256xf32>
    %mul3A_40 = arith.mulf %mul3A_39, %add3A_38 : vector<512x256xf32>
    %mul3A_41 = arith.constant 0.707106769 : f32
    %mul3A_42 = vector.broadcast %mul3A_41 : f32 to vector<512x256xf32>
    %mul3A_43 = arith.mulf %add3A_38, %mul3A_42 : vector<512x256xf32>
    %erf3A = math.erf %mul3A_43 : vector<512x256xf32>
    %add3A_44 = arith.constant 1.000000e+00 : f32
    %add3A_45 = vector.broadcast %add3A_44 : f32 to vector<512x256xf32>
    %add3A_46 = arith.addf %add3A_45, %erf3A : vector<512x256xf32>
    %mul3A_47 = arith.mulf %mul3A_40, %add3A_46 : vector<512x256xf32>
    %get3A_48 = arith.constant 0 : index
    %get3A_49 = arith.constant 0 : index
    %get3A_50 = vector.load %arg8[%get3A_48, %get3A_49] : memref<256x256xf32, #tpu.memory_space<vmem>>, vector<256x256xf32>
    %dot_general3A_51 = arith.constant dense<0.000000e+00> : vector<512x256xf32>
    %dot_general3A_52 = tpu.matmul %mul3A_47, %get3A_50, %dot_general3A_51 {dimension_numbers = #tpu.dot_dimension_numbers<[1], [0], [0], [1], [0, 0, 1, 1], [], []>, transpose_lhs_hint = false} : vector<512x256xf32>, vector<256x256xf32>, vector<512x256xf32> -> vector<512x256xf32>
    %get3A_53 = arith.constant 0 : index
    %get3A_54 = arith.constant 0 : index
    %get3A_55 = vector.load %arg9[%get3A_53, %get3A_54] : memref<1x256xf32, #tpu.memory_space<vmem>>, vector<1x256xf32>
    %add3A_56 = vector.broadcast %get3A_55 : vector<1x256xf32> to vector<512x256xf32>
    %add3A_57 = arith.addf %dot_general3A_52, %add3A_56 : vector<512x256xf32>
    %mul3A_58 = arith.constant 5.000000e-01 : f32
    %mul3A_59 = vector.broadcast %mul3A_58 : f32 to vector<512x256xf32>
    %mul3A_60 = arith.mulf %mul3A_59, %add3A_57 : vector<512x256xf32>
    %mul3A_61 = arith.constant 0.707106769 : f32
    %mul3A_62 = vector.broadcast %mul3A_61 : f32 to vector<512x256xf32>
    %mul3A_63 = arith.mulf %add3A_57, %mul3A_62 : vector<512x256xf32>
    %erf3A_64 = math.erf %mul3A_63 : vector<512x256xf32>
    %add3A_65 = arith.constant 1.000000e+00 : f32
    %add3A_66 = vector.broadcast %add3A_65 : f32 to vector<512x256xf32>
    %add3A_67 = arith.addf %add3A_66, %erf3A_64 : vector<512x256xf32>
    %mul3A_68 = arith.mulf %mul3A_60, %add3A_67 : vector<512x256xf32>
    %get3A_69 = arith.constant 0 : index
    %get3A_70 = arith.constant 0 : index
    %get3A_71 = vector.load %arg10[%get3A_69, %get3A_70] : memref<256x64xf32, #tpu.memory_space<vmem>>, vector<256x64xf32>
    %dot_general3A_72 = arith.constant dense<0.000000e+00> : vector<512x64xf32>
    %dot_general3A_73 = tpu.matmul %mul3A_68, %get3A_71, %dot_general3A_72 {dimension_numbers = #tpu.dot_dimension_numbers<[1], [0], [0], [1], [0, 0, 1, 1], [], []>, transpose_lhs_hint = false} : vector<512x256xf32>, vector<256x64xf32>, vector<512x64xf32> -> vector<512x64xf32>
    %get3A_74 = arith.constant 0 : index
    %get3A_75 = arith.constant 0 : index
    %get3A_76 = vector.load %arg11[%get3A_74, %get3A_75] : memref<1x64xf32, #tpu.memory_space<vmem>>, vector<1x64xf32>
    %add3A_77 = vector.broadcast %get3A_76 : vector<1x64xf32> to vector<512x64xf32>
    %add3A_78 = arith.addf %dot_general3A_73, %add3A_77 : vector<512x64xf32>
    %iota3A = tpu.iota {dimensions = array<i32: 1>} : vector<512x64xi32>
    %convert_element_type3A = arith.sitofp %iota3A : vector<512x64xi32> to vector<512x64xf32>
    %broadcast_in_dim3A = arith.constant 0.000000e+00 : f32
    %broadcast_in_dim3A_79 = vector.broadcast %broadcast_in_dim3A : f32 to vector<512x64xf32>
    %reduce_max3A = arith.constant dense<0xFF800000> : vector<512xf32>
    %reduce_max3A_80 = vector.multi_reduction <maximumf>, %add3A_78, %reduce_max3A [1] : vector<512x64xf32> to vector<512xf32>
    %broadcast_in_dim3A_81 = vector.shape_cast %reduce_max3A_80 : vector<512xf32> to vector<512x1xf32>
    %reduce_max3A_82 = arith.constant dense<0xFF800000> : vector<512xf32>
    %reduce_max3A_83 = vector.multi_reduction <maximumf>, %add3A_78, %reduce_max3A_82 [1] : vector<512x64xf32> to vector<512xf32>
    %broadcast_in_dim3A_84 = vector.shape_cast %reduce_max3A_83 : vector<512xf32> to vector<512x1xf32>
    %eq3A = vector.broadcast %broadcast_in_dim3A_84 : vector<512x1xf32> to vector<512x64xf32>
    %eq3A_85 = arith.cmpf oeq, %add3A_78, %eq3A : vector<512x64xf32>
    %jit3A = arith.constant 6.400000e+01 : f32
    %broadcast_in_dim3A_86 = vector.broadcast %jit3A : f32 to vector<512x64xf32>
    %select_n3A = arith.select %eq3A_85, %convert_element_type3A, %broadcast_in_dim3A_86 : vector<512x64xi1>, vector<512x64xf32>
    %reduce_min3A = arith.constant dense<0x7F800000> : vector<512xf32>
    %reduce_min3A_87 = vector.multi_reduction <minimumf>, %select_n3A, %reduce_min3A [1] : vector<512x64xf32> to vector<512xf32>
    %broadcast_in_dim3A_88 = vector.shape_cast %reduce_min3A_87 : vector<512xf32> to vector<512x1xf32>
    %eq3A_89 = vector.broadcast %broadcast_in_dim3A_88 : vector<512x1xf32> to vector<512x64xf32>
    %eq3A_90 = arith.cmpf oeq, %convert_element_type3A, %eq3A_89 : vector<512x64xf32>
    %jit3A_91 = arith.constant 1.000000e+00 : f32
    %broadcast_in_dim3A_92 = vector.broadcast %jit3A_91 : f32 to vector<512x64xf32>
    %select_n3A_93 = arith.select %eq3A_90, %broadcast_in_dim3A_92, %broadcast_in_dim3A_79 : vector<512x64xi1>, vector<512x64xf32>
    %jit3A_94 = arith.constant 0xFF800000 : f32
    %broadcast_in_dim3A_95 = vector.broadcast %jit3A_94 : f32 to vector<512x64xf32>
    %select_n3A_96 = arith.select %eq3A_90, %broadcast_in_dim3A_95, %add3A_78 : vector<512x64xi1>, vector<512x64xf32>
    %reduce_max3A_97 = arith.constant dense<0xFF800000> : vector<512xf32>
    %reduce_max3A_98 = vector.multi_reduction <maximumf>, %select_n3A_96, %reduce_max3A_97 [1] : vector<512x64xf32> to vector<512xf32>
    %broadcast_in_dim3A_99 = vector.shape_cast %reduce_max3A_98 : vector<512xf32> to vector<512x1xf32>
    %eq3A_100 = vector.broadcast %broadcast_in_dim3A_99 : vector<512x1xf32> to vector<512x64xf32>
    %eq3A_101 = arith.cmpf oeq, %select_n3A_96, %eq3A_100 : vector<512x64xf32>
    %jit3A_102 = arith.constant 6.400000e+01 : f32
    %broadcast_in_dim3A_103 = vector.broadcast %jit3A_102 : f32 to vector<512x64xf32>
    %select_n3A_104 = arith.select %eq3A_101, %convert_element_type3A, %broadcast_in_dim3A_103 : vector<512x64xi1>, vector<512x64xf32>
    %reduce_min3A_105 = arith.constant dense<0x7F800000> : vector<512xf32>
    %reduce_min3A_106 = vector.multi_reduction <minimumf>, %select_n3A_104, %reduce_min3A_105 [1] : vector<512x64xf32> to vector<512xf32>
    %broadcast_in_dim3A_107 = vector.shape_cast %reduce_min3A_106 : vector<512xf32> to vector<512x1xf32>
    %eq3A_108 = vector.broadcast %broadcast_in_dim3A_107 : vector<512x1xf32> to vector<512x64xf32>
    %eq3A_109 = arith.cmpf oeq, %convert_element_type3A, %eq3A_108 : vector<512x64xf32>
    %jit3A_110 = arith.constant 1.000000e+00 : f32
    %broadcast_in_dim3A_111 = vector.broadcast %jit3A_110 : f32 to vector<512x64xf32>
    %select_n3A_112 = arith.select %eq3A_109, %broadcast_in_dim3A_111, %select_n3A_93 : vector<512x64xi1>, vector<512x64xf32>
    %jit3A_113 = arith.constant 0xFF800000 : f32
    %broadcast_in_dim3A_114 = vector.broadcast %jit3A_113 : f32 to vector<512x64xf32>
    %select_n3A_115 = arith.select %eq3A_109, %broadcast_in_dim3A_114, %select_n3A_96 : vector<512x64xi1>, vector<512x64xf32>
    %reduce_max3A_116 = arith.constant dense<0xFF800000> : vector<512xf32>
    %reduce_max3A_117 = vector.multi_reduction <maximumf>, %select_n3A_115, %reduce_max3A_116 [1] : vector<512x64xf32> to vector<512xf32>
    %broadcast_in_dim3A_118 = vector.shape_cast %reduce_max3A_117 : vector<512xf32> to vector<512x1xf32>
    %eq3A_119 = vector.broadcast %broadcast_in_dim3A_118 : vector<512x1xf32> to vector<512x64xf32>
    %eq3A_120 = arith.cmpf oeq, %select_n3A_115, %eq3A_119 : vector<512x64xf32>
    %jit3A_121 = arith.constant 6.400000e+01 : f32
    %broadcast_in_dim3A_122 = vector.broadcast %jit3A_121 : f32 to vector<512x64xf32>
    %select_n3A_123 = arith.select %eq3A_120, %convert_element_type3A, %broadcast_in_dim3A_122 : vector<512x64xi1>, vector<512x64xf32>
    %reduce_min3A_124 = arith.constant dense<0x7F800000> : vector<512xf32>
    %reduce_min3A_125 = vector.multi_reduction <minimumf>, %select_n3A_123, %reduce_min3A_124 [1] : vector<512x64xf32> to vector<512xf32>
    %broadcast_in_dim3A_126 = vector.shape_cast %reduce_min3A_125 : vector<512xf32> to vector<512x1xf32>
    %eq3A_127 = vector.broadcast %broadcast_in_dim3A_126 : vector<512x1xf32> to vector<512x64xf32>
    %eq3A_128 = arith.cmpf oeq, %convert_element_type3A, %eq3A_127 : vector<512x64xf32>
    %jit3A_129 = arith.constant 1.000000e+00 : f32
    %broadcast_in_dim3A_130 = vector.broadcast %jit3A_129 : f32 to vector<512x64xf32>
    %select_n3A_131 = arith.select %eq3A_128, %broadcast_in_dim3A_130, %select_n3A_112 : vector<512x64xi1>, vector<512x64xf32>
    %jit3A_132 = arith.constant 0xFF800000 : f32
    %broadcast_in_dim3A_133 = vector.broadcast %jit3A_132 : f32 to vector<512x64xf32>
    %select_n3A_134 = arith.select %eq3A_128, %broadcast_in_dim3A_133, %select_n3A_115 : vector<512x64xi1>, vector<512x64xf32>
    %reduce_max3A_135 = arith.constant dense<0xFF800000> : vector<512xf32>
    %reduce_max3A_136 = vector.multi_reduction <maximumf>, %select_n3A_134, %reduce_max3A_135 [1] : vector<512x64xf32> to vector<512xf32>
    %broadcast_in_dim3A_137 = vector.shape_cast %reduce_max3A_136 : vector<512xf32> to vector<512x1xf32>
    %eq3A_138 = vector.broadcast %broadcast_in_dim3A_137 : vector<512x1xf32> to vector<512x64xf32>
    %eq3A_139 = arith.cmpf oeq, %select_n3A_134, %eq3A_138 : vector<512x64xf32>
    %jit3A_140 = arith.constant 6.400000e+01 : f32
    %broadcast_in_dim3A_141 = vector.broadcast %jit3A_140 : f32 to vector<512x64xf32>
    %select_n3A_142 = arith.select %eq3A_139, %convert_element_type3A, %broadcast_in_dim3A_141 : vector<512x64xi1>, vector<512x64xf32>
    %reduce_min3A_143 = arith.constant dense<0x7F800000> : vector<512xf32>
    %reduce_min3A_144 = vector.multi_reduction <minimumf>, %select_n3A_142, %reduce_min3A_143 [1] : vector<512x64xf32> to vector<512xf32>
    %broadcast_in_dim3A_145 = vector.shape_cast %reduce_min3A_144 : vector<512xf32> to vector<512x1xf32>
    %eq3A_146 = vector.broadcast %broadcast_in_dim3A_145 : vector<512x1xf32> to vector<512x64xf32>
    %eq3A_147 = arith.cmpf oeq, %convert_element_type3A, %eq3A_146 : vector<512x64xf32>
    %jit3A_148 = arith.constant 1.000000e+00 : f32
    %broadcast_in_dim3A_149 = vector.broadcast %jit3A_148 : f32 to vector<512x64xf32>
    %select_n3A_150 = arith.select %eq3A_147, %broadcast_in_dim3A_149, %select_n3A_131 : vector<512x64xi1>, vector<512x64xf32>
    %jit3A_151 = arith.constant 0xFF800000 : f32
    %broadcast_in_dim3A_152 = vector.broadcast %jit3A_151 : f32 to vector<512x64xf32>
    %select_n3A_153 = arith.select %eq3A_147, %broadcast_in_dim3A_152, %select_n3A_134 : vector<512x64xi1>, vector<512x64xf32>
    %reduce_max3A_154 = arith.constant dense<0xFF800000> : vector<512xf32>
    %reduce_max3A_155 = vector.multi_reduction <maximumf>, %select_n3A_153, %reduce_max3A_154 [1] : vector<512x64xf32> to vector<512xf32>
    %broadcast_in_dim3A_156 = vector.shape_cast %reduce_max3A_155 : vector<512xf32> to vector<512x1xf32>
    %eq3A_157 = vector.broadcast %broadcast_in_dim3A_156 : vector<512x1xf32> to vector<512x64xf32>
    %eq3A_158 = arith.cmpf oeq, %select_n3A_153, %eq3A_157 : vector<512x64xf32>
    %jit3A_159 = arith.constant 6.400000e+01 : f32
    %broadcast_in_dim3A_160 = vector.broadcast %jit3A_159 : f32 to vector<512x64xf32>
    %select_n3A_161 = arith.select %eq3A_158, %convert_element_type3A, %broadcast_in_dim3A_160 : vector<512x64xi1>, vector<512x64xf32>
    %reduce_min3A_162 = arith.constant dense<0x7F800000> : vector<512xf32>
    %reduce_min3A_163 = vector.multi_reduction <minimumf>, %select_n3A_161, %reduce_min3A_162 [1] : vector<512x64xf32> to vector<512xf32>
    %broadcast_in_dim3A_164 = vector.shape_cast %reduce_min3A_163 : vector<512xf32> to vector<512x1xf32>
    %eq3A_165 = vector.broadcast %broadcast_in_dim3A_164 : vector<512x1xf32> to vector<512x64xf32>
    %eq3A_166 = arith.cmpf oeq, %convert_element_type3A, %eq3A_165 : vector<512x64xf32>
    %jit3A_167 = arith.constant 1.000000e+00 : f32
    %broadcast_in_dim3A_168 = vector.broadcast %jit3A_167 : f32 to vector<512x64xf32>
    %select_n3A_169 = arith.select %eq3A_166, %broadcast_in_dim3A_168, %select_n3A_150 : vector<512x64xi1>, vector<512x64xf32>
    %jit3A_170 = arith.constant 0xFF800000 : f32
    %broadcast_in_dim3A_171 = vector.broadcast %jit3A_170 : f32 to vector<512x64xf32>
    %select_n3A_172 = arith.select %eq3A_166, %broadcast_in_dim3A_171, %select_n3A_153 : vector<512x64xi1>, vector<512x64xf32>
    %reduce_max3A_173 = arith.constant dense<0xFF800000> : vector<512xf32>
    %reduce_max3A_174 = vector.multi_reduction <maximumf>, %select_n3A_172, %reduce_max3A_173 [1] : vector<512x64xf32> to vector<512xf32>
    %broadcast_in_dim3A_175 = vector.shape_cast %reduce_max3A_174 : vector<512xf32> to vector<512x1xf32>
    %eq3A_176 = vector.broadcast %broadcast_in_dim3A_175 : vector<512x1xf32> to vector<512x64xf32>
    %eq3A_177 = arith.cmpf oeq, %select_n3A_172, %eq3A_176 : vector<512x64xf32>
    %jit3A_178 = arith.constant 6.400000e+01 : f32
    %broadcast_in_dim3A_179 = vector.broadcast %jit3A_178 : f32 to vector<512x64xf32>
    %select_n3A_180 = arith.select %eq3A_177, %convert_element_type3A, %broadcast_in_dim3A_179 : vector<512x64xi1>, vector<512x64xf32>
    %reduce_min3A_181 = arith.constant dense<0x7F800000> : vector<512xf32>
    %reduce_min3A_182 = vector.multi_reduction <minimumf>, %select_n3A_180, %reduce_min3A_181 [1] : vector<512x64xf32> to vector<512xf32>
    %broadcast_in_dim3A_183 = vector.shape_cast %reduce_min3A_182 : vector<512xf32> to vector<512x1xf32>
    %eq3A_184 = vector.broadcast %broadcast_in_dim3A_183 : vector<512x1xf32> to vector<512x64xf32>
    %eq3A_185 = arith.cmpf oeq, %convert_element_type3A, %eq3A_184 : vector<512x64xf32>
    %jit3A_186 = arith.constant 1.000000e+00 : f32
    %broadcast_in_dim3A_187 = vector.broadcast %jit3A_186 : f32 to vector<512x64xf32>
    %select_n3A_188 = arith.select %eq3A_185, %broadcast_in_dim3A_187, %select_n3A_169 : vector<512x64xi1>, vector<512x64xf32>
    %jit3A_189 = arith.constant 0xFF800000 : f32
    %broadcast_in_dim3A_190 = vector.broadcast %jit3A_189 : f32 to vector<512x64xf32>
    %select_n3A_191 = arith.select %eq3A_185, %broadcast_in_dim3A_190, %select_n3A_172 : vector<512x64xi1>, vector<512x64xf32>
    %reduce_max3A_192 = arith.constant dense<0xFF800000> : vector<512xf32>
    %reduce_max3A_193 = vector.multi_reduction <maximumf>, %select_n3A_191, %reduce_max3A_192 [1] : vector<512x64xf32> to vector<512xf32>
    %broadcast_in_dim3A_194 = vector.shape_cast %reduce_max3A_193 : vector<512xf32> to vector<512x1xf32>
    %eq3A_195 = vector.broadcast %broadcast_in_dim3A_194 : vector<512x1xf32> to vector<512x64xf32>
    %eq3A_196 = arith.cmpf oeq, %select_n3A_191, %eq3A_195 : vector<512x64xf32>
    %jit3A_197 = arith.constant 6.400000e+01 : f32
    %broadcast_in_dim3A_198 = vector.broadcast %jit3A_197 : f32 to vector<512x64xf32>
    %select_n3A_199 = arith.select %eq3A_196, %convert_element_type3A, %broadcast_in_dim3A_198 : vector<512x64xi1>, vector<512x64xf32>
    %reduce_min3A_200 = arith.constant dense<0x7F800000> : vector<512xf32>
    %reduce_min3A_201 = vector.multi_reduction <minimumf>, %select_n3A_199, %reduce_min3A_200 [1] : vector<512x64xf32> to vector<512xf32>
    %broadcast_in_dim3A_202 = vector.shape_cast %reduce_min3A_201 : vector<512xf32> to vector<512x1xf32>
    %eq3A_203 = vector.broadcast %broadcast_in_dim3A_202 : vector<512x1xf32> to vector<512x64xf32>
    %eq3A_204 = arith.cmpf oeq, %convert_element_type3A, %eq3A_203 : vector<512x64xf32>
    %jit3A_205 = arith.constant 1.000000e+00 : f32
    %broadcast_in_dim3A_206 = vector.broadcast %jit3A_205 : f32 to vector<512x64xf32>
    %select_n3A_207 = arith.select %eq3A_204, %broadcast_in_dim3A_206, %select_n3A_188 : vector<512x64xi1>, vector<512x64xf32>
    %jit3A_208 = arith.constant 0xFF800000 : f32
    %broadcast_in_dim3A_209 = vector.broadcast %jit3A_208 : f32 to vector<512x64xf32>
    %select_n3A_210 = arith.select %eq3A_204, %broadcast_in_dim3A_209, %select_n3A_191 : vector<512x64xi1>, vector<512x64xf32>
    %reduce_max3A_211 = arith.constant dense<0xFF800000> : vector<512xf32>
    %reduce_max3A_212 = vector.multi_reduction <maximumf>, %select_n3A_210, %reduce_max3A_211 [1] : vector<512x64xf32> to vector<512xf32>
    %broadcast_in_dim3A_213 = vector.shape_cast %reduce_max3A_212 : vector<512xf32> to vector<512x1xf32>
    %eq3A_214 = vector.broadcast %broadcast_in_dim3A_213 : vector<512x1xf32> to vector<512x64xf32>
    %eq3A_215 = arith.cmpf oeq, %select_n3A_210, %eq3A_214 : vector<512x64xf32>
    %jit3A_216 = arith.constant 6.400000e+01 : f32
    %broadcast_in_dim3A_217 = vector.broadcast %jit3A_216 : f32 to vector<512x64xf32>
    %select_n3A_218 = arith.select %eq3A_215, %convert_element_type3A, %broadcast_in_dim3A_217 : vector<512x64xi1>, vector<512x64xf32>
    %reduce_min3A_219 = arith.constant dense<0x7F800000> : vector<512xf32>
    %reduce_min3A_220 = vector.multi_reduction <minimumf>, %select_n3A_218, %reduce_min3A_219 [1] : vector<512x64xf32> to vector<512xf32>
    %broadcast_in_dim3A_221 = vector.shape_cast %reduce_min3A_220 : vector<512xf32> to vector<512x1xf32>
    %eq3A_222 = vector.broadcast %broadcast_in_dim3A_221 : vector<512x1xf32> to vector<512x64xf32>
    %eq3A_223 = arith.cmpf oeq, %convert_element_type3A, %eq3A_222 : vector<512x64xf32>
    %jit3A_224 = arith.constant 1.000000e+00 : f32
    %broadcast_in_dim3A_225 = vector.broadcast %jit3A_224 : f32 to vector<512x64xf32>
    %select_n3A_226 = arith.select %eq3A_223, %broadcast_in_dim3A_225, %select_n3A_207 : vector<512x64xi1>, vector<512x64xf32>
    %sub3A = vector.broadcast %broadcast_in_dim3A_81 : vector<512x1xf32> to vector<512x64xf32>
    %sub3A_227 = arith.subf %add3A_78, %sub3A : vector<512x64xf32>
    %exp3A = math.exp %sub3A_227 : vector<512x64xf32>
    %mul3A_228 = arith.mulf %select_n3A_226, %exp3A : vector<512x64xf32>
    %reduce_sum3A = arith.constant dense<0.000000e+00> : vector<512xf32>
    %reduce_sum3A_229 = vector.multi_reduction <add>, %mul3A_228, %reduce_sum3A [1] : vector<512x64xf32> to vector<512xf32>
    %broadcast_in_dim3A_230 = vector.shape_cast %reduce_sum3A_229 : vector<512xf32> to vector<512x1xf32>
    %div3A = vector.broadcast %broadcast_in_dim3A_230 : vector<512x1xf32> to vector<512x64xf32>
    %div3A_231 = arith.divf %mul3A_228, %div3A : vector<512x64xf32>
    %swap3A_232 = arith.constant 0 : index
    %swap3A_233 = arith.constant 0 : index
    %swap3A_234 = vector.load %arg12[%swap3A_232, %swap3A_233] : memref<512x64xf32, #tpu.memory_space<vmem>>, vector<512x64xf32>
    tpu.vector_store %arg12[%swap3A_232, %swap3A_233], %div3A_231 {strides = array<i32>} : memref<512x64xf32, #tpu.memory_space<vmem>>, vector<512x64xf32>,
    return
  }
  func.func @transform_0(%arg0: i32) -> (i32, i32) {
    %add3A = arith.constant 0 : i32
    %add3A_0 = arith.addi %arg0, %add3A : i32
    %c0_i32 = arith.constant 0 : i32
    %c0_i32_1 = arith.constant 0 : i32
    return %add3A_0, %c0_i32 : i32, i32
  }
  func.func @transform_1(%arg0: i32) -> (i32, i32) {
    %add3A = arith.constant 0 : i32
    %add3A_0 = arith.addi %arg0, %add3A : i32
    %c0_i32 = arith.constant 0 : i32
    %c0_i32_1 = arith.constant 0 : i32
    return %add3A_0, %c0_i32 : i32, i32
  }
  func.func @transform_2(%arg0: i32) -> (i32, i32) {
    %c0_i32 = arith.constant 0 : i32
    %c0_i32_0 = arith.constant 0 : i32
    return %arg0, %c0_i32 : i32, i32
  }
  func.func @transform_3(%arg0: i32) -> (i32, i32) {
    %c0_i32 = arith.constant 0 : i32
    %c0_i32_0 = arith.constant 0 : i32
    return %arg0, %c0_i32 : i32, i32
  }
  func.func @transform_4(%arg0: i32) -> (i32, i32) {
    %c0_i32 = arith.constant 0 : i32
    %c0_i32_0 = arith.constant 0 : i32
    return %arg0, %c0_i32 : i32, i32
  }
  func.func @transform_5(%arg0: i32) -> (i32, i32) {
    %c0_i32 = arith.constant 0 : i32
    %c0_i32_0 = arith.constant 0 : i32
    %c0_i32_1 = arith.constant 0 : i32
    return %c0_i32, %c0_i32_0 : i32, i32
  }
  func.func @transform_6(%arg0: i32) -> (i32, i32) {
    %c0_i32 = arith.constant 0 : i32
    %c0_i32_0 = arith.constant 0 : i32
    %c0_i32_1 = arith.constant 0 : i32
    return %c0_i32, %c0_i32_0 : i32, i32
  }
  func.func @transform_7(%arg0: i32) -> (i32, i32) {
    %c0_i32 = arith.constant 0 : i32
    %c0_i32_0 = arith.constant 0 : i32
    %c0_i32_1 = arith.constant 0 : i32
    return %c0_i32, %c0_i32_0 : i32, i32
  }
  func.func @transform_8(%arg0: i32) -> (i32, i32) {
    %c0_i32 = arith.constant 0 : i32
    %c0_i32_0 = arith.constant 0 : i32
    %c0_i32_1 = arith.constant 0 : i32
    return %c0_i32, %c0_i32_0 : i32, i32
  }
  func.func @transform_9(%arg0: i32) -> (i32, i32) {
    %c0_i32 = arith.constant 0 : i32
    %c0_i32_0 = arith.constant 0 : i32
    %c0_i32_1 = arith.constant 0 : i32
    return %c0_i32, %c0_i32_0 : i32, i32
  }
  func.func @transform_10(%arg0: i32) -> (i32, i32) {
    %c0_i32 = arith.constant 0 : i32
    %c0_i32_0 = arith.constant 0 : i32
    %c0_i32_1 = arith.constant 0 : i32
    return %c0_i32, %c0_i32_0 : i32, i32
  }
  func.func @transform_11(%arg0: i32) -> (i32, i32) {
    %c0_i32 = arith.constant 0 : i32
    %c0_i32_0 = arith.constant 0 : i32
    return %arg0, %c0_i32 : i32, i32
  }
}

module attributes {stable_mosaic.version = 14 : i64} {
  func.func @_tc_body(%arg0: i32, %arg1: memref<512x200xf32, #tpu.memory_space<vmem>>, %arg2: memref<512x64xf32, #tpu.memory_space<vmem>>, %arg3: memref<512x416xf32, #tpu.memory_space<vmem>>, %arg4: memref<512x32xf32, #tpu.memory_space<vmem>>, %arg5: memref<512x16xf32, #tpu.memory_space<vmem>>, %arg6: memref<728x256xf32, #tpu.memory_space<vmem>>, %arg7: memref<1x256xf32, #tpu.memory_space<vmem>>, %arg8: memref<256x256xf32, #tpu.memory_space<vmem>>, %arg9: memref<1x256xf32, #tpu.memory_space<vmem>>, %arg10: memref<256x64xf32, #tpu.memory_space<vmem>>, %arg11: memref<1x64xf32, #tpu.memory_space<vmem>>, %arg12: memref<512x64xf32, #tpu.memory_space<vmem>>, %arg13: memref<512x728xf32, #tpu.memory_space<vmem>>) attributes {dimension_semantics = [#tpu.dimension_semantics<arbitrary>], iteration_bounds = array<i64: 16>, scalar_prefetch = 0 : i64, scratch_operands = 1 : i64, tpu.core_type = #tpu.core_type<tc>, window_params = [{transform_indices = @transform_0, window_bounds = array<i64: 512, 200>}, {transform_indices = @transform_1, window_bounds = array<i64: 512, 64>}, {transform_indices = @transform_2, window_bounds = array<i64: 512, 416>}, {transform_indices = @transform_3, window_bounds = array<i64: 512, 32>}, {transform_indices = @transform_4, window_bounds = array<i64: 512, 16>}, {pipeline_mode = #tpu.pipeline_mode<synchronous>, transform_indices = @transform_5, window_bounds = array<i64: 728, 256>}, {pipeline_mode = #tpu.pipeline_mode<synchronous>, transform_indices = @transform_6, window_bounds = array<i64: 1, 256>}, {pipeline_mode = #tpu.pipeline_mode<synchronous>, transform_indices = @transform_7, window_bounds = array<i64: 256, 256>}, {pipeline_mode = #tpu.pipeline_mode<synchronous>, transform_indices = @transform_8, window_bounds = array<i64: 1, 256>}, {pipeline_mode = #tpu.pipeline_mode<synchronous>, transform_indices = @transform_9, window_bounds = array<i64: 256, 64>}, {pipeline_mode = #tpu.pipeline_mode<synchronous>, transform_indices = @transform_10, window_bounds = array<i64: 1, 64>}, {transform_indices = @transform_11, window_bounds = array<i64: 512, 64>}]} {
    %get3A = arith.constant 0 : index
    %get3A_0 = arith.constant 0 : index
    %get3A_1 = vector.load %arg1[%get3A, %get3A_0] : memref<512x200xf32, #tpu.memory_space<vmem>>, vector<512x200xf32>
    %swap3A = arith.constant 0 : index
    %swap3A_2 = arith.constant 0 : index
    %swap3A_3 = vector.load %arg13[%swap3A, %swap3A_2] : memref<512x728xf32, #tpu.memory_space<vmem>>, vector<512x200xf32>
    tpu.vector_store %arg13[%swap3A, %swap3A_2], %get3A_1 {strides = array<i32>} : memref<512x728xf32, #tpu.memory_space<vmem>>, vector<512x200xf32>,
    %get3A_4 = arith.constant 0 : index
    %get3A_5 = arith.constant 0 : index
    %get3A_6 = vector.load %arg2[%get3A_4, %get3A_5] : memref<512x64xf32, #tpu.memory_space<vmem>>, vector<512x64xf32>
    %swap3A_7 = arith.constant 0 : index
    %swap3A_8 = arith.constant 200 : index
    %swap3A_9 = vector.load %arg13[%swap3A_7, %swap3A_8] : memref<512x728xf32, #tpu.memory_space<vmem>>, vector<512x64xf32>
    tpu.vector_store %arg13[%swap3A_7, %swap3A_8], %get3A_6 {strides = array<i32>} : memref<512x728xf32, #tpu.memory_space<vmem>>, vector<512x64xf32>,
    %get3A_10 = arith.constant 0 : index
    %get3A_11 = arith.constant 0 : index
    %get3A_12 = vector.load %arg3[%get3A_10, %get3A_11] : memref<512x416xf32, #tpu.memory_space<vmem>>, vector<512x416xf32>
    %swap3A_13 = arith.constant 0 : index
    %swap3A_14 = arith.constant 264 : index
    %swap3A_15 = vector.load %arg13[%swap3A_13, %swap3A_14] : memref<512x728xf32, #tpu.memory_space<vmem>>, vector<512x416xf32>
    tpu.vector_store %arg13[%swap3A_13, %swap3A_14], %get3A_12 {strides = array<i32>} : memref<512x728xf32, #tpu.memory_space<vmem>>, vector<512x416xf32>,
    %get3A_16 = arith.constant 0 : index
    %get3A_17 = arith.constant 0 : index
    %get3A_18 = vector.load %arg4[%get3A_16, %get3A_17] : memref<512x32xf32, #tpu.memory_space<vmem>>, vector<512x32xf32>
    %swap3A_19 = arith.constant 0 : index
    %swap3A_20 = arith.constant 680 : index
    %swap3A_21 = vector.load %arg13[%swap3A_19, %swap3A_20] : memref<512x728xf32, #tpu.memory_space<vmem>>, vector<512x32xf32>
    tpu.vector_store %arg13[%swap3A_19, %swap3A_20], %get3A_18 {strides = array<i32>} : memref<512x728xf32, #tpu.memory_space<vmem>>, vector<512x32xf32>,
    %get3A_22 = arith.constant 0 : index
    %get3A_23 = arith.constant 0 : index
    %get3A_24 = vector.load %arg5[%get3A_22, %get3A_23] : memref<512x16xf32, #tpu.memory_space<vmem>>, vector<512x16xf32>
    %swap3A_25 = arith.constant 0 : index
    %swap3A_26 = arith.constant 712 : index
    %swap3A_27 = vector.load %arg13[%swap3A_25, %swap3A_26] : memref<512x728xf32, #tpu.memory_space<vmem>>, vector<512x16xf32>
    tpu.vector_store %arg13[%swap3A_25, %swap3A_26], %get3A_24 {strides = array<i32>} : memref<512x728xf32, #tpu.memory_space<vmem>>, vector<512x16xf32>,
    %get3A_28 = arith.constant 0 : index
    %get3A_29 = arith.constant 0 : index
    %get3A_30 = vector.load %arg13[%get3A_28, %get3A_29] : memref<512x728xf32, #tpu.memory_space<vmem>>, vector<512x728xf32>
    %get3A_31 = arith.constant 0 : index
    %get3A_32 = arith.constant 0 : index
    %get3A_33 = vector.load %arg6[%get3A_31, %get3A_32] : memref<728x256xf32, #tpu.memory_space<vmem>>, vector<728x256xf32>
    %dot_general3A = arith.constant dense<0.000000e+00> : vector<512x256xf32>
    %dot_general3A_34 = tpu.matmul %get3A_30, %get3A_33, %dot_general3A {dimension_numbers = #tpu.dot_dimension_numbers<[1], [0], [0], [1], [0, 0, 1, 1], [], []>, transpose_lhs_hint = false} : vector<512x728xf32>, vector<728x256xf32>, vector<512x256xf32> -> vector<512x256xf32>
    %get3A_35 = arith.constant 0 : index
    %get3A_36 = arith.constant 0 : index
    %get3A_37 = vector.load %arg7[%get3A_35, %get3A_36] : memref<1x256xf32, #tpu.memory_space<vmem>>, vector<1x256xf32>
    %add3A = vector.broadcast %get3A_37 : vector<1x256xf32> to vector<512x256xf32>
    %add3A_38 = arith.addf %dot_general3A_34, %add3A : vector<512x256xf32>
    %mul3A = arith.constant 5.000000e-01 : f32
    %mul3A_39 = vector.broadcast %mul3A : f32 to vector<512x256xf32>
    %mul3A_40 = arith.mulf %mul3A_39, %add3A_38 : vector<512x256xf32>
    %mul3A_41 = arith.constant 0.707106769 : f32
    %mul3A_42 = vector.broadcast %mul3A_41 : f32 to vector<512x256xf32>
    %mul3A_43 = arith.mulf %add3A_38, %mul3A_42 : vector<512x256xf32>
    %erf3A = math.erf %mul3A_43 : vector<512x256xf32>
    %add3A_44 = arith.constant 1.000000e+00 : f32
    %add3A_45 = vector.broadcast %add3A_44 : f32 to vector<512x256xf32>
    %add3A_46 = arith.addf %add3A_45, %erf3A : vector<512x256xf32>
    %mul3A_47 = arith.mulf %mul3A_40, %add3A_46 : vector<512x256xf32>
    %get3A_48 = arith.constant 0 : index
    %get3A_49 = arith.constant 0 : index
    %get3A_50 = vector.load %arg8[%get3A_48, %get3A_49] : memref<256x256xf32, #tpu.memory_space<vmem>>, vector<256x256xf32>
    %dot_general3A_51 = arith.constant dense<0.000000e+00> : vector<512x256xf32>
    %dot_general3A_52 = tpu.matmul %mul3A_47, %get3A_50, %dot_general3A_51 {dimension_numbers = #tpu.dot_dimension_numbers<[1], [0], [0], [1], [0, 0, 1, 1], [], []>, transpose_lhs_hint = false} : vector<512x256xf32>, vector<256x256xf32>, vector<512x256xf32> -> vector<512x256xf32>
    %get3A_53 = arith.constant 0 : index
    %get3A_54 = arith.constant 0 : index
    %get3A_55 = vector.load %arg9[%get3A_53, %get3A_54] : memref<1x256xf32, #tpu.memory_space<vmem>>, vector<1x256xf32>
    %add3A_56 = vector.broadcast %get3A_55 : vector<1x256xf32> to vector<512x256xf32>
    %add3A_57 = arith.addf %dot_general3A_52, %add3A_56 : vector<512x256xf32>
    %mul3A_58 = arith.constant 5.000000e-01 : f32
    %mul3A_59 = vector.broadcast %mul3A_58 : f32 to vector<512x256xf32>
    %mul3A_60 = arith.mulf %mul3A_59, %add3A_57 : vector<512x256xf32>
    %mul3A_61 = arith.constant 0.707106769 : f32
    %mul3A_62 = vector.broadcast %mul3A_61 : f32 to vector<512x256xf32>
    %mul3A_63 = arith.mulf %add3A_57, %mul3A_62 : vector<512x256xf32>
    %erf3A_64 = math.erf %mul3A_63 : vector<512x256xf32>
    %add3A_65 = arith.constant 1.000000e+00 : f32
    %add3A_66 = vector.broadcast %add3A_65 : f32 to vector<512x256xf32>
    %add3A_67 = arith.addf %add3A_66, %erf3A_64 : vector<512x256xf32>
    %mul3A_68 = arith.mulf %mul3A_60, %add3A_67 : vector<512x256xf32>
    %get3A_69 = arith.constant 0 : index
    %get3A_70 = arith.constant 0 : index
    %get3A_71 = vector.load %arg10[%get3A_69, %get3A_70] : memref<256x64xf32, #tpu.memory_space<vmem>>, vector<256x64xf32>
    %dot_general3A_72 = arith.constant dense<0.000000e+00> : vector<512x64xf32>
    %dot_general3A_73 = tpu.matmul %mul3A_68, %get3A_71, %dot_general3A_72 {dimension_numbers = #tpu.dot_dimension_numbers<[1], [0], [0], [1], [0, 0, 1, 1], [], []>, transpose_lhs_hint = false} : vector<512x256xf32>, vector<256x64xf32>, vector<512x64xf32> -> vector<512x64xf32>
    %get3A_74 = arith.constant 0 : index
    %get3A_75 = arith.constant 0 : index
    %get3A_76 = vector.load %arg11[%get3A_74, %get3A_75] : memref<1x64xf32, #tpu.memory_space<vmem>>, vector<1x64xf32>
    %add3A_77 = vector.broadcast %get3A_76 : vector<1x64xf32> to vector<512x64xf32>
    %add3A_78 = arith.addf %dot_general3A_73, %add3A_77 : vector<512x64xf32>
    %iota3A = tpu.iota {dimensions = array<i32: 1>} : vector<512x64xi32>
    %convert_element_type3A = arith.sitofp %iota3A : vector<512x64xi32> to vector<512x64xf32>
    %broadcast_in_dim3A = arith.constant 0.000000e+00 : f32
    %broadcast_in_dim3A_79 = vector.broadcast %broadcast_in_dim3A : f32 to vector<512x64xf32>
    %reduce_max3A = arith.constant dense<0xFF800000> : vector<512xf32>
    %reduce_max3A_80 = vector.multi_reduction <maximumf>, %add3A_78, %reduce_max3A [1] : vector<512x64xf32> to vector<512xf32>
    %broadcast_in_dim3A_81 = vector.shape_cast %reduce_max3A_80 : vector<512xf32> to vector<512x1xf32>
    %reduce_max3A_82 = arith.constant dense<0xFF800000> : vector<512xf32>
    %reduce_max3A_83 = vector.multi_reduction <maximumf>, %add3A_78, %reduce_max3A_82 [1] : vector<512x64xf32> to vector<512xf32>
    %broadcast_in_dim3A_84 = vector.shape_cast %reduce_max3A_83 : vector<512xf32> to vector<512x1xf32>
    %eq3A = vector.broadcast %broadcast_in_dim3A_84 : vector<512x1xf32> to vector<512x64xf32>
    %eq3A_85 = arith.cmpf oeq, %add3A_78, %eq3A : vector<512x64xf32>
    %jit3A = arith.constant 6.400000e+01 : f32
    %broadcast_in_dim3A_86 = vector.broadcast %jit3A : f32 to vector<512x64xf32>
    %select_n3A = arith.select %eq3A_85, %convert_element_type3A, %broadcast_in_dim3A_86 : vector<512x64xi1>, vector<512x64xf32>
    %reduce_min3A = arith.constant dense<0x7F800000> : vector<512xf32>
    %reduce_min3A_87 = vector.multi_reduction <minimumf>, %select_n3A, %reduce_min3A [1] : vector<512x64xf32> to vector<512xf32>
    %broadcast_in_dim3A_88 = vector.shape_cast %reduce_min3A_87 : vector<512xf32> to vector<512x1xf32>
    %eq3A_89 = vector.broadcast %broadcast_in_dim3A_88 : vector<512x1xf32> to vector<512x64xf32>
    %eq3A_90 = arith.cmpf oeq, %convert_element_type3A, %eq3A_89 : vector<512x64xf32>
    %jit3A_91 = arith.constant 1.000000e+00 : f32
    %broadcast_in_dim3A_92 = vector.broadcast %jit3A_91 : f32 to vector<512x64xf32>
    %select_n3A_93 = arith.select %eq3A_90, %broadcast_in_dim3A_92, %broadcast_in_dim3A_79 : vector<512x64xi1>, vector<512x64xf32>
    %jit3A_94 = arith.constant 0xFF800000 : f32
    %broadcast_in_dim3A_95 = vector.broadcast %jit3A_94 : f32 to vector<512x64xf32>
    %select_n3A_96 = arith.select %eq3A_90, %broadcast_in_dim3A_95, %add3A_78 : vector<512x64xi1>, vector<512x64xf32>
    %reduce_max3A_97 = arith.constant dense<0xFF800000> : vector<512xf32>
    %reduce_max3A_98 = vector.multi_reduction <maximumf>, %select_n3A_96, %reduce_max3A_97 [1] : vector<512x64xf32> to vector<512xf32>
    %broadcast_in_dim3A_99 = vector.shape_cast %reduce_max3A_98 : vector<512xf32> to vector<512x1xf32>
    %eq3A_100 = vector.broadcast %broadcast_in_dim3A_99 : vector<512x1xf32> to vector<512x64xf32>
    %eq3A_101 = arith.cmpf oeq, %select_n3A_96, %eq3A_100 : vector<512x64xf32>
    %jit3A_102 = arith.constant 6.400000e+01 : f32
    %broadcast_in_dim3A_103 = vector.broadcast %jit3A_102 : f32 to vector<512x64xf32>
    %select_n3A_104 = arith.select %eq3A_101, %convert_element_type3A, %broadcast_in_dim3A_103 : vector<512x64xi1>, vector<512x64xf32>
    %reduce_min3A_105 = arith.constant dense<0x7F800000> : vector<512xf32>
    %reduce_min3A_106 = vector.multi_reduction <minimumf>, %select_n3A_104, %reduce_min3A_105 [1] : vector<512x64xf32> to vector<512xf32>
    %broadcast_in_dim3A_107 = vector.shape_cast %reduce_min3A_106 : vector<512xf32> to vector<512x1xf32>
    %eq3A_108 = vector.broadcast %broadcast_in_dim3A_107 : vector<512x1xf32> to vector<512x64xf32>
    %eq3A_109 = arith.cmpf oeq, %convert_element_type3A, %eq3A_108 : vector<512x64xf32>
    %jit3A_110 = arith.constant 1.000000e+00 : f32
    %broadcast_in_dim3A_111 = vector.broadcast %jit3A_110 : f32 to vector<512x64xf32>
    %select_n3A_112 = arith.select %eq3A_109, %broadcast_in_dim3A_111, %select_n3A_93 : vector<512x64xi1>, vector<512x64xf32>
    %jit3A_113 = arith.constant 0xFF800000 : f32
    %broadcast_in_dim3A_114 = vector.broadcast %jit3A_113 : f32 to vector<512x64xf32>
    %select_n3A_115 = arith.select %eq3A_109, %broadcast_in_dim3A_114, %select_n3A_96 : vector<512x64xi1>, vector<512x64xf32>
    %reduce_max3A_116 = arith.constant dense<0xFF800000> : vector<512xf32>
    %reduce_max3A_117 = vector.multi_reduction <maximumf>, %select_n3A_115, %reduce_max3A_116 [1] : vector<512x64xf32> to vector<512xf32>
    %broadcast_in_dim3A_118 = vector.shape_cast %reduce_max3A_117 : vector<512xf32> to vector<512x1xf32>
    %eq3A_119 = vector.broadcast %broadcast_in_dim3A_118 : vector<512x1xf32> to vector<512x64xf32>
    %eq3A_120 = arith.cmpf oeq, %select_n3A_115, %eq3A_119 : vector<512x64xf32>
    %jit3A_121 = arith.constant 6.400000e+01 : f32
    %broadcast_in_dim3A_122 = vector.broadcast %jit3A_121 : f32 to vector<512x64xf32>
    %select_n3A_123 = arith.select %eq3A_120, %convert_element_type3A, %broadcast_in_dim3A_122 : vector<512x64xi1>, vector<512x64xf32>
    %reduce_min3A_124 = arith.constant dense<0x7F800000> : vector<512xf32>
    %reduce_min3A_125 = vector.multi_reduction <minimumf>, %select_n3A_123, %reduce_min3A_124 [1] : vector<512x64xf32> to vector<512xf32>
    %broadcast_in_dim3A_126 = vector.shape_cast %reduce_min3A_125 : vector<512xf32> to vector<512x1xf32>
    %eq3A_127 = vector.broadcast %broadcast_in_dim3A_126 : vector<512x1xf32> to vector<512x64xf32>
    %eq3A_128 = arith.cmpf oeq, %convert_element_type3A, %eq3A_127 : vector<512x64xf32>
    %jit3A_129 = arith.constant 1.000000e+00 : f32
    %broadcast_in_dim3A_130 = vector.broadcast %jit3A_129 : f32 to vector<512x64xf32>
    %select_n3A_131 = arith.select %eq3A_128, %broadcast_in_dim3A_130, %select_n3A_112 : vector<512x64xi1>, vector<512x64xf32>
    %jit3A_132 = arith.constant 0xFF800000 : f32
    %broadcast_in_dim3A_133 = vector.broadcast %jit3A_132 : f32 to vector<512x64xf32>
    %select_n3A_134 = arith.select %eq3A_128, %broadcast_in_dim3A_133, %select_n3A_115 : vector<512x64xi1>, vector<512x64xf32>
    %reduce_max3A_135 = arith.constant dense<0xFF800000> : vector<512xf32>
    %reduce_max3A_136 = vector.multi_reduction <maximumf>, %select_n3A_134, %reduce_max3A_135 [1] : vector<512x64xf32> to vector<512xf32>
    %broadcast_in_dim3A_137 = vector.shape_cast %reduce_max3A_136 : vector<512xf32> to vector<512x1xf32>
    %eq3A_138 = vector.broadcast %broadcast_in_dim3A_137 : vector<512x1xf32> to vector<512x64xf32>
    %eq3A_139 = arith.cmpf oeq, %select_n3A_134, %eq3A_138 : vector<512x64xf32>
    %jit3A_140 = arith.constant 6.400000e+01 : f32
    %broadcast_in_dim3A_141 = vector.broadcast %jit3A_140 : f32 to vector<512x64xf32>
    %select_n3A_142 = arith.select %eq3A_139, %convert_element_type3A, %broadcast_in_dim3A_141 : vector<512x64xi1>, vector<512x64xf32>
    %reduce_min3A_143 = arith.constant dense<0x7F800000> : vector<512xf32>
    %reduce_min3A_144 = vector.multi_reduction <minimumf>, %select_n3A_142, %reduce_min3A_143 [1] : vector<512x64xf32> to vector<512xf32>
    %broadcast_in_dim3A_145 = vector.shape_cast %reduce_min3A_144 : vector<512xf32> to vector<512x1xf32>
    %eq3A_146 = vector.broadcast %broadcast_in_dim3A_145 : vector<512x1xf32> to vector<512x64xf32>
    %eq3A_147 = arith.cmpf oeq, %convert_element_type3A, %eq3A_146 : vector<512x64xf32>
    %jit3A_148 = arith.constant 1.000000e+00 : f32
    %broadcast_in_dim3A_149 = vector.broadcast %jit3A_148 : f32 to vector<512x64xf32>
    %select_n3A_150 = arith.select %eq3A_147, %broadcast_in_dim3A_149, %select_n3A_131 : vector<512x64xi1>, vector<512x64xf32>
    %jit3A_151 = arith.constant 0xFF800000 : f32
    %broadcast_in_dim3A_152 = vector.broadcast %jit3A_151 : f32 to vector<512x64xf32>
    %select_n3A_153 = arith.select %eq3A_147, %broadcast_in_dim3A_152, %select_n3A_134 : vector<512x64xi1>, vector<512x64xf32>
    %reduce_max3A_154 = arith.constant dense<0xFF800000> : vector<512xf32>
    %reduce_max3A_155 = vector.multi_reduction <maximumf>, %select_n3A_153, %reduce_max3A_154 [1] : vector<512x64xf32> to vector<512xf32>
    %broadcast_in_dim3A_156 = vector.shape_cast %reduce_max3A_155 : vector<512xf32> to vector<512x1xf32>
    %eq3A_157 = vector.broadcast %broadcast_in_dim3A_156 : vector<512x1xf32> to vector<512x64xf32>
    %eq3A_158 = arith.cmpf oeq, %select_n3A_153, %eq3A_157 : vector<512x64xf32>
    %jit3A_159 = arith.constant 6.400000e+01 : f32
    %broadcast_in_dim3A_160 = vector.broadcast %jit3A_159 : f32 to vector<512x64xf32>
    %select_n3A_161 = arith.select %eq3A_158, %convert_element_type3A, %broadcast_in_dim3A_160 : vector<512x64xi1>, vector<512x64xf32>
    %reduce_min3A_162 = arith.constant dense<0x7F800000> : vector<512xf32>
    %reduce_min3A_163 = vector.multi_reduction <minimumf>, %select_n3A_161, %reduce_min3A_162 [1] : vector<512x64xf32> to vector<512xf32>
    %broadcast_in_dim3A_164 = vector.shape_cast %reduce_min3A_163 : vector<512xf32> to vector<512x1xf32>
    %eq3A_165 = vector.broadcast %broadcast_in_dim3A_164 : vector<512x1xf32> to vector<512x64xf32>
    %eq3A_166 = arith.cmpf oeq, %convert_element_type3A, %eq3A_165 : vector<512x64xf32>
    %jit3A_167 = arith.constant 1.000000e+00 : f32
    %broadcast_in_dim3A_168 = vector.broadcast %jit3A_167 : f32 to vector<512x64xf32>
    %select_n3A_169 = arith.select %eq3A_166, %broadcast_in_dim3A_168, %select_n3A_150 : vector<512x64xi1>, vector<512x64xf32>
    %jit3A_170 = arith.constant 0xFF800000 : f32
    %broadcast_in_dim3A_171 = vector.broadcast %jit3A_170 : f32 to vector<512x64xf32>
    %select_n3A_172 = arith.select %eq3A_166, %broadcast_in_dim3A_171, %select_n3A_153 : vector<512x64xi1>, vector<512x64xf32>
    %reduce_max3A_173 = arith.constant dense<0xFF800000> : vector<512xf32>
    %reduce_max3A_174 = vector.multi_reduction <maximumf>, %select_n3A_172, %reduce_max3A_173 [1] : vector<512x64xf32> to vector<512xf32>
    %broadcast_in_dim3A_175 = vector.shape_cast %reduce_max3A_174 : vector<512xf32> to vector<512x1xf32>
    %eq3A_176 = vector.broadcast %broadcast_in_dim3A_175 : vector<512x1xf32> to vector<512x64xf32>
    %eq3A_177 = arith.cmpf oeq, %select_n3A_172, %eq3A_176 : vector<512x64xf32>
    %jit3A_178 = arith.constant 6.400000e+01 : f32
    %broadcast_in_dim3A_179 = vector.broadcast %jit3A_178 : f32 to vector<512x64xf32>
    %select_n3A_180 = arith.select %eq3A_177, %convert_element_type3A, %broadcast_in_dim3A_179 : vector<512x64xi1>, vector<512x64xf32>
    %reduce_min3A_181 = arith.constant dense<0x7F800000> : vector<512xf32>
    %reduce_min3A_182 = vector.multi_reduction <minimumf>, %select_n3A_180, %reduce_min3A_181 [1] : vector<512x64xf32> to vector<512xf32>
    %broadcast_in_dim3A_183 = vector.shape_cast %reduce_min3A_182 : vector<512xf32> to vector<512x1xf32>
    %eq3A_184 = vector.broadcast %broadcast_in_dim3A_183 : vector<512x1xf32> to vector<512x64xf32>
    %eq3A_185 = arith.cmpf oeq, %convert_element_type3A, %eq3A_184 : vector<512x64xf32>
    %jit3A_186 = arith.constant 1.000000e+00 : f32
    %broadcast_in_dim3A_187 = vector.broadcast %jit3A_186 : f32 to vector<512x64xf32>
    %select_n3A_188 = arith.select %eq3A_185, %broadcast_in_dim3A_187, %select_n3A_169 : vector<512x64xi1>, vector<512x64xf32>
    %jit3A_189 = arith.constant 0xFF800000 : f32
    %broadcast_in_dim3A_190 = vector.broadcast %jit3A_189 : f32 to vector<512x64xf32>
    %select_n3A_191 = arith.select %eq3A_185, %broadcast_in_dim3A_190, %select_n3A_172 : vector<512x64xi1>, vector<512x64xf32>
    %reduce_max3A_192 = arith.constant dense<0xFF800000> : vector<512xf32>
    %reduce_max3A_193 = vector.multi_reduction <maximumf>, %select_n3A_191, %reduce_max3A_192 [1] : vector<512x64xf32> to vector<512xf32>
    %broadcast_in_dim3A_194 = vector.shape_cast %reduce_max3A_193 : vector<512xf32> to vector<512x1xf32>
    %eq3A_195 = vector.broadcast %broadcast_in_dim3A_194 : vector<512x1xf32> to vector<512x64xf32>
    %eq3A_196 = arith.cmpf oeq, %select_n3A_191, %eq3A_195 : vector<512x64xf32>
    %jit3A_197 = arith.constant 6.400000e+01 : f32
    %broadcast_in_dim3A_198 = vector.broadcast %jit3A_197 : f32 to vector<512x64xf32>
    %select_n3A_199 = arith.select %eq3A_196, %convert_element_type3A, %broadcast_in_dim3A_198 : vector<512x64xi1>, vector<512x64xf32>
    %reduce_min3A_200 = arith.constant dense<0x7F800000> : vector<512xf32>
    %reduce_min3A_201 = vector.multi_reduction <minimumf>, %select_n3A_199, %reduce_min3A_200 [1] : vector<512x64xf32> to vector<512xf32>
    %broadcast_in_dim3A_202 = vector.shape_cast %reduce_min3A_201 : vector<512xf32> to vector<512x1xf32>
    %eq3A_203 = vector.broadcast %broadcast_in_dim3A_202 : vector<512x1xf32> to vector<512x64xf32>
    %eq3A_204 = arith.cmpf oeq, %convert_element_type3A, %eq3A_203 : vector<512x64xf32>
    %jit3A_205 = arith.constant 1.000000e+00 : f32
    %broadcast_in_dim3A_206 = vector.broadcast %jit3A_205 : f32 to vector<512x64xf32>
    %select_n3A_207 = arith.select %eq3A_204, %broadcast_in_dim3A_206, %select_n3A_188 : vector<512x64xi1>, vector<512x64xf32>
    %jit3A_208 = arith.constant 0xFF800000 : f32
    %broadcast_in_dim3A_209 = vector.broadcast %jit3A_208 : f32 to vector<512x64xf32>
    %select_n3A_210 = arith.select %eq3A_204, %broadcast_in_dim3A_209, %select_n3A_191 : vector<512x64xi1>, vector<512x64xf32>
    %reduce_max3A_211 = arith.constant dense<0xFF800000> : vector<512xf32>
    %reduce_max3A_212 = vector.multi_reduction <maximumf>, %select_n3A_210, %reduce_max3A_211 [1] : vector<512x64xf32> to vector<512xf32>
    %broadcast_in_dim3A_213 = vector.shape_cast %reduce_max3A_212 : vector<512xf32> to vector<512x1xf32>
    %eq3A_214 = vector.broadcast %broadcast_in_dim3A_213 : vector<512x1xf32> to vector<512x64xf32>
    %eq3A_215 = arith.cmpf oeq, %select_n3A_210, %eq3A_214 : vector<512x64xf32>
    %jit3A_216 = arith.constant 6.400000e+01 : f32
    %broadcast_in_dim3A_217 = vector.broadcast %jit3A_216 : f32 to vector<512x64xf32>
    %select_n3A_218 = arith.select %eq3A_215, %convert_element_type3A, %broadcast_in_dim3A_217 : vector<512x64xi1>, vector<512x64xf32>
    %reduce_min3A_219 = arith.constant dense<0x7F800000> : vector<512xf32>
    %reduce_min3A_220 = vector.multi_reduction <minimumf>, %select_n3A_218, %reduce_min3A_219 [1] : vector<512x64xf32> to vector<512xf32>
    %broadcast_in_dim3A_221 = vector.shape_cast %reduce_min3A_220 : vector<512xf32> to vector<512x1xf32>
    %eq3A_222 = vector.broadcast %broadcast_in_dim3A_221 : vector<512x1xf32> to vector<512x64xf32>
    %eq3A_223 = arith.cmpf oeq, %convert_element_type3A, %eq3A_222 : vector<512x64xf32>
    %jit3A_224 = arith.constant 1.000000e+00 : f32
    %broadcast_in_dim3A_225 = vector.broadcast %jit3A_224 : f32 to vector<512x64xf32>
    %select_n3A_226 = arith.select %eq3A_223, %broadcast_in_dim3A_225, %select_n3A_207 : vector<512x64xi1>, vector<512x64xf32>
    %sub3A = vector.broadcast %broadcast_in_dim3A_81 : vector<512x1xf32> to vector<512x64xf32>
    %sub3A_227 = arith.subf %add3A_78, %sub3A : vector<512x64xf32>
    %exp3A = math.exp %sub3A_227 : vector<512x64xf32>
    %mul3A_228 = arith.mulf %select_n3A_226, %exp3A : vector<512x64xf32>
    %reduce_sum3A = arith.constant dense<0.000000e+00> : vector<512xf32>
    %reduce_sum3A_229 = vector.multi_reduction <add>, %mul3A_228, %reduce_sum3A [1] : vector<512x64xf32> to vector<512xf32>
    %broadcast_in_dim3A_230 = vector.shape_cast %reduce_sum3A_229 : vector<512xf32> to vector<512x1xf32>
    %div3A = vector.broadcast %broadcast_in_dim3A_230 : vector<512x1xf32> to vector<512x64xf32>
    %div3A_231 = arith.divf %mul3A_228, %div3A : vector<512x64xf32>
    %swap3A_232 = arith.constant 0 : index
    %swap3A_233 = arith.constant 0 : index
    %swap3A_234 = vector.load %arg12[%swap3A_232, %swap3A_233] : memref<512x64xf32, #tpu.memory_space<vmem>>, vector<512x64xf32>
    tpu.vector_store %arg12[%swap3A_232, %swap3A_233], %div3A_231 {strides = array<i32>} : memref<512x64xf32, #tpu.memory_space<vmem>>, vector<512x64xf32>,
    return
  }
  func.func @transform_0(%arg0: i32) -> (i32, i32) {
    %add3A = arith.constant 16 : i32
    %add3A_0 = arith.addi %arg0, %add3A : i32
    %c0_i32 = arith.constant 0 : i32
    %c0_i32_1 = arith.constant 0 : i32
    return %add3A_0, %c0_i32 : i32, i32
  }
  func.func @transform_1(%arg0: i32) -> (i32, i32) {
    %add3A = arith.constant 16 : i32
    %add3A_0 = arith.addi %arg0, %add3A : i32
    %c0_i32 = arith.constant 0 : i32
    %c0_i32_1 = arith.constant 0 : i32
    return %add3A_0, %c0_i32 : i32, i32
  }
  func.func @transform_2(%arg0: i32) -> (i32, i32) {
    %c0_i32 = arith.constant 0 : i32
    %c0_i32_0 = arith.constant 0 : i32
    return %arg0, %c0_i32 : i32, i32
  }
  func.func @transform_3(%arg0: i32) -> (i32, i32) {
    %c0_i32 = arith.constant 0 : i32
    %c0_i32_0 = arith.constant 0 : i32
    return %arg0, %c0_i32 : i32, i32
  }
  func.func @transform_4(%arg0: i32) -> (i32, i32) {
    %c0_i32 = arith.constant 0 : i32
    %c0_i32_0 = arith.constant 0 : i32
    return %arg0, %c0_i32 : i32, i32
  }
  func.func @transform_5(%arg0: i32) -> (i32, i32) {
    %c0_i32 = arith.constant 0 : i32
    %c0_i32_0 = arith.constant 0 : i32
    %c0_i32_1 = arith.constant 0 : i32
    return %c0_i32, %c0_i32_0 : i32, i32
  }
  func.func @transform_6(%arg0: i32) -> (i32, i32) {
    %c0_i32 = arith.constant 0 : i32
    %c0_i32_0 = arith.constant 0 : i32
    %c0_i32_1 = arith.constant 0 : i32
    return %c0_i32, %c0_i32_0 : i32, i32
  }
  func.func @transform_7(%arg0: i32) -> (i32, i32) {
    %c0_i32 = arith.constant 0 : i32
    %c0_i32_0 = arith.constant 0 : i32
    %c0_i32_1 = arith.constant 0 : i32
    return %c0_i32, %c0_i32_0 : i32, i32
  }
  func.func @transform_8(%arg0: i32) -> (i32, i32) {
    %c0_i32 = arith.constant 0 : i32
    %c0_i32_0 = arith.constant 0 : i32
    %c0_i32_1 = arith.constant 0 : i32
    return %c0_i32, %c0_i32_0 : i32, i32
  }
  func.func @transform_9(%arg0: i32) -> (i32, i32) {
    %c0_i32 = arith.constant 0 : i32
    %c0_i32_0 = arith.constant 0 : i32
    %c0_i32_1 = arith.constant 0 : i32
    return %c0_i32, %c0_i32_0 : i32, i32
  }
  func.func @transform_10(%arg0: i32) -> (i32, i32) {
    %c0_i32 = arith.constant 0 : i32
    %c0_i32_0 = arith.constant 0 : i32
    %c0_i32_1 = arith.constant 0 : i32
    return %c0_i32, %c0_i32_0 : i32, i32
  }
  func.func @transform_11(%arg0: i32) -> (i32, i32) {
    %c0_i32 = arith.constant 0 : i32
    %c0_i32_0 = arith.constant 0 : i32
    return %arg0, %c0_i32 : i32, i32
  }
}

</mosaic_0001>

<sc_bundles>
// kernel: kernel.6.cloned.1.call-start
scs
__scs_entry_jumppad:
0x0: {  	(pc) =	sbr.rel $0x88, $3  }
0x1: {  	(tag) =	ssettag $0x0;
	lr =	simm.s32 $0x1  }
0x2: {  	[smem:$0x3F93] =	sst lr;
	_ =	strace $0xD0000000  }
0x3: {  	_ = 	snop  }
0x4: {  	_ = 	snop  }
0x5: {  	_ = 	snop  }
0x6: {  	_ = 	snop  }
0x7: {  	_ = 	snop  }
__scs_overlays_trampoline_lowered:
0x8: {  	[smem:$0x3FA2] =	sst s0  }
0x9: {  	[smem:$0x3FA3] =	sst s1  }
0xa: {  	[smem:$0x3FA4] =	sst s2  }
0xb: {  	[smem:$0x3FA5] =	sst s3  }
0xc: {  	[smem:$0x3FA6] =	sst s4  }
0xd: {  	[smem:$0x3FA7] =	sst s5  }
0xe: {  	[smem:$0x3FA8] =	sst s6  }
0xf: {  	[smem:$0x3FA9] =	sst s7  }
0x10: {  	[smem:$0x3FAA] =	sst s8  }
0x11: {  	[smem:$0x3FAB] =	sst s9;
	s0 =	simm.s32 @!p0 $0x0  }
0x12: {  	s1 =	sld [smem:$0x3F91];
	s0 =	simm.s32 @p0 $0x1  }
0x13: {  	[smem:$0x3FAC] =	sst s0;
	s0 =	simm.s32 @!p1 $0x0  }
0x14: {  	s2 =	sld [smem:$0x3F90];
	s0 =	simm.s32 @p1 $0x1  }
0x15: {  	[smem:$0x3FAD] =	sst s0;
	s0 =	simm.s32 @!p2 $0x0  }
0x16: {  	s3 =	sld [smem:$0x3FDB];
	s0 =	simm.s32 @p2 $0x1  }
0x17: {  	s4 =	simm.s32 $0x1BF5;
	[smem:$0x3FAF] =	sst s0  }
0x18: {  	s0 =	sld [smem:$0x3F92];
	_ =	swait.ge [sflag:s4], $0x0  }
0x19: {  	s7 =	sld [smem:$0x3F93]  }
0x1a: {  	s8 =	sadd.s32 $0xFFFFE003, lr  }
0x1b: {  	s9 =	sadd.s32 $0xFFFFFEF7, lr;
	s5 =	simm.s32 $0xFFFFFFFF;
	p2 =	slt.u32 s8, $0xFFFFF086  }
0x1c: {  	p1 =	slt.u32 s9, $0xF7A;
	s5 =	simm.s32 @!p2 $0x0  }
0x1d: {  	s5 =	simm.s32 @p1 $0x1;
	p0 =	seq.s32 s7, s2  }
0x1e: {  	s7 =	smul.u32 @!p0 $0xF7A, s2;
	p2 =	seq.s32 @!p0 s5, $0x0  }
0x1f: {  	s9 =	smul.u32 $0xF7A, s1;
	s8 =	simm.s32 @!p0 $0x1BF5;
	p2 =	por !p2, p0  }
0x20: {  	[sflag:s8] =	ssyncset.s32 @!p0 $0xFFFFF086;
	s6 =	sadd.s32 @!p0 s3, s7;
	s7 =	simm.s32 @!p0 $0x108  }
0x21: {  	s3 =	sadd.s32 s3, s9;
	s6 =	sadd.s32 @!p0 $0x88, s6;
	s7 =	simm.s32 @p2 $0x1082  }
0x22: {  	[simem:s7], [sflag:s8] =	dma.local @!p0 [hbm:s6], $0xF7A  }
0x23: {  	s9 =	sor.u32 $0xD0000000, s2;
	s6 =	simm.s32 $0x108;
	_ =	swait.ge @!p0 [sflag:s8], $0x0  }
0x24: {  	s3 =	sadd.s32 $0x88, s3;
	s6 =	simm.s32 @!p1 $0x1082;
	[sflag:s4] =	ssyncset.s32 $0xFFFFF086  }
0x25: {  	[simem:s6], [sflag:s4] =	dma.local [hbm:s3], $0xF7A  }
0x26: {  	[smem:$0x3F93] =	sst s1;
	(tag) =	ssettag s2;
	_ =	strace s9  }
0x27: {  	s1 =	sld [smem:$0x3FA3]  }
0x28: {  	s2 =	sld [smem:$0x3FA4]  }
0x29: {  	s4 =	sld [smem:$0x3FA6]  }
0x2a: {  	p0 =	seq.s32 s5, $0x0;
	s5 =	sld [smem:$0x3FA7]  }
0x2b: {  	s6 =	sld [smem:$0x3FA8]  }
0x2c: {  	s7 =	sld [smem:$0x3FA9]  }
0x2d: {  	s3 =	simm.s32 $0x108;
	s8 =	sld [smem:$0x3FAA]  }
0x2e: {  	s3 =	simm.s32 @!p0 $0x1082;
	s9 =	sld [smem:$0x3FAB]  }
0x2f: {  	lr =	sadd.s32 s0, s3;
	s0 =	sld [smem:$0x3FA2]  }
0x30: {  	s3 =	sld [smem:$0x3FA5]  }
0x31: {  	[smem:$0x3FAE] =	sst s10  }
0x32: {  	s10 =	sld [smem:$0x3FAC];
	_ =	sdelay $0x3  }
0x33: {  	p0 =	seq.s32 s10, $0x1;
	s10 =	sld [smem:$0x3FAE];
	_ =	sdelay $0x3  }
0x34: {  	[smem:$0x3FAE] =	sst s10  }
0x35: {  	s10 =	sld [smem:$0x3FAD];
	_ =	sdelay $0x3  }
0x36: {  	p1 =	seq.s32 s10, $0x1;
	s10 =	sld [smem:$0x3FAE];
	_ =	sdelay $0x3  }
0x37: {  	[smem:$0x3FAE] =	sst s10  }
0x38: {  	s10 =	sld [smem:$0x3FAF]  }
0x39: {  	_ = 	snop;
	(pc) =	sbr.ind lr, $3  }
0x3a: {  	_ = 	snop  }
0x3b: {  	_ = 	snop  }
0x3c: {  	p2 =	seq.s32 s10, $0x1;
	s10 =	sld [smem:$0x3FAE]  }
0x3d: {  	_ =	shalt  }
0x3e: {  	_ =	shalt  }
0x3f: {  	_ =	shalt  }
0x40: {  	_ =	shalt  }
0x41: {  	_ =	shalt  }
0x42: {  	_ =	shalt  }
0x43: {  	_ =	shalt  }
0x44: {  	_ =	shalt  }
0x45: {  	_ =	shalt  }
0x46: {  	_ =	shalt  }
0x47: {  	_ =	shalt  }
0x48: {  	_ =	shalt  }
0x49: {  	_ =	shalt  }
0x4a: {  	_ =	shalt  }
0x4b: {  	_ =	shalt  }
0x4c: {  	_ =	shalt  }
0x4d: {  	_ =	shalt  }
0x4e: {  	_ =	shalt  }
0x4f: {  	_ =	shalt  }
0x50: {  	_ =	shalt  }
0x51: {  	_ =	shalt  }
0x52: {  	_ =	shalt  }
0x53: {  	_ =	shalt  }
0x54: {  	_ =	shalt  }
0x55: {  	_ =	shalt  }
0x56: {  	_ =	shalt  }
0x57: {  	_ =	shalt  }
0x58: {  	_ =	shalt  }
0x59: {  	_ =	shalt  }
0x5a: {  	_ =	shalt  }
0x5b: {  	_ =	shalt  }
0x5c: {  	_ =	shalt  }
0x5d: {  	_ =	shalt  }
0x5e: {  	_ =	shalt  }
0x5f: {  	_ =	shalt  }
0x60: {  	_ =	shalt  }
0x61: {  	_ =	shalt  }
0x62: {  	_ =	shalt  }
0x63: {  	_ =	shalt  }
0x64: {  	_ =	shalt  }
0x65: {  	_ =	shalt  }
0x66: {  	_ =	shalt  }
0x67: {  	_ =	shalt  }
0x68: {  	_ =	shalt  }
0x69: {  	_ =	shalt  }
0x6a: {  	_ =	shalt  }
0x6b: {  	_ =	shalt  }
0x6c: {  	_ =	shalt  }
0x6d: {  	_ =	shalt  }
0x6e: {  	_ =	shalt  }
0x6f: {  	_ =	shalt  }
0x70: {  	_ =	shalt  }
0x71: {  	_ =	shalt  }
0x72: {  	_ =	shalt  }
0x73: {  	_ =	shalt  }
0x74: {  	_ =	shalt  }
0x75: {  	_ =	shalt  }
0x76: {  	_ =	shalt  }
0x77: {  	_ =	shalt  }
0x78: {  	_ =	shalt  }
0x79: {  	_ =	shalt  }
0x7a: {  	_ =	shalt  }
0x7b: {  	_ =	shalt  }
0x7c: {  	_ =	shalt  }
0x7d: {  	_ =	shalt  }
0x7e: {  	_ =	shalt  }
0x7f: {  	_ =	shalt  }
0x80: {  	_ =	shalt  }
0x81: {  	_ =	shalt  }
0x82: {  	_ =	shalt  }
0x83: {  	_ =	shalt  }
0x84: {  	_ =	shalt  }
0x85: {  	_ =	shalt  }
0x86: {  	_ =	shalt  }
0x87: {  	_ =	shalt  }
.Lfunc_end0:
.L_simem_size_0:
called_computation_lowered:
.L_overlay_start_0:
0x88: {  	s2 =	sld [smem:$0x3FD9]  }
0x89: {  	s3 =	sld [smem:$0x3FFE];
	_ =	sdelay $0x1  }
0x8a: {  	s1 =	srdreg.scid  }
0x8b: {  	s0 =	sand.u32 $0x1, s1  }
0x8c: {  	s17 =	sshll.u32 s0, $0xA;
	s2 =	sadd.s32 s3, s2  }
0x8d: {  	s2 =	sadd.s32 s2, s17  }
0x8e: {  	[smem:$0x3FBA] =	sst s2  }
0x8f: {  	_ = 	snop  }
0x90: {  	s2 =	sld [smem:$0x3FC6]  }
0x91: {  	s18 =	sld [smem:$0x3FC5]  }
0x92: {  	s4 =	sld [smem:$0x3FD0];
	(tm) =	ssettm $0x1  }
0x93: {  	s5 =	sld [smem:$0x3FFB];
	_ =	sdelay $0x3  }
0x94: {  	_ =	strace s5  }
0x95: {  	s5 =	sld [smem:$0x3FFC];
	_ =	sdelay $0x3  }
0x96: {  	_ =	strace s5  }
0x97: {  	s5 =	sld [smem:$0x3FFD];
	_ =	sdelay $0x3  }
0x98: {  	_ =	strace s5  }
0x99: {  	_ =	strace $0x8FFFFFFF  }
0x9a: {  	s19 =	sld [smem:$0x3FDB];
	_ =	sdelay $0x1  }
0x9b: {  	s6 =	simm.s32 $_scs_section_size  }
0x9c: {  	s7 =	simm.s32 $_size__tile_overlayer_lowered;
	s8 =	simm.s32 $_tile_overlayer_lowered  }
0x9d: {  	s22 =	simm.s32 $0x1BFF;
	s21 =	sshll.u32 s8, $0x1;
	s5 =	sadd.s32 s6, s19  }
0x9e: {  	s9 =	simm.s32 $0x0;
	s20 =	sshll.u32 s7, $0x1;
	s7 =	sadd.s32 s21, s5  }
0x9f: {  	[timem:s9], [sflag:s22] =	dma.local [hbm:s7], s20  }
0xa0: {  	_ =	swait.ge [sflag:s22], s20  }
0xa1: {  	s6 =	ssub.s32 $0x0, s20;
	[sflag:s22] =	ssyncset.done $0x0  }
0xa2: {  	[sflag:s22] =	ssyncadd.s32 s6;
	_ =	sdelay $0x1  }
0xa3: {  	s23 =	simm.s32 $0x1B8B  }
0xa4: {  	_ =	swait.ge [sflag:s23], $0x1  }
0xa5: {  	[sflag:s23] =	ssyncset.done $0x0  }
0xa6: {  	s25 =	simm.s32 $0x1B8E;
	s24 =	sld [smem:$0x3FFE];
	[sflag:s23] =	ssyncadd.s32 $0xFFFFFFFF  }
0xa7: {  	s26 =	simm.s32 $execute0_lowered;
	[smem:$0x3FD2] =	sst s25  }
0xa8: {  	s7 =	sshll.u32 s26, $0x1;
	_ =	strace $0x80000046;
	[dreg:$0x1] =	wrdreg $0xFFFFFFFF  }
0xa9: {  	s28 =	simm.s32 $_size_execute0_lowered;
	s5 =	sadd.s32 s5, s7;
	[dreg:$0x0] =	wrdreg $0x0  }
0xaa: {  	s7 =	sshll.u32 s28, $0x1;
	[dreg:$0x2] =	wrdreg s5  }
0xab: {  	[dreg:$0x3] =	wrdreg s7  }
0xac: {  	[dreg:$0x4] =	wrdreg $0xC0  }
0xad: {  	_ =	task [dreg:s9], $0x5FFFF  }
0xae: {  	[dreg:$0x1] =	wrdreg $0xFFFFFFFF  }
0xaf: {  	[dreg:$0x0] =	wrdreg $0x60  }
0xb0: {  	[dreg:$0x2] =	wrdreg s4  }
0xb1: {  	[dreg:$0x3] =	wrdreg s2  }
0xb2: {  	[dreg:$0x4] =	wrdreg s18  }
0xb3: {  	[dreg:$0x5] =	wrdreg s24  }
0xb4: {  	[dreg:$0x6] =	wrdreg $0x9  }
0xb5: {  	_ =	task.clear_ibuf [dreg:s9], $0x7FFFF;
	_ =	strace $0x90000046  }
0xb6: {  	s29 =	simm.s32 $0x9;
	_ =	strace $0x80000048  }
0xb7: {  	_ =	swait.ge [sflag:s29], $0x1  }
0xb8: {  	[sflag:s29] =	ssyncadd.s32 $0xFFFFFFFF  }
0xb9: {  	_ =	strace $0x90000048  }
0xba: {  	_ =	sfence  }
0xbb: {  	s30 =	sld [smem:$0x0];
	_ =	sdelay $0x2  }
0xbc: {  	s31 =	sshll.u32 s1, $0xD;
	s1 =	sshrl.u32 s1, $0x2  }
0xbd: {  	s3 =	sand.u32 $0x4000, s31;
	s1 =	sadd.s32 s1, s30  }
0xbe: {  	s0 =	sor.u32 s3, s0;
	s1 =	sshll.u32 s1, $0x11  }
0xbf: {  	s0 =	sor.u32 s1, s0  }
0xc0: {  	s0 =	sadd.s32 $0x8F2B, s0  }
0xc1: {  	[sflag:s0] =	ssyncadd.remote.s32 $0x1  }
0xc2: {  	_ =	sfence.sel $0xFFFF  }
0xc3: {  	[dreg:$0x0] =	wrdreg $0xFFFFFFFF;
	(pc) =	sbr.abs _section_cstart, $3  }
0xc4: {  	[dreg:$0x1] =	wrdreg $0xFFFFFFFF  }
0xc5: {  	_ =	task.clear_ibuf [dreg:s9], $0x2FFFF;
	_ =	strace $0x9FFFFFFF  }
0xc6: {  	(tm) =	ssettm $0x7FFFFFFF  }
0xc7: {  	_ =	shalt  }
tec
execute0_lowered:
.L_overlay_start_1:
0x0: {  	(tag) =	ssettag $0x1  }
0x1: {  	s0 =	rddreg [dreg:$0x0]  }
0x2: {  	s1 =	rddreg [dreg:$0x1]  }
0x3: {  	s3 =	rddreg [dreg:$0x2]  }
0x4: {  	s6 =	rddreg [dreg:$0x3]  }
0x5: {  	s4 =	srdreg.scid;
	s2 =	simm.s32 $0x0;
	s12 =	stileid.u32  }
0x6: {  	s16 =	simm.s32 $0x1;
	s17 =	simm.s32 $0x40;
	s28 =	simm.s32 $0xEC00  }
0x7: {  	s29 =	simm.s32 $0xEB80;
	s31 =	simm.s32 $0x10C00;
	s7 =	sand.u32 $0x1, s4  }
0x8: {  	[smem:$0x7FF] =	sst s2;
	s18 =	sshll.u32 s12, $0x9;
	s8 =	sadd.s32 $0xD03E00, s6  }
0x9: {  	s4 =	sadd.s32 $0x3E00, s6;
	s15 =	sadd.s32 $0x8000, s6;
	s12 =	smul.u32 $0x34000, s12  }
0xa: {  	s5 =	sshll.u32 s7, $0x8;
	_ =	strace $0x80000047;
	s19 =	ssub.s32 $0x2, s7  }
0xb: {  	s7 =	smul.u32 $0x1A000, s7;
	s9 =	sor.u32 s5, s18;
	s5 =	sadd.s32 $0x7E00, s6  }
0xc: {  	s13 =	sshrl.u32 s19, $0x1;
	s18 =	simm.s32 $0x10;
	s10 =	sshll.u32 s9, $0x2  }
0xd: {  	s11 =	sshll.u32 s9, $0x1;
	s9 =	sshrl.u32 s9, $0x3;
	s23 =	sadd.s32 s7, s12  }
0xe: {  	s10 =	sadd.s32 s10, s6;
	s6 =	sadd.s32 s11, s6;
	s11 =	ssub.s32 s19, s13  }
0xf: {  	s1 =	sadd.s32 s1, s9;
	s21 =	sadd.s32 s3, s9;
	s24 =	sshrl.u32 s23, $0x3  }
0x10: {  	s25 =	sadd.s32 $0x6800, s23;
	s26 =	sadd.s32 $0xD000, s23;
	[dreg:$0x5] =	wrdreg s1  }
0x11: {  	s19 =	simm.s32 $0x1A0;
	s20 =	sadd.s32 $0x74000, s10;
	[dreg:$0x7] =	wrdreg s21  }
0x12: {  	s22 =	sadd.s32 $0x70000, s6;
	s10 =	smax.u32 s11, $0x1;
	s11 =	sadd.s32 s9, s0  }
0x13: {  	s12 =	sadd.s32 s24, s15;
	s0 =	sshrl.u32 s25, $0x3;
	s3 =	sshrl.u32 s26, $0x3  }
0x14: {  	s1 =	sadd.s32 $0x13800, s23;
	s21 =	simm.s32 $0x2;
	s23 =	simm.s32 $0xEA00  }
0x15: {  	s24 =	simm.s32 $0x5;
	s25 =	simm.s32 $0x80;
	[dreg:$0x6] =	wrdreg s20  }
0x16: {  	s26 =	simm.s32 $0xEB00;
	[dreg:$0x8] =	wrdreg s22;
	s13 =	sadd.s32 s0, s15  }
0x17: {  	s14 =	sadd.s32 s3, s15;
	s30 =	sshrl.u32 s1, $0x3;
	s20 =	simm.s32 $0x3  }
0x18: {  	s22 =	simm.s32 $0x4;
	s1 =	simm.s32 $0x0;
	s15 =	sadd.s32 s30, s15  }
.LBB2_1:
0x19: {  	s0 =	simm.s32 $0x400  }
0x1a: {  	s7 =	simm.s32 $0x0;
	s3 =	sadd.s32 $0x800, s11;
	s6 =	smov.u32 s11  }
.LBB2_2:
0x1b: {  	[tilespmem:s7], [sflag:$0x1] =	stream.linear.gather [hbm4b:s6+s2], $0x100, $0x38;
	[tilespmem:$0x11C00] =	vst v63  }
0x1c: {  	s7 =	smov.u32 s0;
	s6 =	smov.u32 s3;
	p0 =	sne.s32 s0, $0x6400  }
.Ltmp0:
0x1d: {  	s0 =	sadd.s32 $0x400, s0;
	(pc) =	sbr.rel @p0 .LBB2_2-.Ltmp0, $2  }
0x1e: {  	_ =	sdelay $0x2  }
0x1f: {  	s3 =	sadd.s32 $0x800, s3;
	s7 =	sshra.s32 s7, $0x2  }
0x20: {  	[tilespmem:s7], [sflag:$0x1] =	stream.linear.gather [hbm4b:s6+s2], $0x100, $0x38;
	[tilespmem:$0x11C00] =	vst v63  }
0x21: {  	_ =	swait.ge [sflag:s16], $0x1A00  }
0x22: {  	s0 =	simm.s32 $0x0;
	[sflag:s16] =	ssyncset.done $0x0  }
0x23: {  	s3 =	simm.s32 $0x1A00;
	s6 =	smov.u32 s8;
	[sflag:s16] =	ssyncadd.s32 $0xFFFFE600  }
.LBB2_4:
0x24: {  	p0 =	sne.s32 s0, $0x6400  }
.Ltmp1:
0x25: {  	_ = 	snop;
	(pc) =	sbr.rel @p0 .LBB2_4-.Ltmp1, $4  }
0x26: {  	_ = 	snop  }
0x27: {  	s7 =	sshra.s32 s0, $0x2  }
0x28: {  	[tilespmem:s3], [sflag:$0x1] =	stream.indirect.gather [hbm4b:s6+s17], $0x10, s7, s17, $0xb8;
	[tilespmem:$0x11C00] =	vst v63  }
0x29: {  	s0 =	sadd.s32 $0x400, s0;
	s6 =	sadd.s32 $0x10000, s6;
	s3 =	sadd.s32 $0x400, s3  }
0x2a: {  	s0 =	simm.s32 $0x8200;
	s30 =	simm.s32 $0x500;
	s9 =	simm.s32 $0x40  }
0x2b: {  	s6 =	sadd.s32 $0x10000, s8;
	s7 =	simm.s32 $0x8600;
	s3 =	smov.u32 s8  }
.LBB2_6:
0x2c: {  	[tilespmem:s0], [sflag:$0x2] =	stream.indirect.gather [hbm4b:s3+s17], $0x10, s9, s17, $0xb8;
	[tilespmem:$0x11C00] =	vst v63  }
0x2d: {  	s9 =	smov.u32 s30  }
0x2e: {  	s3 =	smov.u32 s6;
	s0 =	smov.u32 s7;
	p0 =	sne.s32 s30, $0x6500  }
.Ltmp2:
0x2f: {  	s30 =	sadd.s32 $0x400, s30;
	(pc) =	sbr.rel @p0 .LBB2_6-.Ltmp2, $2  }
0x30: {  	_ =	sdelay $0x2  }
0x31: {  	s6 =	sadd.s32 $0x10000, s6;
	s7 =	sadd.s32 $0x400, s7;
	s9 =	sshra.s32 s9, $0x2  }
0x32: {  	[tilespmem:s0], [sflag:$0x2] =	stream.indirect.gather [hbm4b:s3+s17], $0x10, s9, s17, $0xb8;
	[tilespmem:$0x11C00] =	vst v63  }
0x33: {  	_ =	swait.ge [sflag:s16], $0x6800  }
0x34: {  	s0 =	simm.s32 $0x1A00;
	s6 =	simm.s32 $0x2;
	[sflag:s16] =	ssyncset.done $0x0  }
0x35: {  	s7 =	sadd.s32 $0x0, s12;
	s3 =	simm.s32 $0x1E00;
	[sflag:s16] =	ssyncadd.s32 $0xFFFF9800  }
.LBB2_8:
0x36: {  	[hbm4b:s7+s18] =	stream.strided.scatter [tilespmem:s0], [sflag:$0x3], $0x400, s19, s18, $0x38;
	[tilespmem:$0x11C00] =	vst v63  }
0x37: {  	s7 =	smov.u32 s6;
	s0 =	smov.u32 s3;
	p0 =	sne.s32 s6, $0x32  }
.Ltmp3:
0x38: {  	s6 =	sadd.s32 $0x2, s6;
	(pc) =	sbr.rel @p0 .LBB2_8-.Ltmp3, $2  }
0x39: {  	_ =	sdelay $0x2  }
0x3a: {  	s3 =	sadd.s32 $0x400, s3;
	s7 =	sadd.s32 s7, s12  }
0x3b: {  	[hbm4b:s7+s18] =	stream.strided.scatter [tilespmem:s0], [sflag:$0x3], $0x400, s19, s18, $0x38;
	[tilespmem:$0x11C00] =	vst v63  }
0x3c: {  	s0 =	simm.s32 $0x1A00;
	s30 =	simm.s32 $0x600;
	_ =	swait.ge [sflag:s20], $0x6800  }
0x3d: {  	s9 =	simm.s32 $0x80;
	s6 =	sadd.s32 $0x10000, s8;
	[sflag:s20] =	ssyncset.done $0x0  }
0x3e: {  	s7 =	simm.s32 $0x1E00;
	s3 =	smov.u32 s8;
	[sflag:s20] =	ssyncadd.s32 $0xFFFF9800  }
.LBB2_10:
0x3f: {  	[tilespmem:s0], [sflag:$0x1] =	stream.indirect.gather [hbm4b:s3+s17], $0x10, s9, s17, $0xb8;
	[tilespmem:$0x11C00] =	vst v63  }
0x40: {  	s9 =	smov.u32 s30  }
0x41: {  	s3 =	smov.u32 s6;
	s0 =	smov.u32 s7;
	p0 =	sne.s32 s30, $0x6600  }
.Ltmp4:
0x42: {  	s30 =	sadd.s32 $0x400, s30;
	(pc) =	sbr.rel @p0 .LBB2_10-.Ltmp4, $2  }
0x43: {  	_ =	sdelay $0x2  }
0x44: {  	s6 =	sadd.s32 $0x10000, s6;
	s7 =	sadd.s32 $0x400, s7;
	s9 =	sshra.s32 s9, $0x2  }
0x45: {  	[tilespmem:s0], [sflag:$0x1] =	stream.indirect.gather [hbm4b:s3+s17], $0x10, s9, s17, $0xb8;
	[tilespmem:$0x11C00] =	vst v63  }
0x46: {  	_ =	swait.ge [sflag:s21], $0x6800  }
0x47: {  	s0 =	simm.s32 $0x8200;
	s6 =	simm.s32 $0x2;
	[sflag:s21] =	ssyncset.done $0x0  }
0x48: {  	s7 =	sadd.s32 $0x0, s13;
	s3 =	simm.s32 $0x8600;
	[sflag:s21] =	ssyncadd.s32 $0xFFFF9800  }
.LBB2_12:
0x49: {  	[hbm4b:s7+s18] =	stream.strided.scatter [tilespmem:s0], [sflag:$0x4], $0x400, s19, s18, $0x38;
	[tilespmem:$0x11C00] =	vst v63  }
0x4a: {  	s7 =	smov.u32 s6;
	s0 =	smov.u32 s3;
	p0 =	sne.s32 s6, $0x32  }
.Ltmp5:
0x4b: {  	s6 =	sadd.s32 $0x2, s6;
	(pc) =	sbr.rel @p0 .LBB2_12-.Ltmp5, $2  }
0x4c: {  	_ =	sdelay $0x2  }
0x4d: {  	s3 =	sadd.s32 $0x400, s3;
	s7 =	sadd.s32 s7, s13  }
0x4e: {  	[hbm4b:s7+s18] =	stream.strided.scatter [tilespmem:s0], [sflag:$0x4], $0x400, s19, s18, $0x38;
	[tilespmem:$0x11C00] =	vst v63  }
0x4f: {  	s0 =	simm.s32 $0x8200;
	s30 =	simm.s32 $0x700;
	_ =	swait.ge [sflag:s22], $0x6800  }
0x50: {  	s9 =	simm.s32 $0xC0;
	s6 =	sadd.s32 $0x10000, s8;
	[sflag:s22] =	ssyncset.done $0x0  }
0x51: {  	s7 =	simm.s32 $0x8600;
	s3 =	smov.u32 s8;
	[sflag:s22] =	ssyncadd.s32 $0xFFFF9800  }
.LBB2_14:
0x52: {  	[tilespmem:s0], [sflag:$0x2] =	stream.indirect.gather [hbm4b:s3+s17], $0x10, s9, s17, $0xb8;
	[tilespmem:$0x11C00] =	vst v63  }
0x53: {  	s9 =	smov.u32 s30  }
0x54: {  	s3 =	smov.u32 s6;
	s0 =	smov.u32 s7;
	p0 =	sne.s32 s30, $0x6700  }
.Ltmp6:
0x55: {  	s30 =	sadd.s32 $0x400, s30;
	(pc) =	sbr.rel @p0 .LBB2_14-.Ltmp6, $2  }
0x56: {  	_ =	sdelay $0x2  }
0x57: {  	s6 =	sadd.s32 $0x10000, s6;
	s7 =	sadd.s32 $0x400, s7;
	s9 =	sshra.s32 s9, $0x2  }
0x58: {  	[tilespmem:s0], [sflag:$0x2] =	stream.indirect.gather [hbm4b:s3+s17], $0x10, s9, s17, $0xb8;
	[tilespmem:$0x11C00] =	vst v63  }
0x59: {  	_ =	swait.ge [sflag:s16], $0x6800  }
0x5a: {  	s0 =	simm.s32 $0x1A00;
	s6 =	simm.s32 $0x2;
	[sflag:s16] =	ssyncset.done $0x0  }
0x5b: {  	s7 =	sadd.s32 $0x0, s14;
	s3 =	simm.s32 $0x1E00;
	[sflag:s16] =	ssyncadd.s32 $0xFFFF9800  }
.LBB2_16:
0x5c: {  	[hbm4b:s7+s18] =	stream.strided.scatter [tilespmem:s0], [sflag:$0x3], $0x400, s19, s18, $0x38;
	[tilespmem:$0x11C00] =	vst v63  }
0x5d: {  	s7 =	smov.u32 s6;
	s0 =	smov.u32 s3;
	p0 =	sne.s32 s6, $0x32  }
.Ltmp7:
0x5e: {  	s6 =	sadd.s32 $0x2, s6;
	(pc) =	sbr.rel @p0 .LBB2_16-.Ltmp7, $2  }
0x5f: {  	_ =	sdelay $0x2  }
0x60: {  	s3 =	sadd.s32 $0x400, s3;
	s7 =	sadd.s32 s7, s14  }
0x61: {  	[hbm4b:s7+s18] =	stream.strided.scatter [tilespmem:s0], [sflag:$0x3], $0x400, s19, s18, $0x38;
	[tilespmem:$0x11C00] =	vst v63  }
0x62: {  	_ =	swait.ge [sflag:s20], $0x6800  }
0x63: {  	[sflag:s20] =	ssyncset.done $0x0  }
0x64: {  	[sflag:s20] =	ssyncadd.s32 $0xFFFF9800  }
0x65: {  	_ =	swait.ge [sflag:s21], $0x6800  }
0x66: {  	s0 =	simm.s32 $0x8200;
	s6 =	simm.s32 $0x2;
	[sflag:s21] =	ssyncset.done $0x0  }
0x67: {  	s7 =	sadd.s32 $0x0, s15;
	s3 =	simm.s32 $0x8600;
	[sflag:s21] =	ssyncadd.s32 $0xFFFF9800  }
.LBB2_18:
0x68: {  	[hbm4b:s7+s18] =	stream.strided.scatter [tilespmem:s0], [sflag:$0x4], $0x400, s19, s18, $0x38;
	[tilespmem:$0x11C00] =	vst v63  }
0x69: {  	s7 =	smov.u32 s6;
	s0 =	smov.u32 s3;
	p0 =	sne.s32 s6, $0x32  }
.Ltmp8:
0x6a: {  	s6 =	sadd.s32 $0x2, s6;
	(pc) =	sbr.rel @p0 .LBB2_18-.Ltmp8, $2  }
0x6b: {  	_ =	sdelay $0x2  }
0x6c: {  	s3 =	sadd.s32 $0x400, s3;
	s7 =	sadd.s32 s7, s15  }
0x6d: {  	[hbm4b:s7+s18] =	stream.strided.scatter [tilespmem:s0], [sflag:$0x4], $0x400, s19, s18, $0x38;
	[tilespmem:$0x11C00] =	vst v63  }
0x6e: {  	_ =	swait.ge [sflag:s22], $0x6800  }
0x6f: {  	[sflag:s22] =	ssyncset.done $0x0  }
0x70: {  	s30 =	rddreg [dreg:$0x5];
	[sflag:s22] =	ssyncadd.s32 $0xFFFF9800  }
0x71: {  	[tilespmem:s23], [sflag:$0x5] =	stream.linear.gather [hbm4b:s30+s2], $0x100, $0x38;
	[tilespmem:$0x11C00] =	vst v63  }
0x72: {  	_ =	swait.ge [sflag:s24], $0x100  }
0x73: {  	[sflag:s24] =	ssyncset.done $0x0  }
0x74: {  	[sflag:s24] =	ssyncadd.s32 $0xFFFFFF00  }
0x75: {  	v0 =	vld [tilespmem:$0xEA00]  }
0x76: {  	v1 =	vld [tilespmem:$0xEA10]  }
0x77: {  	v2 =	vld [tilespmem:$0xEA20]  }
0x78: {  	v3 =	vld [tilespmem:$0xEA30]  }
0x79: {  	v4 =	vld [tilespmem:$0xEA40]  }
0x7a: {  	v18 =	vld [tilespmem:$0xEA50];
	[tilespmem:$0xEB00] =	vst v0  }
0x7b: {  	v19 =	vld [tilespmem:$0xEA60];
	[tilespmem:$0xEB10] =	vst v1  }
0x7c: {  	v20 =	vld [tilespmem:$0xEA70];
	[tilespmem:$0xEB20] =	vst v2  }
0x7d: {  	v21 =	vld [tilespmem:$0xEA80];
	[tilespmem:$0xEB30] =	vst v3  }
0x7e: {  	v22 =	vld [tilespmem:$0xEA90];
	[tilespmem:$0xEB40] =	vst v4  }
0x7f: {  	v23 =	vld [tilespmem:$0xEAA0];
	[tilespmem:$0xEB50] =	vst v18  }
0x80: {  	v24 =	vld [tilespmem:$0xEAB0];
	[tilespmem:$0xEB60] =	vst v19  }
0x81: {  	v25 =	vld [tilespmem:$0xEAC0];
	[tilespmem:$0xEB70] =	vst v20  }
0x82: {  	v26 =	vld [tilespmem:$0xEAD0];
	[tilespmem:$0xEB80] =	vst v21  }
0x83: {  	v27 =	vld [tilespmem:$0xEAE0];
	[tilespmem:$0xEB90] =	vst v22  }
0x84: {  	v28 =	vld [tilespmem:$0xEAF0];
	[tilespmem:$0xEBA0] =	vst v23  }
0x85: {  	[tilespmem:$0xEBB0] =	vst v24  }
0x86: {  	[tilespmem:$0xEBC0] =	vst v25  }
0x87: {  	[tilespmem:$0xEBD0] =	vst v26  }
0x88: {  	[tilespmem:$0xEBE0] =	vst v27  }
0x89: {  	[tilespmem:$0xEBF0] =	vst v28  }
0x8a: {  	[tilespmem:s28], [sflag:$0x1] =	stream.indirect.gather [hbm4b:s4+s25], $0x20, s26, s25, $0xb8;
	[tilespmem:$0x11C00] =	vst v63  }
0x8b: {  	s3 =	simm.s32 $0xFC00  }
0x8c: {  	[tilespmem:s3], [sflag:$0x1] =	stream.indirect.gather [hbm4b:s4+s25], $0x20, s29, s25, $0xb8;
	[tilespmem:$0x11C00] =	vst v63  }
0x8d: {  	_ =	swait.ge [sflag:s16], $0x2000  }
0x8e: {  	[sflag:s16] =	ssyncset.done $0x0  }
0x8f: {  	s6 =	rddreg [dreg:$0x6];
	[sflag:s16] =	ssyncadd.s32 $0xFFFFE000  }
0x90: {  	[hbm4b:s6+s2] =	stream.linear.scatter [tilespmem:s28], [sflag:$0x3], $0x2000, $0x38;
	[tilespmem:$0x11C00] =	vst v63  }
0x91: {  	s7 =	rddreg [dreg:$0x7]  }
0x92: {  	[tilespmem:s23], [sflag:$0x5] =	stream.linear.gather [hbm4b:s7+s2], $0x100, $0x38;
	[tilespmem:$0x11C00] =	vst v63  }
0x93: {  	_ =	swait.ge [sflag:s24], $0x100  }
0x94: {  	[sflag:s24] =	ssyncset.done $0x0  }
0x95: {  	[sflag:s24] =	ssyncadd.s32 $0xFFFFFF00  }
0x96: {  	v29 =	vld [tilespmem:$0xEA00]  }
0x97: {  	v30 =	vld [tilespmem:$0xEA10]  }
0x98: {  	v31 =	vld [tilespmem:$0xEA20]  }
0x99: {  	v32 =	vld [tilespmem:$0xEA30]  }
0x9a: {  	v33 =	vld [tilespmem:$0xEA40]  }
0x9b: {  	v5 =	vld [tilespmem:$0xEA50]  }
0x9c: {  	v6 =	vld [tilespmem:$0xEA60]  }
0x9d: {  	v7 =	vld [tilespmem:$0xEA70]  }
0x9e: {  	v8 =	vld [tilespmem:$0xEA80]  }
0x9f: {  	v9 =	vld [tilespmem:$0xEA90]  }
0xa0: {  	v10 =	vld [tilespmem:$0xEAA0]  }
0xa1: {  	v36 =	vld [tilespmem:$0xEAB0]  }
0xa2: {  	v40 =	vld [tilespmem:$0xEAC0]  }
0xa3: {  	v47 =	vld [tilespmem:$0xEAD0]  }
0xa4: {  	v51 =	vld [tilespmem:$0xEAE0];
	v0 =	vadd.s32 $0xFFFFF830, v29  }
0xa5: {  	v54 =	vld [tilespmem:$0xEAF0];
	v1 =	vadd.s32 $0xFFFFF830, v30;
	v2 =	vadd.s32 $0xFFFFF830, v31;
	v3 =	vadd.s32 $0xFFFFF830, v32  }
0xa6: {  	v4 =	vadd.s32 $0xFFFFF830, v33;
	v5 =	vadd.s32 $0xFFFFF830, v5;
	v6 =	vadd.s32 $0xFFFFF830, v6  }
0xa7: {  	v39 =	vadd.s32 $0xFFFFF830, v7;
	v42 =	vadd.s32 $0xFFFFF830, v8;
	v44 =	vadd.s32 $0xFFFFF830, v9  }
0xa8: {  	v50 =	vadd.s32 $0xFFFFF830, v10;
	v52 =	vadd.s32 $0xFFFFF830, v36;
	v53 =	vadd.s32 $0xFFFFF830, v40  }
0xa9: {  	v57 =	vadd.s32 $0xFFFFF830, v47;
	v59 =	vadd.s32 $0xFFFFF830, v51;
	vm0 =	vgt.s32 v0, $0x0  }
0xaa: {  	v61 =	vadd.s32 $0xFFFFF830, v54;
	vm14 =	vgt.s32 v1, $0x0;
	v0 =	vnsel vm0, $0x0, v0  }
0xab: {  	vm15 =	vgt.s32 v2, $0x0;
	v1 =	vnsel vm14, $0x0, v1;
	v0 =	vmin.u32 v0, $0x63  }
0xac: {  	vm4 =	vgt.s32 v3, $0x0;
	v2 =	vnsel vm15, $0x0, v2;
	v1 =	vmin.u32 v1, $0x63;
	[tilespmem:$0xEB00] =	vst v0  }
0xad: {  	vm5 =	vgt.s32 v4, $0x0;
	v3 =	vnsel vm4, $0x0, v3;
	v2 =	vmin.u32 v2, $0x63;
	[tilespmem:$0xEB10] =	vst v1  }
0xae: {  	vm6 =	vgt.s32 v5, $0x0;
	v4 =	vnsel vm5, $0x0, v4;
	v3 =	vmin.u32 v3, $0x63;
	[tilespmem:$0xEB20] =	vst v2  }
0xaf: {  	vm7 =	vgt.s32 v6, $0x0;
	v35 =	vnsel vm6, $0x0, v5;
	v34 =	vmin.u32 v4, $0x63;
	[tilespmem:$0xEB30] =	vst v3  }
0xb0: {  	vm8 =	vgt.s32 v39, $0x0;
	v38 =	vnsel vm7, $0x0, v6;
	v37 =	vmin.u32 v35, $0x63;
	[tilespmem:$0xEB40] =	vst v34  }
0xb1: {  	vm9 =	vgt.s32 v42, $0x0;
	v43 =	vnsel vm8, $0x0, v39;
	v41 =	vmin.u32 v38, $0x63;
	[tilespmem:$0xEB50] =	vst v37  }
0xb2: {  	vm1 =	vgt.s32 v53, $0x0;
	v46 =	vnsel vm9, $0x0, v42;
	v45 =	vmin.u32 v43, $0x63;
	[tilespmem:$0xEB60] =	vst v41  }
0xb3: {  	vm13 =	vgt.s32 v57, $0x0;
	v56 =	vnsel vm1, $0x0, v53;
	v48 =	vmin.u32 v46, $0x63;
	[tilespmem:$0xEB70] =	vst v45  }
0xb4: {  	vm10 =	vgt.s32 v44, $0x0;
	v60 =	vnsel vm13, $0x0, v57;
	v58 =	vmin.u32 v56, $0x63;
	[tilespmem:$0xEB80] =	vst v48  }
0xb5: {  	vm11 =	vgt.s32 v50, $0x0;
	v49 =	vnsel vm10, $0x0, v44;
	v62 =	vmin.u32 v60, $0x63;
	[tilespmem:$0xEBC0] =	vst v58  }
0xb6: {  	vm12 =	vgt.s32 v52, $0x0;
	v55 =	vnsel vm11, $0x0, v50;
	v3 =	vmin.u32 v49, $0x63;
	[tilespmem:$0xEBD0] =	vst v62  }
0xb7: {  	vm14 =	vgt.s32 v59, $0x0;
	v2 =	vnsel vm12, $0x0, v52;
	v0 =	vmin.u32 v55, $0x63;
	[tilespmem:$0xEB90] =	vst v3  }
0xb8: {  	vm15 =	vgt.s32 v61, $0x0;
	v1 =	vnsel vm14, $0x0, v59;
	v2 =	vmin.u32 v2, $0x63;
	[tilespmem:$0xEBA0] =	vst v0  }
0xb9: {  	v63 =	vnsel vm15, $0x0, v61;
	v1 =	vmin.u32 v1, $0x63;
	[tilespmem:$0xEBB0] =	vst v2  }
0xba: {  	v0 =	vmin.u32 v63, $0x63;
	[tilespmem:$0xEBE0] =	vst v1  }
0xbb: {  	[tilespmem:$0xEBF0] =	vst v0  }
0xbc: {  	[tilespmem:s31], [sflag:$0x2] =	stream.indirect.gather [hbm4b:s5+s25], $0x10, s26, s25, $0xb8;
	[tilespmem:$0x11C00] =	vst v63  }
0xbd: {  	s9 =	simm.s32 $0x11400  }
0xbe: {  	[tilespmem:s9], [sflag:$0x2] =	stream.indirect.gather [hbm4b:s5+s25], $0x10, s29, s25, $0xb8;
	[tilespmem:$0x11C00] =	vst v63  }
0xbf: {  	_ =	swait.ge [sflag:s21], $0x1000  }
0xc0: {  	[sflag:s21] =	ssyncset.done $0x0  }
0xc1: {  	s1 =	sadd.s32 $0x1, s1;
	s30 =	rddreg [dreg:$0x8];
	[sflag:s21] =	ssyncadd.s32 $0xFFFFF000  }
0xc2: {  	[hbm4b:s30+s2] =	stream.linear.scatter [tilespmem:s31], [sflag:$0x5], $0x1000, $0x38;
	[tilespmem:$0x11C00] =	vst v63  }
0xc3: {  	p0 =	sne.s32 s1, s10;
	_ =	swait.ge [sflag:s24], $0x1000  }
.Ltmp9:
0xc4: {  	[sflag:s24] =	ssyncset.done $0x0;
	(pc) =	sbr.rel @p0 .LBB2_1-.Ltmp9, $4  }
0xc5: {  	[sflag:s24] =	ssyncadd.s32 $0xFFFFF000  }
0xc6: {  	_ =	swait.ge [sflag:s20], $0x2000  }
0xc7: {  	[sflag:s20] =	ssyncset.done $0x0  }
0xc8: {  	[sflag:s20] =	ssyncadd.s32 $0xFFFFE000  }
0xc9: {  	_ =	sfence.sel $0x180000  }
0xca: {  	[bflag:$0x0] =	sbarrier.arrive $0xFFFF  }
0xcb: {  	_ =	strace $0x90000047  }
0xcc: {  	s0 =	stileid.u32;
	[bflag:$0x2] =	sbarrier.arrive $0xFFFF  }
0xcd: {  	p0 =	sne.s32 s0, $0x0;
	s0 =	rddreg [dreg:$0x4]  }
0xce: {  	s0 =	sadd.s32 @!p0 $0x100000, s0  }
0xcf: {  	[sflag:s0] =	ssyncadd.tile.s32 @!p0 $0x1;
	_ =	shalt  }
.Lfunc_end2:
_tile_overlayer_lowered:
.L_overlay_start_2:
0xd0: {  	(tag) =	ssettag $0x2  }
0xd1: {  	s0 =	rddreg [dreg:$0x0];
	s2 =	stileid.u32  }
0xd2: {  	s1 =	rddreg [dreg:$0x1];
	p0 =	sne.s32 s2, $0x0  }
0xd3: {  	s3 =	rddreg [dreg:$0x2];
	[bflag:$0x3] =	sbarrier.arrive $0xFFFF;
	s2 =	simm.s32 @!p0 $0x1C05  }
0xd4: {  	[timem:s3], [sflag:s2] =	dma.local @!p0 [hbm:s0], s1  }
0xd5: {  	s0 =	simm.s32 @!p0 $0x5  }
0xd6: {  	_ =	swait.ge @!p0 [sflag:s0], s1  }
0xd7: {  	s1 =	ssub.s32 @!p0 $0x0, s1;
	[sflag:s0] =	ssyncset.done @!p0 $0x0  }
0xd8: {  	[sflag:s0] =	ssyncadd.s32 @!p0 s1  }
0xd9: {  	[bflag:$0x3] =	sbarrier.arrive $0xFFFF  }
0xda: {  	_ =	shalt  }

// kernel: kernel.9.cloned.1.call-start
scs
__scs_entry_jumppad:
0x0: {  	(pc) =	sbr.rel $0x88, $3  }
0x1: {  	(tag) =	ssettag $0x0;
	lr =	simm.s32 $0x1  }
0x2: {  	[smem:$0x3F93] =	sst lr;
	_ =	strace $0xD0000000  }
0x3: {  	_ = 	snop  }
0x4: {  	_ = 	snop  }
0x5: {  	_ = 	snop  }
0x6: {  	_ = 	snop  }
0x7: {  	_ = 	snop  }
__scs_overlays_trampoline_lowered:
0x8: {  	[smem:$0x3FA2] =	sst s0  }
0x9: {  	[smem:$0x3FA3] =	sst s1  }
0xa: {  	[smem:$0x3FA4] =	sst s2  }
0xb: {  	[smem:$0x3FA5] =	sst s3  }
0xc: {  	[smem:$0x3FA6] =	sst s4  }
0xd: {  	[smem:$0x3FA7] =	sst s5  }
0xe: {  	[smem:$0x3FA8] =	sst s6  }
0xf: {  	[smem:$0x3FA9] =	sst s7  }
0x10: {  	[smem:$0x3FAA] =	sst s8  }
0x11: {  	[smem:$0x3FAB] =	sst s9;
	s0 =	simm.s32 @!p0 $0x0  }
0x12: {  	s1 =	sld [smem:$0x3F91];
	s0 =	simm.s32 @p0 $0x1  }
0x13: {  	[smem:$0x3FAC] =	sst s0;
	s0 =	simm.s32 @!p1 $0x0  }
0x14: {  	s2 =	sld [smem:$0x3F90];
	s0 =	simm.s32 @p1 $0x1  }
0x15: {  	[smem:$0x3FAD] =	sst s0;
	s0 =	simm.s32 @!p2 $0x0  }
0x16: {  	s3 =	sld [smem:$0x3FDB];
	s0 =	simm.s32 @p2 $0x1  }
0x17: {  	s4 =	simm.s32 $0x1BF5;
	[smem:$0x3FAF] =	sst s0  }
0x18: {  	s0 =	sld [smem:$0x3F92];
	_ =	swait.ge [sflag:s4], $0x0  }
0x19: {  	s7 =	sld [smem:$0x3F93]  }
0x1a: {  	s8 =	sadd.s32 $0xFFFFE003, lr  }
0x1b: {  	s9 =	sadd.s32 $0xFFFFFEF7, lr;
	s5 =	simm.s32 $0xFFFFFFFF;
	p2 =	slt.u32 s8, $0xFFFFF086  }
0x1c: {  	p1 =	slt.u32 s9, $0xF7A;
	s5 =	simm.s32 @!p2 $0x0  }
0x1d: {  	s5 =	simm.s32 @p1 $0x1;
	p0 =	seq.s32 s7, s2  }
0x1e: {  	s7 =	smul.u32 @!p0 $0xF7A, s2;
	p2 =	seq.s32 @!p0 s5, $0x0  }
0x1f: {  	s9 =	smul.u32 $0xF7A, s1;
	s8 =	simm.s32 @!p0 $0x1BF5;
	p2 =	por !p2, p0  }
0x20: {  	[sflag:s8] =	ssyncset.s32 @!p0 $0xFFFFF086;
	s6 =	sadd.s32 @!p0 s3, s7;
	s7 =	simm.s32 @!p0 $0x108  }
0x21: {  	s3 =	sadd.s32 s3, s9;
	s6 =	sadd.s32 @!p0 $0x88, s6;
	s7 =	simm.s32 @p2 $0x1082  }
0x22: {  	[simem:s7], [sflag:s8] =	dma.local @!p0 [hbm:s6], $0xF7A  }
0x23: {  	s9 =	sor.u32 $0xD0000000, s2;
	s6 =	simm.s32 $0x108;
	_ =	swait.ge @!p0 [sflag:s8], $0x0  }
0x24: {  	s3 =	sadd.s32 $0x88, s3;
	s6 =	simm.s32 @!p1 $0x1082;
	[sflag:s4] =	ssyncset.s32 $0xFFFFF086  }
0x25: {  	[simem:s6], [sflag:s4] =	dma.local [hbm:s3], $0xF7A  }
0x26: {  	[smem:$0x3F93] =	sst s1;
	(tag) =	ssettag s2;
	_ =	strace s9  }
0x27: {  	s1 =	sld [smem:$0x3FA3]  }
0x28: {  	s2 =	sld [smem:$0x3FA4]  }
0x29: {  	s4 =	sld [smem:$0x3FA6]  }
0x2a: {  	p0 =	seq.s32 s5, $0x0;
	s5 =	sld [smem:$0x3FA7]  }
0x2b: {  	s6 =	sld [smem:$0x3FA8]  }
0x2c: {  	s7 =	sld [smem:$0x3FA9]  }
0x2d: {  	s3 =	simm.s32 $0x108;
	s8 =	sld [smem:$0x3FAA]  }
0x2e: {  	s3 =	simm.s32 @!p0 $0x1082;
	s9 =	sld [smem:$0x3FAB]  }
0x2f: {  	lr =	sadd.s32 s0, s3;
	s0 =	sld [smem:$0x3FA2]  }
0x30: {  	s3 =	sld [smem:$0x3FA5]  }
0x31: {  	[smem:$0x3FAE] =	sst s10  }
0x32: {  	s10 =	sld [smem:$0x3FAC];
	_ =	sdelay $0x3  }
0x33: {  	p0 =	seq.s32 s10, $0x1;
	s10 =	sld [smem:$0x3FAE];
	_ =	sdelay $0x3  }
0x34: {  	[smem:$0x3FAE] =	sst s10  }
0x35: {  	s10 =	sld [smem:$0x3FAD];
	_ =	sdelay $0x3  }
0x36: {  	p1 =	seq.s32 s10, $0x1;
	s10 =	sld [smem:$0x3FAE];
	_ =	sdelay $0x3  }
0x37: {  	[smem:$0x3FAE] =	sst s10  }
0x38: {  	s10 =	sld [smem:$0x3FAF]  }
0x39: {  	_ = 	snop;
	(pc) =	sbr.ind lr, $3  }
0x3a: {  	_ = 	snop  }
0x3b: {  	_ = 	snop  }
0x3c: {  	p2 =	seq.s32 s10, $0x1;
	s10 =	sld [smem:$0x3FAE]  }
0x3d: {  	_ =	shalt  }
0x3e: {  	_ =	shalt  }
0x3f: {  	_ =	shalt  }
0x40: {  	_ =	shalt  }
0x41: {  	_ =	shalt  }
0x42: {  	_ =	shalt  }
0x43: {  	_ =	shalt  }
0x44: {  	_ =	shalt  }
0x45: {  	_ =	shalt  }
0x46: {  	_ =	shalt  }
0x47: {  	_ =	shalt  }
0x48: {  	_ =	shalt  }
0x49: {  	_ =	shalt  }
0x4a: {  	_ =	shalt  }
0x4b: {  	_ =	shalt  }
0x4c: {  	_ =	shalt  }
0x4d: {  	_ =	shalt  }
0x4e: {  	_ =	shalt  }
0x4f: {  	_ =	shalt  }
0x50: {  	_ =	shalt  }
0x51: {  	_ =	shalt  }
0x52: {  	_ =	shalt  }
0x53: {  	_ =	shalt  }
0x54: {  	_ =	shalt  }
0x55: {  	_ =	shalt  }
0x56: {  	_ =	shalt  }
0x57: {  	_ =	shalt  }
0x58: {  	_ =	shalt  }
0x59: {  	_ =	shalt  }
0x5a: {  	_ =	shalt  }
0x5b: {  	_ =	shalt  }
0x5c: {  	_ =	shalt  }
0x5d: {  	_ =	shalt  }
0x5e: {  	_ =	shalt  }
0x5f: {  	_ =	shalt  }
0x60: {  	_ =	shalt  }
0x61: {  	_ =	shalt  }
0x62: {  	_ =	shalt  }
0x63: {  	_ =	shalt  }
0x64: {  	_ =	shalt  }
0x65: {  	_ =	shalt  }
0x66: {  	_ =	shalt  }
0x67: {  	_ =	shalt  }
0x68: {  	_ =	shalt  }
0x69: {  	_ =	shalt  }
0x6a: {  	_ =	shalt  }
0x6b: {  	_ =	shalt  }
0x6c: {  	_ =	shalt  }
0x6d: {  	_ =	shalt  }
0x6e: {  	_ =	shalt  }
0x6f: {  	_ =	shalt  }
0x70: {  	_ =	shalt  }
0x71: {  	_ =	shalt  }
0x72: {  	_ =	shalt  }
0x73: {  	_ =	shalt  }
0x74: {  	_ =	shalt  }
0x75: {  	_ =	shalt  }
0x76: {  	_ =	shalt  }
0x77: {  	_ =	shalt  }
0x78: {  	_ =	shalt  }
0x79: {  	_ =	shalt  }
0x7a: {  	_ =	shalt  }
0x7b: {  	_ =	shalt  }
0x7c: {  	_ =	shalt  }
0x7d: {  	_ =	shalt  }
0x7e: {  	_ =	shalt  }
0x7f: {  	_ =	shalt  }
0x80: {  	_ =	shalt  }
0x81: {  	_ =	shalt  }
0x82: {  	_ =	shalt  }
0x83: {  	_ =	shalt  }
0x84: {  	_ =	shalt  }
0x85: {  	_ =	shalt  }
0x86: {  	_ =	shalt  }
0x87: {  	_ =	shalt  }
.Lfunc_end0:
.L_simem_size_0:
called_computation.1_lowered:
.L_overlay_start_0:
0x88: {  	s2 =	sld [smem:$0x3FD9]  }
0x89: {  	s3 =	sld [smem:$0x3FFE];
	_ =	sdelay $0x1  }
0x8a: {  	s1 =	srdreg.scid  }
0x8b: {  	s0 =	sand.u32 $0x1, s1  }
0x8c: {  	s17 =	sshll.u32 s0, $0xA;
	s2 =	sadd.s32 s3, s2  }
0x8d: {  	s2 =	sadd.s32 s2, s17  }
0x8e: {  	[smem:$0x3FBA] =	sst s2  }
0x8f: {  	_ = 	snop  }
0x90: {  	s18 =	sld [smem:$0x3FC6]  }
0x91: {  	s4 =	sld [smem:$0x3FC5]  }
0x92: {  	s5 =	sld [smem:$0x3FD0];
	(tm) =	ssettm $0x1  }
0x93: {  	s19 =	sld [smem:$0x3FFB];
	_ =	sdelay $0x3  }
0x94: {  	_ =	strace s19  }
0x95: {  	s2 =	sld [smem:$0x3FFC];
	_ =	sdelay $0x3  }
0x96: {  	_ =	strace s2  }
0x97: {  	s2 =	sld [smem:$0x3FFD];
	_ =	sdelay $0x3  }
0x98: {  	_ =	strace s2  }
0x99: {  	_ =	strace $0x8FFFFFFF  }
0x9a: {  	s20 =	sld [smem:$0x3FDB];
	_ =	sdelay $0x1  }
0x9b: {  	s6 =	simm.s32 $_scs_section_size  }
0x9c: {  	s7 =	simm.s32 $_size__tile_overlayer_lowered;
	s8 =	simm.s32 $_tile_overlayer_lowered  }
0x9d: {  	s9 =	simm.s32 $0x1BFF;
	s21 =	sshll.u32 s8, $0x1;
	s6 =	sadd.s32 s6, s20  }
0x9e: {  	s22 =	simm.s32 $0x0;
	s7 =	sshll.u32 s7, $0x1;
	s8 =	sadd.s32 s21, s6  }
0x9f: {  	[timem:s22], [sflag:s9] =	dma.local [hbm:s8], s7  }
0xa0: {  	_ =	swait.ge [sflag:s9], s7  }
0xa1: {  	s7 =	ssub.s32 $0x0, s7;
	[sflag:s9] =	ssyncset.done $0x0  }
0xa2: {  	[sflag:s9] =	ssyncadd.s32 s7;
	_ =	sdelay $0x1  }
0xa3: {  	s23 =	simm.s32 $0x1B8B  }
0xa4: {  	_ =	swait.ge [sflag:s23], $0x1  }
0xa5: {  	[sflag:s23] =	ssyncset.done $0x0  }
0xa6: {  	[sflag:s23] =	ssyncadd.s32 $0xFFFFFFFF  }
0xa7: {  	s7 =	sld [smem:$0x0]  }
0xa8: {  	s8 =	sand.u32 $0xFFFFFFFE, s1  }
0xa9: {  	p0 =	sne.s32 s1, s8  }
0xaa: {  	s8 =	sshll.u32 @p0 s8, $0xE  }
0xab: {  	s8 =	sadd.s32 @p0 $0x11B8D, s8;
	s9 =	sshll.u32 @p0 s7, $0x11  }
0xac: {  	s8 =	sor.u32 @p0 s9, s8  }
0xad: {  	[sflag:s8] =	ssyncadd.remote.s32 @p0 $0x1;
	_ =	sdelay $0x1  }
0xae: {  	s8 =	simm.s32 @p0 $0x1B8D  }
0xaf: {  	_ =	swait.eq @p0 [sflag:s8], $0x1  }
0xb0: {  	[sflag:s8] =	ssyncadd.s32 @p0 $0xFFFFFFFF  }
0xb1: {  	s9 =	sshll.u32 @!p0 s1, $0xE  }
0xb2: {  	s9 =	sor.u32 @!p0 $0x4000, s9;
	s8 =	simm.s32 @!p0 $0x1B8D  }
0xb3: {  	s7 =	sshll.u32 @!p0 s7, $0x11;
	s9 =	sadd.s32 @!p0 $0x11B8D, s9;
	_ =	swait.eq @!p0 [sflag:s8], $0x1  }
0xb4: {  	s7 =	sor.u32 @!p0 s7, s9;
	[sflag:s8] =	ssyncadd.s32 @!p0 $0xFFFFFFFF  }
0xb5: {  	s25 =	simm.s32 $0x1B8E;
	s24 =	sld [smem:$0x3FFE];
	[sflag:s7] =	ssyncadd.remote.s32 @!p0 $0x1  }
0xb6: {  	s26 =	simm.s32 $execute0_lowered;
	[smem:$0x3FD2] =	sst s25  }
0xb7: {  	s8 =	sshll.u32 s26, $0x1;
	_ =	strace $0x80000049;
	[dreg:$0x1] =	wrdreg $0xFFFFFFFF  }
0xb8: {  	s28 =	simm.s32 $_size_execute0_lowered;
	s6 =	sadd.s32 s6, s8;
	[dreg:$0x0] =	wrdreg $0x0  }
0xb9: {  	s8 =	sshll.u32 s28, $0x1;
	[dreg:$0x2] =	wrdreg s6  }
0xba: {  	[dreg:$0x3] =	wrdreg s8  }
0xbb: {  	[dreg:$0x4] =	wrdreg $0xC0  }
0xbc: {  	_ =	task [dreg:s22], $0x5FFFF  }
0xbd: {  	[dreg:$0x1] =	wrdreg $0xFFFFFFFF  }
0xbe: {  	[dreg:$0x0] =	wrdreg $0x60  }
0xbf: {  	[dreg:$0x2] =	wrdreg s5  }
0xc0: {  	[dreg:$0x3] =	wrdreg s18  }
0xc1: {  	[dreg:$0x4] =	wrdreg s4  }
0xc2: {  	[dreg:$0x5] =	wrdreg s24  }
0xc3: {  	[dreg:$0x6] =	wrdreg $0xA  }
0xc4: {  	_ =	task.clear_ibuf [dreg:s22], $0x7FFFF;
	_ =	strace $0x90000049  }
0xc5: {  	s29 =	simm.s32 $0xA;
	_ =	strace $0x8000004B  }
0xc6: {  	_ =	swait.ge [sflag:s29], $0x1  }
0xc7: {  	[sflag:s29] =	ssyncadd.s32 $0xFFFFFFFF  }
0xc8: {  	_ =	strace $0x9000004B  }
0xc9: {  	_ =	sfence  }
0xca: {  	s30 =	sld [smem:$0x0];
	_ =	sdelay $0x2  }
0xcb: {  	s31 =	sshll.u32 s1, $0xD;
	s1 =	sshrl.u32 s1, $0x2  }
0xcc: {  	s4 =	sand.u32 $0x4000, s31;
	s1 =	sadd.s32 s1, s30  }
0xcd: {  	s0 =	sor.u32 s4, s0;
	s1 =	sshll.u32 s1, $0x11  }
0xce: {  	s0 =	sor.u32 s1, s0  }
0xcf: {  	s0 =	sadd.s32 $0x8F2B, s0  }
0xd0: {  	[sflag:s0] =	ssyncadd.remote.s32 $0x1  }
0xd1: {  	_ =	sfence.sel $0xFFFF  }
0xd2: {  	[dreg:$0x0] =	wrdreg $0xFFFFFFFF;
	(pc) =	sbr.abs _section_cstart, $3  }
0xd3: {  	[dreg:$0x1] =	wrdreg $0xFFFFFFFF  }
0xd4: {  	_ =	task.clear_ibuf [dreg:s22], $0x2FFFF;
	_ =	strace $0x9FFFFFFF  }
0xd5: {  	(tm) =	ssettm $0x7FFFFFFF  }
tec
execute0_lowered:
.L_overlay_start_1:
0x0: {  	(tag) =	ssettag $0x1  }
0x1: {  	s0 =	rddreg [dreg:$0x0]  }
0x2: {  	s1 =	rddreg [dreg:$0x1]  }
0x3: {  	s3 =	rddreg [dreg:$0x2]  }
0x4: {  	s6 =	rddreg [dreg:$0x3];
	s2 =	simm.s32 $0x0  }
0x5: {  	s4 =	srdreg.scid;
	s12 =	stileid.u32;
	s16 =	simm.s32 $0x1  }
0x6: {  	s17 =	simm.s32 $0x40;
	s18 =	simm.s32 $0x10;
	s28 =	simm.s32 $0xEC00  }
0x7: {  	s29 =	simm.s32 $0xEB80;
	s31 =	simm.s32 $0x10C00;
	[smem:$0x7FF] =	sst s2  }
0x8: {  	s7 =	sand.u32 $0x1, s4;
	s5 =	sshll.u32 s12, $0x9;
	s8 =	sadd.s32 $0xD03E00, s6  }
0x9: {  	s4 =	sadd.s32 $0x3E00, s6;
	s15 =	sadd.s32 $0x7C000, s6;
	s12 =	smul.u32 $0x34000, s12  }
0xa: {  	_ =	strace $0x8000004A;
	s9 =	sshll.u32 s7, $0x8;
	s19 =	ssub.s32 $0x2, s7  }
0xb: {  	s7 =	smul.u32 $0x1A000, s7;
	s9 =	sor.u32 s9, s5;
	s5 =	sadd.s32 $0x7E00, s6  }
0xc: {  	s13 =	sshrl.u32 s19, $0x1;
	s10 =	sshll.u32 s9, $0x2;
	s11 =	sshll.u32 s9, $0x1  }
0xd: {  	s9 =	sor.u32 $0x2000, s9;
	s23 =	sadd.s32 s7, s12;
	s10 =	sadd.s32 s10, s6  }
0xe: {  	s6 =	sadd.s32 s11, s6;
	s9 =	sshrl.u32 s9, $0x3;
	s11 =	ssub.s32 s19, s13  }
0xf: {  	s24 =	sshrl.u32 s23, $0x3;
	s25 =	sadd.s32 $0x6800, s23;
	s26 =	sadd.s32 $0xD000, s23  }
0x10: {  	s19 =	simm.s32 $0x1A0;
	s1 =	sadd.s32 s1, s9;
	s20 =	sadd.s32 $0xE8000, s10  }
0x11: {  	s21 =	sadd.s32 s3, s9;
	s22 =	sadd.s32 $0xE4000, s6;
	s10 =	smax.u32 s11, $0x1  }
0x12: {  	s11 =	sadd.s32 s9, s0;
	s12 =	sadd.s32 s24, s15;
	[dreg:$0x5] =	wrdreg s1  }
0x13: {  	s0 =	sshrl.u32 s25, $0x3;
	s3 =	sshrl.u32 s26, $0x3;
	[dreg:$0x6] =	wrdreg s20  }
0x14: {  	s24 =	simm.s32 $0x5;
	s25 =	simm.s32 $0x80;
	[dreg:$0x7] =	wrdreg s21  }
0x15: {  	s26 =	simm.s32 $0xEB00;
	[dreg:$0x8] =	wrdreg s22;
	s1 =	sadd.s32 $0x13800, s23  }
0x16: {  	s13 =	sadd.s32 s0, s15;
	s14 =	sadd.s32 s3, s15;
	s20 =	simm.s32 $0x3  }
0x17: {  	s21 =	simm.s32 $0x2;
	s22 =	simm.s32 $0x4;
	s30 =	sshrl.u32 s1, $0x3  }
0x18: {  	s23 =	simm.s32 $0xEA00;
	s1 =	simm.s32 $0x0;
	s15 =	sadd.s32 s30, s15  }
.LBB2_1:
0x19: {  	s0 =	simm.s32 $0x400  }
0x1a: {  	s7 =	simm.s32 $0x0;
	s3 =	sadd.s32 $0x800, s11;
	s6 =	smov.u32 s11  }
.LBB2_2:
0x1b: {  	[tilespmem:s7], [sflag:$0x1] =	stream.linear.gather [hbm4b:s6+s2], $0x100, $0x38;
	[tilespmem:$0x11C00] =	vst v63  }
0x1c: {  	s7 =	smov.u32 s0;
	s6 =	smov.u32 s3;
	p0 =	sne.s32 s0, $0x6400  }
.Ltmp0:
0x1d: {  	s0 =	sadd.s32 $0x400, s0;
	(pc) =	sbr.rel @p0 .LBB2_2-.Ltmp0, $2  }
0x1e: {  	_ =	sdelay $0x2  }
0x1f: {  	s3 =	sadd.s32 $0x800, s3;
	s7 =	sshra.s32 s7, $0x2  }
0x20: {  	[tilespmem:s7], [sflag:$0x1] =	stream.linear.gather [hbm4b:s6+s2], $0x100, $0x38;
	[tilespmem:$0x11C00] =	vst v63  }
0x21: {  	_ =	swait.ge [sflag:s16], $0x1A00  }
0x22: {  	s0 =	simm.s32 $0x0;
	[sflag:s16] =	ssyncset.done $0x0  }
0x23: {  	s3 =	simm.s32 $0x1A00;
	s6 =	smov.u32 s8;
	[sflag:s16] =	ssyncadd.s32 $0xFFFFE600  }
.LBB2_4:
0x24: {  	p0 =	sne.s32 s0, $0x6400  }
.Ltmp1:
0x25: {  	_ = 	snop;
	(pc) =	sbr.rel @p0 .LBB2_4-.Ltmp1, $4  }
0x26: {  	_ = 	snop  }
0x27: {  	s7 =	sshra.s32 s0, $0x2  }
0x28: {  	[tilespmem:s3], [sflag:$0x1] =	stream.indirect.gather [hbm4b:s6+s17], $0x10, s7, s17, $0xb8;
	[tilespmem:$0x11C00] =	vst v63  }
0x29: {  	s0 =	sadd.s32 $0x400, s0;
	s6 =	sadd.s32 $0x10000, s6;
	s3 =	sadd.s32 $0x400, s3  }
0x2a: {  	s0 =	simm.s32 $0x8200;
	s30 =	simm.s32 $0x500;
	s9 =	simm.s32 $0x40  }
0x2b: {  	s6 =	sadd.s32 $0x10000, s8;
	s7 =	simm.s32 $0x8600;
	s3 =	smov.u32 s8  }
.LBB2_6:
0x2c: {  	[tilespmem:s0], [sflag:$0x2] =	stream.indirect.gather [hbm4b:s3+s17], $0x10, s9, s17, $0xb8;
	[tilespmem:$0x11C00] =	vst v63  }
0x2d: {  	s9 =	smov.u32 s30  }
0x2e: {  	s3 =	smov.u32 s6;
	s0 =	smov.u32 s7;
	p0 =	sne.s32 s30, $0x6500  }
.Ltmp2:
0x2f: {  	s30 =	sadd.s32 $0x400, s30;
	(pc) =	sbr.rel @p0 .LBB2_6-.Ltmp2, $2  }
0x30: {  	_ =	sdelay $0x2  }
0x31: {  	s6 =	sadd.s32 $0x10000, s6;
	s7 =	sadd.s32 $0x400, s7;
	s9 =	sshra.s32 s9, $0x2  }
0x32: {  	[tilespmem:s0], [sflag:$0x2] =	stream.indirect.gather [hbm4b:s3+s17], $0x10, s9, s17, $0xb8;
	[tilespmem:$0x11C00] =	vst v63  }
0x33: {  	_ =	swait.ge [sflag:s16], $0x6800  }
0x34: {  	s0 =	simm.s32 $0x1A00;
	s6 =	simm.s32 $0x2;
	[sflag:s16] =	ssyncset.done $0x0  }
0x35: {  	s7 =	sadd.s32 $0x0, s12;
	s3 =	simm.s32 $0x1E00;
	[sflag:s16] =	ssyncadd.s32 $0xFFFF9800  }
.LBB2_8:
0x36: {  	[hbm4b:s7+s18] =	stream.strided.scatter [tilespmem:s0], [sflag:$0x3], $0x400, s19, s18, $0x38;
	[tilespmem:$0x11C00] =	vst v63  }
0x37: {  	s7 =	smov.u32 s6;
	s0 =	smov.u32 s3;
	p0 =	sne.s32 s6, $0x32  }
.Ltmp3:
0x38: {  	s6 =	sadd.s32 $0x2, s6;
	(pc) =	sbr.rel @p0 .LBB2_8-.Ltmp3, $2  }
0x39: {  	_ =	sdelay $0x2  }
0x3a: {  	s3 =	sadd.s32 $0x400, s3;
	s7 =	sadd.s32 s7, s12  }
0x3b: {  	[hbm4b:s7+s18] =	stream.strided.scatter [tilespmem:s0], [sflag:$0x3], $0x400, s19, s18, $0x38;
	[tilespmem:$0x11C00] =	vst v63  }
0x3c: {  	s0 =	simm.s32 $0x1A00;
	s30 =	simm.s32 $0x600;
	_ =	swait.ge [sflag:s20], $0x6800  }
0x3d: {  	s9 =	simm.s32 $0x80;
	s6 =	sadd.s32 $0x10000, s8;
	[sflag:s20] =	ssyncset.done $0x0  }
0x3e: {  	s7 =	simm.s32 $0x1E00;
	s3 =	smov.u32 s8;
	[sflag:s20] =	ssyncadd.s32 $0xFFFF9800  }
.LBB2_10:
0x3f: {  	[tilespmem:s0], [sflag:$0x1] =	stream.indirect.gather [hbm4b:s3+s17], $0x10, s9, s17, $0xb8;
	[tilespmem:$0x11C00] =	vst v63  }
0x40: {  	s9 =	smov.u32 s30  }
0x41: {  	s3 =	smov.u32 s6;
	s0 =	smov.u32 s7;
	p0 =	sne.s32 s30, $0x6600  }
.Ltmp4:
0x42: {  	s30 =	sadd.s32 $0x400, s30;
	(pc) =	sbr.rel @p0 .LBB2_10-.Ltmp4, $2  }
0x43: {  	_ =	sdelay $0x2  }
0x44: {  	s6 =	sadd.s32 $0x10000, s6;
	s7 =	sadd.s32 $0x400, s7;
	s9 =	sshra.s32 s9, $0x2  }
0x45: {  	[tilespmem:s0], [sflag:$0x1] =	stream.indirect.gather [hbm4b:s3+s17], $0x10, s9, s17, $0xb8;
	[tilespmem:$0x11C00] =	vst v63  }
0x46: {  	_ =	swait.ge [sflag:s21], $0x6800  }
0x47: {  	s0 =	simm.s32 $0x8200;
	s6 =	simm.s32 $0x2;
	[sflag:s21] =	ssyncset.done $0x0  }
0x48: {  	s7 =	sadd.s32 $0x0, s13;
	s3 =	simm.s32 $0x8600;
	[sflag:s21] =	ssyncadd.s32 $0xFFFF9800  }
.LBB2_12:
0x49: {  	[hbm4b:s7+s18] =	stream.strided.scatter [tilespmem:s0], [sflag:$0x4], $0x400, s19, s18, $0x38;
	[tilespmem:$0x11C00] =	vst v63  }
0x4a: {  	s7 =	smov.u32 s6;
	s0 =	smov.u32 s3;
	p0 =	sne.s32 s6, $0x32  }
.Ltmp5:
0x4b: {  	s6 =	sadd.s32 $0x2, s6;
	(pc) =	sbr.rel @p0 .LBB2_12-.Ltmp5, $2  }
0x4c: {  	_ =	sdelay $0x2  }
0x4d: {  	s3 =	sadd.s32 $0x400, s3;
	s7 =	sadd.s32 s7, s13  }
0x4e: {  	[hbm4b:s7+s18] =	stream.strided.scatter [tilespmem:s0], [sflag:$0x4], $0x400, s19, s18, $0x38;
	[tilespmem:$0x11C00] =	vst v63  }
0x4f: {  	s0 =	simm.s32 $0x8200;
	s30 =	simm.s32 $0x700;
	_ =	swait.ge [sflag:s22], $0x6800  }
0x50: {  	s9 =	simm.s32 $0xC0;
	s6 =	sadd.s32 $0x10000, s8;
	[sflag:s22] =	ssyncset.done $0x0  }
0x51: {  	s7 =	simm.s32 $0x8600;
	s3 =	smov.u32 s8;
	[sflag:s22] =	ssyncadd.s32 $0xFFFF9800  }
.LBB2_14:
0x52: {  	[tilespmem:s0], [sflag:$0x2] =	stream.indirect.gather [hbm4b:s3+s17], $0x10, s9, s17, $0xb8;
	[tilespmem:$0x11C00] =	vst v63  }
0x53: {  	s9 =	smov.u32 s30  }
0x54: {  	s3 =	smov.u32 s6;
	s0 =	smov.u32 s7;
	p0 =	sne.s32 s30, $0x6700  }
.Ltmp6:
0x55: {  	s30 =	sadd.s32 $0x400, s30;
	(pc) =	sbr.rel @p0 .LBB2_14-.Ltmp6, $2  }
0x56: {  	_ =	sdelay $0x2  }
0x57: {  	s6 =	sadd.s32 $0x10000, s6;
	s7 =	sadd.s32 $0x400, s7;
	s9 =	sshra.s32 s9, $0x2  }
0x58: {  	[tilespmem:s0], [sflag:$0x2] =	stream.indirect.gather [hbm4b:s3+s17], $0x10, s9, s17, $0xb8;
	[tilespmem:$0x11C00] =	vst v63  }
0x59: {  	_ =	swait.ge [sflag:s16], $0x6800  }
0x5a: {  	s0 =	simm.s32 $0x1A00;
	s6 =	simm.s32 $0x2;
	[sflag:s16] =	ssyncset.done $0x0  }
0x5b: {  	s7 =	sadd.s32 $0x0, s14;
	s3 =	simm.s32 $0x1E00;
	[sflag:s16] =	ssyncadd.s32 $0xFFFF9800  }
.LBB2_16:
0x5c: {  	[hbm4b:s7+s18] =	stream.strided.scatter [tilespmem:s0], [sflag:$0x3], $0x400, s19, s18, $0x38;
	[tilespmem:$0x11C00] =	vst v63  }
0x5d: {  	s7 =	smov.u32 s6;
	s0 =	smov.u32 s3;
	p0 =	sne.s32 s6, $0x32  }
.Ltmp7:
0x5e: {  	s6 =	sadd.s32 $0x2, s6;
	(pc) =	sbr.rel @p0 .LBB2_16-.Ltmp7, $2  }
0x5f: {  	_ =	sdelay $0x2  }
0x60: {  	s3 =	sadd.s32 $0x400, s3;
	s7 =	sadd.s32 s7, s14  }
0x61: {  	[hbm4b:s7+s18] =	stream.strided.scatter [tilespmem:s0], [sflag:$0x3], $0x400, s19, s18, $0x38;
	[tilespmem:$0x11C00] =	vst v63  }
0x62: {  	_ =	swait.ge [sflag:s20], $0x6800  }
0x63: {  	[sflag:s20] =	ssyncset.done $0x0  }
0x64: {  	[sflag:s20] =	ssyncadd.s32 $0xFFFF9800  }
0x65: {  	_ =	swait.ge [sflag:s21], $0x6800  }
0x66: {  	s0 =	simm.s32 $0x8200;
	s6 =	simm.s32 $0x2;
	[sflag:s21] =	ssyncset.done $0x0  }
0x67: {  	s7 =	sadd.s32 $0x0, s15;
	s3 =	simm.s32 $0x8600;
	[sflag:s21] =	ssyncadd.s32 $0xFFFF9800  }
.LBB2_18:
0x68: {  	[hbm4b:s7+s18] =	stream.strided.scatter [tilespmem:s0], [sflag:$0x4], $0x400, s19, s18, $0x38;
	[tilespmem:$0x11C00] =	vst v63  }
0x69: {  	s7 =	smov.u32 s6;
	s0 =	smov.u32 s3;
	p0 =	sne.s32 s6, $0x32  }
.Ltmp8:
0x6a: {  	s6 =	sadd.s32 $0x2, s6;
	(pc) =	sbr.rel @p0 .LBB2_18-.Ltmp8, $2  }
0x6b: {  	_ =	sdelay $0x2  }
0x6c: {  	s3 =	sadd.s32 $0x400, s3;
	s7 =	sadd.s32 s7, s15  }
0x6d: {  	[hbm4b:s7+s18] =	stream.strided.scatter [tilespmem:s0], [sflag:$0x4], $0x400, s19, s18, $0x38;
	[tilespmem:$0x11C00] =	vst v63  }
0x6e: {  	_ =	swait.ge [sflag:s22], $0x6800  }
0x6f: {  	[sflag:s22] =	ssyncset.done $0x0  }
0x70: {  	s30 =	rddreg [dreg:$0x5];
	[sflag:s22] =	ssyncadd.s32 $0xFFFF9800  }
0x71: {  	[tilespmem:s23], [sflag:$0x5] =	stream.linear.gather [hbm4b:s30+s2], $0x100, $0x38;
	[tilespmem:$0x11C00] =	vst v63  }
0x72: {  	_ =	swait.ge [sflag:s24], $0x100  }
0x73: {  	[sflag:s24] =	ssyncset.done $0x0  }
0x74: {  	[sflag:s24] =	ssyncadd.s32 $0xFFFFFF00  }
0x75: {  	v0 =	vld [tilespmem:$0xEA00]  }
0x76: {  	v1 =	vld [tilespmem:$0xEA10]  }
0x77: {  	v2 =	vld [tilespmem:$0xEA20]  }
0x78: {  	v3 =	vld [tilespmem:$0xEA30]  }
0x79: {  	v4 =	vld [tilespmem:$0xEA40]  }
0x7a: {  	v18 =	vld [tilespmem:$0xEA50];
	[tilespmem:$0xEB00] =	vst v0  }
0x7b: {  	v19 =	vld [tilespmem:$0xEA60];
	[tilespmem:$0xEB10] =	vst v1  }
0x7c: {  	v20 =	vld [tilespmem:$0xEA70];
	[tilespmem:$0xEB20] =	vst v2  }
0x7d: {  	v21 =	vld [tilespmem:$0xEA80];
	[tilespmem:$0xEB30] =	vst v3  }
0x7e: {  	v22 =	vld [tilespmem:$0xEA90];
	[tilespmem:$0xEB40] =	vst v4  }
0x7f: {  	v23 =	vld [tilespmem:$0xEAA0];
	[tilespmem:$0xEB50] =	vst v18  }
0x80: {  	v24 =	vld [tilespmem:$0xEAB0];
	[tilespmem:$0xEB60] =	vst v19  }
0x81: {  	v25 =	vld [tilespmem:$0xEAC0];
	[tilespmem:$0xEB70] =	vst v20  }
0x82: {  	v26 =	vld [tilespmem:$0xEAD0];
	[tilespmem:$0xEB80] =	vst v21  }
0x83: {  	v27 =	vld [tilespmem:$0xEAE0];
	[tilespmem:$0xEB90] =	vst v22  }
0x84: {  	v28 =	vld [tilespmem:$0xEAF0];
	[tilespmem:$0xEBA0] =	vst v23  }
0x85: {  	[tilespmem:$0xEBB0] =	vst v24  }
0x86: {  	[tilespmem:$0xEBC0] =	vst v25  }
0x87: {  	[tilespmem:$0xEBD0] =	vst v26  }
0x88: {  	[tilespmem:$0xEBE0] =	vst v27  }
0x89: {  	[tilespmem:$0xEBF0] =	vst v28  }
0x8a: {  	[tilespmem:s28], [sflag:$0x1] =	stream.indirect.gather [hbm4b:s4+s25], $0x20, s26, s25, $0xb8;
	[tilespmem:$0x11C00] =	vst v63  }
0x8b: {  	s3 =	simm.s32 $0xFC00  }
0x8c: {  	[tilespmem:s3], [sflag:$0x1] =	stream.indirect.gather [hbm4b:s4+s25], $0x20, s29, s25, $0xb8;
	[tilespmem:$0x11C00] =	vst v63  }
0x8d: {  	_ =	swait.ge [sflag:s16], $0x2000  }
0x8e: {  	[sflag:s16] =	ssyncset.done $0x0  }
0x8f: {  	s6 =	rddreg [dreg:$0x6];
	[sflag:s16] =	ssyncadd.s32 $0xFFFFE000  }
0x90: {  	[hbm4b:s6+s2] =	stream.linear.scatter [tilespmem:s28], [sflag:$0x3], $0x2000, $0x38;
	[tilespmem:$0x11C00] =	vst v63  }
0x91: {  	s7 =	rddreg [dreg:$0x7]  }
0x92: {  	[tilespmem:s23], [sflag:$0x5] =	stream.linear.gather [hbm4b:s7+s2], $0x100, $0x38;
	[tilespmem:$0x11C00] =	vst v63  }
0x93: {  	_ =	swait.ge [sflag:s24], $0x100  }
0x94: {  	[sflag:s24] =	ssyncset.done $0x0  }
0x95: {  	[sflag:s24] =	ssyncadd.s32 $0xFFFFFF00  }
0x96: {  	v29 =	vld [tilespmem:$0xEA00]  }
0x97: {  	v30 =	vld [tilespmem:$0xEA10]  }
0x98: {  	v31 =	vld [tilespmem:$0xEA20]  }
0x99: {  	v32 =	vld [tilespmem:$0xEA30]  }
0x9a: {  	v33 =	vld [tilespmem:$0xEA40]  }
0x9b: {  	v5 =	vld [tilespmem:$0xEA50]  }
0x9c: {  	v6 =	vld [tilespmem:$0xEA60]  }
0x9d: {  	v7 =	vld [tilespmem:$0xEA70]  }
0x9e: {  	v8 =	vld [tilespmem:$0xEA80]  }
0x9f: {  	v9 =	vld [tilespmem:$0xEA90]  }
0xa0: {  	v10 =	vld [tilespmem:$0xEAA0]  }
0xa1: {  	v36 =	vld [tilespmem:$0xEAB0]  }
0xa2: {  	v40 =	vld [tilespmem:$0xEAC0]  }
0xa3: {  	v47 =	vld [tilespmem:$0xEAD0]  }
0xa4: {  	v51 =	vld [tilespmem:$0xEAE0];
	v0 =	vadd.s32 $0xFFFFF830, v29  }
0xa5: {  	v54 =	vld [tilespmem:$0xEAF0];
	v1 =	vadd.s32 $0xFFFFF830, v30;
	v2 =	vadd.s32 $0xFFFFF830, v31;
	v3 =	vadd.s32 $0xFFFFF830, v32  }
0xa6: {  	v4 =	vadd.s32 $0xFFFFF830, v33;
	v5 =	vadd.s32 $0xFFFFF830, v5;
	v6 =	vadd.s32 $0xFFFFF830, v6  }
0xa7: {  	v39 =	vadd.s32 $0xFFFFF830, v7;
	v42 =	vadd.s32 $0xFFFFF830, v8;
	v44 =	vadd.s32 $0xFFFFF830, v9  }
0xa8: {  	v50 =	vadd.s32 $0xFFFFF830, v10;
	v52 =	vadd.s32 $0xFFFFF830, v36;
	v53 =	vadd.s32 $0xFFFFF830, v40  }
0xa9: {  	v57 =	vadd.s32 $0xFFFFF830, v47;
	v59 =	vadd.s32 $0xFFFFF830, v51;
	vm0 =	vgt.s32 v0, $0x0  }
0xaa: {  	v61 =	vadd.s32 $0xFFFFF830, v54;
	vm14 =	vgt.s32 v1, $0x0;
	v0 =	vnsel vm0, $0x0, v0  }
0xab: {  	vm15 =	vgt.s32 v2, $0x0;
	v1 =	vnsel vm14, $0x0, v1;
	v0 =	vmin.u32 v0, $0x63  }
0xac: {  	vm4 =	vgt.s32 v3, $0x0;
	v2 =	vnsel vm15, $0x0, v2;
	v1 =	vmin.u32 v1, $0x63;
	[tilespmem:$0xEB00] =	vst v0  }
0xad: {  	vm5 =	vgt.s32 v4, $0x0;
	v3 =	vnsel vm4, $0x0, v3;
	v2 =	vmin.u32 v2, $0x63;
	[tilespmem:$0xEB10] =	vst v1  }
0xae: {  	vm6 =	vgt.s32 v5, $0x0;
	v4 =	vnsel vm5, $0x0, v4;
	v3 =	vmin.u32 v3, $0x63;
	[tilespmem:$0xEB20] =	vst v2  }
0xaf: {  	vm7 =	vgt.s32 v6, $0x0;
	v35 =	vnsel vm6, $0x0, v5;
	v34 =	vmin.u32 v4, $0x63;
	[tilespmem:$0xEB30] =	vst v3  }
0xb0: {  	vm8 =	vgt.s32 v39, $0x0;
	v38 =	vnsel vm7, $0x0, v6;
	v37 =	vmin.u32 v35, $0x63;
	[tilespmem:$0xEB40] =	vst v34  }
0xb1: {  	vm9 =	vgt.s32 v42, $0x0;
	v43 =	vnsel vm8, $0x0, v39;
	v41 =	vmin.u32 v38, $0x63;
	[tilespmem:$0xEB50] =	vst v37  }
0xb2: {  	vm1 =	vgt.s32 v53, $0x0;
	v46 =	vnsel vm9, $0x0, v42;
	v45 =	vmin.u32 v43, $0x63;
	[tilespmem:$0xEB60] =	vst v41  }
0xb3: {  	vm13 =	vgt.s32 v57, $0x0;
	v56 =	vnsel vm1, $0x0, v53;
	v48 =	vmin.u32 v46, $0x63;
	[tilespmem:$0xEB70] =	vst v45  }
0xb4: {  	vm10 =	vgt.s32 v44, $0x0;
	v60 =	vnsel vm13, $0x0, v57;
	v58 =	vmin.u32 v56, $0x63;
	[tilespmem:$0xEB80] =	vst v48  }
0xb5: {  	vm11 =	vgt.s32 v50, $0x0;
	v49 =	vnsel vm10, $0x0, v44;
	v62 =	vmin.u32 v60, $0x63;
	[tilespmem:$0xEBC0] =	vst v58  }
0xb6: {  	vm12 =	vgt.s32 v52, $0x0;
	v55 =	vnsel vm11, $0x0, v50;
	v3 =	vmin.u32 v49, $0x63;
	[tilespmem:$0xEBD0] =	vst v62  }
0xb7: {  	vm14 =	vgt.s32 v59, $0x0;
	v2 =	vnsel vm12, $0x0, v52;
	v0 =	vmin.u32 v55, $0x63;
	[tilespmem:$0xEB90] =	vst v3  }
0xb8: {  	vm15 =	vgt.s32 v61, $0x0;
	v1 =	vnsel vm14, $0x0, v59;
	v2 =	vmin.u32 v2, $0x63;
	[tilespmem:$0xEBA0] =	vst v0  }
0xb9: {  	v63 =	vnsel vm15, $0x0, v61;
	v1 =	vmin.u32 v1, $0x63;
	[tilespmem:$0xEBB0] =	vst v2  }
0xba: {  	v0 =	vmin.u32 v63, $0x63;
	[tilespmem:$0xEBE0] =	vst v1  }
0xbb: {  	[tilespmem:$0xEBF0] =	vst v0  }
0xbc: {  	[tilespmem:s31], [sflag:$0x2] =	stream.indirect.gather [hbm4b:s5+s25], $0x10, s26, s25, $0xb8;
	[tilespmem:$0x11C00] =	vst v63  }
0xbd: {  	s9 =	simm.s32 $0x11400  }
0xbe: {  	[tilespmem:s9], [sflag:$0x2] =	stream.indirect.gather [hbm4b:s5+s25], $0x10, s29, s25, $0xb8;
	[tilespmem:$0x11C00] =	vst v63  }
0xbf: {  	_ =	swait.ge [sflag:s21], $0x1000  }
0xc0: {  	[sflag:s21] =	ssyncset.done $0x0  }
0xc1: {  	s1 =	sadd.s32 $0x1, s1;
	s30 =	rddreg [dreg:$0x8];
	[sflag:s21] =	ssyncadd.s32 $0xFFFFF000  }
0xc2: {  	[hbm4b:s30+s2] =	stream.linear.scatter [tilespmem:s31], [sflag:$0x5], $0x1000, $0x38;
	[tilespmem:$0x11C00] =	vst v63  }
0xc3: {  	p0 =	sne.s32 s1, s10;
	_ =	swait.ge [sflag:s24], $0x1000  }
.Ltmp9:
0xc4: {  	[sflag:s24] =	ssyncset.done $0x0;
	(pc) =	sbr.rel @p0 .LBB2_1-.Ltmp9, $4  }
0xc5: {  	[sflag:s24] =	ssyncadd.s32 $0xFFFFF000  }
0xc6: {  	_ =	swait.ge [sflag:s20], $0x2000  }
0xc7: {  	[sflag:s20] =	ssyncset.done $0x0  }
0xc8: {  	[sflag:s20] =	ssyncadd.s32 $0xFFFFE000  }
0xc9: {  	_ =	sfence.sel $0x180000  }
0xca: {  	[bflag:$0x0] =	sbarrier.arrive $0xFFFF  }
0xcb: {  	_ =	strace $0x9000004A  }
0xcc: {  	s0 =	stileid.u32;
	[bflag:$0x2] =	sbarrier.arrive $0xFFFF  }
0xcd: {  	p0 =	sne.s32 s0, $0x0;
	s0 =	rddreg [dreg:$0x4]  }
0xce: {  	s0 =	sadd.s32 @!p0 $0x100000, s0  }
0xcf: {  	[sflag:s0] =	ssyncadd.tile.s32 @!p0 $0x1;
	_ =	shalt  }
.Lfunc_end2:
_tile_overlayer_lowered:
.L_overlay_start_2:
0xd0: {  	(tag) =	ssettag $0x2  }
0xd1: {  	s0 =	rddreg [dreg:$0x0];
	s2 =	stileid.u32  }
0xd2: {  	s1 =	rddreg [dreg:$0x1];
	p0 =	sne.s32 s2, $0x0  }
0xd3: {  	s3 =	rddreg [dreg:$0x2];
	[bflag:$0x3] =	sbarrier.arrive $0xFFFF;
	s2 =	simm.s32 @!p0 $0x1C05  }
0xd4: {  	[timem:s3], [sflag:s2] =	dma.local @!p0 [hbm:s0], s1  }
0xd5: {  	s0 =	simm.s32 @!p0 $0x5  }
0xd6: {  	_ =	swait.ge @!p0 [sflag:s0], s1  }
0xd7: {  	s1 =	ssub.s32 @!p0 $0x0, s1;
	[sflag:s0] =	ssyncset.done @!p0 $0x0  }
0xd8: {  	[sflag:s0] =	ssyncadd.s32 @!p0 s1  }
0xd9: {  	[bflag:$0x3] =	sbarrier.arrive $0xFFFF  }
0xda: {  	_ =	shalt  }

</sc_bundles>
